<compile_context>
chip_gen: v7x
topology: tpu7x:2x2x1
jax: 0.10.2.dev20260603
libtpu: 0.0.44.dev20260713+nightly
codegen_flags: <defaults>
</compile_context>

<pallas_src>
import functools
import math

import jax
import jax.numpy as jnp
import numpy as _np
from jax import lax
from jax.experimental import pallas as pl
from jax.experimental.pallas import tpu as pltpu
from jax.experimental.pallas import tpu_sc as plsc

D = H = W = 256
N = 2097152
DHW = D * H * W

NC = 2
NS = 16
L = 16
NW = NC * NS
NPW = N // NW
B = 1024
GROUPS = B // L
CHUNKS = NPW // B
GCHUNK = 128
SUBB = B // GCHUNK
GPS = GCHUNK // L
GROWS = 8 * SUBB

_T = float(_np.float32(0.001))
_C = -2.0 * math.log1p(-_T)
_D_THRES = 4.0 + math.log(math.expm1(_C))

_mesh = plsc.VectorSubcoreMesh(
    core_axis_name="c", subcore_axis_name="s", num_cores=NC, num_subcores=NS)

@functools.partial(
    pl.kernel,
    out_type=jax.ShapeDtypeStruct((N,), jnp.int32),
    mesh=_mesh,
    scratch_types=[
        pltpu.VMEM((2, B), jnp.float32),
        pltpu.VMEM((2, B), jnp.float32),
        pltpu.VMEM((2, B), jnp.float32),
        pltpu.VMEM((2, B), jnp.float32),
        pltpu.VMEM((2, B), jnp.float32),
        pltpu.VMEM((2, B), jnp.float32),
        pltpu.VMEM((2, GROWS, GCHUNK), jnp.int32),
        pltpu.VMEM((2, GROWS, GCHUNK), jnp.float32),
        pltpu.VMEM((2, B), jnp.int32),
        pltpu.VMEM((6, L), jnp.float32),
        pltpu.SemaphoreType.DMA,
        pltpu.SemaphoreType.DMA,
        pltpu.SemaphoreType.DMA,
        pltpu.SemaphoreType.DMA,
        pltpu.SemaphoreType.DMA,
    ],
)
def _sc_kernel(xs_hbm, ys_hbm, zs_hbm, dens_hbm, dens2d_hbm, sc_hbm, out_hbm,
               cx, cy, cz, wx, wy, wz, idx, vals, mask, scales,
               sem_g0, sem_g1, sem_c, sem_o0, sem_o1):
    wid = lax.axis_index("s") * NC + lax.axis_index("c")
    base = wid * NPW

    pltpu.sync_copy(sc_hbm, scales)
    sW = scales[0, :]
    sH = scales[1, :]
    sD = scales[2, :]
    oW = scales[3, :]
    oH = scales[4, :]
    oD = scales[5, :]
    thres = jnp.full((L,), _D_THRES, dtype=jnp.float32)
    one = jnp.full((L,), 1, jnp.int32)
    zero = jnp.full((L,), 0, jnp.int32)

    pltpu.async_copy(xs_hbm.at[pl.ds(base, B)], cx.at[0], sem_c)
    pltpu.async_copy(ys_hbm.at[pl.ds(base, B)], cy.at[0], sem_c)
    pltpu.async_copy(zs_hbm.at[pl.ds(base, B)], cz.at[0], sem_c)

    def gen(c, p, sem_g):

        def gen_sub(s, _):
            r0 = s * 8
            for j in range(GPS):
                i = s * GPS + j
                xs = cx[p, pl.ds(i * L, L)]
                ys = cy[p, pl.ds(i * L, L)]
                zs = cz[p, pl.ds(i * L, L)]
                fW = zs * sW + oW
                fH = ys * sH + oH
                fD = xs * sD + oD
                x0 = jnp.clip(fW.astype(jnp.int32), 0, W - 2)
                y0 = jnp.clip(fH.astype(jnp.int32), 0, H - 2)
                z0 = jnp.clip(fD.astype(jnp.int32), 0, D - 2)
                wx[p, pl.ds(i * L, L)] = fW - x0.astype(jnp.float32)
                wy[p, pl.ds(i * L, L)] = fH - y0.astype(jnp.float32)
                wz[p, pl.ds(i * L, L)] = fD - z0.astype(jnp.float32)
                i000 = (z0 << 16) | (y0 << 8) | x0
                cc = j * L
                idx[p, r0 + 0, pl.ds(cc, L)] = i000
                idx[p, r0 + 1, pl.ds(cc, L)] = i000 + 1
                idx[p, r0 + 2, pl.ds(cc, L)] = i000 + W
                idx[p, r0 + 3, pl.ds(cc, L)] = i000 + (W + 1)
                idx[p, r0 + 4, pl.ds(cc, L)] = i000 + H * W
                idx[p, r0 + 5, pl.ds(cc, L)] = i000 + (H * W + 1)
                idx[p, r0 + 6, pl.ds(cc, L)] = i000 + (H * W + W)
                idx[p, r0 + 7, pl.ds(cc, L)] = i000 + (H * W + W + 1)
            for k in range(8):
                pltpu.async_copy(dens_hbm.at[idx.at[p, r0 + k]],
                                 vals.at[p, r0 + k], sem_g)
            return 0

        lax.fori_loop(0, SUBB, gen_sub, 0)

    def combine_out(c, p, sem_g):
        sem_o = sem_o0 if p == 0 else sem_o1
        pl.when(c >= 2)(lambda: pltpu.make_async_copy(
            out_hbm.at[pl.ds(0, B)], mask.at[p], sem_o).wait())
        pltpu.make_async_copy(dens2d_hbm.at[pl.ds(0, GROWS), :],
                              vals.at[p], sem_g).wait()

        def combine(i, _):
            s = i * L
            r0 = (i >> 3) * 8
            cc = (i & 7) * L
            g000 = vals[p, r0 + 0, pl.ds(cc, L)]
            g001 = vals[p, r0 + 1, pl.ds(cc, L)]
            g010 = vals[p, r0 + 2, pl.ds(cc, L)]
            g011 = vals[p, r0 + 3, pl.ds(cc, L)]
            g100 = vals[p, r0 + 4, pl.ds(cc, L)]
            g101 = vals[p, r0 + 5, pl.ds(cc, L)]
            g110 = vals[p, r0 + 6, pl.ds(cc, L)]
            g111 = vals[p, r0 + 7, pl.ds(cc, L)]
            ax = wx[p, pl.ds(s, L)]
            ay = wy[p, pl.ds(s, L)]
            az = wz[p, pl.ds(s, L)]
            c00 = g000 + (g001 - g000) * ax
            c01 = g010 + (g011 - g010) * ax
            c10 = g100 + (g101 - g100) * ax
            c11 = g110 + (g111 - g110) * ax
            c0 = c00 + (c01 - c00) * ay
            c1 = c10 + (c11 - c10) * ay
            d = c0 + (c1 - c0) * az
            mask[p, pl.ds(s, L)] = jnp.where(d >= thres, one, zero)
            return 0

        lax.fori_loop(0, GROUPS, combine, 0)
        pltpu.async_copy(mask.at[p], out_hbm.at[pl.ds(base + c * B, B)], sem_o)

    def half(c, p):
        q = 1 - p
        semp = sem_g0 if p == 0 else sem_g1
        semq = sem_g1 if p == 0 else sem_g0
        pltpu.make_async_copy(xs_hbm.at[pl.ds(0, B)], cx.at[p], sem_c).wait()
        pltpu.make_async_copy(xs_hbm.at[pl.ds(0, B)], cy.at[p], sem_c).wait()
        pltpu.make_async_copy(xs_hbm.at[pl.ds(0, B)], cz.at[p], sem_c).wait()
        cn = jnp.minimum(c + 1, CHUNKS - 1)
        pn = base + cn * B
        pltpu.async_copy(xs_hbm.at[pl.ds(pn, B)], cx.at[q], sem_c)
        pltpu.async_copy(ys_hbm.at[pl.ds(pn, B)], cy.at[q], sem_c)
        pltpu.async_copy(zs_hbm.at[pl.ds(pn, B)], cz.at[q], sem_c)
        gen(c, p, semp)
        pl.when(c > 0)(lambda: combine_out(c - 1, q, semq))

    def pair_body(t, _):
        half(2 * t, 0)
        half(2 * t + 1, 1)
        return 0

    lax.fori_loop(0, CHUNKS // 2, pair_body, 0)
    combine_out(CHUNKS - 1, 1, sem_g1)
    pltpu.make_async_copy(out_hbm.at[pl.ds(0, B)], mask.at[0], sem_o0).wait()
    pltpu.make_async_copy(out_hbm.at[pl.ds(0, B)], mask.at[1], sem_o1).wait()
    pltpu.make_async_copy(xs_hbm.at[pl.ds(0, B)], cx.at[0], sem_c).wait()
    pltpu.make_async_copy(xs_hbm.at[pl.ds(0, B)], cy.at[0], sem_c).wait()
    pltpu.make_async_copy(xs_hbm.at[pl.ds(0, B)], cz.at[0], sem_c).wait()


def kernel(xyz, density, xyz_min, xyz_max):
    xs = xyz[:, 0]
    ys = xyz[:, 1]
    zs = xyz[:, 2]
    dens_flat = density.reshape(-1)
    inv = 255.0 / (xyz_max - xyz_min)
    s = inv[::-1]
    o = (-xyz_min * inv)[::-1]
    sc = jnp.broadcast_to(
        jnp.concatenate([s, o]).reshape(6, 1).astype(jnp.float32), (6, L))
    dens2d = density.reshape(DHW // GCHUNK, GCHUNK)
    m = _sc_kernel(xs, ys, zs, dens_flat, dens2d, sc)
    return m.astype(jnp.bool_)

# --- scband reference (transcript-rebuilt; emitter-appended) ---
"""Pipeline reference for scband-mask-cache-36103495090513 (READ-ONLY COPY).

The authoritative reference and input builder live on the scoring server;
editing this copy changes nothing except your own understanding.
"""

import jax, jax.numpy as jnp
import numpy as np

D = H = W = 256
N = 2097152
ACT_SHIFT = -4.0
VOXEL_SIZE_RATIO = 0.5
MASK_CACHE_THRES = 0.001


def setup_inputs(seed: int = 0) -> dict:
    key = jax.random.key(seed)
    k1, k2 = jax.random.split(key)
    xyz = jax.random.uniform(k1, (N, 3), dtype=jnp.float32)
    # density buffer (already max-pooled in torch __init__); treat as given parameter buffer
    density = jax.random.normal(k2, (1, 1, D, H, W), dtype=jnp.float32) * 0.5
    xyz_min = jnp.zeros((3,), dtype=jnp.float32)
    xyz_max = jnp.ones((3,), dtype=jnp.float32)
    return {"xyz": xyz, "density": density, "xyz_min": xyz_min, "xyz_max": xyz_max}


def _grid_sample_3d(vol, grid):
    # vol: [D, H, W]; grid: [N, 3] in [-1, 1], channel order (x->W, y->H, z->D)
    # trilinear, align_corners=True (matches F.grid_sample default bilinear mode)
    Dv, Hv, Wv = vol.shape
    ix = (grid[:, 0] + 1.0) * 0.5 * (Wv - 1)
    iy = (grid[:, 1] + 1.0) * 0.5 * (Hv - 1)
    iz = (grid[:, 2] + 1.0) * 0.5 * (Dv - 1)
    x0 = jnp.floor(ix)
    y0 = jnp.floor(iy)
    z0 = jnp.floor(iz)
    wx = ix - x0
    wy = iy - y0
    wz = iz - z0
    x0i = jnp.clip(x0.astype(jnp.int32), 0, Wv - 1)
    y0i = jnp.clip(y0.astype(jnp.int32), 0, Hv - 1)
    z0i = jnp.clip(z0.astype(jnp.int32), 0, Dv - 1)
    x1i = jnp.clip(x0i + 1, 0, Wv - 1)
    y1i = jnp.clip(y0i + 1, 0, Hv - 1)
    z1i = jnp.clip(z0i + 1, 0, Dv - 1)

    def g(zi, yi, xi):
        return vol[zi, yi, xi]

    out = (g(z0i, y0i, x0i) * (1 - wz) * (1 - wy) * (1 - wx)
           + g(z0i, y0i, x1i) * (1 - wz) * (1 - wy) * wx
           + g(z0i, y1i, x0i) * (1 - wz) * wy * (1 - wx)
           + g(z0i, y1i, x1i) * (1 - wz) * wy * wx
           + g(z1i, y0i, x0i) * wz * (1 - wy) * (1 - wx)
           + g(z1i, y0i, x1i) * wz * (1 - wy) * wx
           + g(z1i, y1i, x0i) * wz * wy * (1 - wx)
           + g(z1i, y1i, x1i) * wz * wy * wx)
    return out


def reference(xyz, density, xyz_min, xyz_max):
    # xyz: [N, 3] -> reshape(1,1,1,-1,3) collapses to flat N points
    pts = xyz.reshape(-1, 3)
    ind_norm = ((pts - xyz_min) / (xyz_max - xyz_min))[:, ::-1] * 2.0 - 1.0
    vol = density[0, 0]
    d = _grid_sample_3d(vol, ind_norm)
    alpha = 1.0 - jnp.exp(-jax.nn.softplus(d + ACT_SHIFT) * VOXEL_SIZE_RATIO)
    alpha = alpha.reshape(xyz.shape[:-1])
    return alpha >= MASK_CACHE_THRES

if __name__ == "__main__":
    import jax
    _d = setup_inputs()
    print(jax.jit(kernel)(*tuple(_d.values())))

</pallas_src>

<mosaic_0001>
#map = affine_map<(d0, d1) -> (0)>
#map1 = affine_map<(d0, d1) -> (0, 0)>
module attributes {stable_mosaic.version = 14 : i64} {
  func.func @_sc_kernel(%arg0: i32, %arg1: i32, %arg2: memref<2097152xf32, #tpu.memory_space<hbm>>, %arg3: memref<2097152xf32, #tpu.memory_space<hbm>>, %arg4: memref<2097152xf32, #tpu.memory_space<hbm>>, %arg5: memref<16777216xf32, #tpu.memory_space<hbm>>, %arg6: memref<131072x128xf32, #tpu.memory_space<hbm>>, %arg7: memref<6x16xf32, #tpu.memory_space<hbm>>, %arg8: memref<2097152xi32, #tpu.memory_space<hbm>>, %arg9: memref<2x1024xf32, #tpu.memory_space<vmem>>, %arg10: memref<2x1024xf32, #tpu.memory_space<vmem>>, %arg11: memref<2x1024xf32, #tpu.memory_space<vmem>>, %arg12: memref<2x1024xf32, #tpu.memory_space<vmem>>, %arg13: memref<2x1024xf32, #tpu.memory_space<vmem>>, %arg14: memref<2x1024xf32, #tpu.memory_space<vmem>>, %arg15: memref<2x64x128xi32, #tpu.memory_space<vmem>>, %arg16: memref<2x64x128xf32, #tpu.memory_space<vmem>>, %arg17: memref<2x1024xi32, #tpu.memory_space<vmem>>, %arg18: memref<6x16xf32, #tpu.memory_space<vmem>>, %arg19: memref<!tpu.dma_semaphore, #tpu.memory_space<semaphore_mem>>, %arg20: memref<!tpu.dma_semaphore, #tpu.memory_space<semaphore_mem>>, %arg21: memref<!tpu.dma_semaphore, #tpu.memory_space<semaphore_mem>>, %arg22: memref<!tpu.dma_semaphore, #tpu.memory_space<semaphore_mem>>, %arg23: memref<!tpu.dma_semaphore, #tpu.memory_space<semaphore_mem>>) attributes {dimension_semantics = [#tpu.dimension_semantics<core_parallel>, #tpu.dimension_semantics<subcore_parallel>], iteration_bounds = array<i64: 2, 16>, scalar_prefetch = 0 : i64, scratch_operands = 15 : i64, tpu.core_type = #tpu.core_type<sc_vector_subcore>, window_params = [{transform_indices = #map}, {transform_indices = #map}, {transform_indices = #map}, {transform_indices = #map}, {transform_indices = #map1}, {transform_indices = #map1}, {transform_indices = #map}]} {
    %mul3A = arith.constant 2 : i32
    %mul3A_0 = arith.muli %arg1, %mul3A : i32
    %add3A = arith.addi %mul3A_0, %arg0 : i32
    %mul3A_1 = arith.constant 65536 : i32
    %mul3A_2 = arith.muli %add3A, %mul3A_1 : i32
    "tpu.region"() ({
      %run_scoped3A = tpu.sem_alloc : memref<!tpu.dma_semaphore, #tpu.memory_space<semaphore_mem>>
      tpu.enqueue_dma source(%arg7 : memref<6x16xf32, #tpu.memory_space<hbm>>) target(%arg18 : memref<6x16xf32, #tpu.memory_space<vmem>>) target_semaphore(%run_scoped3A : memref<!tpu.dma_semaphore, #tpu.memory_space<semaphore_mem>>)
      tpu.wait_dma2 semaphore(%run_scoped3A : memref<!tpu.dma_semaphore, #tpu.memory_space<semaphore_mem>>) src(%arg7 : memref<6x16xf32, #tpu.memory_space<hbm>>) dst(%arg18 : memref<6x16xf32, #tpu.memory_space<vmem>>)
      tpu.yield
    }) : () -> ()
    %get3A = arith.constant 0 : i32
    %get3A_3 = arith.index_cast %get3A : i32 to index
    %get3A_4 = arith.constant 0 : index
    %get3A_5 = tpu.vector_load %arg18[%get3A_3, %get3A_4] {strides = array<i32>} : memref<6x16xf32, #tpu.memory_space<vmem>>, vector<1x16xf32>,
    %get3A_6 = vector.shape_cast %get3A_5 : vector<1x16xf32> to vector<16xf32>
    %get3A_7 = arith.constant 1 : i32
    %get3A_8 = arith.index_cast %get3A_7 : i32 to index
    %get3A_9 = arith.constant 0 : index
    %get3A_10 = tpu.vector_load %arg18[%get3A_8, %get3A_9] {strides = array<i32>} : memref<6x16xf32, #tpu.memory_space<vmem>>, vector<1x16xf32>,
    %get3A_11 = vector.shape_cast %get3A_10 : vector<1x16xf32> to vector<16xf32>
    %get3A_12 = arith.constant 2 : i32
    %get3A_13 = arith.index_cast %get3A_12 : i32 to index
    %get3A_14 = arith.constant 0 : index
    %get3A_15 = tpu.vector_load %arg18[%get3A_13, %get3A_14] {strides = array<i32>} : memref<6x16xf32, #tpu.memory_space<vmem>>, vector<1x16xf32>,
    %get3A_16 = vector.shape_cast %get3A_15 : vector<1x16xf32> to vector<16xf32>
    %get3A_17 = arith.constant 3 : i32
    %get3A_18 = arith.index_cast %get3A_17 : i32 to index
    %get3A_19 = arith.constant 0 : index
    %get3A_20 = tpu.vector_load %arg18[%get3A_18, %get3A_19] {strides = array<i32>} : memref<6x16xf32, #tpu.memory_space<vmem>>, vector<1x16xf32>,
    %get3A_21 = vector.shape_cast %get3A_20 : vector<1x16xf32> to vector<16xf32>
    %get3A_22 = arith.constant 4 : i32
    %get3A_23 = arith.index_cast %get3A_22 : i32 to index
    %get3A_24 = arith.constant 0 : index
    %get3A_25 = tpu.vector_load %arg18[%get3A_23, %get3A_24] {strides = array<i32>} : memref<6x16xf32, #tpu.memory_space<vmem>>, vector<1x16xf32>,
    %get3A_26 = vector.shape_cast %get3A_25 : vector<1x16xf32> to vector<16xf32>
    %get3A_27 = arith.constant 5 : i32
    %get3A_28 = arith.index_cast %get3A_27 : i32 to index
    %get3A_29 = arith.constant 0 : index
    %get3A_30 = tpu.vector_load %arg18[%get3A_28, %get3A_29] {strides = array<i32>} : memref<6x16xf32, #tpu.memory_space<vmem>>, vector<1x16xf32>,
    %get3A_31 = vector.shape_cast %get3A_30 : vector<1x16xf32> to vector<16xf32>
    %broadcast_in_dim3A = arith.constant -2.21310711 : f32
    %broadcast_in_dim3A_32 = vector.broadcast %broadcast_in_dim3A : f32 to vector<16xf32>
    %broadcast_in_dim3A_33 = arith.constant 1 : i32
    %broadcast_in_dim3A_34 = vector.broadcast %broadcast_in_dim3A_33 : i32 to vector<16xi32>
    %broadcast_in_dim3A_35 = arith.constant 0 : i32
    %broadcast_in_dim3A_36 = vector.broadcast %broadcast_in_dim3A_35 : i32 to vector<16xi32>
    %dma_start3A = arith.constant 0 : i32
    %dma_start3A_37 = arith.constant 0 : i32
    %dma_start3A_38 = tpu.memref_slice %arg9[%dma_start3A, %dma_start3A_37] : memref<2x1024xf32, #tpu.memory_space<vmem>> -> memref<1x1024xf32, #tpu.memory_space<vmem>>
    %dma_start3A_39 = tpu.memref_squeeze %dma_start3A_38 : memref<1x1024xf32, #tpu.memory_space<vmem>> -> memref<1024xf32, #tpu.memory_space<vmem>>
    %dma_start3A_40 = tpu.memref_slice %arg2[%mul3A_2] : memref<2097152xf32, #tpu.memory_space<hbm>> -> memref<1024xf32, #tpu.memory_space<hbm>>
    %dma_start3A_41 = arith.constant 0 : i32
    %dma_start3A_42 = tpu.memref_slice %arg9[%dma_start3A, %dma_start3A_41] : memref<2x1024xf32, #tpu.memory_space<vmem>> -> memref<1x1024xf32, #tpu.memory_space<vmem>>
    %dma_start3A_43 = tpu.memref_squeeze %dma_start3A_42 : memref<1x1024xf32, #tpu.memory_space<vmem>> -> memref<1024xf32, #tpu.memory_space<vmem>>
    %dma_start3A_44 = tpu.memref_slice %arg2[%mul3A_2] : memref<2097152xf32, #tpu.memory_space<hbm>> -> memref<1024xf32, #tpu.memory_space<hbm>>
    tpu.enqueue_dma source(%dma_start3A_44 : memref<1024xf32, #tpu.memory_space<hbm>>) target(%dma_start3A_43 : memref<1024xf32, #tpu.memory_space<vmem>>) target_semaphore(%arg21 : memref<!tpu.dma_semaphore, #tpu.memory_space<semaphore_mem>>)
    %dma_start3A_45 = arith.constant 0 : i32
    %dma_start3A_46 = arith.constant 0 : i32
    %dma_start3A_47 = tpu.memref_slice %arg10[%dma_start3A_45, %dma_start3A_46] : memref<2x1024xf32, #tpu.memory_space<vmem>> -> memref<1x1024xf32, #tpu.memory_space<vmem>>
    %dma_start3A_48 = tpu.memref_squeeze %dma_start3A_47 : memref<1x1024xf32, #tpu.memory_space<vmem>> -> memref<1024xf32, #tpu.memory_space<vmem>>
    %dma_start3A_49 = tpu.memref_slice %arg3[%mul3A_2] : memref<2097152xf32, #tpu.memory_space<hbm>> -> memref<1024xf32, #tpu.memory_space<hbm>>
    %dma_start3A_50 = arith.constant 0 : i32
    %dma_start3A_51 = tpu.memref_slice %arg10[%dma_start3A_45, %dma_start3A_50] : memref<2x1024xf32, #tpu.memory_space<vmem>> -> memref<1x1024xf32, #tpu.memory_space<vmem>>
    %dma_start3A_52 = tpu.memref_squeeze %dma_start3A_51 : memref<1x1024xf32, #tpu.memory_space<vmem>> -> memref<1024xf32, #tpu.memory_space<vmem>>
    %dma_start3A_53 = tpu.memref_slice %arg3[%mul3A_2] : memref<2097152xf32, #tpu.memory_space<hbm>> -> memref<1024xf32, #tpu.memory_space<hbm>>
    tpu.enqueue_dma source(%dma_start3A_53 : memref<1024xf32, #tpu.memory_space<hbm>>) target(%dma_start3A_52 : memref<1024xf32, #tpu.memory_space<vmem>>) target_semaphore(%arg21 : memref<!tpu.dma_semaphore, #tpu.memory_space<semaphore_mem>>)
    %dma_start3A_54 = arith.constant 0 : i32
    %dma_start3A_55 = arith.constant 0 : i32
    %dma_start3A_56 = tpu.memref_slice %arg11[%dma_start3A_54, %dma_start3A_55] : memref<2x1024xf32, #tpu.memory_space<vmem>> -> memref<1x1024xf32, #tpu.memory_space<vmem>>
    %dma_start3A_57 = tpu.memref_squeeze %dma_start3A_56 : memref<1x1024xf32, #tpu.memory_space<vmem>> -> memref<1024xf32, #tpu.memory_space<vmem>>
    %dma_start3A_58 = tpu.memref_slice %arg4[%mul3A_2] : memref<2097152xf32, #tpu.memory_space<hbm>> -> memref<1024xf32, #tpu.memory_space<hbm>>
    %dma_start3A_59 = arith.constant 0 : i32
    %dma_start3A_60 = tpu.memref_slice %arg11[%dma_start3A_54, %dma_start3A_59] : memref<2x1024xf32, #tpu.memory_space<vmem>> -> memref<1x1024xf32, #tpu.memory_space<vmem>>
    %dma_start3A_61 = tpu.memref_squeeze %dma_start3A_60 : memref<1x1024xf32, #tpu.memory_space<vmem>> -> memref<1024xf32, #tpu.memory_space<vmem>>
    %dma_start3A_62 = tpu.memref_slice %arg4[%mul3A_2] : memref<2097152xf32, #tpu.memory_space<hbm>> -> memref<1024xf32, #tpu.memory_space<hbm>>
    tpu.enqueue_dma source(%dma_start3A_62 : memref<1024xf32, #tpu.memory_space<hbm>>) target(%dma_start3A_61 : memref<1024xf32, #tpu.memory_space<vmem>>) target_semaphore(%arg21 : memref<!tpu.dma_semaphore, #tpu.memory_space<semaphore_mem>>)
    %scan3A = arith.constant 0 : i32
    %scan3A_63 = arith.constant 0 : i32
    %scan3A_64 = arith.constant 32 : i32
    %scan3A_65 = arith.addi %scan3A_63, %scan3A_64 : i32
    %scan3A_66 = arith.constant 1 : i32
    %scan3A_67 = scf.for %scan3A_167 = %scan3A_63 to %scan3A_65 step %scan3A_66 iter_args(%scan3A_168 = %scan3A) -> (i32)  : i32 {
      %mul3A_169 = arith.constant 2 : i32
      %mul3A_170 = arith.muli %mul3A_169, %scan3A_167 : i32
      %dma_wait3A_171 = arith.constant 0 : i32
      %dma_wait3A_172 = arith.constant 0 : i32
      %dma_wait3A_173 = tpu.memref_slice %arg9[%dma_wait3A_171, %dma_wait3A_172] : memref<2x1024xf32, #tpu.memory_space<vmem>> -> memref<1x1024xf32, #tpu.memory_space<vmem>>
      %dma_wait3A_174 = tpu.memref_squeeze %dma_wait3A_173 : memref<1x1024xf32, #tpu.memory_space<vmem>> -> memref<1024xf32, #tpu.memory_space<vmem>>
      %dma_wait3A_175 = arith.constant 0 : i32
      %dma_wait3A_176 = tpu.memref_slice %arg2[%dma_wait3A_175] : memref<2097152xf32, #tpu.memory_space<hbm>> -> memref<1024xf32, #tpu.memory_space<hbm>>
      %dma_wait3A_177 = arith.constant 0 : i32
      %dma_wait3A_178 = tpu.memref_slice %arg9[%dma_wait3A_171, %dma_wait3A_177] : memref<2x1024xf32, #tpu.memory_space<vmem>> -> memref<1x1024xf32, #tpu.memory_space<vmem>>
      %dma_wait3A_179 = tpu.memref_squeeze %dma_wait3A_178 : memref<1x1024xf32, #tpu.memory_space<vmem>> -> memref<1024xf32, #tpu.memory_space<vmem>>
      %dma_wait3A_180 = arith.constant 0 : i32
      %dma_wait3A_181 = tpu.memref_slice %arg2[%dma_wait3A_180] : memref<2097152xf32, #tpu.memory_space<hbm>> -> memref<1024xf32, #tpu.memory_space<hbm>>
      tpu.wait_dma2 semaphore(%arg21 : memref<!tpu.dma_semaphore, #tpu.memory_space<semaphore_mem>>) src(%dma_wait3A_181 : memref<1024xf32, #tpu.memory_space<hbm>>) dst(%dma_wait3A_179 : memref<1024xf32, #tpu.memory_space<vmem>>)
      %dma_wait3A_182 = arith.constant 0 : i32
      %dma_wait3A_183 = arith.constant 0 : i32
      %dma_wait3A_184 = tpu.memref_slice %arg10[%dma_wait3A_182, %dma_wait3A_183] : memref<2x1024xf32, #tpu.memory_space<vmem>> -> memref<1x1024xf32, #tpu.memory_space<vmem>>
      %dma_wait3A_185 = tpu.memref_squeeze %dma_wait3A_184 : memref<1x1024xf32, #tpu.memory_space<vmem>> -> memref<1024xf32, #tpu.memory_space<vmem>>
      %dma_wait3A_186 = arith.constant 0 : i32
      %dma_wait3A_187 = tpu.memref_slice %arg2[%dma_wait3A_186] : memref<2097152xf32, #tpu.memory_space<hbm>> -> memref<1024xf32, #tpu.memory_space<hbm>>
      %dma_wait3A_188 = arith.constant 0 : i32
      %dma_wait3A_189 = tpu.memref_slice %arg10[%dma_wait3A_182, %dma_wait3A_188] : memref<2x1024xf32, #tpu.memory_space<vmem>> -> memref<1x1024xf32, #tpu.memory_space<vmem>>
      %dma_wait3A_190 = tpu.memref_squeeze %dma_wait3A_189 : memref<1x1024xf32, #tpu.memory_space<vmem>> -> memref<1024xf32, #tpu.memory_space<vmem>>
      %dma_wait3A_191 = arith.constant 0 : i32
      %dma_wait3A_192 = tpu.memref_slice %arg2[%dma_wait3A_191] : memref<2097152xf32, #tpu.memory_space<hbm>> -> memref<1024xf32, #tpu.memory_space<hbm>>
      tpu.wait_dma2 semaphore(%arg21 : memref<!tpu.dma_semaphore, #tpu.memory_space<semaphore_mem>>) src(%dma_wait3A_192 : memref<1024xf32, #tpu.memory_space<hbm>>) dst(%dma_wait3A_190 : memref<1024xf32, #tpu.memory_space<vmem>>)
      %dma_wait3A_193 = arith.constant 0 : i32
      %dma_wait3A_194 = arith.constant 0 : i32
      %dma_wait3A_195 = tpu.memref_slice %arg11[%dma_wait3A_193, %dma_wait3A_194] : memref<2x1024xf32, #tpu.memory_space<vmem>> -> memref<1x1024xf32, #tpu.memory_space<vmem>>
      %dma_wait3A_196 = tpu.memref_squeeze %dma_wait3A_195 : memref<1x1024xf32, #tpu.memory_space<vmem>> -> memref<1024xf32, #tpu.memory_space<vmem>>
      %dma_wait3A_197 = arith.constant 0 : i32
      %dma_wait3A_198 = tpu.memref_slice %arg2[%dma_wait3A_197] : memref<2097152xf32, #tpu.memory_space<hbm>> -> memref<1024xf32, #tpu.memory_space<hbm>>
      %dma_wait3A_199 = arith.constant 0 : i32
      %dma_wait3A_200 = tpu.memref_slice %arg11[%dma_wait3A_193, %dma_wait3A_199] : memref<2x1024xf32, #tpu.memory_space<vmem>> -> memref<1x1024xf32, #tpu.memory_space<vmem>>
      %dma_wait3A_201 = tpu.memref_squeeze %dma_wait3A_200 : memref<1x1024xf32, #tpu.memory_space<vmem>> -> memref<1024xf32, #tpu.memory_space<vmem>>
      %dma_wait3A_202 = arith.constant 0 : i32
      %dma_wait3A_203 = tpu.memref_slice %arg2[%dma_wait3A_202] : memref<2097152xf32, #tpu.memory_space<hbm>> -> memref<1024xf32, #tpu.memory_space<hbm>>
      tpu.wait_dma2 semaphore(%arg21 : memref<!tpu.dma_semaphore, #tpu.memory_space<semaphore_mem>>) src(%dma_wait3A_203 : memref<1024xf32, #tpu.memory_space<hbm>>) dst(%dma_wait3A_201 : memref<1024xf32, #tpu.memory_space<vmem>>)
      %add3A_204 = arith.constant 1 : i32
      %add3A_205 = arith.addi %mul3A_170, %add3A_204 : i32
      %min3A = arith.constant 63 : i32
      %min3A_206 = arith.minsi %add3A_205, %min3A : i32
      %mul3A_207 = arith.constant 1024 : i32
      %mul3A_208 = arith.muli %min3A_206, %mul3A_207 : i32
      %add3A_209 = arith.addi %mul3A_2, %mul3A_208 : i32
      %dma_start3A_210 = arith.constant 1 : i32
      %dma_start3A_211 = arith.constant 0 : i32
      %dma_start3A_212 = tpu.memref_slice %arg9[%dma_start3A_210, %dma_start3A_211] : memref<2x1024xf32, #tpu.memory_space<vmem>> -> memref<1x1024xf32, #tpu.memory_space<vmem>>
      %dma_start3A_213 = tpu.memref_squeeze %dma_start3A_212 : memref<1x1024xf32, #tpu.memory_space<vmem>> -> memref<1024xf32, #tpu.memory_space<vmem>>
      %dma_start3A_214 = tpu.memref_slice %arg2[%add3A_209] : memref<2097152xf32, #tpu.memory_space<hbm>> -> memref<1024xf32, #tpu.memory_space<hbm>>
      %dma_start3A_215 = arith.constant 0 : i32
      %dma_start3A_216 = tpu.memref_slice %arg9[%dma_start3A_210, %dma_start3A_215] : memref<2x1024xf32, #tpu.memory_space<vmem>> -> memref<1x1024xf32, #tpu.memory_space<vmem>>
      %dma_start3A_217 = tpu.memref_squeeze %dma_start3A_216 : memref<1x1024xf32, #tpu.memory_space<vmem>> -> memref<1024xf32, #tpu.memory_space<vmem>>
      %dma_start3A_218 = tpu.memref_slice %arg2[%add3A_209] : memref<2097152xf32, #tpu.memory_space<hbm>> -> memref<1024xf32, #tpu.memory_space<hbm>>
      tpu.enqueue_dma source(%dma_start3A_218 : memref<1024xf32, #tpu.memory_space<hbm>>) target(%dma_start3A_217 : memref<1024xf32, #tpu.memory_space<vmem>>) target_semaphore(%arg21 : memref<!tpu.dma_semaphore, #tpu.memory_space<semaphore_mem>>)
      %dma_start3A_219 = arith.constant 1 : i32
      %dma_start3A_220 = arith.constant 0 : i32
      %dma_start3A_221 = tpu.memref_slice %arg10[%dma_start3A_219, %dma_start3A_220] : memref<2x1024xf32, #tpu.memory_space<vmem>> -> memref<1x1024xf32, #tpu.memory_space<vmem>>
      %dma_start3A_222 = tpu.memref_squeeze %dma_start3A_221 : memref<1x1024xf32, #tpu.memory_space<vmem>> -> memref<1024xf32, #tpu.memory_space<vmem>>
      %dma_start3A_223 = tpu.memref_slice %arg3[%add3A_209] : memref<2097152xf32, #tpu.memory_space<hbm>> -> memref<1024xf32, #tpu.memory_space<hbm>>
      %dma_start3A_224 = arith.constant 0 : i32
      %dma_start3A_225 = tpu.memref_slice %arg10[%dma_start3A_219, %dma_start3A_224] : memref<2x1024xf32, #tpu.memory_space<vmem>> -> memref<1x1024xf32, #tpu.memory_space<vmem>>
      %dma_start3A_226 = tpu.memref_squeeze %dma_start3A_225 : memref<1x1024xf32, #tpu.memory_space<vmem>> -> memref<1024xf32, #tpu.memory_space<vmem>>
      %dma_start3A_227 = tpu.memref_slice %arg3[%add3A_209] : memref<2097152xf32, #tpu.memory_space<hbm>> -> memref<1024xf32, #tpu.memory_space<hbm>>
      tpu.enqueue_dma source(%dma_start3A_227 : memref<1024xf32, #tpu.memory_space<hbm>>) target(%dma_start3A_226 : memref<1024xf32, #tpu.memory_space<vmem>>) target_semaphore(%arg21 : memref<!tpu.dma_semaphore, #tpu.memory_space<semaphore_mem>>)
      %dma_start3A_228 = arith.constant 1 : i32
      %dma_start3A_229 = arith.constant 0 : i32
      %dma_start3A_230 = tpu.memref_slice %arg11[%dma_start3A_228, %dma_start3A_229] : memref<2x1024xf32, #tpu.memory_space<vmem>> -> memref<1x1024xf32, #tpu.memory_space<vmem>>
      %dma_start3A_231 = tpu.memref_squeeze %dma_start3A_230 : memref<1x1024xf32, #tpu.memory_space<vmem>> -> memref<1024xf32, #tpu.memory_space<vmem>>
      %dma_start3A_232 = tpu.memref_slice %arg4[%add3A_209] : memref<2097152xf32, #tpu.memory_space<hbm>> -> memref<1024xf32, #tpu.memory_space<hbm>>
      %dma_start3A_233 = arith.constant 0 : i32
      %dma_start3A_234 = tpu.memref_slice %arg11[%dma_start3A_228, %dma_start3A_233] : memref<2x1024xf32, #tpu.memory_space<vmem>> -> memref<1x1024xf32, #tpu.memory_space<vmem>>
      %dma_start3A_235 = tpu.memref_squeeze %dma_start3A_234 : memref<1x1024xf32, #tpu.memory_space<vmem>> -> memref<1024xf32, #tpu.memory_space<vmem>>
      %dma_start3A_236 = tpu.memref_slice %arg4[%add3A_209] : memref<2097152xf32, #tpu.memory_space<hbm>> -> memref<1024xf32, #tpu.memory_space<hbm>>
      tpu.enqueue_dma source(%dma_start3A_236 : memref<1024xf32, #tpu.memory_space<hbm>>) target(%dma_start3A_235 : memref<1024xf32, #tpu.memory_space<vmem>>) target_semaphore(%arg21 : memref<!tpu.dma_semaphore, #tpu.memory_space<semaphore_mem>>)
      %scan3A_237 = arith.constant 0 : i32
      %scan3A_238 = arith.constant 0 : i32
      %scan3A_239 = arith.constant 8 : i32
      %scan3A_240 = arith.addi %scan3A_238, %scan3A_239 : i32
      %scan3A_241 = arith.constant 1 : i32
      %scan3A_242 = scf.for %scan3A_330 = %scan3A_238 to %scan3A_240 step %scan3A_241 iter_args(%scan3A_331 = %scan3A_237) -> (i32)  : i32 {
        %mul3A_332 = arith.constant 8 : i32
        %mul3A_333 = arith.muli %scan3A_330, %mul3A_332 : i32
        %mul3A_334 = arith.constant 8 : i32
        %mul3A_335 = arith.muli %scan3A_330, %mul3A_334 : i32
        %add3A_336 = arith.constant 0 : i32
        %add3A_337 = arith.addi %mul3A_335, %add3A_336 : i32
        %mul3A_338 = arith.constant 16 : i32
        %mul3A_339 = arith.muli %add3A_337, %mul3A_338 : i32
        %get3A_340 = arith.constant 0 : i32
        %get3A_341 = arith.index_cast %get3A_340 : i32 to index
        %get3A_342 = arith.index_cast %mul3A_339 : i32 to index
        %get3A_343 = tpu.vector_load %arg9[%get3A_341, %get3A_342] {strides = array<i32>} : memref<2x1024xf32, #tpu.memory_space<vmem>>, vector<1x16xf32>,
        %get3A_344 = vector.shape_cast %get3A_343 : vector<1x16xf32> to vector<16xf32>
        %mul3A_345 = arith.constant 16 : i32
        %mul3A_346 = arith.muli %add3A_337, %mul3A_345 : i32
        %get3A_347 = arith.constant 0 : i32
        %get3A_348 = arith.index_cast %get3A_347 : i32 to index
        %get3A_349 = arith.index_cast %mul3A_346 : i32 to index
        %get3A_350 = tpu.vector_load %arg10[%get3A_348, %get3A_349] {strides = array<i32>} : memref<2x1024xf32, #tpu.memory_space<vmem>>, vector<1x16xf32>,
        %get3A_351 = vector.shape_cast %get3A_350 : vector<1x16xf32> to vector<16xf32>
        %mul3A_352 = arith.constant 16 : i32
        %mul3A_353 = arith.muli %add3A_337, %mul3A_352 : i32
        %get3A_354 = arith.constant 0 : i32
        %get3A_355 = arith.index_cast %get3A_354 : i32 to index
        %get3A_356 = arith.index_cast %mul3A_353 : i32 to index
        %get3A_357 = tpu.vector_load %arg11[%get3A_355, %get3A_356] {strides = array<i32>} : memref<2x1024xf32, #tpu.memory_space<vmem>>, vector<1x16xf32>,
        %get3A_358 = vector.shape_cast %get3A_357 : vector<1x16xf32> to vector<16xf32>
        %mul3A_359 = arith.mulf %get3A_358, %get3A_6 : vector<16xf32>
        %add3A_360 = arith.addf %mul3A_359, %get3A_21 : vector<16xf32>
        %mul3A_361 = arith.mulf %get3A_351, %get3A_11 : vector<16xf32>
        %add3A_362 = arith.addf %mul3A_361, %get3A_26 : vector<16xf32>
        %mul3A_363 = arith.mulf %get3A_344, %get3A_16 : vector<16xf32>
        %add3A_364 = arith.addf %mul3A_363, %get3A_31 : vector<16xf32>
        %convert_element_type3A_365 = arith.fptosi %add3A_360 : vector<16xf32> to vector<16xi32>
        %jit3A = arith.constant 0 : i32
        %jit3A_366 = arith.constant 254 : i32
        %max3A = vector.broadcast %jit3A : i32 to vector<16xi32>
        %max3A_367 = arith.maxsi %max3A, %convert_element_type3A_365 : vector<16xi32>
        %min3A_368 = vector.broadcast %jit3A_366 : i32 to vector<16xi32>
        %min3A_369 = arith.minsi %min3A_368, %max3A_367 : vector<16xi32>
        %convert_element_type3A_370 = arith.fptosi %add3A_362 : vector<16xf32> to vector<16xi32>
        %jit3A_371 = arith.constant 0 : i32
        %jit3A_372 = arith.constant 254 : i32
        %max3A_373 = vector.broadcast %jit3A_371 : i32 to vector<16xi32>
        %max3A_374 = arith.maxsi %max3A_373, %convert_element_type3A_370 : vector<16xi32>
        %min3A_375 = vector.broadcast %jit3A_372 : i32 to vector<16xi32>
        %min3A_376 = arith.minsi %min3A_375, %max3A_374 : vector<16xi32>
        %convert_element_type3A_377 = arith.fptosi %add3A_364 : vector<16xf32> to vector<16xi32>
        %jit3A_378 = arith.constant 0 : i32
        %jit3A_379 = arith.constant 254 : i32
        %max3A_380 = vector.broadcast %jit3A_378 : i32 to vector<16xi32>
        %max3A_381 = arith.maxsi %max3A_380, %convert_element_type3A_377 : vector<16xi32>
        %min3A_382 = vector.broadcast %jit3A_379 : i32 to vector<16xi32>
        %min3A_383 = arith.minsi %min3A_382, %max3A_381 : vector<16xi32>
        %convert_element_type3A_384 = arith.sitofp %min3A_369 : vector<16xi32> to vector<16xf32>
        %sub3A = arith.subf %add3A_360, %convert_element_type3A_384 : vector<16xf32>
        %mul3A_385 = arith.constant 16 : i32
        %mul3A_386 = arith.muli %add3A_337, %mul3A_385 : i32
        %swap3A = arith.constant 0 : i32
        %swap3A_387 = arith.index_cast %swap3A : i32 to index
        %swap3A_388 = arith.index_cast %mul3A_386 : i32 to index
        %swap3A_389 = tpu.vector_load %arg12[%swap3A_387, %swap3A_388] {strides = array<i32>} : memref<2x1024xf32, #tpu.memory_space<vmem>>, vector<1x16xf32>,
        %swap3A_390 = vector.shape_cast %swap3A_389 : vector<1x16xf32> to vector<16xf32>
        %swap3A_391 = vector.shape_cast %sub3A : vector<16xf32> to vector<1x16xf32>
        tpu.vector_store %arg12[%swap3A_387, %swap3A_388], %swap3A_391 {strides = array<i32>} : memref<2x1024xf32, #tpu.memory_space<vmem>>, vector<1x16xf32>,
        %convert_element_type3A_392 = arith.sitofp %min3A_376 : vector<16xi32> to vector<16xf32>
        %sub3A_393 = arith.subf %add3A_362, %convert_element_type3A_392 : vector<16xf32>
        %mul3A_394 = arith.constant 16 : i32
        %mul3A_395 = arith.muli %add3A_337, %mul3A_394 : i32
        %swap3A_396 = arith.constant 0 : i32
        %swap3A_397 = arith.index_cast %swap3A_396 : i32 to index
        %swap3A_398 = arith.index_cast %mul3A_395 : i32 to index
        %swap3A_399 = tpu.vector_load %arg13[%swap3A_397, %swap3A_398] {strides = array<i32>} : memref<2x1024xf32, #tpu.memory_space<vmem>>, vector<1x16xf32>,
        %swap3A_400 = vector.shape_cast %swap3A_399 : vector<1x16xf32> to vector<16xf32>
        %swap3A_401 = vector.shape_cast %sub3A_393 : vector<16xf32> to vector<1x16xf32>
        tpu.vector_store %arg13[%swap3A_397, %swap3A_398], %swap3A_401 {strides = array<i32>} : memref<2x1024xf32, #tpu.memory_space<vmem>>, vector<1x16xf32>,
        %convert_element_type3A_402 = arith.sitofp %min3A_383 : vector<16xi32> to vector<16xf32>
        %sub3A_403 = arith.subf %add3A_364, %convert_element_type3A_402 : vector<16xf32>
        %mul3A_404 = arith.constant 16 : i32
        %mul3A_405 = arith.muli %add3A_337, %mul3A_404 : i32
        %swap3A_406 = arith.constant 0 : i32
        %swap3A_407 = arith.index_cast %swap3A_406 : i32 to index
        %swap3A_408 = arith.index_cast %mul3A_405 : i32 to index
        %swap3A_409 = tpu.vector_load %arg14[%swap3A_407, %swap3A_408] {strides = array<i32>} : memref<2x1024xf32, #tpu.memory_space<vmem>>, vector<1x16xf32>,
        %swap3A_410 = vector.shape_cast %swap3A_409 : vector<1x16xf32> to vector<16xf32>
        %swap3A_411 = vector.shape_cast %sub3A_403 : vector<16xf32> to vector<1x16xf32>
        tpu.vector_store %arg14[%swap3A_407, %swap3A_408], %swap3A_411 {strides = array<i32>} : memref<2x1024xf32, #tpu.memory_space<vmem>>, vector<1x16xf32>,
        %shift_left3A = arith.constant 16 : i32
        %shift_left3A_412 = vector.broadcast %shift_left3A : i32 to vector<16xi32>
        %shift_left3A_413 = arith.shli %min3A_383, %shift_left3A_412 : vector<16xi32>
        %shift_left3A_414 = arith.constant 8 : i32
        %shift_left3A_415 = vector.broadcast %shift_left3A_414 : i32 to vector<16xi32>
        %shift_left3A_416 = arith.shli %min3A_376, %shift_left3A_415 : vector<16xi32>
        %or3A = arith.ori %shift_left3A_413, %shift_left3A_416 : vector<16xi32>
        %or3A_417 = arith.ori %or3A, %min3A_369 : vector<16xi32>
        %add3A_418 = arith.constant 0 : i32
        %add3A_419 = arith.addi %mul3A_333, %add3A_418 : i32
        %swap3A_420 = arith.constant 0 : i32
        %swap3A_421 = arith.index_cast %swap3A_420 : i32 to index
        %swap3A_422 = arith.index_cast %add3A_419 : i32 to index
        %swap3A_423 = arith.constant 0 : index
        %swap3A_424 = tpu.vector_load %arg15[%swap3A_421, %swap3A_422, %swap3A_423] {strides = array<i32>} : memref<2x64x128xi32, #tpu.memory_space<vmem>>, vector<1x1x16xi32>,
        %swap3A_425 = vector.shape_cast %swap3A_424 : vector<1x1x16xi32> to vector<16xi32>
        %swap3A_426 = vector.shape_cast %or3A_417 : vector<16xi32> to vector<1x1x16xi32>
        tpu.vector_store %arg15[%swap3A_421, %swap3A_422, %swap3A_423], %swap3A_426 {strides = array<i32>} : memref<2x64x128xi32, #tpu.memory_space<vmem>>, vector<1x1x16xi32>,
        %add3A_427 = arith.constant 1 : i32
        %add3A_428 = vector.broadcast %add3A_427 : i32 to vector<16xi32>
        %add3A_429 = arith.addi %or3A_417, %add3A_428 : vector<16xi32>
        %add3A_430 = arith.constant 1 : i32
        %add3A_431 = arith.addi %mul3A_333, %add3A_430 : i32
        %swap3A_432 = arith.constant 0 : i32
        %swap3A_433 = arith.index_cast %swap3A_432 : i32 to index
        %swap3A_434 = arith.index_cast %add3A_431 : i32 to index
        %swap3A_435 = arith.constant 0 : index
        %swap3A_436 = tpu.vector_load %arg15[%swap3A_433, %swap3A_434, %swap3A_435] {strides = array<i32>} : memref<2x64x128xi32, #tpu.memory_space<vmem>>, vector<1x1x16xi32>,
        %swap3A_437 = vector.shape_cast %swap3A_436 : vector<1x1x16xi32> to vector<16xi32>
        %swap3A_438 = vector.shape_cast %add3A_429 : vector<16xi32> to vector<1x1x16xi32>
        tpu.vector_store %arg15[%swap3A_433, %swap3A_434, %swap3A_435], %swap3A_438 {strides = array<i32>} : memref<2x64x128xi32, #tpu.memory_space<vmem>>, vector<1x1x16xi32>,
        %add3A_439 = arith.constant 256 : i32
        %add3A_440 = vector.broadcast %add3A_439 : i32 to vector<16xi32>
        %add3A_441 = arith.addi %or3A_417, %add3A_440 : vector<16xi32>
        %add3A_442 = arith.constant 2 : i32
        %add3A_443 = arith.addi %mul3A_333, %add3A_442 : i32
        %swap3A_444 = arith.constant 0 : i32
        %swap3A_445 = arith.index_cast %swap3A_444 : i32 to index
        %swap3A_446 = arith.index_cast %add3A_443 : i32 to index
        %swap3A_447 = arith.constant 0 : index
        %swap3A_448 = tpu.vector_load %arg15[%swap3A_445, %swap3A_446, %swap3A_447] {strides = array<i32>} : memref<2x64x128xi32, #tpu.memory_space<vmem>>, vector<1x1x16xi32>,
        %swap3A_449 = vector.shape_cast %swap3A_448 : vector<1x1x16xi32> to vector<16xi32>
        %swap3A_450 = vector.shape_cast %add3A_441 : vector<16xi32> to vector<1x1x16xi32>
        tpu.vector_store %arg15[%swap3A_445, %swap3A_446, %swap3A_447], %swap3A_450 {strides = array<i32>} : memref<2x64x128xi32, #tpu.memory_space<vmem>>, vector<1x1x16xi32>,
        %add3A_451 = arith.constant 257 : i32
        %add3A_452 = vector.broadcast %add3A_451 : i32 to vector<16xi32>
        %add3A_453 = arith.addi %or3A_417, %add3A_452 : vector<16xi32>
        %add3A_454 = arith.constant 3 : i32
        %add3A_455 = arith.addi %mul3A_333, %add3A_454 : i32
        %swap3A_456 = arith.constant 0 : i32
        %swap3A_457 = arith.index_cast %swap3A_456 : i32 to index
        %swap3A_458 = arith.index_cast %add3A_455 : i32 to index
        %swap3A_459 = arith.constant 0 : index
        %swap3A_460 = tpu.vector_load %arg15[%swap3A_457, %swap3A_458, %swap3A_459] {strides = array<i32>} : memref<2x64x128xi32, #tpu.memory_space<vmem>>, vector<1x1x16xi32>,
        %swap3A_461 = vector.shape_cast %swap3A_460 : vector<1x1x16xi32> to vector<16xi32>
        %swap3A_462 = vector.shape_cast %add3A_453 : vector<16xi32> to vector<1x1x16xi32>
        tpu.vector_store %arg15[%swap3A_457, %swap3A_458, %swap3A_459], %swap3A_462 {strides = array<i32>} : memref<2x64x128xi32, #tpu.memory_space<vmem>>, vector<1x1x16xi32>,
        %add3A_463 = arith.constant 65536 : i32
        %add3A_464 = vector.broadcast %add3A_463 : i32 to vector<16xi32>
        %add3A_465 = arith.addi %or3A_417, %add3A_464 : vector<16xi32>
        %add3A_466 = arith.constant 4 : i32
        %add3A_467 = arith.addi %mul3A_333, %add3A_466 : i32
        %swap3A_468 = arith.constant 0 : i32
        %swap3A_469 = arith.index_cast %swap3A_468 : i32 to index
        %swap3A_470 = arith.index_cast %add3A_467 : i32 to index
        %swap3A_471 = arith.constant 0 : index
        %swap3A_472 = tpu.vector_load %arg15[%swap3A_469, %swap3A_470, %swap3A_471] {strides = array<i32>} : memref<2x64x128xi32, #tpu.memory_space<vmem>>, vector<1x1x16xi32>,
        %swap3A_473 = vector.shape_cast %swap3A_472 : vector<1x1x16xi32> to vector<16xi32>
        %swap3A_474 = vector.shape_cast %add3A_465 : vector<16xi32> to vector<1x1x16xi32>
        tpu.vector_store %arg15[%swap3A_469, %swap3A_470, %swap3A_471], %swap3A_474 {strides = array<i32>} : memref<2x64x128xi32, #tpu.memory_space<vmem>>, vector<1x1x16xi32>,
        %add3A_475 = arith.constant 65537 : i32
        %add3A_476 = vector.broadcast %add3A_475 : i32 to vector<16xi32>
        %add3A_477 = arith.addi %or3A_417, %add3A_476 : vector<16xi32>
        %add3A_478 = arith.constant 5 : i32
        %add3A_479 = arith.addi %mul3A_333, %add3A_478 : i32
        %swap3A_480 = arith.constant 0 : i32
        %swap3A_481 = arith.index_cast %swap3A_480 : i32 to index
        %swap3A_482 = arith.index_cast %add3A_479 : i32 to index
        %swap3A_483 = arith.constant 0 : index
        %swap3A_484 = tpu.vector_load %arg15[%swap3A_481, %swap3A_482, %swap3A_483] {strides = array<i32>} : memref<2x64x128xi32, #tpu.memory_space<vmem>>, vector<1x1x16xi32>,
        %swap3A_485 = vector.shape_cast %swap3A_484 : vector<1x1x16xi32> to vector<16xi32>
        %swap3A_486 = vector.shape_cast %add3A_477 : vector<16xi32> to vector<1x1x16xi32>
        tpu.vector_store %arg15[%swap3A_481, %swap3A_482, %swap3A_483], %swap3A_486 {strides = array<i32>} : memref<2x64x128xi32, #tpu.memory_space<vmem>>, vector<1x1x16xi32>,
        %add3A_487 = arith.constant 65792 : i32
        %add3A_488 = vector.broadcast %add3A_487 : i32 to vector<16xi32>
        %add3A_489 = arith.addi %or3A_417, %add3A_488 : vector<16xi32>
        %add3A_490 = arith.constant 6 : i32
        %add3A_491 = arith.addi %mul3A_333, %add3A_490 : i32
        %swap3A_492 = arith.constant 0 : i32
        %swap3A_493 = arith.index_cast %swap3A_492 : i32 to index
        %swap3A_494 = arith.index_cast %add3A_491 : i32 to index
        %swap3A_495 = arith.constant 0 : index
        %swap3A_496 = tpu.vector_load %arg15[%swap3A_493, %swap3A_494, %swap3A_495] {strides = array<i32>} : memref<2x64x128xi32, #tpu.memory_space<vmem>>, vector<1x1x16xi32>,
        %swap3A_497 = vector.shape_cast %swap3A_496 : vector<1x1x16xi32> to vector<16xi32>
        %swap3A_498 = vector.shape_cast %add3A_489 : vector<16xi32> to vector<1x1x16xi32>
        tpu.vector_store %arg15[%swap3A_493, %swap3A_494, %swap3A_495], %swap3A_498 {strides = array<i32>} : memref<2x64x128xi32, #tpu.memory_space<vmem>>, vector<1x1x16xi32>,
        %add3A_499 = arith.constant 65793 : i32
        %add3A_500 = vector.broadcast %add3A_499 : i32 to vector<16xi32>
        %add3A_501 = arith.addi %or3A_417, %add3A_500 : vector<16xi32>
        %add3A_502 = arith.constant 7 : i32
        %add3A_503 = arith.addi %mul3A_333, %add3A_502 : i32
        %swap3A_504 = arith.constant 0 : i32
        %swap3A_505 = arith.index_cast %swap3A_504 : i32 to index
        %swap3A_506 = arith.index_cast %add3A_503 : i32 to index
        %swap3A_507 = arith.constant 0 : index
        %swap3A_508 = tpu.vector_load %arg15[%swap3A_505, %swap3A_506, %swap3A_507] {strides = array<i32>} : memref<2x64x128xi32, #tpu.memory_space<vmem>>, vector<1x1x16xi32>,
        %swap3A_509 = vector.shape_cast %swap3A_508 : vector<1x1x16xi32> to vector<16xi32>
        %swap3A_510 = vector.shape_cast %add3A_501 : vector<16xi32> to vector<1x1x16xi32>
        tpu.vector_store %arg15[%swap3A_505, %swap3A_506, %swap3A_507], %swap3A_510 {strides = array<i32>} : memref<2x64x128xi32, #tpu.memory_space<vmem>>, vector<1x1x16xi32>,
        %mul3A_511 = arith.constant 8 : i32
        %mul3A_512 = arith.muli %scan3A_330, %mul3A_511 : i32
        %add3A_513 = arith.constant 1 : i32
        %add3A_514 = arith.addi %mul3A_512, %add3A_513 : i32
        %mul3A_515 = arith.constant 16 : i32
        %mul3A_516 = arith.muli %add3A_514, %mul3A_515 : i32
        %get3A_517 = arith.constant 0 : i32
        %get3A_518 = arith.index_cast %get3A_517 : i32 to index
        %get3A_519 = arith.index_cast %mul3A_516 : i32 to index
        %get3A_520 = tpu.vector_load %arg9[%get3A_518, %get3A_519] {strides = array<i32>} : memref<2x1024xf32, #tpu.memory_space<vmem>>, vector<1x16xf32>,
        %get3A_521 = vector.shape_cast %get3A_520 : vector<1x16xf32> to vector<16xf32>
        %mul3A_522 = arith.constant 16 : i32
        %mul3A_523 = arith.muli %add3A_514, %mul3A_522 : i32
        %get3A_524 = arith.constant 0 : i32
        %get3A_525 = arith.index_cast %get3A_524 : i32 to index
        %get3A_526 = arith.index_cast %mul3A_523 : i32 to index
        %get3A_527 = tpu.vector_load %arg10[%get3A_525, %get3A_526] {strides = array<i32>} : memref<2x1024xf32, #tpu.memory_space<vmem>>, vector<1x16xf32>,
        %get3A_528 = vector.shape_cast %get3A_527 : vector<1x16xf32> to vector<16xf32>
        %mul3A_529 = arith.constant 16 : i32
        %mul3A_530 = arith.muli %add3A_514, %mul3A_529 : i32
        %get3A_531 = arith.constant 0 : i32
        %get3A_532 = arith.index_cast %get3A_531 : i32 to index
        %get3A_533 = arith.index_cast %mul3A_530 : i32 to index
        %get3A_534 = tpu.vector_load %arg11[%get3A_532, %get3A_533] {strides = array<i32>} : memref<2x1024xf32, #tpu.memory_space<vmem>>, vector<1x16xf32>,
        %get3A_535 = vector.shape_cast %get3A_534 : vector<1x16xf32> to vector<16xf32>
        %mul3A_536 = arith.mulf %get3A_535, %get3A_6 : vector<16xf32>
        %add3A_537 = arith.addf %mul3A_536, %get3A_21 : vector<16xf32>
        %mul3A_538 = arith.mulf %get3A_528, %get3A_11 : vector<16xf32>
        %add3A_539 = arith.addf %mul3A_538, %get3A_26 : vector<16xf32>
        %mul3A_540 = arith.mulf %get3A_521, %get3A_16 : vector<16xf32>
        %add3A_541 = arith.addf %mul3A_540, %get3A_31 : vector<16xf32>
        %convert_element_type3A_542 = arith.fptosi %add3A_537 : vector<16xf32> to vector<16xi32>
        %jit3A_543 = arith.constant 0 : i32
        %jit3A_544 = arith.constant 254 : i32
        %max3A_545 = vector.broadcast %jit3A_543 : i32 to vector<16xi32>
        %max3A_546 = arith.maxsi %max3A_545, %convert_element_type3A_542 : vector<16xi32>
        %min3A_547 = vector.broadcast %jit3A_544 : i32 to vector<16xi32>
        %min3A_548 = arith.minsi %min3A_547, %max3A_546 : vector<16xi32>
        %convert_element_type3A_549 = arith.fptosi %add3A_539 : vector<16xf32> to vector<16xi32>
        %jit3A_550 = arith.constant 0 : i32
        %jit3A_551 = arith.constant 254 : i32
        %max3A_552 = vector.broadcast %jit3A_550 : i32 to vector<16xi32>
        %max3A_553 = arith.maxsi %max3A_552, %convert_element_type3A_549 : vector<16xi32>
        %min3A_554 = vector.broadcast %jit3A_551 : i32 to vector<16xi32>
        %min3A_555 = arith.minsi %min3A_554, %max3A_553 : vector<16xi32>
        %convert_element_type3A_556 = arith.fptosi %add3A_541 : vector<16xf32> to vector<16xi32>
        %jit3A_557 = arith.constant 0 : i32
        %jit3A_558 = arith.constant 254 : i32
        %max3A_559 = vector.broadcast %jit3A_557 : i32 to vector<16xi32>
        %max3A_560 = arith.maxsi %max3A_559, %convert_element_type3A_556 : vector<16xi32>
        %min3A_561 = vector.broadcast %jit3A_558 : i32 to vector<16xi32>
        %min3A_562 = arith.minsi %min3A_561, %max3A_560 : vector<16xi32>
        %convert_element_type3A_563 = arith.sitofp %min3A_548 : vector<16xi32> to vector<16xf32>
        %sub3A_564 = arith.subf %add3A_537, %convert_element_type3A_563 : vector<16xf32>
        %mul3A_565 = arith.constant 16 : i32
        %mul3A_566 = arith.muli %add3A_514, %mul3A_565 : i32
        %swap3A_567 = arith.constant 0 : i32
        %swap3A_568 = arith.index_cast %swap3A_567 : i32 to index
        %swap3A_569 = arith.index_cast %mul3A_566 : i32 to index
        %swap3A_570 = tpu.vector_load %arg12[%swap3A_568, %swap3A_569] {strides = array<i32>} : memref<2x1024xf32, #tpu.memory_space<vmem>>, vector<1x16xf32>,
        %swap3A_571 = vector.shape_cast %swap3A_570 : vector<1x16xf32> to vector<16xf32>
        %swap3A_572 = vector.shape_cast %sub3A_564 : vector<16xf32> to vector<1x16xf32>
        tpu.vector_store %arg12[%swap3A_568, %swap3A_569], %swap3A_572 {strides = array<i32>} : memref<2x1024xf32, #tpu.memory_space<vmem>>, vector<1x16xf32>,
        %convert_element_type3A_573 = arith.sitofp %min3A_555 : vector<16xi32> to vector<16xf32>
        %sub3A_574 = arith.subf %add3A_539, %convert_element_type3A_573 : vector<16xf32>
        %mul3A_575 = arith.constant 16 : i32
        %mul3A_576 = arith.muli %add3A_514, %mul3A_575 : i32
        %swap3A_577 = arith.constant 0 : i32
        %swap3A_578 = arith.index_cast %swap3A_577 : i32 to index
        %swap3A_579 = arith.index_cast %mul3A_576 : i32 to index
        %swap3A_580 = tpu.vector_load %arg13[%swap3A_578, %swap3A_579] {strides = array<i32>} : memref<2x1024xf32, #tpu.memory_space<vmem>>, vector<1x16xf32>,
        %swap3A_581 = vector.shape_cast %swap3A_580 : vector<1x16xf32> to vector<16xf32>
        %swap3A_582 = vector.shape_cast %sub3A_574 : vector<16xf32> to vector<1x16xf32>
        tpu.vector_store %arg13[%swap3A_578, %swap3A_579], %swap3A_582 {strides = array<i32>} : memref<2x1024xf32, #tpu.memory_space<vmem>>, vector<1x16xf32>,
        %convert_element_type3A_583 = arith.sitofp %min3A_562 : vector<16xi32> to vector<16xf32>
        %sub3A_584 = arith.subf %add3A_541, %convert_element_type3A_583 : vector<16xf32>
        %mul3A_585 = arith.constant 16 : i32
        %mul3A_586 = arith.muli %add3A_514, %mul3A_585 : i32
        %swap3A_587 = arith.constant 0 : i32
        %swap3A_588 = arith.index_cast %swap3A_587 : i32 to index
        %swap3A_589 = arith.index_cast %mul3A_586 : i32 to index
        %swap3A_590 = tpu.vector_load %arg14[%swap3A_588, %swap3A_589] {strides = array<i32>} : memref<2x1024xf32, #tpu.memory_space<vmem>>, vector<1x16xf32>,
        %swap3A_591 = vector.shape_cast %swap3A_590 : vector<1x16xf32> to vector<16xf32>
        %swap3A_592 = vector.shape_cast %sub3A_584 : vector<16xf32> to vector<1x16xf32>
        tpu.vector_store %arg14[%swap3A_588, %swap3A_589], %swap3A_592 {strides = array<i32>} : memref<2x1024xf32, #tpu.memory_space<vmem>>, vector<1x16xf32>,
        %shift_left3A_593 = arith.constant 16 : i32
        %shift_left3A_594 = vector.broadcast %shift_left3A_593 : i32 to vector<16xi32>
        %shift_left3A_595 = arith.shli %min3A_562, %shift_left3A_594 : vector<16xi32>
        %shift_left3A_596 = arith.constant 8 : i32
        %shift_left3A_597 = vector.broadcast %shift_left3A_596 : i32 to vector<16xi32>
        %shift_left3A_598 = arith.shli %min3A_555, %shift_left3A_597 : vector<16xi32>
        %or3A_599 = arith.ori %shift_left3A_595, %shift_left3A_598 : vector<16xi32>
        %or3A_600 = arith.ori %or3A_599, %min3A_548 : vector<16xi32>
        %add3A_601 = arith.constant 0 : i32
        %add3A_602 = arith.addi %mul3A_333, %add3A_601 : i32
        %swap3A_603 = arith.constant 0 : i32
        %swap3A_604 = arith.index_cast %swap3A_603 : i32 to index
        %swap3A_605 = arith.index_cast %add3A_602 : i32 to index
        %swap3A_606 = arith.constant 16 : index
        %swap3A_607 = tpu.vector_load %arg15[%swap3A_604, %swap3A_605, %swap3A_606] {strides = array<i32>} : memref<2x64x128xi32, #tpu.memory_space<vmem>>, vector<1x1x16xi32>,
        %swap3A_608 = vector.shape_cast %swap3A_607 : vector<1x1x16xi32> to vector<16xi32>
        %swap3A_609 = vector.shape_cast %or3A_600 : vector<16xi32> to vector<1x1x16xi32>
        tpu.vector_store %arg15[%swap3A_604, %swap3A_605, %swap3A_606], %swap3A_609 {strides = array<i32>} : memref<2x64x128xi32, #tpu.memory_space<vmem>>, vector<1x1x16xi32>,
        %add3A_610 = arith.constant 1 : i32
        %add3A_611 = vector.broadcast %add3A_610 : i32 to vector<16xi32>
        %add3A_612 = arith.addi %or3A_600, %add3A_611 : vector<16xi32>
        %add3A_613 = arith.constant 1 : i32
        %add3A_614 = arith.addi %mul3A_333, %add3A_613 : i32
        %swap3A_615 = arith.constant 0 : i32
        %swap3A_616 = arith.index_cast %swap3A_615 : i32 to index
        %swap3A_617 = arith.index_cast %add3A_614 : i32 to index
        %swap3A_618 = arith.constant 16 : index
        %swap3A_619 = tpu.vector_load %arg15[%swap3A_616, %swap3A_617, %swap3A_618] {strides = array<i32>} : memref<2x64x128xi32, #tpu.memory_space<vmem>>, vector<1x1x16xi32>,
        %swap3A_620 = vector.shape_cast %swap3A_619 : vector<1x1x16xi32> to vector<16xi32>
        %swap3A_621 = vector.shape_cast %add3A_612 : vector<16xi32> to vector<1x1x16xi32>
        tpu.vector_store %arg15[%swap3A_616, %swap3A_617, %swap3A_618], %swap3A_621 {strides = array<i32>} : memref<2x64x128xi32, #tpu.memory_space<vmem>>, vector<1x1x16xi32>,
        %add3A_622 = arith.constant 256 : i32
        %add3A_623 = vector.broadcast %add3A_622 : i32 to vector<16xi32>
        %add3A_624 = arith.addi %or3A_600, %add3A_623 : vector<16xi32>
        %add3A_625 = arith.constant 2 : i32
        %add3A_626 = arith.addi %mul3A_333, %add3A_625 : i32
        %swap3A_627 = arith.constant 0 : i32
        %swap3A_628 = arith.index_cast %swap3A_627 : i32 to index
        %swap3A_629 = arith.index_cast %add3A_626 : i32 to index
        %swap3A_630 = arith.constant 16 : index
        %swap3A_631 = tpu.vector_load %arg15[%swap3A_628, %swap3A_629, %swap3A_630] {strides = array<i32>} : memref<2x64x128xi32, #tpu.memory_space<vmem>>, vector<1x1x16xi32>,
        %swap3A_632 = vector.shape_cast %swap3A_631 : vector<1x1x16xi32> to vector<16xi32>
        %swap3A_633 = vector.shape_cast %add3A_624 : vector<16xi32> to vector<1x1x16xi32>
        tpu.vector_store %arg15[%swap3A_628, %swap3A_629, %swap3A_630], %swap3A_633 {strides = array<i32>} : memref<2x64x128xi32, #tpu.memory_space<vmem>>, vector<1x1x16xi32>,
        %add3A_634 = arith.constant 257 : i32
        %add3A_635 = vector.broadcast %add3A_634 : i32 to vector<16xi32>
        %add3A_636 = arith.addi %or3A_600, %add3A_635 : vector<16xi32>
        %add3A_637 = arith.constant 3 : i32
        %add3A_638 = arith.addi %mul3A_333, %add3A_637 : i32
        %swap3A_639 = arith.constant 0 : i32
        %swap3A_640 = arith.index_cast %swap3A_639 : i32 to index
        %swap3A_641 = arith.index_cast %add3A_638 : i32 to index
        %swap3A_642 = arith.constant 16 : index
        %swap3A_643 = tpu.vector_load %arg15[%swap3A_640, %swap3A_641, %swap3A_642] {strides = array<i32>} : memref<2x64x128xi32, #tpu.memory_space<vmem>>, vector<1x1x16xi32>,
        %swap3A_644 = vector.shape_cast %swap3A_643 : vector<1x1x16xi32> to vector<16xi32>
        %swap3A_645 = vector.shape_cast %add3A_636 : vector<16xi32> to vector<1x1x16xi32>
        tpu.vector_store %arg15[%swap3A_640, %swap3A_641, %swap3A_642], %swap3A_645 {strides = array<i32>} : memref<2x64x128xi32, #tpu.memory_space<vmem>>, vector<1x1x16xi32>,
        %add3A_646 = arith.constant 65536 : i32
        %add3A_647 = vector.broadcast %add3A_646 : i32 to vector<16xi32>
        %add3A_648 = arith.addi %or3A_600, %add3A_647 : vector<16xi32>
        %add3A_649 = arith.constant 4 : i32
        %add3A_650 = arith.addi %mul3A_333, %add3A_649 : i32
        %swap3A_651 = arith.constant 0 : i32
        %swap3A_652 = arith.index_cast %swap3A_651 : i32 to index
        %swap3A_653 = arith.index_cast %add3A_650 : i32 to index
        %swap3A_654 = arith.constant 16 : index
        %swap3A_655 = tpu.vector_load %arg15[%swap3A_652, %swap3A_653, %swap3A_654] {strides = array<i32>} : memref<2x64x128xi32, #tpu.memory_space<vmem>>, vector<1x1x16xi32>,
        %swap3A_656 = vector.shape_cast %swap3A_655 : vector<1x1x16xi32> to vector<16xi32>
        %swap3A_657 = vector.shape_cast %add3A_648 : vector<16xi32> to vector<1x1x16xi32>
        tpu.vector_store %arg15[%swap3A_652, %swap3A_653, %swap3A_654], %swap3A_657 {strides = array<i32>} : memref<2x64x128xi32, #tpu.memory_space<vmem>>, vector<1x1x16xi32>,
        %add3A_658 = arith.constant 65537 : i32
        %add3A_659 = vector.broadcast %add3A_658 : i32 to vector<16xi32>
        %add3A_660 = arith.addi %or3A_600, %add3A_659 : vector<16xi32>
        %add3A_661 = arith.constant 5 : i32
        %add3A_662 = arith.addi %mul3A_333, %add3A_661 : i32
        %swap3A_663 = arith.constant 0 : i32
        %swap3A_664 = arith.index_cast %swap3A_663 : i32 to index
        %swap3A_665 = arith.index_cast %add3A_662 : i32 to index
        %swap3A_666 = arith.constant 16 : index
        %swap3A_667 = tpu.vector_load %arg15[%swap3A_664, %swap3A_665, %swap3A_666] {strides = array<i32>} : memref<2x64x128xi32, #tpu.memory_space<vmem>>, vector<1x1x16xi32>,
        %swap3A_668 = vector.shape_cast %swap3A_667 : vector<1x1x16xi32> to vector<16xi32>
        %swap3A_669 = vector.shape_cast %add3A_660 : vector<16xi32> to vector<1x1x16xi32>
        tpu.vector_store %arg15[%swap3A_664, %swap3A_665, %swap3A_666], %swap3A_669 {strides = array<i32>} : memref<2x64x128xi32, #tpu.memory_space<vmem>>, vector<1x1x16xi32>,
        %add3A_670 = arith.constant 65792 : i32
        %add3A_671 = vector.broadcast %add3A_670 : i32 to vector<16xi32>
        %add3A_672 = arith.addi %or3A_600, %add3A_671 : vector<16xi32>
        %add3A_673 = arith.constant 6 : i32
        %add3A_674 = arith.addi %mul3A_333, %add3A_673 : i32
        %swap3A_675 = arith.constant 0 : i32
        %swap3A_676 = arith.index_cast %swap3A_675 : i32 to index
        %swap3A_677 = arith.index_cast %add3A_674 : i32 to index
        %swap3A_678 = arith.constant 16 : index
        %swap3A_679 = tpu.vector_load %arg15[%swap3A_676, %swap3A_677, %swap3A_678] {strides = array<i32>} : memref<2x64x128xi32, #tpu.memory_space<vmem>>, vector<1x1x16xi32>,
        %swap3A_680 = vector.shape_cast %swap3A_679 : vector<1x1x16xi32> to vector<16xi32>
        %swap3A_681 = vector.shape_cast %add3A_672 : vector<16xi32> to vector<1x1x16xi32>
        tpu.vector_store %arg15[%swap3A_676, %swap3A_677, %swap3A_678], %swap3A_681 {strides = array<i32>} : memref<2x64x128xi32, #tpu.memory_space<vmem>>, vector<1x1x16xi32>,
        %add3A_682 = arith.constant 65793 : i32
        %add3A_683 = vector.broadcast %add3A_682 : i32 to vector<16xi32>
        %add3A_684 = arith.addi %or3A_600, %add3A_683 : vector<16xi32>
        %add3A_685 = arith.constant 7 : i32
        %add3A_686 = arith.addi %mul3A_333, %add3A_685 : i32
        %swap3A_687 = arith.constant 0 : i32
        %swap3A_688 = arith.index_cast %swap3A_687 : i32 to index
        %swap3A_689 = arith.index_cast %add3A_686 : i32 to index
        %swap3A_690 = arith.constant 16 : index
        %swap3A_691 = tpu.vector_load %arg15[%swap3A_688, %swap3A_689, %swap3A_690] {strides = array<i32>} : memref<2x64x128xi32, #tpu.memory_space<vmem>>, vector<1x1x16xi32>,
        %swap3A_692 = vector.shape_cast %swap3A_691 : vector<1x1x16xi32> to vector<16xi32>
        %swap3A_693 = vector.shape_cast %add3A_684 : vector<16xi32> to vector<1x1x16xi32>
        tpu.vector_store %arg15[%swap3A_688, %swap3A_689, %swap3A_690], %swap3A_693 {strides = array<i32>} : memref<2x64x128xi32, #tpu.memory_space<vmem>>, vector<1x1x16xi32>,
        %mul3A_694 = arith.constant 8 : i32
        %mul3A_695 = arith.muli %scan3A_330, %mul3A_694 : i32
        %add3A_696 = arith.constant 2 : i32
        %add3A_697 = arith.addi %mul3A_695, %add3A_696 : i32
        %mul3A_698 = arith.constant 16 : i32
        %mul3A_699 = arith.muli %add3A_697, %mul3A_698 : i32
        %get3A_700 = arith.constant 0 : i32
        %get3A_701 = arith.index_cast %get3A_700 : i32 to index
        %get3A_702 = arith.index_cast %mul3A_699 : i32 to index
        %get3A_703 = tpu.vector_load %arg9[%get3A_701, %get3A_702] {strides = array<i32>} : memref<2x1024xf32, #tpu.memory_space<vmem>>, vector<1x16xf32>,
        %get3A_704 = vector.shape_cast %get3A_703 : vector<1x16xf32> to vector<16xf32>
        %mul3A_705 = arith.constant 16 : i32
        %mul3A_706 = arith.muli %add3A_697, %mul3A_705 : i32
        %get3A_707 = arith.constant 0 : i32
        %get3A_708 = arith.index_cast %get3A_707 : i32 to index
        %get3A_709 = arith.index_cast %mul3A_706 : i32 to index
        %get3A_710 = tpu.vector_load %arg10[%get3A_708, %get3A_709] {strides = array<i32>} : memref<2x1024xf32, #tpu.memory_space<vmem>>, vector<1x16xf32>,
        %get3A_711 = vector.shape_cast %get3A_710 : vector<1x16xf32> to vector<16xf32>
        %mul3A_712 = arith.constant 16 : i32
        %mul3A_713 = arith.muli %add3A_697, %mul3A_712 : i32
        %get3A_714 = arith.constant 0 : i32
        %get3A_715 = arith.index_cast %get3A_714 : i32 to index
        %get3A_716 = arith.index_cast %mul3A_713 : i32 to index
        %get3A_717 = tpu.vector_load %arg11[%get3A_715, %get3A_716] {strides = array<i32>} : memref<2x1024xf32, #tpu.memory_space<vmem>>, vector<1x16xf32>,
        %get3A_718 = vector.shape_cast %get3A_717 : vector<1x16xf32> to vector<16xf32>
        %mul3A_719 = arith.mulf %get3A_718, %get3A_6 : vector<16xf32>
        %add3A_720 = arith.addf %mul3A_719, %get3A_21 : vector<16xf32>
        %mul3A_721 = arith.mulf %get3A_711, %get3A_11 : vector<16xf32>
        %add3A_722 = arith.addf %mul3A_721, %get3A_26 : vector<16xf32>
        %mul3A_723 = arith.mulf %get3A_704, %get3A_16 : vector<16xf32>
        %add3A_724 = arith.addf %mul3A_723, %get3A_31 : vector<16xf32>
        %convert_element_type3A_725 = arith.fptosi %add3A_720 : vector<16xf32> to vector<16xi32>
        %jit3A_726 = arith.constant 0 : i32
        %jit3A_727 = arith.constant 254 : i32
        %max3A_728 = vector.broadcast %jit3A_726 : i32 to vector<16xi32>
        %max3A_729 = arith.maxsi %max3A_728, %convert_element_type3A_725 : vector<16xi32>
        %min3A_730 = vector.broadcast %jit3A_727 : i32 to vector<16xi32>
        %min3A_731 = arith.minsi %min3A_730, %max3A_729 : vector<16xi32>
        %convert_element_type3A_732 = arith.fptosi %add3A_722 : vector<16xf32> to vector<16xi32>
        %jit3A_733 = arith.constant 0 : i32
        %jit3A_734 = arith.constant 254 : i32
        %max3A_735 = vector.broadcast %jit3A_733 : i32 to vector<16xi32>
        %max3A_736 = arith.maxsi %max3A_735, %convert_element_type3A_732 : vector<16xi32>
        %min3A_737 = vector.broadcast %jit3A_734 : i32 to vector<16xi32>
        %min3A_738 = arith.minsi %min3A_737, %max3A_736 : vector<16xi32>
        %convert_element_type3A_739 = arith.fptosi %add3A_724 : vector<16xf32> to vector<16xi32>
        %jit3A_740 = arith.constant 0 : i32
        %jit3A_741 = arith.constant 254 : i32
        %max3A_742 = vector.broadcast %jit3A_740 : i32 to vector<16xi32>
        %max3A_743 = arith.maxsi %max3A_742, %convert_element_type3A_739 : vector<16xi32>
        %min3A_744 = vector.broadcast %jit3A_741 : i32 to vector<16xi32>
        %min3A_745 = arith.minsi %min3A_744, %max3A_743 : vector<16xi32>
        %convert_element_type3A_746 = arith.sitofp %min3A_731 : vector<16xi32> to vector<16xf32>
        %sub3A_747 = arith.subf %add3A_720, %convert_element_type3A_746 : vector<16xf32>
        %mul3A_748 = arith.constant 16 : i32
        %mul3A_749 = arith.muli %add3A_697, %mul3A_748 : i32
        %swap3A_750 = arith.constant 0 : i32
        %swap3A_751 = arith.index_cast %swap3A_750 : i32 to index
        %swap3A_752 = arith.index_cast %mul3A_749 : i32 to index
        %swap3A_753 = tpu.vector_load %arg12[%swap3A_751, %swap3A_752] {strides = array<i32>} : memref<2x1024xf32, #tpu.memory_space<vmem>>, vector<1x16xf32>,
        %swap3A_754 = vector.shape_cast %swap3A_753 : vector<1x16xf32> to vector<16xf32>
        %swap3A_755 = vector.shape_cast %sub3A_747 : vector<16xf32> to vector<1x16xf32>
        tpu.vector_store %arg12[%swap3A_751, %swap3A_752], %swap3A_755 {strides = array<i32>} : memref<2x1024xf32, #tpu.memory_space<vmem>>, vector<1x16xf32>,
        %convert_element_type3A_756 = arith.sitofp %min3A_738 : vector<16xi32> to vector<16xf32>
        %sub3A_757 = arith.subf %add3A_722, %convert_element_type3A_756 : vector<16xf32>
        %mul3A_758 = arith.constant 16 : i32
        %mul3A_759 = arith.muli %add3A_697, %mul3A_758 : i32
        %swap3A_760 = arith.constant 0 : i32
        %swap3A_761 = arith.index_cast %swap3A_760 : i32 to index
        %swap3A_762 = arith.index_cast %mul3A_759 : i32 to index
        %swap3A_763 = tpu.vector_load %arg13[%swap3A_761, %swap3A_762] {strides = array<i32>} : memref<2x1024xf32, #tpu.memory_space<vmem>>, vector<1x16xf32>,
        %swap3A_764 = vector.shape_cast %swap3A_763 : vector<1x16xf32> to vector<16xf32>
        %swap3A_765 = vector.shape_cast %sub3A_757 : vector<16xf32> to vector<1x16xf32>
        tpu.vector_store %arg13[%swap3A_761, %swap3A_762], %swap3A_765 {strides = array<i32>} : memref<2x1024xf32, #tpu.memory_space<vmem>>, vector<1x16xf32>,
        %convert_element_type3A_766 = arith.sitofp %min3A_745 : vector<16xi32> to vector<16xf32>
        %sub3A_767 = arith.subf %add3A_724, %convert_element_type3A_766 : vector<16xf32>
        %mul3A_768 = arith.constant 16 : i32
        %mul3A_769 = arith.muli %add3A_697, %mul3A_768 : i32
        %swap3A_770 = arith.constant 0 : i32
        %swap3A_771 = arith.index_cast %swap3A_770 : i32 to index
        %swap3A_772 = arith.index_cast %mul3A_769 : i32 to index
        %swap3A_773 = tpu.vector_load %arg14[%swap3A_771, %swap3A_772] {strides = array<i32>} : memref<2x1024xf32, #tpu.memory_space<vmem>>, vector<1x16xf32>,
        %swap3A_774 = vector.shape_cast %swap3A_773 : vector<1x16xf32> to vector<16xf32>
        %swap3A_775 = vector.shape_cast %sub3A_767 : vector<16xf32> to vector<1x16xf32>
        tpu.vector_store %arg14[%swap3A_771, %swap3A_772], %swap3A_775 {strides = array<i32>} : memref<2x1024xf32, #tpu.memory_space<vmem>>, vector<1x16xf32>,
        %shift_left3A_776 = arith.constant 16 : i32
        %shift_left3A_777 = vector.broadcast %shift_left3A_776 : i32 to vector<16xi32>
        %shift_left3A_778 = arith.shli %min3A_745, %shift_left3A_777 : vector<16xi32>
        %shift_left3A_779 = arith.constant 8 : i32
        %shift_left3A_780 = vector.broadcast %shift_left3A_779 : i32 to vector<16xi32>
        %shift_left3A_781 = arith.shli %min3A_738, %shift_left3A_780 : vector<16xi32>
        %or3A_782 = arith.ori %shift_left3A_778, %shift_left3A_781 : vector<16xi32>
        %or3A_783 = arith.ori %or3A_782, %min3A_731 : vector<16xi32>
        %add3A_784 = arith.constant 0 : i32
        %add3A_785 = arith.addi %mul3A_333, %add3A_784 : i32
        %swap3A_786 = arith.constant 0 : i32
        %swap3A_787 = arith.index_cast %swap3A_786 : i32 to index
        %swap3A_788 = arith.index_cast %add3A_785 : i32 to index
        %swap3A_789 = arith.constant 32 : index
        %swap3A_790 = tpu.vector_load %arg15[%swap3A_787, %swap3A_788, %swap3A_789] {strides = array<i32>} : memref<2x64x128xi32, #tpu.memory_space<vmem>>, vector<1x1x16xi32>,
        %swap3A_791 = vector.shape_cast %swap3A_790 : vector<1x1x16xi32> to vector<16xi32>
        %swap3A_792 = vector.shape_cast %or3A_783 : vector<16xi32> to vector<1x1x16xi32>
        tpu.vector_store %arg15[%swap3A_787, %swap3A_788, %swap3A_789], %swap3A_792 {strides = array<i32>} : memref<2x64x128xi32, #tpu.memory_space<vmem>>, vector<1x1x16xi32>,
        %add3A_793 = arith.constant 1 : i32
        %add3A_794 = vector.broadcast %add3A_793 : i32 to vector<16xi32>
        %add3A_795 = arith.addi %or3A_783, %add3A_794 : vector<16xi32>
        %add3A_796 = arith.constant 1 : i32
        %add3A_797 = arith.addi %mul3A_333, %add3A_796 : i32
        %swap3A_798 = arith.constant 0 : i32
        %swap3A_799 = arith.index_cast %swap3A_798 : i32 to index
        %swap3A_800 = arith.index_cast %add3A_797 : i32 to index
        %swap3A_801 = arith.constant 32 : index
        %swap3A_802 = tpu.vector_load %arg15[%swap3A_799, %swap3A_800, %swap3A_801] {strides = array<i32>} : memref<2x64x128xi32, #tpu.memory_space<vmem>>, vector<1x1x16xi32>,
        %swap3A_803 = vector.shape_cast %swap3A_802 : vector<1x1x16xi32> to vector<16xi32>
        %swap3A_804 = vector.shape_cast %add3A_795 : vector<16xi32> to vector<1x1x16xi32>
        tpu.vector_store %arg15[%swap3A_799, %swap3A_800, %swap3A_801], %swap3A_804 {strides = array<i32>} : memref<2x64x128xi32, #tpu.memory_space<vmem>>, vector<1x1x16xi32>,
        %add3A_805 = arith.constant 256 : i32
        %add3A_806 = vector.broadcast %add3A_805 : i32 to vector<16xi32>
        %add3A_807 = arith.addi %or3A_783, %add3A_806 : vector<16xi32>
        %add3A_808 = arith.constant 2 : i32
        %add3A_809 = arith.addi %mul3A_333, %add3A_808 : i32
        %swap3A_810 = arith.constant 0 : i32
        %swap3A_811 = arith.index_cast %swap3A_810 : i32 to index
        %swap3A_812 = arith.index_cast %add3A_809 : i32 to index
        %swap3A_813 = arith.constant 32 : index
        %swap3A_814 = tpu.vector_load %arg15[%swap3A_811, %swap3A_812, %swap3A_813] {strides = array<i32>} : memref<2x64x128xi32, #tpu.memory_space<vmem>>, vector<1x1x16xi32>,
        %swap3A_815 = vector.shape_cast %swap3A_814 : vector<1x1x16xi32> to vector<16xi32>
        %swap3A_816 = vector.shape_cast %add3A_807 : vector<16xi32> to vector<1x1x16xi32>
        tpu.vector_store %arg15[%swap3A_811, %swap3A_812, %swap3A_813], %swap3A_816 {strides = array<i32>} : memref<2x64x128xi32, #tpu.memory_space<vmem>>, vector<1x1x16xi32>,
        %add3A_817 = arith.constant 257 : i32
        %add3A_818 = vector.broadcast %add3A_817 : i32 to vector<16xi32>
        %add3A_819 = arith.addi %or3A_783, %add3A_818 : vector<16xi32>
        %add3A_820 = arith.constant 3 : i32
        %add3A_821 = arith.addi %mul3A_333, %add3A_820 : i32
        %swap3A_822 = arith.constant 0 : i32
        %swap3A_823 = arith.index_cast %swap3A_822 : i32 to index
        %swap3A_824 = arith.index_cast %add3A_821 : i32 to index
        %swap3A_825 = arith.constant 32 : index
        %swap3A_826 = tpu.vector_load %arg15[%swap3A_823, %swap3A_824, %swap3A_825] {strides = array<i32>} : memref<2x64x128xi32, #tpu.memory_space<vmem>>, vector<1x1x16xi32>,
        %swap3A_827 = vector.shape_cast %swap3A_826 : vector<1x1x16xi32> to vector<16xi32>
        %swap3A_828 = vector.shape_cast %add3A_819 : vector<16xi32> to vector<1x1x16xi32>
        tpu.vector_store %arg15[%swap3A_823, %swap3A_824, %swap3A_825], %swap3A_828 {strides = array<i32>} : memref<2x64x128xi32, #tpu.memory_space<vmem>>, vector<1x1x16xi32>,
        %add3A_829 = arith.constant 65536 : i32
        %add3A_830 = vector.broadcast %add3A_829 : i32 to vector<16xi32>
        %add3A_831 = arith.addi %or3A_783, %add3A_830 : vector<16xi32>
        %add3A_832 = arith.constant 4 : i32
        %add3A_833 = arith.addi %mul3A_333, %add3A_832 : i32
        %swap3A_834 = arith.constant 0 : i32
        %swap3A_835 = arith.index_cast %swap3A_834 : i32 to index
        %swap3A_836 = arith.index_cast %add3A_833 : i32 to index
        %swap3A_837 = arith.constant 32 : index
        %swap3A_838 = tpu.vector_load %arg15[%swap3A_835, %swap3A_836, %swap3A_837] {strides = array<i32>} : memref<2x64x128xi32, #tpu.memory_space<vmem>>, vector<1x1x16xi32>,
        %swap3A_839 = vector.shape_cast %swap3A_838 : vector<1x1x16xi32> to vector<16xi32>
        %swap3A_840 = vector.shape_cast %add3A_831 : vector<16xi32> to vector<1x1x16xi32>
        tpu.vector_store %arg15[%swap3A_835, %swap3A_836, %swap3A_837], %swap3A_840 {strides = array<i32>} : memref<2x64x128xi32, #tpu.memory_space<vmem>>, vector<1x1x16xi32>,
        %add3A_841 = arith.constant 65537 : i32
        %add3A_842 = vector.broadcast %add3A_841 : i32 to vector<16xi32>
        %add3A_843 = arith.addi %or3A_783, %add3A_842 : vector<16xi32>
        %add3A_844 = arith.constant 5 : i32
        %add3A_845 = arith.addi %mul3A_333, %add3A_844 : i32
        %swap3A_846 = arith.constant 0 : i32
        %swap3A_847 = arith.index_cast %swap3A_846 : i32 to index
        %swap3A_848 = arith.index_cast %add3A_845 : i32 to index
        %swap3A_849 = arith.constant 32 : index
        %swap3A_850 = tpu.vector_load %arg15[%swap3A_847, %swap3A_848, %swap3A_849] {strides = array<i32>} : memref<2x64x128xi32, #tpu.memory_space<vmem>>, vector<1x1x16xi32>,
        %swap3A_851 = vector.shape_cast %swap3A_850 : vector<1x1x16xi32> to vector<16xi32>
        %swap3A_852 = vector.shape_cast %add3A_843 : vector<16xi32> to vector<1x1x16xi32>
        tpu.vector_store %arg15[%swap3A_847, %swap3A_848, %swap3A_849], %swap3A_852 {strides = array<i32>} : memref<2x64x128xi32, #tpu.memory_space<vmem>>, vector<1x1x16xi32>,
        %add3A_853 = arith.constant 65792 : i32
        %add3A_854 = vector.broadcast %add3A_853 : i32 to vector<16xi32>
        %add3A_855 = arith.addi %or3A_783, %add3A_854 : vector<16xi32>
        %add3A_856 = arith.constant 6 : i32
        %add3A_857 = arith.addi %mul3A_333, %add3A_856 : i32
        %swap3A_858 = arith.constant 0 : i32
        %swap3A_859 = arith.index_cast %swap3A_858 : i32 to index
        %swap3A_860 = arith.index_cast %add3A_857 : i32 to index
        %swap3A_861 = arith.constant 32 : index
        %swap3A_862 = tpu.vector_load %arg15[%swap3A_859, %swap3A_860, %swap3A_861] {strides = array<i32>} : memref<2x64x128xi32, #tpu.memory_space<vmem>>, vector<1x1x16xi32>,
        %swap3A_863 = vector.shape_cast %swap3A_862 : vector<1x1x16xi32> to vector<16xi32>
        %swap3A_864 = vector.shape_cast %add3A_855 : vector<16xi32> to vector<1x1x16xi32>
        tpu.vector_store %arg15[%swap3A_859, %swap3A_860, %swap3A_861], %swap3A_864 {strides = array<i32>} : memref<2x64x128xi32, #tpu.memory_space<vmem>>, vector<1x1x16xi32>,
        %add3A_865 = arith.constant 65793 : i32
        %add3A_866 = vector.broadcast %add3A_865 : i32 to vector<16xi32>
        %add3A_867 = arith.addi %or3A_783, %add3A_866 : vector<16xi32>
        %add3A_868 = arith.constant 7 : i32
        %add3A_869 = arith.addi %mul3A_333, %add3A_868 : i32
        %swap3A_870 = arith.constant 0 : i32
        %swap3A_871 = arith.index_cast %swap3A_870 : i32 to index
        %swap3A_872 = arith.index_cast %add3A_869 : i32 to index
        %swap3A_873 = arith.constant 32 : index
        %swap3A_874 = tpu.vector_load %arg15[%swap3A_871, %swap3A_872, %swap3A_873] {strides = array<i32>} : memref<2x64x128xi32, #tpu.memory_space<vmem>>, vector<1x1x16xi32>,
        %swap3A_875 = vector.shape_cast %swap3A_874 : vector<1x1x16xi32> to vector<16xi32>
        %swap3A_876 = vector.shape_cast %add3A_867 : vector<16xi32> to vector<1x1x16xi32>
        tpu.vector_store %arg15[%swap3A_871, %swap3A_872, %swap3A_873], %swap3A_876 {strides = array<i32>} : memref<2x64x128xi32, #tpu.memory_space<vmem>>, vector<1x1x16xi32>,
        %mul3A_877 = arith.constant 8 : i32
        %mul3A_878 = arith.muli %scan3A_330, %mul3A_877 : i32
        %add3A_879 = arith.constant 3 : i32
        %add3A_880 = arith.addi %mul3A_878, %add3A_879 : i32
        %mul3A_881 = arith.constant 16 : i32
        %mul3A_882 = arith.muli %add3A_880, %mul3A_881 : i32
        %get3A_883 = arith.constant 0 : i32
        %get3A_884 = arith.index_cast %get3A_883 : i32 to index
        %get3A_885 = arith.index_cast %mul3A_882 : i32 to index
        %get3A_886 = tpu.vector_load %arg9[%get3A_884, %get3A_885] {strides = array<i32>} : memref<2x1024xf32, #tpu.memory_space<vmem>>, vector<1x16xf32>,
        %get3A_887 = vector.shape_cast %get3A_886 : vector<1x16xf32> to vector<16xf32>
        %mul3A_888 = arith.constant 16 : i32
        %mul3A_889 = arith.muli %add3A_880, %mul3A_888 : i32
        %get3A_890 = arith.constant 0 : i32
        %get3A_891 = arith.index_cast %get3A_890 : i32 to index
        %get3A_892 = arith.index_cast %mul3A_889 : i32 to index
        %get3A_893 = tpu.vector_load %arg10[%get3A_891, %get3A_892] {strides = array<i32>} : memref<2x1024xf32, #tpu.memory_space<vmem>>, vector<1x16xf32>,
        %get3A_894 = vector.shape_cast %get3A_893 : vector<1x16xf32> to vector<16xf32>
        %mul3A_895 = arith.constant 16 : i32
        %mul3A_896 = arith.muli %add3A_880, %mul3A_895 : i32
        %get3A_897 = arith.constant 0 : i32
        %get3A_898 = arith.index_cast %get3A_897 : i32 to index
        %get3A_899 = arith.index_cast %mul3A_896 : i32 to index
        %get3A_900 = tpu.vector_load %arg11[%get3A_898, %get3A_899] {strides = array<i32>} : memref<2x1024xf32, #tpu.memory_space<vmem>>, vector<1x16xf32>,
        %get3A_901 = vector.shape_cast %get3A_900 : vector<1x16xf32> to vector<16xf32>
        %mul3A_902 = arith.mulf %get3A_901, %get3A_6 : vector<16xf32>
        %add3A_903 = arith.addf %mul3A_902, %get3A_21 : vector<16xf32>
        %mul3A_904 = arith.mulf %get3A_894, %get3A_11 : vector<16xf32>
        %add3A_905 = arith.addf %mul3A_904, %get3A_26 : vector<16xf32>
        %mul3A_906 = arith.mulf %get3A_887, %get3A_16 : vector<16xf32>
        %add3A_907 = arith.addf %mul3A_906, %get3A_31 : vector<16xf32>
        %convert_element_type3A_908 = arith.fptosi %add3A_903 : vector<16xf32> to vector<16xi32>
        %jit3A_909 = arith.constant 0 : i32
        %jit3A_910 = arith.constant 254 : i32
        %max3A_911 = vector.broadcast %jit3A_909 : i32 to vector<16xi32>
        %max3A_912 = arith.maxsi %max3A_911, %convert_element_type3A_908 : vector<16xi32>
        %min3A_913 = vector.broadcast %jit3A_910 : i32 to vector<16xi32>
        %min3A_914 = arith.minsi %min3A_913, %max3A_912 : vector<16xi32>
        %convert_element_type3A_915 = arith.fptosi %add3A_905 : vector<16xf32> to vector<16xi32>
        %jit3A_916 = arith.constant 0 : i32
        %jit3A_917 = arith.constant 254 : i32
        %max3A_918 = vector.broadcast %jit3A_916 : i32 to vector<16xi32>
        %max3A_919 = arith.maxsi %max3A_918, %convert_element_type3A_915 : vector<16xi32>
        %min3A_920 = vector.broadcast %jit3A_917 : i32 to vector<16xi32>
        %min3A_921 = arith.minsi %min3A_920, %max3A_919 : vector<16xi32>
        %convert_element_type3A_922 = arith.fptosi %add3A_907 : vector<16xf32> to vector<16xi32>
        %jit3A_923 = arith.constant 0 : i32
        %jit3A_924 = arith.constant 254 : i32
        %max3A_925 = vector.broadcast %jit3A_923 : i32 to vector<16xi32>
        %max3A_926 = arith.maxsi %max3A_925, %convert_element_type3A_922 : vector<16xi32>
        %min3A_927 = vector.broadcast %jit3A_924 : i32 to vector<16xi32>
        %min3A_928 = arith.minsi %min3A_927, %max3A_926 : vector<16xi32>
        %convert_element_type3A_929 = arith.sitofp %min3A_914 : vector<16xi32> to vector<16xf32>
        %sub3A_930 = arith.subf %add3A_903, %convert_element_type3A_929 : vector<16xf32>
        %mul3A_931 = arith.constant 16 : i32
        %mul3A_932 = arith.muli %add3A_880, %mul3A_931 : i32
        %swap3A_933 = arith.constant 0 : i32
        %swap3A_934 = arith.index_cast %swap3A_933 : i32 to index
        %swap3A_935 = arith.index_cast %mul3A_932 : i32 to index
        %swap3A_936 = tpu.vector_load %arg12[%swap3A_934, %swap3A_935] {strides = array<i32>} : memref<2x1024xf32, #tpu.memory_space<vmem>>, vector<1x16xf32>,
        %swap3A_937 = vector.shape_cast %swap3A_936 : vector<1x16xf32> to vector<16xf32>
        %swap3A_938 = vector.shape_cast %sub3A_930 : vector<16xf32> to vector<1x16xf32>
        tpu.vector_store %arg12[%swap3A_934, %swap3A_935], %swap3A_938 {strides = array<i32>} : memref<2x1024xf32, #tpu.memory_space<vmem>>, vector<1x16xf32>,
        %convert_element_type3A_939 = arith.sitofp %min3A_921 : vector<16xi32> to vector<16xf32>
        %sub3A_940 = arith.subf %add3A_905, %convert_element_type3A_939 : vector<16xf32>
        %mul3A_941 = arith.constant 16 : i32
        %mul3A_942 = arith.muli %add3A_880, %mul3A_941 : i32
        %swap3A_943 = arith.constant 0 : i32
        %swap3A_944 = arith.index_cast %swap3A_943 : i32 to index
        %swap3A_945 = arith.index_cast %mul3A_942 : i32 to index
        %swap3A_946 = tpu.vector_load %arg13[%swap3A_944, %swap3A_945] {strides = array<i32>} : memref<2x1024xf32, #tpu.memory_space<vmem>>, vector<1x16xf32>,
        %swap3A_947 = vector.shape_cast %swap3A_946 : vector<1x16xf32> to vector<16xf32>
        %swap3A_948 = vector.shape_cast %sub3A_940 : vector<16xf32> to vector<1x16xf32>
        tpu.vector_store %arg13[%swap3A_944, %swap3A_945], %swap3A_948 {strides = array<i32>} : memref<2x1024xf32, #tpu.memory_space<vmem>>, vector<1x16xf32>,
        %convert_element_type3A_949 = arith.sitofp %min3A_928 : vector<16xi32> to vector<16xf32>
        %sub3A_950 = arith.subf %add3A_907, %convert_element_type3A_949 : vector<16xf32>
        %mul3A_951 = arith.constant 16 : i32
        %mul3A_952 = arith.muli %add3A_880, %mul3A_951 : i32
        %swap3A_953 = arith.constant 0 : i32
        %swap3A_954 = arith.index_cast %swap3A_953 : i32 to index
        %swap3A_955 = arith.index_cast %mul3A_952 : i32 to index
        %swap3A_956 = tpu.vector_load %arg14[%swap3A_954, %swap3A_955] {strides = array<i32>} : memref<2x1024xf32, #tpu.memory_space<vmem>>, vector<1x16xf32>,
        %swap3A_957 = vector.shape_cast %swap3A_956 : vector<1x16xf32> to vector<16xf32>
        %swap3A_958 = vector.shape_cast %sub3A_950 : vector<16xf32> to vector<1x16xf32>
        tpu.vector_store %arg14[%swap3A_954, %swap3A_955], %swap3A_958 {strides = array<i32>} : memref<2x1024xf32, #tpu.memory_space<vmem>>, vector<1x16xf32>,
        %shift_left3A_959 = arith.constant 16 : i32
        %shift_left3A_960 = vector.broadcast %shift_left3A_959 : i32 to vector<16xi32>
        %shift_left3A_961 = arith.shli %min3A_928, %shift_left3A_960 : vector<16xi32>
        %shift_left3A_962 = arith.constant 8 : i32
        %shift_left3A_963 = vector.broadcast %shift_left3A_962 : i32 to vector<16xi32>
        %shift_left3A_964 = arith.shli %min3A_921, %shift_left3A_963 : vector<16xi32>
        %or3A_965 = arith.ori %shift_left3A_961, %shift_left3A_964 : vector<16xi32>
        %or3A_966 = arith.ori %or3A_965, %min3A_914 : vector<16xi32>
        %add3A_967 = arith.constant 0 : i32
        %add3A_968 = arith.addi %mul3A_333, %add3A_967 : i32
        %swap3A_969 = arith.constant 0 : i32
        %swap3A_970 = arith.index_cast %swap3A_969 : i32 to index
        %swap3A_971 = arith.index_cast %add3A_968 : i32 to index
        %swap3A_972 = arith.constant 48 : index
        %swap3A_973 = tpu.vector_load %arg15[%swap3A_970, %swap3A_971, %swap3A_972] {strides = array<i32>} : memref<2x64x128xi32, #tpu.memory_space<vmem>>, vector<1x1x16xi32>,
        %swap3A_974 = vector.shape_cast %swap3A_973 : vector<1x1x16xi32> to vector<16xi32>
        %swap3A_975 = vector.shape_cast %or3A_966 : vector<16xi32> to vector<1x1x16xi32>
        tpu.vector_store %arg15[%swap3A_970, %swap3A_971, %swap3A_972], %swap3A_975 {strides = array<i32>} : memref<2x64x128xi32, #tpu.memory_space<vmem>>, vector<1x1x16xi32>,
        %add3A_976 = arith.constant 1 : i32
        %add3A_977 = vector.broadcast %add3A_976 : i32 to vector<16xi32>
        %add3A_978 = arith.addi %or3A_966, %add3A_977 : vector<16xi32>
        %add3A_979 = arith.constant 1 : i32
        %add3A_980 = arith.addi %mul3A_333, %add3A_979 : i32
        %swap3A_981 = arith.constant 0 : i32
        %swap3A_982 = arith.index_cast %swap3A_981 : i32 to index
        %swap3A_983 = arith.index_cast %add3A_980 : i32 to index
        %swap3A_984 = arith.constant 48 : index
        %swap3A_985 = tpu.vector_load %arg15[%swap3A_982, %swap3A_983, %swap3A_984] {strides = array<i32>} : memref<2x64x128xi32, #tpu.memory_space<vmem>>, vector<1x1x16xi32>,
        %swap3A_986 = vector.shape_cast %swap3A_985 : vector<1x1x16xi32> to vector<16xi32>
        %swap3A_987 = vector.shape_cast %add3A_978 : vector<16xi32> to vector<1x1x16xi32>
        tpu.vector_store %arg15[%swap3A_982, %swap3A_983, %swap3A_984], %swap3A_987 {strides = array<i32>} : memref<2x64x128xi32, #tpu.memory_space<vmem>>, vector<1x1x16xi32>,
        %add3A_988 = arith.constant 256 : i32
        %add3A_989 = vector.broadcast %add3A_988 : i32 to vector<16xi32>
        %add3A_990 = arith.addi %or3A_966, %add3A_989 : vector<16xi32>
        %add3A_991 = arith.constant 2 : i32
        %add3A_992 = arith.addi %mul3A_333, %add3A_991 : i32
        %swap3A_993 = arith.constant 0 : i32
        %swap3A_994 = arith.index_cast %swap3A_993 : i32 to index
        %swap3A_995 = arith.index_cast %add3A_992 : i32 to index
        %swap3A_996 = arith.constant 48 : index
        %swap3A_997 = tpu.vector_load %arg15[%swap3A_994, %swap3A_995, %swap3A_996] {strides = array<i32>} : memref<2x64x128xi32, #tpu.memory_space<vmem>>, vector<1x1x16xi32>,
        %swap3A_998 = vector.shape_cast %swap3A_997 : vector<1x1x16xi32> to vector<16xi32>
        %swap3A_999 = vector.shape_cast %add3A_990 : vector<16xi32> to vector<1x1x16xi32>
        tpu.vector_store %arg15[%swap3A_994, %swap3A_995, %swap3A_996], %swap3A_999 {strides = array<i32>} : memref<2x64x128xi32, #tpu.memory_space<vmem>>, vector<1x1x16xi32>,
        %add3A_1000 = arith.constant 257 : i32
        %add3A_1001 = vector.broadcast %add3A_1000 : i32 to vector<16xi32>
        %add3A_1002 = arith.addi %or3A_966, %add3A_1001 : vector<16xi32>
        %add3A_1003 = arith.constant 3 : i32
        %add3A_1004 = arith.addi %mul3A_333, %add3A_1003 : i32
        %swap3A_1005 = arith.constant 0 : i32
        %swap3A_1006 = arith.index_cast %swap3A_1005 : i32 to index
        %swap3A_1007 = arith.index_cast %add3A_1004 : i32 to index
        %swap3A_1008 = arith.constant 48 : index
        %swap3A_1009 = tpu.vector_load %arg15[%swap3A_1006, %swap3A_1007, %swap3A_1008] {strides = array<i32>} : memref<2x64x128xi32, #tpu.memory_space<vmem>>, vector<1x1x16xi32>,
        %swap3A_1010 = vector.shape_cast %swap3A_1009 : vector<1x1x16xi32> to vector<16xi32>
        %swap3A_1011 = vector.shape_cast %add3A_1002 : vector<16xi32> to vector<1x1x16xi32>
        tpu.vector_store %arg15[%swap3A_1006, %swap3A_1007, %swap3A_1008], %swap3A_1011 {strides = array<i32>} : memref<2x64x128xi32, #tpu.memory_space<vmem>>, vector<1x1x16xi32>,
        %add3A_1012 = arith.constant 65536 : i32
        %add3A_1013 = vector.broadcast %add3A_1012 : i32 to vector<16xi32>
        %add3A_1014 = arith.addi %or3A_966, %add3A_1013 : vector<16xi32>
        %add3A_1015 = arith.constant 4 : i32
        %add3A_1016 = arith.addi %mul3A_333, %add3A_1015 : i32
        %swap3A_1017 = arith.constant 0 : i32
        %swap3A_1018 = arith.index_cast %swap3A_1017 : i32 to index
        %swap3A_1019 = arith.index_cast %add3A_1016 : i32 to index
        %swap3A_1020 = arith.constant 48 : index
        %swap3A_1021 = tpu.vector_load %arg15[%swap3A_1018, %swap3A_1019, %swap3A_1020] {strides = array<i32>} : memref<2x64x128xi32, #tpu.memory_space<vmem>>, vector<1x1x16xi32>,
        %swap3A_1022 = vector.shape_cast %swap3A_1021 : vector<1x1x16xi32> to vector<16xi32>
        %swap3A_1023 = vector.shape_cast %add3A_1014 : vector<16xi32> to vector<1x1x16xi32>
        tpu.vector_store %arg15[%swap3A_1018, %swap3A_1019, %swap3A_1020], %swap3A_1023 {strides = array<i32>} : memref<2x64x128xi32, #tpu.memory_space<vmem>>, vector<1x1x16xi32>,
        %add3A_1024 = arith.constant 65537 : i32
        %add3A_1025 = vector.broadcast %add3A_1024 : i32 to vector<16xi32>
        %add3A_1026 = arith.addi %or3A_966, %add3A_1025 : vector<16xi32>
        %add3A_1027 = arith.constant 5 : i32
        %add3A_1028 = arith.addi %mul3A_333, %add3A_1027 : i32
        %swap3A_1029 = arith.constant 0 : i32
        %swap3A_1030 = arith.index_cast %swap3A_1029 : i32 to index
        %swap3A_1031 = arith.index_cast %add3A_1028 : i32 to index
        %swap3A_1032 = arith.constant 48 : index
        %swap3A_1033 = tpu.vector_load %arg15[%swap3A_1030, %swap3A_1031, %swap3A_1032] {strides = array<i32>} : memref<2x64x128xi32, #tpu.memory_space<vmem>>, vector<1x1x16xi32>,
        %swap3A_1034 = vector.shape_cast %swap3A_1033 : vector<1x1x16xi32> to vector<16xi32>
        %swap3A_1035 = vector.shape_cast %add3A_1026 : vector<16xi32> to vector<1x1x16xi32>
        tpu.vector_store %arg15[%swap3A_1030, %swap3A_1031, %swap3A_1032], %swap3A_1035 {strides = array<i32>} : memref<2x64x128xi32, #tpu.memory_space<vmem>>, vector<1x1x16xi32>,
        %add3A_1036 = arith.constant 65792 : i32
        %add3A_1037 = vector.broadcast %add3A_1036 : i32 to vector<16xi32>
        %add3A_1038 = arith.addi %or3A_966, %add3A_1037 : vector<16xi32>
        %add3A_1039 = arith.constant 6 : i32
        %add3A_1040 = arith.addi %mul3A_333, %add3A_1039 : i32
        %swap3A_1041 = arith.constant 0 : i32
        %swap3A_1042 = arith.index_cast %swap3A_1041 : i32 to index
        %swap3A_1043 = arith.index_cast %add3A_1040 : i32 to index
        %swap3A_1044 = arith.constant 48 : index
        %swap3A_1045 = tpu.vector_load %arg15[%swap3A_1042, %swap3A_1043, %swap3A_1044] {strides = array<i32>} : memref<2x64x128xi32, #tpu.memory_space<vmem>>, vector<1x1x16xi32>,
        %swap3A_1046 = vector.shape_cast %swap3A_1045 : vector<1x1x16xi32> to vector<16xi32>
        %swap3A_1047 = vector.shape_cast %add3A_1038 : vector<16xi32> to vector<1x1x16xi32>
        tpu.vector_store %arg15[%swap3A_1042, %swap3A_1043, %swap3A_1044], %swap3A_1047 {strides = array<i32>} : memref<2x64x128xi32, #tpu.memory_space<vmem>>, vector<1x1x16xi32>,
        %add3A_1048 = arith.constant 65793 : i32
        %add3A_1049 = vector.broadcast %add3A_1048 : i32 to vector<16xi32>
        %add3A_1050 = arith.addi %or3A_966, %add3A_1049 : vector<16xi32>
        %add3A_1051 = arith.constant 7 : i32
        %add3A_1052 = arith.addi %mul3A_333, %add3A_1051 : i32
        %swap3A_1053 = arith.constant 0 : i32
        %swap3A_1054 = arith.index_cast %swap3A_1053 : i32 to index
        %swap3A_1055 = arith.index_cast %add3A_1052 : i32 to index
        %swap3A_1056 = arith.constant 48 : index
        %swap3A_1057 = tpu.vector_load %arg15[%swap3A_1054, %swap3A_1055, %swap3A_1056] {strides = array<i32>} : memref<2x64x128xi32, #tpu.memory_space<vmem>>, vector<1x1x16xi32>,
        %swap3A_1058 = vector.shape_cast %swap3A_1057 : vector<1x1x16xi32> to vector<16xi32>
        %swap3A_1059 = vector.shape_cast %add3A_1050 : vector<16xi32> to vector<1x1x16xi32>
        tpu.vector_store %arg15[%swap3A_1054, %swap3A_1055, %swap3A_1056], %swap3A_1059 {strides = array<i32>} : memref<2x64x128xi32, #tpu.memory_space<vmem>>, vector<1x1x16xi32>,
        %mul3A_1060 = arith.constant 8 : i32
        %mul3A_1061 = arith.muli %scan3A_330, %mul3A_1060 : i32
        %add3A_1062 = arith.constant 4 : i32
        %add3A_1063 = arith.addi %mul3A_1061, %add3A_1062 : i32
        %mul3A_1064 = arith.constant 16 : i32
        %mul3A_1065 = arith.muli %add3A_1063, %mul3A_1064 : i32
        %get3A_1066 = arith.constant 0 : i32
        %get3A_1067 = arith.index_cast %get3A_1066 : i32 to index
        %get3A_1068 = arith.index_cast %mul3A_1065 : i32 to index
        %get3A_1069 = tpu.vector_load %arg9[%get3A_1067, %get3A_1068] {strides = array<i32>} : memref<2x1024xf32, #tpu.memory_space<vmem>>, vector<1x16xf32>,
        %get3A_1070 = vector.shape_cast %get3A_1069 : vector<1x16xf32> to vector<16xf32>
        %mul3A_1071 = arith.constant 16 : i32
        %mul3A_1072 = arith.muli %add3A_1063, %mul3A_1071 : i32
        %get3A_1073 = arith.constant 0 : i32
        %get3A_1074 = arith.index_cast %get3A_1073 : i32 to index
        %get3A_1075 = arith.index_cast %mul3A_1072 : i32 to index
        %get3A_1076 = tpu.vector_load %arg10[%get3A_1074, %get3A_1075] {strides = array<i32>} : memref<2x1024xf32, #tpu.memory_space<vmem>>, vector<1x16xf32>,
        %get3A_1077 = vector.shape_cast %get3A_1076 : vector<1x16xf32> to vector<16xf32>
        %mul3A_1078 = arith.constant 16 : i32
        %mul3A_1079 = arith.muli %add3A_1063, %mul3A_1078 : i32
        %get3A_1080 = arith.constant 0 : i32
        %get3A_1081 = arith.index_cast %get3A_1080 : i32 to index
        %get3A_1082 = arith.index_cast %mul3A_1079 : i32 to index
        %get3A_1083 = tpu.vector_load %arg11[%get3A_1081, %get3A_1082] {strides = array<i32>} : memref<2x1024xf32, #tpu.memory_space<vmem>>, vector<1x16xf32>,
        %get3A_1084 = vector.shape_cast %get3A_1083 : vector<1x16xf32> to vector<16xf32>
        %mul3A_1085 = arith.mulf %get3A_1084, %get3A_6 : vector<16xf32>
        %add3A_1086 = arith.addf %mul3A_1085, %get3A_21 : vector<16xf32>
        %mul3A_1087 = arith.mulf %get3A_1077, %get3A_11 : vector<16xf32>
        %add3A_1088 = arith.addf %mul3A_1087, %get3A_26 : vector<16xf32>
        %mul3A_1089 = arith.mulf %get3A_1070, %get3A_16 : vector<16xf32>
        %add3A_1090 = arith.addf %mul3A_1089, %get3A_31 : vector<16xf32>
        %convert_element_type3A_1091 = arith.fptosi %add3A_1086 : vector<16xf32> to vector<16xi32>
        %jit3A_1092 = arith.constant 0 : i32
        %jit3A_1093 = arith.constant 254 : i32
        %max3A_1094 = vector.broadcast %jit3A_1092 : i32 to vector<16xi32>
        %max3A_1095 = arith.maxsi %max3A_1094, %convert_element_type3A_1091 : vector<16xi32>
        %min3A_1096 = vector.broadcast %jit3A_1093 : i32 to vector<16xi32>
        %min3A_1097 = arith.minsi %min3A_1096, %max3A_1095 : vector<16xi32>
        %convert_element_type3A_1098 = arith.fptosi %add3A_1088 : vector<16xf32> to vector<16xi32>
        %jit3A_1099 = arith.constant 0 : i32
        %jit3A_1100 = arith.constant 254 : i32
        %max3A_1101 = vector.broadcast %jit3A_1099 : i32 to vector<16xi32>
        %max3A_1102 = arith.maxsi %max3A_1101, %convert_element_type3A_1098 : vector<16xi32>
        %min3A_1103 = vector.broadcast %jit3A_1100 : i32 to vector<16xi32>
        %min3A_1104 = arith.minsi %min3A_1103, %max3A_1102 : vector<16xi32>
        %convert_element_type3A_1105 = arith.fptosi %add3A_1090 : vector<16xf32> to vector<16xi32>
        %jit3A_1106 = arith.constant 0 : i32
        %jit3A_1107 = arith.constant 254 : i32
        %max3A_1108 = vector.broadcast %jit3A_1106 : i32 to vector<16xi32>
        %max3A_1109 = arith.maxsi %max3A_1108, %convert_element_type3A_1105 : vector<16xi32>
        %min3A_1110 = vector.broadcast %jit3A_1107 : i32 to vector<16xi32>
        %min3A_1111 = arith.minsi %min3A_1110, %max3A_1109 : vector<16xi32>
        %convert_element_type3A_1112 = arith.sitofp %min3A_1097 : vector<16xi32> to vector<16xf32>
        %sub3A_1113 = arith.subf %add3A_1086, %convert_element_type3A_1112 : vector<16xf32>
        %mul3A_1114 = arith.constant 16 : i32
        %mul3A_1115 = arith.muli %add3A_1063, %mul3A_1114 : i32
        %swap3A_1116 = arith.constant 0 : i32
        %swap3A_1117 = arith.index_cast %swap3A_1116 : i32 to index
        %swap3A_1118 = arith.index_cast %mul3A_1115 : i32 to index
        %swap3A_1119 = tpu.vector_load %arg12[%swap3A_1117, %swap3A_1118] {strides = array<i32>} : memref<2x1024xf32, #tpu.memory_space<vmem>>, vector<1x16xf32>,
        %swap3A_1120 = vector.shape_cast %swap3A_1119 : vector<1x16xf32> to vector<16xf32>
        %swap3A_1121 = vector.shape_cast %sub3A_1113 : vector<16xf32> to vector<1x16xf32>
        tpu.vector_store %arg12[%swap3A_1117, %swap3A_1118], %swap3A_1121 {strides = array<i32>} : memref<2x1024xf32, #tpu.memory_space<vmem>>, vector<1x16xf32>,
        %convert_element_type3A_1122 = arith.sitofp %min3A_1104 : vector<16xi32> to vector<16xf32>
        %sub3A_1123 = arith.subf %add3A_1088, %convert_element_type3A_1122 : vector<16xf32>
        %mul3A_1124 = arith.constant 16 : i32
        %mul3A_1125 = arith.muli %add3A_1063, %mul3A_1124 : i32
        %swap3A_1126 = arith.constant 0 : i32
        %swap3A_1127 = arith.index_cast %swap3A_1126 : i32 to index
        %swap3A_1128 = arith.index_cast %mul3A_1125 : i32 to index
        %swap3A_1129 = tpu.vector_load %arg13[%swap3A_1127, %swap3A_1128] {strides = array<i32>} : memref<2x1024xf32, #tpu.memory_space<vmem>>, vector<1x16xf32>,
        %swap3A_1130 = vector.shape_cast %swap3A_1129 : vector<1x16xf32> to vector<16xf32>
        %swap3A_1131 = vector.shape_cast %sub3A_1123 : vector<16xf32> to vector<1x16xf32>
        tpu.vector_store %arg13[%swap3A_1127, %swap3A_1128], %swap3A_1131 {strides = array<i32>} : memref<2x1024xf32, #tpu.memory_space<vmem>>, vector<1x16xf32>,
        %convert_element_type3A_1132 = arith.sitofp %min3A_1111 : vector<16xi32> to vector<16xf32>
        %sub3A_1133 = arith.subf %add3A_1090, %convert_element_type3A_1132 : vector<16xf32>
        %mul3A_1134 = arith.constant 16 : i32
        %mul3A_1135 = arith.muli %add3A_1063, %mul3A_1134 : i32
        %swap3A_1136 = arith.constant 0 : i32
        %swap3A_1137 = arith.index_cast %swap3A_1136 : i32 to index
        %swap3A_1138 = arith.index_cast %mul3A_1135 : i32 to index
        %swap3A_1139 = tpu.vector_load %arg14[%swap3A_1137, %swap3A_1138] {strides = array<i32>} : memref<2x1024xf32, #tpu.memory_space<vmem>>, vector<1x16xf32>,
        %swap3A_1140 = vector.shape_cast %swap3A_1139 : vector<1x16xf32> to vector<16xf32>
        %swap3A_1141 = vector.shape_cast %sub3A_1133 : vector<16xf32> to vector<1x16xf32>
        tpu.vector_store %arg14[%swap3A_1137, %swap3A_1138], %swap3A_1141 {strides = array<i32>} : memref<2x1024xf32, #tpu.memory_space<vmem>>, vector<1x16xf32>,
        %shift_left3A_1142 = arith.constant 16 : i32
        %shift_left3A_1143 = vector.broadcast %shift_left3A_1142 : i32 to vector<16xi32>
        %shift_left3A_1144 = arith.shli %min3A_1111, %shift_left3A_1143 : vector<16xi32>
        %shift_left3A_1145 = arith.constant 8 : i32
        %shift_left3A_1146 = vector.broadcast %shift_left3A_1145 : i32 to vector<16xi32>
        %shift_left3A_1147 = arith.shli %min3A_1104, %shift_left3A_1146 : vector<16xi32>
        %or3A_1148 = arith.ori %shift_left3A_1144, %shift_left3A_1147 : vector<16xi32>
        %or3A_1149 = arith.ori %or3A_1148, %min3A_1097 : vector<16xi32>
        %add3A_1150 = arith.constant 0 : i32
        %add3A_1151 = arith.addi %mul3A_333, %add3A_1150 : i32
        %swap3A_1152 = arith.constant 0 : i32
        %swap3A_1153 = arith.index_cast %swap3A_1152 : i32 to index
        %swap3A_1154 = arith.index_cast %add3A_1151 : i32 to index
        %swap3A_1155 = arith.constant 64 : index
        %swap3A_1156 = tpu.vector_load %arg15[%swap3A_1153, %swap3A_1154, %swap3A_1155] {strides = array<i32>} : memref<2x64x128xi32, #tpu.memory_space<vmem>>, vector<1x1x16xi32>,
        %swap3A_1157 = vector.shape_cast %swap3A_1156 : vector<1x1x16xi32> to vector<16xi32>
        %swap3A_1158 = vector.shape_cast %or3A_1149 : vector<16xi32> to vector<1x1x16xi32>
        tpu.vector_store %arg15[%swap3A_1153, %swap3A_1154, %swap3A_1155], %swap3A_1158 {strides = array<i32>} : memref<2x64x128xi32, #tpu.memory_space<vmem>>, vector<1x1x16xi32>,
        %add3A_1159 = arith.constant 1 : i32
        %add3A_1160 = vector.broadcast %add3A_1159 : i32 to vector<16xi32>
        %add3A_1161 = arith.addi %or3A_1149, %add3A_1160 : vector<16xi32>
        %add3A_1162 = arith.constant 1 : i32
        %add3A_1163 = arith.addi %mul3A_333, %add3A_1162 : i32
        %swap3A_1164 = arith.constant 0 : i32
        %swap3A_1165 = arith.index_cast %swap3A_1164 : i32 to index
        %swap3A_1166 = arith.index_cast %add3A_1163 : i32 to index
        %swap3A_1167 = arith.constant 64 : index
        %swap3A_1168 = tpu.vector_load %arg15[%swap3A_1165, %swap3A_1166, %swap3A_1167] {strides = array<i32>} : memref<2x64x128xi32, #tpu.memory_space<vmem>>, vector<1x1x16xi32>,
        %swap3A_1169 = vector.shape_cast %swap3A_1168 : vector<1x1x16xi32> to vector<16xi32>
        %swap3A_1170 = vector.shape_cast %add3A_1161 : vector<16xi32> to vector<1x1x16xi32>
        tpu.vector_store %arg15[%swap3A_1165, %swap3A_1166, %swap3A_1167], %swap3A_1170 {strides = array<i32>} : memref<2x64x128xi32, #tpu.memory_space<vmem>>, vector<1x1x16xi32>,
        %add3A_1171 = arith.constant 256 : i32
        %add3A_1172 = vector.broadcast %add3A_1171 : i32 to vector<16xi32>
        %add3A_1173 = arith.addi %or3A_1149, %add3A_1172 : vector<16xi32>
        %add3A_1174 = arith.constant 2 : i32
        %add3A_1175 = arith.addi %mul3A_333, %add3A_1174 : i32
        %swap3A_1176 = arith.constant 0 : i32
        %swap3A_1177 = arith.index_cast %swap3A_1176 : i32 to index
        %swap3A_1178 = arith.index_cast %add3A_1175 : i32 to index
        %swap3A_1179 = arith.constant 64 : index
        %swap3A_1180 = tpu.vector_load %arg15[%swap3A_1177, %swap3A_1178, %swap3A_1179] {strides = array<i32>} : memref<2x64x128xi32, #tpu.memory_space<vmem>>, vector<1x1x16xi32>,
        %swap3A_1181 = vector.shape_cast %swap3A_1180 : vector<1x1x16xi32> to vector<16xi32>
        %swap3A_1182 = vector.shape_cast %add3A_1173 : vector<16xi32> to vector<1x1x16xi32>
        tpu.vector_store %arg15[%swap3A_1177, %swap3A_1178, %swap3A_1179], %swap3A_1182 {strides = array<i32>} : memref<2x64x128xi32, #tpu.memory_space<vmem>>, vector<1x1x16xi32>,
        %add3A_1183 = arith.constant 257 : i32
        %add3A_1184 = vector.broadcast %add3A_1183 : i32 to vector<16xi32>
        %add3A_1185 = arith.addi %or3A_1149, %add3A_1184 : vector<16xi32>
        %add3A_1186 = arith.constant 3 : i32
        %add3A_1187 = arith.addi %mul3A_333, %add3A_1186 : i32
        %swap3A_1188 = arith.constant 0 : i32
        %swap3A_1189 = arith.index_cast %swap3A_1188 : i32 to index
        %swap3A_1190 = arith.index_cast %add3A_1187 : i32 to index
        %swap3A_1191 = arith.constant 64 : index
        %swap3A_1192 = tpu.vector_load %arg15[%swap3A_1189, %swap3A_1190, %swap3A_1191] {strides = array<i32>} : memref<2x64x128xi32, #tpu.memory_space<vmem>>, vector<1x1x16xi32>,
        %swap3A_1193 = vector.shape_cast %swap3A_1192 : vector<1x1x16xi32> to vector<16xi32>
        %swap3A_1194 = vector.shape_cast %add3A_1185 : vector<16xi32> to vector<1x1x16xi32>
        tpu.vector_store %arg15[%swap3A_1189, %swap3A_1190, %swap3A_1191], %swap3A_1194 {strides = array<i32>} : memref<2x64x128xi32, #tpu.memory_space<vmem>>, vector<1x1x16xi32>,
        %add3A_1195 = arith.constant 65536 : i32
        %add3A_1196 = vector.broadcast %add3A_1195 : i32 to vector<16xi32>
        %add3A_1197 = arith.addi %or3A_1149, %add3A_1196 : vector<16xi32>
        %add3A_1198 = arith.constant 4 : i32
        %add3A_1199 = arith.addi %mul3A_333, %add3A_1198 : i32
        %swap3A_1200 = arith.constant 0 : i32
        %swap3A_1201 = arith.index_cast %swap3A_1200 : i32 to index
        %swap3A_1202 = arith.index_cast %add3A_1199 : i32 to index
        %swap3A_1203 = arith.constant 64 : index
        %swap3A_1204 = tpu.vector_load %arg15[%swap3A_1201, %swap3A_1202, %swap3A_1203] {strides = array<i32>} : memref<2x64x128xi32, #tpu.memory_space<vmem>>, vector<1x1x16xi32>,
        %swap3A_1205 = vector.shape_cast %swap3A_1204 : vector<1x1x16xi32> to vector<16xi32>
        %swap3A_1206 = vector.shape_cast %add3A_1197 : vector<16xi32> to vector<1x1x16xi32>
        tpu.vector_store %arg15[%swap3A_1201, %swap3A_1202, %swap3A_1203], %swap3A_1206 {strides = array<i32>} : memref<2x64x128xi32, #tpu.memory_space<vmem>>, vector<1x1x16xi32>,
        %add3A_1207 = arith.constant 65537 : i32
        %add3A_1208 = vector.broadcast %add3A_1207 : i32 to vector<16xi32>
        %add3A_1209 = arith.addi %or3A_1149, %add3A_1208 : vector<16xi32>
        %add3A_1210 = arith.constant 5 : i32
        %add3A_1211 = arith.addi %mul3A_333, %add3A_1210 : i32
        %swap3A_1212 = arith.constant 0 : i32
        %swap3A_1213 = arith.index_cast %swap3A_1212 : i32 to index
        %swap3A_1214 = arith.index_cast %add3A_1211 : i32 to index
        %swap3A_1215 = arith.constant 64 : index
        %swap3A_1216 = tpu.vector_load %arg15[%swap3A_1213, %swap3A_1214, %swap3A_1215] {strides = array<i32>} : memref<2x64x128xi32, #tpu.memory_space<vmem>>, vector<1x1x16xi32>,
        %swap3A_1217 = vector.shape_cast %swap3A_1216 : vector<1x1x16xi32> to vector<16xi32>
        %swap3A_1218 = vector.shape_cast %add3A_1209 : vector<16xi32> to vector<1x1x16xi32>
        tpu.vector_store %arg15[%swap3A_1213, %swap3A_1214, %swap3A_1215], %swap3A_1218 {strides = array<i32>} : memref<2x64x128xi32, #tpu.memory_space<vmem>>, vector<1x1x16xi32>,
        %add3A_1219 = arith.constant 65792 : i32
        %add3A_1220 = vector.broadcast %add3A_1219 : i32 to vector<16xi32>
        %add3A_1221 = arith.addi %or3A_1149, %add3A_1220 : vector<16xi32>
        %add3A_1222 = arith.constant 6 : i32
        %add3A_1223 = arith.addi %mul3A_333, %add3A_1222 : i32
        %swap3A_1224 = arith.constant 0 : i32
        %swap3A_1225 = arith.index_cast %swap3A_1224 : i32 to index
        %swap3A_1226 = arith.index_cast %add3A_1223 : i32 to index
        %swap3A_1227 = arith.constant 64 : index
        %swap3A_1228 = tpu.vector_load %arg15[%swap3A_1225, %swap3A_1226, %swap3A_1227] {strides = array<i32>} : memref<2x64x128xi32, #tpu.memory_space<vmem>>, vector<1x1x16xi32>,
        %swap3A_1229 = vector.shape_cast %swap3A_1228 : vector<1x1x16xi32> to vector<16xi32>
        %swap3A_1230 = vector.shape_cast %add3A_1221 : vector<16xi32> to vector<1x1x16xi32>
        tpu.vector_store %arg15[%swap3A_1225, %swap3A_1226, %swap3A_1227], %swap3A_1230 {strides = array<i32>} : memref<2x64x128xi32, #tpu.memory_space<vmem>>, vector<1x1x16xi32>,
        %add3A_1231 = arith.constant 65793 : i32
        %add3A_1232 = vector.broadcast %add3A_1231 : i32 to vector<16xi32>
        %add3A_1233 = arith.addi %or3A_1149, %add3A_1232 : vector<16xi32>
        %add3A_1234 = arith.constant 7 : i32
        %add3A_1235 = arith.addi %mul3A_333, %add3A_1234 : i32
        %swap3A_1236 = arith.constant 0 : i32
        %swap3A_1237 = arith.index_cast %swap3A_1236 : i32 to index
        %swap3A_1238 = arith.index_cast %add3A_1235 : i32 to index
        %swap3A_1239 = arith.constant 64 : index
        %swap3A_1240 = tpu.vector_load %arg15[%swap3A_1237, %swap3A_1238, %swap3A_1239] {strides = array<i32>} : memref<2x64x128xi32, #tpu.memory_space<vmem>>, vector<1x1x16xi32>,
        %swap3A_1241 = vector.shape_cast %swap3A_1240 : vector<1x1x16xi32> to vector<16xi32>
        %swap3A_1242 = vector.shape_cast %add3A_1233 : vector<16xi32> to vector<1x1x16xi32>
        tpu.vector_store %arg15[%swap3A_1237, %swap3A_1238, %swap3A_1239], %swap3A_1242 {strides = array<i32>} : memref<2x64x128xi32, #tpu.memory_space<vmem>>, vector<1x1x16xi32>,
        %mul3A_1243 = arith.constant 8 : i32
        %mul3A_1244 = arith.muli %scan3A_330, %mul3A_1243 : i32
        %add3A_1245 = arith.constant 5 : i32
        %add3A_1246 = arith.addi %mul3A_1244, %add3A_1245 : i32
        %mul3A_1247 = arith.constant 16 : i32
        %mul3A_1248 = arith.muli %add3A_1246, %mul3A_1247 : i32
        %get3A_1249 = arith.constant 0 : i32
        %get3A_1250 = arith.index_cast %get3A_1249 : i32 to index
        %get3A_1251 = arith.index_cast %mul3A_1248 : i32 to index
        %get3A_1252 = tpu.vector_load %arg9[%get3A_1250, %get3A_1251] {strides = array<i32>} : memref<2x1024xf32, #tpu.memory_space<vmem>>, vector<1x16xf32>,
        %get3A_1253 = vector.shape_cast %get3A_1252 : vector<1x16xf32> to vector<16xf32>
        %mul3A_1254 = arith.constant 16 : i32
        %mul3A_1255 = arith.muli %add3A_1246, %mul3A_1254 : i32
        %get3A_1256 = arith.constant 0 : i32
        %get3A_1257 = arith.index_cast %get3A_1256 : i32 to index
        %get3A_1258 = arith.index_cast %mul3A_1255 : i32 to index
        %get3A_1259 = tpu.vector_load %arg10[%get3A_1257, %get3A_1258] {strides = array<i32>} : memref<2x1024xf32, #tpu.memory_space<vmem>>, vector<1x16xf32>,
        %get3A_1260 = vector.shape_cast %get3A_1259 : vector<1x16xf32> to vector<16xf32>
        %mul3A_1261 = arith.constant 16 : i32
        %mul3A_1262 = arith.muli %add3A_1246, %mul3A_1261 : i32
        %get3A_1263 = arith.constant 0 : i32
        %get3A_1264 = arith.index_cast %get3A_1263 : i32 to index
        %get3A_1265 = arith.index_cast %mul3A_1262 : i32 to index
        %get3A_1266 = tpu.vector_load %arg11[%get3A_1264, %get3A_1265] {strides = array<i32>} : memref<2x1024xf32, #tpu.memory_space<vmem>>, vector<1x16xf32>,
        %get3A_1267 = vector.shape_cast %get3A_1266 : vector<1x16xf32> to vector<16xf32>
        %mul3A_1268 = arith.mulf %get3A_1267, %get3A_6 : vector<16xf32>
        %add3A_1269 = arith.addf %mul3A_1268, %get3A_21 : vector<16xf32>
        %mul3A_1270 = arith.mulf %get3A_1260, %get3A_11 : vector<16xf32>
        %add3A_1271 = arith.addf %mul3A_1270, %get3A_26 : vector<16xf32>
        %mul3A_1272 = arith.mulf %get3A_1253, %get3A_16 : vector<16xf32>
        %add3A_1273 = arith.addf %mul3A_1272, %get3A_31 : vector<16xf32>
        %convert_element_type3A_1274 = arith.fptosi %add3A_1269 : vector<16xf32> to vector<16xi32>
        %jit3A_1275 = arith.constant 0 : i32
        %jit3A_1276 = arith.constant 254 : i32
        %max3A_1277 = vector.broadcast %jit3A_1275 : i32 to vector<16xi32>
        %max3A_1278 = arith.maxsi %max3A_1277, %convert_element_type3A_1274 : vector<16xi32>
        %min3A_1279 = vector.broadcast %jit3A_1276 : i32 to vector<16xi32>
        %min3A_1280 = arith.minsi %min3A_1279, %max3A_1278 : vector<16xi32>
        %convert_element_type3A_1281 = arith.fptosi %add3A_1271 : vector<16xf32> to vector<16xi32>
        %jit3A_1282 = arith.constant 0 : i32
        %jit3A_1283 = arith.constant 254 : i32
        %max3A_1284 = vector.broadcast %jit3A_1282 : i32 to vector<16xi32>
        %max3A_1285 = arith.maxsi %max3A_1284, %convert_element_type3A_1281 : vector<16xi32>
        %min3A_1286 = vector.broadcast %jit3A_1283 : i32 to vector<16xi32>
        %min3A_1287 = arith.minsi %min3A_1286, %max3A_1285 : vector<16xi32>
        %convert_element_type3A_1288 = arith.fptosi %add3A_1273 : vector<16xf32> to vector<16xi32>
        %jit3A_1289 = arith.constant 0 : i32
        %jit3A_1290 = arith.constant 254 : i32
        %max3A_1291 = vector.broadcast %jit3A_1289 : i32 to vector<16xi32>
        %max3A_1292 = arith.maxsi %max3A_1291, %convert_element_type3A_1288 : vector<16xi32>
        %min3A_1293 = vector.broadcast %jit3A_1290 : i32 to vector<16xi32>
        %min3A_1294 = arith.minsi %min3A_1293, %max3A_1292 : vector<16xi32>
        %convert_element_type3A_1295 = arith.sitofp %min3A_1280 : vector<16xi32> to vector<16xf32>
        %sub3A_1296 = arith.subf %add3A_1269, %convert_element_type3A_1295 : vector<16xf32>
        %mul3A_1297 = arith.constant 16 : i32
        %mul3A_1298 = arith.muli %add3A_1246, %mul3A_1297 : i32
        %swap3A_1299 = arith.constant 0 : i32
        %swap3A_1300 = arith.index_cast %swap3A_1299 : i32 to index
        %swap3A_1301 = arith.index_cast %mul3A_1298 : i32 to index
        %swap3A_1302 = tpu.vector_load %arg12[%swap3A_1300, %swap3A_1301] {strides = array<i32>} : memref<2x1024xf32, #tpu.memory_space<vmem>>, vector<1x16xf32>,
        %swap3A_1303 = vector.shape_cast %swap3A_1302 : vector<1x16xf32> to vector<16xf32>
        %swap3A_1304 = vector.shape_cast %sub3A_1296 : vector<16xf32> to vector<1x16xf32>
        tpu.vector_store %arg12[%swap3A_1300, %swap3A_1301], %swap3A_1304 {strides = array<i32>} : memref<2x1024xf32, #tpu.memory_space<vmem>>, vector<1x16xf32>,
        %convert_element_type3A_1305 = arith.sitofp %min3A_1287 : vector<16xi32> to vector<16xf32>
        %sub3A_1306 = arith.subf %add3A_1271, %convert_element_type3A_1305 : vector<16xf32>
        %mul3A_1307 = arith.constant 16 : i32
        %mul3A_1308 = arith.muli %add3A_1246, %mul3A_1307 : i32
        %swap3A_1309 = arith.constant 0 : i32
        %swap3A_1310 = arith.index_cast %swap3A_1309 : i32 to index
        %swap3A_1311 = arith.index_cast %mul3A_1308 : i32 to index
        %swap3A_1312 = tpu.vector_load %arg13[%swap3A_1310, %swap3A_1311] {strides = array<i32>} : memref<2x1024xf32, #tpu.memory_space<vmem>>, vector<1x16xf32>,
        %swap3A_1313 = vector.shape_cast %swap3A_1312 : vector<1x16xf32> to vector<16xf32>
        %swap3A_1314 = vector.shape_cast %sub3A_1306 : vector<16xf32> to vector<1x16xf32>
        tpu.vector_store %arg13[%swap3A_1310, %swap3A_1311], %swap3A_1314 {strides = array<i32>} : memref<2x1024xf32, #tpu.memory_space<vmem>>, vector<1x16xf32>,
        %convert_element_type3A_1315 = arith.sitofp %min3A_1294 : vector<16xi32> to vector<16xf32>
        %sub3A_1316 = arith.subf %add3A_1273, %convert_element_type3A_1315 : vector<16xf32>
        %mul3A_1317 = arith.constant 16 : i32
        %mul3A_1318 = arith.muli %add3A_1246, %mul3A_1317 : i32
        %swap3A_1319 = arith.constant 0 : i32
        %swap3A_1320 = arith.index_cast %swap3A_1319 : i32 to index
        %swap3A_1321 = arith.index_cast %mul3A_1318 : i32 to index
        %swap3A_1322 = tpu.vector_load %arg14[%swap3A_1320, %swap3A_1321] {strides = array<i32>} : memref<2x1024xf32, #tpu.memory_space<vmem>>, vector<1x16xf32>,
        %swap3A_1323 = vector.shape_cast %swap3A_1322 : vector<1x16xf32> to vector<16xf32>
        %swap3A_1324 = vector.shape_cast %sub3A_1316 : vector<16xf32> to vector<1x16xf32>
        tpu.vector_store %arg14[%swap3A_1320, %swap3A_1321], %swap3A_1324 {strides = array<i32>} : memref<2x1024xf32, #tpu.memory_space<vmem>>, vector<1x16xf32>,
        %shift_left3A_1325 = arith.constant 16 : i32
        %shift_left3A_1326 = vector.broadcast %shift_left3A_1325 : i32 to vector<16xi32>
        %shift_left3A_1327 = arith.shli %min3A_1294, %shift_left3A_1326 : vector<16xi32>
        %shift_left3A_1328 = arith.constant 8 : i32
        %shift_left3A_1329 = vector.broadcast %shift_left3A_1328 : i32 to vector<16xi32>
        %shift_left3A_1330 = arith.shli %min3A_1287, %shift_left3A_1329 : vector<16xi32>
        %or3A_1331 = arith.ori %shift_left3A_1327, %shift_left3A_1330 : vector<16xi32>
        %or3A_1332 = arith.ori %or3A_1331, %min3A_1280 : vector<16xi32>
        %add3A_1333 = arith.constant 0 : i32
        %add3A_1334 = arith.addi %mul3A_333, %add3A_1333 : i32
        %swap3A_1335 = arith.constant 0 : i32
        %swap3A_1336 = arith.index_cast %swap3A_1335 : i32 to index
        %swap3A_1337 = arith.index_cast %add3A_1334 : i32 to index
        %swap3A_1338 = arith.constant 80 : index
        %swap3A_1339 = tpu.vector_load %arg15[%swap3A_1336, %swap3A_1337, %swap3A_1338] {strides = array<i32>} : memref<2x64x128xi32, #tpu.memory_space<vmem>>, vector<1x1x16xi32>,
        %swap3A_1340 = vector.shape_cast %swap3A_1339 : vector<1x1x16xi32> to vector<16xi32>
        %swap3A_1341 = vector.shape_cast %or3A_1332 : vector<16xi32> to vector<1x1x16xi32>
        tpu.vector_store %arg15[%swap3A_1336, %swap3A_1337, %swap3A_1338], %swap3A_1341 {strides = array<i32>} : memref<2x64x128xi32, #tpu.memory_space<vmem>>, vector<1x1x16xi32>,
        %add3A_1342 = arith.constant 1 : i32
        %add3A_1343 = vector.broadcast %add3A_1342 : i32 to vector<16xi32>
        %add3A_1344 = arith.addi %or3A_1332, %add3A_1343 : vector<16xi32>
        %add3A_1345 = arith.constant 1 : i32
        %add3A_1346 = arith.addi %mul3A_333, %add3A_1345 : i32
        %swap3A_1347 = arith.constant 0 : i32
        %swap3A_1348 = arith.index_cast %swap3A_1347 : i32 to index
        %swap3A_1349 = arith.index_cast %add3A_1346 : i32 to index
        %swap3A_1350 = arith.constant 80 : index
        %swap3A_1351 = tpu.vector_load %arg15[%swap3A_1348, %swap3A_1349, %swap3A_1350] {strides = array<i32>} : memref<2x64x128xi32, #tpu.memory_space<vmem>>, vector<1x1x16xi32>,
        %swap3A_1352 = vector.shape_cast %swap3A_1351 : vector<1x1x16xi32> to vector<16xi32>
        %swap3A_1353 = vector.shape_cast %add3A_1344 : vector<16xi32> to vector<1x1x16xi32>
        tpu.vector_store %arg15[%swap3A_1348, %swap3A_1349, %swap3A_1350], %swap3A_1353 {strides = array<i32>} : memref<2x64x128xi32, #tpu.memory_space<vmem>>, vector<1x1x16xi32>,
        %add3A_1354 = arith.constant 256 : i32
        %add3A_1355 = vector.broadcast %add3A_1354 : i32 to vector<16xi32>
        %add3A_1356 = arith.addi %or3A_1332, %add3A_1355 : vector<16xi32>
        %add3A_1357 = arith.constant 2 : i32
        %add3A_1358 = arith.addi %mul3A_333, %add3A_1357 : i32
        %swap3A_1359 = arith.constant 0 : i32
        %swap3A_1360 = arith.index_cast %swap3A_1359 : i32 to index
        %swap3A_1361 = arith.index_cast %add3A_1358 : i32 to index
        %swap3A_1362 = arith.constant 80 : index
        %swap3A_1363 = tpu.vector_load %arg15[%swap3A_1360, %swap3A_1361, %swap3A_1362] {strides = array<i32>} : memref<2x64x128xi32, #tpu.memory_space<vmem>>, vector<1x1x16xi32>,
        %swap3A_1364 = vector.shape_cast %swap3A_1363 : vector<1x1x16xi32> to vector<16xi32>
        %swap3A_1365 = vector.shape_cast %add3A_1356 : vector<16xi32> to vector<1x1x16xi32>
        tpu.vector_store %arg15[%swap3A_1360, %swap3A_1361, %swap3A_1362], %swap3A_1365 {strides = array<i32>} : memref<2x64x128xi32, #tpu.memory_space<vmem>>, vector<1x1x16xi32>,
        %add3A_1366 = arith.constant 257 : i32
        %add3A_1367 = vector.broadcast %add3A_1366 : i32 to vector<16xi32>
        %add3A_1368 = arith.addi %or3A_1332, %add3A_1367 : vector<16xi32>
        %add3A_1369 = arith.constant 3 : i32
        %add3A_1370 = arith.addi %mul3A_333, %add3A_1369 : i32
        %swap3A_1371 = arith.constant 0 : i32
        %swap3A_1372 = arith.index_cast %swap3A_1371 : i32 to index
        %swap3A_1373 = arith.index_cast %add3A_1370 : i32 to index
        %swap3A_1374 = arith.constant 80 : index
        %swap3A_1375 = tpu.vector_load %arg15[%swap3A_1372, %swap3A_1373, %swap3A_1374] {strides = array<i32>} : memref<2x64x128xi32, #tpu.memory_space<vmem>>, vector<1x1x16xi32>,
        %swap3A_1376 = vector.shape_cast %swap3A_1375 : vector<1x1x16xi32> to vector<16xi32>
        %swap3A_1377 = vector.shape_cast %add3A_1368 : vector<16xi32> to vector<1x1x16xi32>
        tpu.vector_store %arg15[%swap3A_1372, %swap3A_1373, %swap3A_1374], %swap3A_1377 {strides = array<i32>} : memref<2x64x128xi32, #tpu.memory_space<vmem>>, vector<1x1x16xi32>,
        %add3A_1378 = arith.constant 65536 : i32
        %add3A_1379 = vector.broadcast %add3A_1378 : i32 to vector<16xi32>
        %add3A_1380 = arith.addi %or3A_1332, %add3A_1379 : vector<16xi32>
        %add3A_1381 = arith.constant 4 : i32
        %add3A_1382 = arith.addi %mul3A_333, %add3A_1381 : i32
        %swap3A_1383 = arith.constant 0 : i32
        %swap3A_1384 = arith.index_cast %swap3A_1383 : i32 to index
        %swap3A_1385 = arith.index_cast %add3A_1382 : i32 to index
        %swap3A_1386 = arith.constant 80 : index
        %swap3A_1387 = tpu.vector_load %arg15[%swap3A_1384, %swap3A_1385, %swap3A_1386] {strides = array<i32>} : memref<2x64x128xi32, #tpu.memory_space<vmem>>, vector<1x1x16xi32>,
        %swap3A_1388 = vector.shape_cast %swap3A_1387 : vector<1x1x16xi32> to vector<16xi32>
        %swap3A_1389 = vector.shape_cast %add3A_1380 : vector<16xi32> to vector<1x1x16xi32>
        tpu.vector_store %arg15[%swap3A_1384, %swap3A_1385, %swap3A_1386], %swap3A_1389 {strides = array<i32>} : memref<2x64x128xi32, #tpu.memory_space<vmem>>, vector<1x1x16xi32>,
        %add3A_1390 = arith.constant 65537 : i32
        %add3A_1391 = vector.broadcast %add3A_1390 : i32 to vector<16xi32>
        %add3A_1392 = arith.addi %or3A_1332, %add3A_1391 : vector<16xi32>
        %add3A_1393 = arith.constant 5 : i32
        %add3A_1394 = arith.addi %mul3A_333, %add3A_1393 : i32
        %swap3A_1395 = arith.constant 0 : i32
        %swap3A_1396 = arith.index_cast %swap3A_1395 : i32 to index
        %swap3A_1397 = arith.index_cast %add3A_1394 : i32 to index
        %swap3A_1398 = arith.constant 80 : index
        %swap3A_1399 = tpu.vector_load %arg15[%swap3A_1396, %swap3A_1397, %swap3A_1398] {strides = array<i32>} : memref<2x64x128xi32, #tpu.memory_space<vmem>>, vector<1x1x16xi32>,
        %swap3A_1400 = vector.shape_cast %swap3A_1399 : vector<1x1x16xi32> to vector<16xi32>
        %swap3A_1401 = vector.shape_cast %add3A_1392 : vector<16xi32> to vector<1x1x16xi32>
        tpu.vector_store %arg15[%swap3A_1396, %swap3A_1397, %swap3A_1398], %swap3A_1401 {strides = array<i32>} : memref<2x64x128xi32, #tpu.memory_space<vmem>>, vector<1x1x16xi32>,
        %add3A_1402 = arith.constant 65792 : i32
        %add3A_1403 = vector.broadcast %add3A_1402 : i32 to vector<16xi32>
        %add3A_1404 = arith.addi %or3A_1332, %add3A_1403 : vector<16xi32>
        %add3A_1405 = arith.constant 6 : i32
        %add3A_1406 = arith.addi %mul3A_333, %add3A_1405 : i32
        %swap3A_1407 = arith.constant 0 : i32
        %swap3A_1408 = arith.index_cast %swap3A_1407 : i32 to index
        %swap3A_1409 = arith.index_cast %add3A_1406 : i32 to index
        %swap3A_1410 = arith.constant 80 : index
        %swap3A_1411 = tpu.vector_load %arg15[%swap3A_1408, %swap3A_1409, %swap3A_1410] {strides = array<i32>} : memref<2x64x128xi32, #tpu.memory_space<vmem>>, vector<1x1x16xi32>,
        %swap3A_1412 = vector.shape_cast %swap3A_1411 : vector<1x1x16xi32> to vector<16xi32>
        %swap3A_1413 = vector.shape_cast %add3A_1404 : vector<16xi32> to vector<1x1x16xi32>
        tpu.vector_store %arg15[%swap3A_1408, %swap3A_1409, %swap3A_1410], %swap3A_1413 {strides = array<i32>} : memref<2x64x128xi32, #tpu.memory_space<vmem>>, vector<1x1x16xi32>,
        %add3A_1414 = arith.constant 65793 : i32
        %add3A_1415 = vector.broadcast %add3A_1414 : i32 to vector<16xi32>
        %add3A_1416 = arith.addi %or3A_1332, %add3A_1415 : vector<16xi32>
        %add3A_1417 = arith.constant 7 : i32
        %add3A_1418 = arith.addi %mul3A_333, %add3A_1417 : i32
        %swap3A_1419 = arith.constant 0 : i32
        %swap3A_1420 = arith.index_cast %swap3A_1419 : i32 to index
        %swap3A_1421 = arith.index_cast %add3A_1418 : i32 to index
        %swap3A_1422 = arith.constant 80 : index
        %swap3A_1423 = tpu.vector_load %arg15[%swap3A_1420, %swap3A_1421, %swap3A_1422] {strides = array<i32>} : memref<2x64x128xi32, #tpu.memory_space<vmem>>, vector<1x1x16xi32>,
        %swap3A_1424 = vector.shape_cast %swap3A_1423 : vector<1x1x16xi32> to vector<16xi32>
        %swap3A_1425 = vector.shape_cast %add3A_1416 : vector<16xi32> to vector<1x1x16xi32>
        tpu.vector_store %arg15[%swap3A_1420, %swap3A_1421, %swap3A_1422], %swap3A_1425 {strides = array<i32>} : memref<2x64x128xi32, #tpu.memory_space<vmem>>, vector<1x1x16xi32>,
        %mul3A_1426 = arith.constant 8 : i32
        %mul3A_1427 = arith.muli %scan3A_330, %mul3A_1426 : i32
        %add3A_1428 = arith.constant 6 : i32
        %add3A_1429 = arith.addi %mul3A_1427, %add3A_1428 : i32
        %mul3A_1430 = arith.constant 16 : i32
        %mul3A_1431 = arith.muli %add3A_1429, %mul3A_1430 : i32
        %get3A_1432 = arith.constant 0 : i32
        %get3A_1433 = arith.index_cast %get3A_1432 : i32 to index
        %get3A_1434 = arith.index_cast %mul3A_1431 : i32 to index
        %get3A_1435 = tpu.vector_load %arg9[%get3A_1433, %get3A_1434] {strides = array<i32>} : memref<2x1024xf32, #tpu.memory_space<vmem>>, vector<1x16xf32>,
        %get3A_1436 = vector.shape_cast %get3A_1435 : vector<1x16xf32> to vector<16xf32>
        %mul3A_1437 = arith.constant 16 : i32
        %mul3A_1438 = arith.muli %add3A_1429, %mul3A_1437 : i32
        %get3A_1439 = arith.constant 0 : i32
        %get3A_1440 = arith.index_cast %get3A_1439 : i32 to index
        %get3A_1441 = arith.index_cast %mul3A_1438 : i32 to index
        %get3A_1442 = tpu.vector_load %arg10[%get3A_1440, %get3A_1441] {strides = array<i32>} : memref<2x1024xf32, #tpu.memory_space<vmem>>, vector<1x16xf32>,
        %get3A_1443 = vector.shape_cast %get3A_1442 : vector<1x16xf32> to vector<16xf32>
        %mul3A_1444 = arith.constant 16 : i32
        %mul3A_1445 = arith.muli %add3A_1429, %mul3A_1444 : i32
        %get3A_1446 = arith.constant 0 : i32
        %get3A_1447 = arith.index_cast %get3A_1446 : i32 to index
        %get3A_1448 = arith.index_cast %mul3A_1445 : i32 to index
        %get3A_1449 = tpu.vector_load %arg11[%get3A_1447, %get3A_1448] {strides = array<i32>} : memref<2x1024xf32, #tpu.memory_space<vmem>>, vector<1x16xf32>,
        %get3A_1450 = vector.shape_cast %get3A_1449 : vector<1x16xf32> to vector<16xf32>
        %mul3A_1451 = arith.mulf %get3A_1450, %get3A_6 : vector<16xf32>
        %add3A_1452 = arith.addf %mul3A_1451, %get3A_21 : vector<16xf32>
        %mul3A_1453 = arith.mulf %get3A_1443, %get3A_11 : vector<16xf32>
        %add3A_1454 = arith.addf %mul3A_1453, %get3A_26 : vector<16xf32>
        %mul3A_1455 = arith.mulf %get3A_1436, %get3A_16 : vector<16xf32>
        %add3A_1456 = arith.addf %mul3A_1455, %get3A_31 : vector<16xf32>
        %convert_element_type3A_1457 = arith.fptosi %add3A_1452 : vector<16xf32> to vector<16xi32>
        %jit3A_1458 = arith.constant 0 : i32
        %jit3A_1459 = arith.constant 254 : i32
        %max3A_1460 = vector.broadcast %jit3A_1458 : i32 to vector<16xi32>
        %max3A_1461 = arith.maxsi %max3A_1460, %convert_element_type3A_1457 : vector<16xi32>
        %min3A_1462 = vector.broadcast %jit3A_1459 : i32 to vector<16xi32>
        %min3A_1463 = arith.minsi %min3A_1462, %max3A_1461 : vector<16xi32>
        %convert_element_type3A_1464 = arith.fptosi %add3A_1454 : vector<16xf32> to vector<16xi32>
        %jit3A_1465 = arith.constant 0 : i32
        %jit3A_1466 = arith.constant 254 : i32
        %max3A_1467 = vector.broadcast %jit3A_1465 : i32 to vector<16xi32>
        %max3A_1468 = arith.maxsi %max3A_1467, %convert_element_type3A_1464 : vector<16xi32>
        %min3A_1469 = vector.broadcast %jit3A_1466 : i32 to vector<16xi32>
        %min3A_1470 = arith.minsi %min3A_1469, %max3A_1468 : vector<16xi32>
        %convert_element_type3A_1471 = arith.fptosi %add3A_1456 : vector<16xf32> to vector<16xi32>
        %jit3A_1472 = arith.constant 0 : i32
        %jit3A_1473 = arith.constant 254 : i32
        %max3A_1474 = vector.broadcast %jit3A_1472 : i32 to vector<16xi32>
        %max3A_1475 = arith.maxsi %max3A_1474, %convert_element_type3A_1471 : vector<16xi32>
        %min3A_1476 = vector.broadcast %jit3A_1473 : i32 to vector<16xi32>
        %min3A_1477 = arith.minsi %min3A_1476, %max3A_1475 : vector<16xi32>
        %convert_element_type3A_1478 = arith.sitofp %min3A_1463 : vector<16xi32> to vector<16xf32>
        %sub3A_1479 = arith.subf %add3A_1452, %convert_element_type3A_1478 : vector<16xf32>
        %mul3A_1480 = arith.constant 16 : i32
        %mul3A_1481 = arith.muli %add3A_1429, %mul3A_1480 : i32
        %swap3A_1482 = arith.constant 0 : i32
        %swap3A_1483 = arith.index_cast %swap3A_1482 : i32 to index
        %swap3A_1484 = arith.index_cast %mul3A_1481 : i32 to index
        %swap3A_1485 = tpu.vector_load %arg12[%swap3A_1483, %swap3A_1484] {strides = array<i32>} : memref<2x1024xf32, #tpu.memory_space<vmem>>, vector<1x16xf32>,
        %swap3A_1486 = vector.shape_cast %swap3A_1485 : vector<1x16xf32> to vector<16xf32>
        %swap3A_1487 = vector.shape_cast %sub3A_1479 : vector<16xf32> to vector<1x16xf32>
        tpu.vector_store %arg12[%swap3A_1483, %swap3A_1484], %swap3A_1487 {strides = array<i32>} : memref<2x1024xf32, #tpu.memory_space<vmem>>, vector<1x16xf32>,
        %convert_element_type3A_1488 = arith.sitofp %min3A_1470 : vector<16xi32> to vector<16xf32>
        %sub3A_1489 = arith.subf %add3A_1454, %convert_element_type3A_1488 : vector<16xf32>
        %mul3A_1490 = arith.constant 16 : i32
        %mul3A_1491 = arith.muli %add3A_1429, %mul3A_1490 : i32
        %swap3A_1492 = arith.constant 0 : i32
        %swap3A_1493 = arith.index_cast %swap3A_1492 : i32 to index
        %swap3A_1494 = arith.index_cast %mul3A_1491 : i32 to index
        %swap3A_1495 = tpu.vector_load %arg13[%swap3A_1493, %swap3A_1494] {strides = array<i32>} : memref<2x1024xf32, #tpu.memory_space<vmem>>, vector<1x16xf32>,
        %swap3A_1496 = vector.shape_cast %swap3A_1495 : vector<1x16xf32> to vector<16xf32>
        %swap3A_1497 = vector.shape_cast %sub3A_1489 : vector<16xf32> to vector<1x16xf32>
        tpu.vector_store %arg13[%swap3A_1493, %swap3A_1494], %swap3A_1497 {strides = array<i32>} : memref<2x1024xf32, #tpu.memory_space<vmem>>, vector<1x16xf32>,
        %convert_element_type3A_1498 = arith.sitofp %min3A_1477 : vector<16xi32> to vector<16xf32>
        %sub3A_1499 = arith.subf %add3A_1456, %convert_element_type3A_1498 : vector<16xf32>
        %mul3A_1500 = arith.constant 16 : i32
        %mul3A_1501 = arith.muli %add3A_1429, %mul3A_1500 : i32
        %swap3A_1502 = arith.constant 0 : i32
        %swap3A_1503 = arith.index_cast %swap3A_1502 : i32 to index
        %swap3A_1504 = arith.index_cast %mul3A_1501 : i32 to index
        %swap3A_1505 = tpu.vector_load %arg14[%swap3A_1503, %swap3A_1504] {strides = array<i32>} : memref<2x1024xf32, #tpu.memory_space<vmem>>, vector<1x16xf32>,
        %swap3A_1506 = vector.shape_cast %swap3A_1505 : vector<1x16xf32> to vector<16xf32>
        %swap3A_1507 = vector.shape_cast %sub3A_1499 : vector<16xf32> to vector<1x16xf32>
        tpu.vector_store %arg14[%swap3A_1503, %swap3A_1504], %swap3A_1507 {strides = array<i32>} : memref<2x1024xf32, #tpu.memory_space<vmem>>, vector<1x16xf32>,
        %shift_left3A_1508 = arith.constant 16 : i32
        %shift_left3A_1509 = vector.broadcast %shift_left3A_1508 : i32 to vector<16xi32>
        %shift_left3A_1510 = arith.shli %min3A_1477, %shift_left3A_1509 : vector<16xi32>
        %shift_left3A_1511 = arith.constant 8 : i32
        %shift_left3A_1512 = vector.broadcast %shift_left3A_1511 : i32 to vector<16xi32>
        %shift_left3A_1513 = arith.shli %min3A_1470, %shift_left3A_1512 : vector<16xi32>
        %or3A_1514 = arith.ori %shift_left3A_1510, %shift_left3A_1513 : vector<16xi32>
        %or3A_1515 = arith.ori %or3A_1514, %min3A_1463 : vector<16xi32>
        %add3A_1516 = arith.constant 0 : i32
        %add3A_1517 = arith.addi %mul3A_333, %add3A_1516 : i32
        %swap3A_1518 = arith.constant 0 : i32
        %swap3A_1519 = arith.index_cast %swap3A_1518 : i32 to index
        %swap3A_1520 = arith.index_cast %add3A_1517 : i32 to index
        %swap3A_1521 = arith.constant 96 : index
        %swap3A_1522 = tpu.vector_load %arg15[%swap3A_1519, %swap3A_1520, %swap3A_1521] {strides = array<i32>} : memref<2x64x128xi32, #tpu.memory_space<vmem>>, vector<1x1x16xi32>,
        %swap3A_1523 = vector.shape_cast %swap3A_1522 : vector<1x1x16xi32> to vector<16xi32>
        %swap3A_1524 = vector.shape_cast %or3A_1515 : vector<16xi32> to vector<1x1x16xi32>
        tpu.vector_store %arg15[%swap3A_1519, %swap3A_1520, %swap3A_1521], %swap3A_1524 {strides = array<i32>} : memref<2x64x128xi32, #tpu.memory_space<vmem>>, vector<1x1x16xi32>,
        %add3A_1525 = arith.constant 1 : i32
        %add3A_1526 = vector.broadcast %add3A_1525 : i32 to vector<16xi32>
        %add3A_1527 = arith.addi %or3A_1515, %add3A_1526 : vector<16xi32>
        %add3A_1528 = arith.constant 1 : i32
        %add3A_1529 = arith.addi %mul3A_333, %add3A_1528 : i32
        %swap3A_1530 = arith.constant 0 : i32
        %swap3A_1531 = arith.index_cast %swap3A_1530 : i32 to index
        %swap3A_1532 = arith.index_cast %add3A_1529 : i32 to index
        %swap3A_1533 = arith.constant 96 : index
        %swap3A_1534 = tpu.vector_load %arg15[%swap3A_1531, %swap3A_1532, %swap3A_1533] {strides = array<i32>} : memref<2x64x128xi32, #tpu.memory_space<vmem>>, vector<1x1x16xi32>,
        %swap3A_1535 = vector.shape_cast %swap3A_1534 : vector<1x1x16xi32> to vector<16xi32>
        %swap3A_1536 = vector.shape_cast %add3A_1527 : vector<16xi32> to vector<1x1x16xi32>
        tpu.vector_store %arg15[%swap3A_1531, %swap3A_1532, %swap3A_1533], %swap3A_1536 {strides = array<i32>} : memref<2x64x128xi32, #tpu.memory_space<vmem>>, vector<1x1x16xi32>,
        %add3A_1537 = arith.constant 256 : i32
        %add3A_1538 = vector.broadcast %add3A_1537 : i32 to vector<16xi32>
        %add3A_1539 = arith.addi %or3A_1515, %add3A_1538 : vector<16xi32>
        %add3A_1540 = arith.constant 2 : i32
        %add3A_1541 = arith.addi %mul3A_333, %add3A_1540 : i32
        %swap3A_1542 = arith.constant 0 : i32
        %swap3A_1543 = arith.index_cast %swap3A_1542 : i32 to index
        %swap3A_1544 = arith.index_cast %add3A_1541 : i32 to index
        %swap3A_1545 = arith.constant 96 : index
        %swap3A_1546 = tpu.vector_load %arg15[%swap3A_1543, %swap3A_1544, %swap3A_1545] {strides = array<i32>} : memref<2x64x128xi32, #tpu.memory_space<vmem>>, vector<1x1x16xi32>,
        %swap3A_1547 = vector.shape_cast %swap3A_1546 : vector<1x1x16xi32> to vector<16xi32>
        %swap3A_1548 = vector.shape_cast %add3A_1539 : vector<16xi32> to vector<1x1x16xi32>
        tpu.vector_store %arg15[%swap3A_1543, %swap3A_1544, %swap3A_1545], %swap3A_1548 {strides = array<i32>} : memref<2x64x128xi32, #tpu.memory_space<vmem>>, vector<1x1x16xi32>,
        %add3A_1549 = arith.constant 257 : i32
        %add3A_1550 = vector.broadcast %add3A_1549 : i32 to vector<16xi32>
        %add3A_1551 = arith.addi %or3A_1515, %add3A_1550 : vector<16xi32>
        %add3A_1552 = arith.constant 3 : i32
        %add3A_1553 = arith.addi %mul3A_333, %add3A_1552 : i32
        %swap3A_1554 = arith.constant 0 : i32
        %swap3A_1555 = arith.index_cast %swap3A_1554 : i32 to index
        %swap3A_1556 = arith.index_cast %add3A_1553 : i32 to index
        %swap3A_1557 = arith.constant 96 : index
        %swap3A_1558 = tpu.vector_load %arg15[%swap3A_1555, %swap3A_1556, %swap3A_1557] {strides = array<i32>} : memref<2x64x128xi32, #tpu.memory_space<vmem>>, vector<1x1x16xi32>,
        %swap3A_1559 = vector.shape_cast %swap3A_1558 : vector<1x1x16xi32> to vector<16xi32>
        %swap3A_1560 = vector.shape_cast %add3A_1551 : vector<16xi32> to vector<1x1x16xi32>
        tpu.vector_store %arg15[%swap3A_1555, %swap3A_1556, %swap3A_1557], %swap3A_1560 {strides = array<i32>} : memref<2x64x128xi32, #tpu.memory_space<vmem>>, vector<1x1x16xi32>,
        %add3A_1561 = arith.constant 65536 : i32
        %add3A_1562 = vector.broadcast %add3A_1561 : i32 to vector<16xi32>
        %add3A_1563 = arith.addi %or3A_1515, %add3A_1562 : vector<16xi32>
        %add3A_1564 = arith.constant 4 : i32
        %add3A_1565 = arith.addi %mul3A_333, %add3A_1564 : i32
        %swap3A_1566 = arith.constant 0 : i32
        %swap3A_1567 = arith.index_cast %swap3A_1566 : i32 to index
        %swap3A_1568 = arith.index_cast %add3A_1565 : i32 to index
        %swap3A_1569 = arith.constant 96 : index
        %swap3A_1570 = tpu.vector_load %arg15[%swap3A_1567, %swap3A_1568, %swap3A_1569] {strides = array<i32>} : memref<2x64x128xi32, #tpu.memory_space<vmem>>, vector<1x1x16xi32>,
        %swap3A_1571 = vector.shape_cast %swap3A_1570 : vector<1x1x16xi32> to vector<16xi32>
        %swap3A_1572 = vector.shape_cast %add3A_1563 : vector<16xi32> to vector<1x1x16xi32>
        tpu.vector_store %arg15[%swap3A_1567, %swap3A_1568, %swap3A_1569], %swap3A_1572 {strides = array<i32>} : memref<2x64x128xi32, #tpu.memory_space<vmem>>, vector<1x1x16xi32>,
        %add3A_1573 = arith.constant 65537 : i32
        %add3A_1574 = vector.broadcast %add3A_1573 : i32 to vector<16xi32>
        %add3A_1575 = arith.addi %or3A_1515, %add3A_1574 : vector<16xi32>
        %add3A_1576 = arith.constant 5 : i32
        %add3A_1577 = arith.addi %mul3A_333, %add3A_1576 : i32
        %swap3A_1578 = arith.constant 0 : i32
        %swap3A_1579 = arith.index_cast %swap3A_1578 : i32 to index
        %swap3A_1580 = arith.index_cast %add3A_1577 : i32 to index
        %swap3A_1581 = arith.constant 96 : index
        %swap3A_1582 = tpu.vector_load %arg15[%swap3A_1579, %swap3A_1580, %swap3A_1581] {strides = array<i32>} : memref<2x64x128xi32, #tpu.memory_space<vmem>>, vector<1x1x16xi32>,
        %swap3A_1583 = vector.shape_cast %swap3A_1582 : vector<1x1x16xi32> to vector<16xi32>
        %swap3A_1584 = vector.shape_cast %add3A_1575 : vector<16xi32> to vector<1x1x16xi32>
        tpu.vector_store %arg15[%swap3A_1579, %swap3A_1580, %swap3A_1581], %swap3A_1584 {strides = array<i32>} : memref<2x64x128xi32, #tpu.memory_space<vmem>>, vector<1x1x16xi32>,
        %add3A_1585 = arith.constant 65792 : i32
        %add3A_1586 = vector.broadcast %add3A_1585 : i32 to vector<16xi32>
        %add3A_1587 = arith.addi %or3A_1515, %add3A_1586 : vector<16xi32>
        %add3A_1588 = arith.constant 6 : i32
        %add3A_1589 = arith.addi %mul3A_333, %add3A_1588 : i32
        %swap3A_1590 = arith.constant 0 : i32
        %swap3A_1591 = arith.index_cast %swap3A_1590 : i32 to index
        %swap3A_1592 = arith.index_cast %add3A_1589 : i32 to index
        %swap3A_1593 = arith.constant 96 : index
        %swap3A_1594 = tpu.vector_load %arg15[%swap3A_1591, %swap3A_1592, %swap3A_1593] {strides = array<i32>} : memref<2x64x128xi32, #tpu.memory_space<vmem>>, vector<1x1x16xi32>,
        %swap3A_1595 = vector.shape_cast %swap3A_1594 : vector<1x1x16xi32> to vector<16xi32>
        %swap3A_1596 = vector.shape_cast %add3A_1587 : vector<16xi32> to vector<1x1x16xi32>
        tpu.vector_store %arg15[%swap3A_1591, %swap3A_1592, %swap3A_1593], %swap3A_1596 {strides = array<i32>} : memref<2x64x128xi32, #tpu.memory_space<vmem>>, vector<1x1x16xi32>,
        %add3A_1597 = arith.constant 65793 : i32
        %add3A_1598 = vector.broadcast %add3A_1597 : i32 to vector<16xi32>
        %add3A_1599 = arith.addi %or3A_1515, %add3A_1598 : vector<16xi32>
        %add3A_1600 = arith.constant 7 : i32
        %add3A_1601 = arith.addi %mul3A_333, %add3A_1600 : i32
        %swap3A_1602 = arith.constant 0 : i32
        %swap3A_1603 = arith.index_cast %swap3A_1602 : i32 to index
        %swap3A_1604 = arith.index_cast %add3A_1601 : i32 to index
        %swap3A_1605 = arith.constant 96 : index
        %swap3A_1606 = tpu.vector_load %arg15[%swap3A_1603, %swap3A_1604, %swap3A_1605] {strides = array<i32>} : memref<2x64x128xi32, #tpu.memory_space<vmem>>, vector<1x1x16xi32>,
        %swap3A_1607 = vector.shape_cast %swap3A_1606 : vector<1x1x16xi32> to vector<16xi32>
        %swap3A_1608 = vector.shape_cast %add3A_1599 : vector<16xi32> to vector<1x1x16xi32>
        tpu.vector_store %arg15[%swap3A_1603, %swap3A_1604, %swap3A_1605], %swap3A_1608 {strides = array<i32>} : memref<2x64x128xi32, #tpu.memory_space<vmem>>, vector<1x1x16xi32>,
        %mul3A_1609 = arith.constant 8 : i32
        %mul3A_1610 = arith.muli %scan3A_330, %mul3A_1609 : i32
        %add3A_1611 = arith.constant 7 : i32
        %add3A_1612 = arith.addi %mul3A_1610, %add3A_1611 : i32
        %mul3A_1613 = arith.constant 16 : i32
        %mul3A_1614 = arith.muli %add3A_1612, %mul3A_1613 : i32
        %get3A_1615 = arith.constant 0 : i32
        %get3A_1616 = arith.index_cast %get3A_1615 : i32 to index
        %get3A_1617 = arith.index_cast %mul3A_1614 : i32 to index
        %get3A_1618 = tpu.vector_load %arg9[%get3A_1616, %get3A_1617] {strides = array<i32>} : memref<2x1024xf32, #tpu.memory_space<vmem>>, vector<1x16xf32>,
        %get3A_1619 = vector.shape_cast %get3A_1618 : vector<1x16xf32> to vector<16xf32>
        %mul3A_1620 = arith.constant 16 : i32
        %mul3A_1621 = arith.muli %add3A_1612, %mul3A_1620 : i32
        %get3A_1622 = arith.constant 0 : i32
        %get3A_1623 = arith.index_cast %get3A_1622 : i32 to index
        %get3A_1624 = arith.index_cast %mul3A_1621 : i32 to index
        %get3A_1625 = tpu.vector_load %arg10[%get3A_1623, %get3A_1624] {strides = array<i32>} : memref<2x1024xf32, #tpu.memory_space<vmem>>, vector<1x16xf32>,
        %get3A_1626 = vector.shape_cast %get3A_1625 : vector<1x16xf32> to vector<16xf32>
        %mul3A_1627 = arith.constant 16 : i32
        %mul3A_1628 = arith.muli %add3A_1612, %mul3A_1627 : i32
        %get3A_1629 = arith.constant 0 : i32
        %get3A_1630 = arith.index_cast %get3A_1629 : i32 to index
        %get3A_1631 = arith.index_cast %mul3A_1628 : i32 to index
        %get3A_1632 = tpu.vector_load %arg11[%get3A_1630, %get3A_1631] {strides = array<i32>} : memref<2x1024xf32, #tpu.memory_space<vmem>>, vector<1x16xf32>,
        %get3A_1633 = vector.shape_cast %get3A_1632 : vector<1x16xf32> to vector<16xf32>
        %mul3A_1634 = arith.mulf %get3A_1633, %get3A_6 : vector<16xf32>
        %add3A_1635 = arith.addf %mul3A_1634, %get3A_21 : vector<16xf32>
        %mul3A_1636 = arith.mulf %get3A_1626, %get3A_11 : vector<16xf32>
        %add3A_1637 = arith.addf %mul3A_1636, %get3A_26 : vector<16xf32>
        %mul3A_1638 = arith.mulf %get3A_1619, %get3A_16 : vector<16xf32>
        %add3A_1639 = arith.addf %mul3A_1638, %get3A_31 : vector<16xf32>
        %convert_element_type3A_1640 = arith.fptosi %add3A_1635 : vector<16xf32> to vector<16xi32>
        %jit3A_1641 = arith.constant 0 : i32
        %jit3A_1642 = arith.constant 254 : i32
        %max3A_1643 = vector.broadcast %jit3A_1641 : i32 to vector<16xi32>
        %max3A_1644 = arith.maxsi %max3A_1643, %convert_element_type3A_1640 : vector<16xi32>
        %min3A_1645 = vector.broadcast %jit3A_1642 : i32 to vector<16xi32>
        %min3A_1646 = arith.minsi %min3A_1645, %max3A_1644 : vector<16xi32>
        %convert_element_type3A_1647 = arith.fptosi %add3A_1637 : vector<16xf32> to vector<16xi32>
        %jit3A_1648 = arith.constant 0 : i32
        %jit3A_1649 = arith.constant 254 : i32
        %max3A_1650 = vector.broadcast %jit3A_1648 : i32 to vector<16xi32>
        %max3A_1651 = arith.maxsi %max3A_1650, %convert_element_type3A_1647 : vector<16xi32>
        %min3A_1652 = vector.broadcast %jit3A_1649 : i32 to vector<16xi32>
        %min3A_1653 = arith.minsi %min3A_1652, %max3A_1651 : vector<16xi32>
        %convert_element_type3A_1654 = arith.fptosi %add3A_1639 : vector<16xf32> to vector<16xi32>
        %jit3A_1655 = arith.constant 0 : i32
        %jit3A_1656 = arith.constant 254 : i32
        %max3A_1657 = vector.broadcast %jit3A_1655 : i32 to vector<16xi32>
        %max3A_1658 = arith.maxsi %max3A_1657, %convert_element_type3A_1654 : vector<16xi32>
        %min3A_1659 = vector.broadcast %jit3A_1656 : i32 to vector<16xi32>
        %min3A_1660 = arith.minsi %min3A_1659, %max3A_1658 : vector<16xi32>
        %convert_element_type3A_1661 = arith.sitofp %min3A_1646 : vector<16xi32> to vector<16xf32>
        %sub3A_1662 = arith.subf %add3A_1635, %convert_element_type3A_1661 : vector<16xf32>
        %mul3A_1663 = arith.constant 16 : i32
        %mul3A_1664 = arith.muli %add3A_1612, %mul3A_1663 : i32
        %swap3A_1665 = arith.constant 0 : i32
        %swap3A_1666 = arith.index_cast %swap3A_1665 : i32 to index
        %swap3A_1667 = arith.index_cast %mul3A_1664 : i32 to index
        %swap3A_1668 = tpu.vector_load %arg12[%swap3A_1666, %swap3A_1667] {strides = array<i32>} : memref<2x1024xf32, #tpu.memory_space<vmem>>, vector<1x16xf32>,
        %swap3A_1669 = vector.shape_cast %swap3A_1668 : vector<1x16xf32> to vector<16xf32>
        %swap3A_1670 = vector.shape_cast %sub3A_1662 : vector<16xf32> to vector<1x16xf32>
        tpu.vector_store %arg12[%swap3A_1666, %swap3A_1667], %swap3A_1670 {strides = array<i32>} : memref<2x1024xf32, #tpu.memory_space<vmem>>, vector<1x16xf32>,
        %convert_element_type3A_1671 = arith.sitofp %min3A_1653 : vector<16xi32> to vector<16xf32>
        %sub3A_1672 = arith.subf %add3A_1637, %convert_element_type3A_1671 : vector<16xf32>
        %mul3A_1673 = arith.constant 16 : i32
        %mul3A_1674 = arith.muli %add3A_1612, %mul3A_1673 : i32
        %swap3A_1675 = arith.constant 0 : i32
        %swap3A_1676 = arith.index_cast %swap3A_1675 : i32 to index
        %swap3A_1677 = arith.index_cast %mul3A_1674 : i32 to index
        %swap3A_1678 = tpu.vector_load %arg13[%swap3A_1676, %swap3A_1677] {strides = array<i32>} : memref<2x1024xf32, #tpu.memory_space<vmem>>, vector<1x16xf32>,
        %swap3A_1679 = vector.shape_cast %swap3A_1678 : vector<1x16xf32> to vector<16xf32>
        %swap3A_1680 = vector.shape_cast %sub3A_1672 : vector<16xf32> to vector<1x16xf32>
        tpu.vector_store %arg13[%swap3A_1676, %swap3A_1677], %swap3A_1680 {strides = array<i32>} : memref<2x1024xf32, #tpu.memory_space<vmem>>, vector<1x16xf32>,
        %convert_element_type3A_1681 = arith.sitofp %min3A_1660 : vector<16xi32> to vector<16xf32>
        %sub3A_1682 = arith.subf %add3A_1639, %convert_element_type3A_1681 : vector<16xf32>
        %mul3A_1683 = arith.constant 16 : i32
        %mul3A_1684 = arith.muli %add3A_1612, %mul3A_1683 : i32
        %swap3A_1685 = arith.constant 0 : i32
        %swap3A_1686 = arith.index_cast %swap3A_1685 : i32 to index
        %swap3A_1687 = arith.index_cast %mul3A_1684 : i32 to index
        %swap3A_1688 = tpu.vector_load %arg14[%swap3A_1686, %swap3A_1687] {strides = array<i32>} : memref<2x1024xf32, #tpu.memory_space<vmem>>, vector<1x16xf32>,
        %swap3A_1689 = vector.shape_cast %swap3A_1688 : vector<1x16xf32> to vector<16xf32>
        %swap3A_1690 = vector.shape_cast %sub3A_1682 : vector<16xf32> to vector<1x16xf32>
        tpu.vector_store %arg14[%swap3A_1686, %swap3A_1687], %swap3A_1690 {strides = array<i32>} : memref<2x1024xf32, #tpu.memory_space<vmem>>, vector<1x16xf32>,
        %shift_left3A_1691 = arith.constant 16 : i32
        %shift_left3A_1692 = vector.broadcast %shift_left3A_1691 : i32 to vector<16xi32>
        %shift_left3A_1693 = arith.shli %min3A_1660, %shift_left3A_1692 : vector<16xi32>
        %shift_left3A_1694 = arith.constant 8 : i32
        %shift_left3A_1695 = vector.broadcast %shift_left3A_1694 : i32 to vector<16xi32>
        %shift_left3A_1696 = arith.shli %min3A_1653, %shift_left3A_1695 : vector<16xi32>
        %or3A_1697 = arith.ori %shift_left3A_1693, %shift_left3A_1696 : vector<16xi32>
        %or3A_1698 = arith.ori %or3A_1697, %min3A_1646 : vector<16xi32>
        %add3A_1699 = arith.constant 0 : i32
        %add3A_1700 = arith.addi %mul3A_333, %add3A_1699 : i32
        %swap3A_1701 = arith.constant 0 : i32
        %swap3A_1702 = arith.index_cast %swap3A_1701 : i32 to index
        %swap3A_1703 = arith.index_cast %add3A_1700 : i32 to index
        %swap3A_1704 = arith.constant 112 : index
        %swap3A_1705 = tpu.vector_load %arg15[%swap3A_1702, %swap3A_1703, %swap3A_1704] {strides = array<i32>} : memref<2x64x128xi32, #tpu.memory_space<vmem>>, vector<1x1x16xi32>,
        %swap3A_1706 = vector.shape_cast %swap3A_1705 : vector<1x1x16xi32> to vector<16xi32>
        %swap3A_1707 = vector.shape_cast %or3A_1698 : vector<16xi32> to vector<1x1x16xi32>
        tpu.vector_store %arg15[%swap3A_1702, %swap3A_1703, %swap3A_1704], %swap3A_1707 {strides = array<i32>} : memref<2x64x128xi32, #tpu.memory_space<vmem>>, vector<1x1x16xi32>,
        %add3A_1708 = arith.constant 1 : i32
        %add3A_1709 = vector.broadcast %add3A_1708 : i32 to vector<16xi32>
        %add3A_1710 = arith.addi %or3A_1698, %add3A_1709 : vector<16xi32>
        %add3A_1711 = arith.constant 1 : i32
        %add3A_1712 = arith.addi %mul3A_333, %add3A_1711 : i32
        %swap3A_1713 = arith.constant 0 : i32
        %swap3A_1714 = arith.index_cast %swap3A_1713 : i32 to index
        %swap3A_1715 = arith.index_cast %add3A_1712 : i32 to index
        %swap3A_1716 = arith.constant 112 : index
        %swap3A_1717 = tpu.vector_load %arg15[%swap3A_1714, %swap3A_1715, %swap3A_1716] {strides = array<i32>} : memref<2x64x128xi32, #tpu.memory_space<vmem>>, vector<1x1x16xi32>,
        %swap3A_1718 = vector.shape_cast %swap3A_1717 : vector<1x1x16xi32> to vector<16xi32>
        %swap3A_1719 = vector.shape_cast %add3A_1710 : vector<16xi32> to vector<1x1x16xi32>
        tpu.vector_store %arg15[%swap3A_1714, %swap3A_1715, %swap3A_1716], %swap3A_1719 {strides = array<i32>} : memref<2x64x128xi32, #tpu.memory_space<vmem>>, vector<1x1x16xi32>,
        %add3A_1720 = arith.constant 256 : i32
        %add3A_1721 = vector.broadcast %add3A_1720 : i32 to vector<16xi32>
        %add3A_1722 = arith.addi %or3A_1698, %add3A_1721 : vector<16xi32>
        %add3A_1723 = arith.constant 2 : i32
        %add3A_1724 = arith.addi %mul3A_333, %add3A_1723 : i32
        %swap3A_1725 = arith.constant 0 : i32
        %swap3A_1726 = arith.index_cast %swap3A_1725 : i32 to index
        %swap3A_1727 = arith.index_cast %add3A_1724 : i32 to index
        %swap3A_1728 = arith.constant 112 : index
        %swap3A_1729 = tpu.vector_load %arg15[%swap3A_1726, %swap3A_1727, %swap3A_1728] {strides = array<i32>} : memref<2x64x128xi32, #tpu.memory_space<vmem>>, vector<1x1x16xi32>,
        %swap3A_1730 = vector.shape_cast %swap3A_1729 : vector<1x1x16xi32> to vector<16xi32>
        %swap3A_1731 = vector.shape_cast %add3A_1722 : vector<16xi32> to vector<1x1x16xi32>
        tpu.vector_store %arg15[%swap3A_1726, %swap3A_1727, %swap3A_1728], %swap3A_1731 {strides = array<i32>} : memref<2x64x128xi32, #tpu.memory_space<vmem>>, vector<1x1x16xi32>,
        %add3A_1732 = arith.constant 257 : i32
        %add3A_1733 = vector.broadcast %add3A_1732 : i32 to vector<16xi32>
        %add3A_1734 = arith.addi %or3A_1698, %add3A_1733 : vector<16xi32>
        %add3A_1735 = arith.constant 3 : i32
        %add3A_1736 = arith.addi %mul3A_333, %add3A_1735 : i32
        %swap3A_1737 = arith.constant 0 : i32
        %swap3A_1738 = arith.index_cast %swap3A_1737 : i32 to index
        %swap3A_1739 = arith.index_cast %add3A_1736 : i32 to index
        %swap3A_1740 = arith.constant 112 : index
        %swap3A_1741 = tpu.vector_load %arg15[%swap3A_1738, %swap3A_1739, %swap3A_1740] {strides = array<i32>} : memref<2x64x128xi32, #tpu.memory_space<vmem>>, vector<1x1x16xi32>,
        %swap3A_1742 = vector.shape_cast %swap3A_1741 : vector<1x1x16xi32> to vector<16xi32>
        %swap3A_1743 = vector.shape_cast %add3A_1734 : vector<16xi32> to vector<1x1x16xi32>
        tpu.vector_store %arg15[%swap3A_1738, %swap3A_1739, %swap3A_1740], %swap3A_1743 {strides = array<i32>} : memref<2x64x128xi32, #tpu.memory_space<vmem>>, vector<1x1x16xi32>,
        %add3A_1744 = arith.constant 65536 : i32
        %add3A_1745 = vector.broadcast %add3A_1744 : i32 to vector<16xi32>
        %add3A_1746 = arith.addi %or3A_1698, %add3A_1745 : vector<16xi32>
        %add3A_1747 = arith.constant 4 : i32
        %add3A_1748 = arith.addi %mul3A_333, %add3A_1747 : i32
        %swap3A_1749 = arith.constant 0 : i32
        %swap3A_1750 = arith.index_cast %swap3A_1749 : i32 to index
        %swap3A_1751 = arith.index_cast %add3A_1748 : i32 to index
        %swap3A_1752 = arith.constant 112 : index
        %swap3A_1753 = tpu.vector_load %arg15[%swap3A_1750, %swap3A_1751, %swap3A_1752] {strides = array<i32>} : memref<2x64x128xi32, #tpu.memory_space<vmem>>, vector<1x1x16xi32>,
        %swap3A_1754 = vector.shape_cast %swap3A_1753 : vector<1x1x16xi32> to vector<16xi32>
        %swap3A_1755 = vector.shape_cast %add3A_1746 : vector<16xi32> to vector<1x1x16xi32>
        tpu.vector_store %arg15[%swap3A_1750, %swap3A_1751, %swap3A_1752], %swap3A_1755 {strides = array<i32>} : memref<2x64x128xi32, #tpu.memory_space<vmem>>, vector<1x1x16xi32>,
        %add3A_1756 = arith.constant 65537 : i32
        %add3A_1757 = vector.broadcast %add3A_1756 : i32 to vector<16xi32>
        %add3A_1758 = arith.addi %or3A_1698, %add3A_1757 : vector<16xi32>
        %add3A_1759 = arith.constant 5 : i32
        %add3A_1760 = arith.addi %mul3A_333, %add3A_1759 : i32
        %swap3A_1761 = arith.constant 0 : i32
        %swap3A_1762 = arith.index_cast %swap3A_1761 : i32 to index
        %swap3A_1763 = arith.index_cast %add3A_1760 : i32 to index
        %swap3A_1764 = arith.constant 112 : index
        %swap3A_1765 = tpu.vector_load %arg15[%swap3A_1762, %swap3A_1763, %swap3A_1764] {strides = array<i32>} : memref<2x64x128xi32, #tpu.memory_space<vmem>>, vector<1x1x16xi32>,
        %swap3A_1766 = vector.shape_cast %swap3A_1765 : vector<1x1x16xi32> to vector<16xi32>
        %swap3A_1767 = vector.shape_cast %add3A_1758 : vector<16xi32> to vector<1x1x16xi32>
        tpu.vector_store %arg15[%swap3A_1762, %swap3A_1763, %swap3A_1764], %swap3A_1767 {strides = array<i32>} : memref<2x64x128xi32, #tpu.memory_space<vmem>>, vector<1x1x16xi32>,
        %add3A_1768 = arith.constant 65792 : i32
        %add3A_1769 = vector.broadcast %add3A_1768 : i32 to vector<16xi32>
        %add3A_1770 = arith.addi %or3A_1698, %add3A_1769 : vector<16xi32>
        %add3A_1771 = arith.constant 6 : i32
        %add3A_1772 = arith.addi %mul3A_333, %add3A_1771 : i32
        %swap3A_1773 = arith.constant 0 : i32
        %swap3A_1774 = arith.index_cast %swap3A_1773 : i32 to index
        %swap3A_1775 = arith.index_cast %add3A_1772 : i32 to index
        %swap3A_1776 = arith.constant 112 : index
        %swap3A_1777 = tpu.vector_load %arg15[%swap3A_1774, %swap3A_1775, %swap3A_1776] {strides = array<i32>} : memref<2x64x128xi32, #tpu.memory_space<vmem>>, vector<1x1x16xi32>,
        %swap3A_1778 = vector.shape_cast %swap3A_1777 : vector<1x1x16xi32> to vector<16xi32>
        %swap3A_1779 = vector.shape_cast %add3A_1770 : vector<16xi32> to vector<1x1x16xi32>
        tpu.vector_store %arg15[%swap3A_1774, %swap3A_1775, %swap3A_1776], %swap3A_1779 {strides = array<i32>} : memref<2x64x128xi32, #tpu.memory_space<vmem>>, vector<1x1x16xi32>,
        %add3A_1780 = arith.constant 65793 : i32
        %add3A_1781 = vector.broadcast %add3A_1780 : i32 to vector<16xi32>
        %add3A_1782 = arith.addi %or3A_1698, %add3A_1781 : vector<16xi32>
        %add3A_1783 = arith.constant 7 : i32
        %add3A_1784 = arith.addi %mul3A_333, %add3A_1783 : i32
        %swap3A_1785 = arith.constant 0 : i32
        %swap3A_1786 = arith.index_cast %swap3A_1785 : i32 to index
        %swap3A_1787 = arith.index_cast %add3A_1784 : i32 to index
        %swap3A_1788 = arith.constant 112 : index
        %swap3A_1789 = tpu.vector_load %arg15[%swap3A_1786, %swap3A_1787, %swap3A_1788] {strides = array<i32>} : memref<2x64x128xi32, #tpu.memory_space<vmem>>, vector<1x1x16xi32>,
        %swap3A_1790 = vector.shape_cast %swap3A_1789 : vector<1x1x16xi32> to vector<16xi32>
        %swap3A_1791 = vector.shape_cast %add3A_1782 : vector<16xi32> to vector<1x1x16xi32>
        tpu.vector_store %arg15[%swap3A_1786, %swap3A_1787, %swap3A_1788], %swap3A_1791 {strides = array<i32>} : memref<2x64x128xi32, #tpu.memory_space<vmem>>, vector<1x1x16xi32>,
        %add3A_1792 = arith.constant 0 : i32
        %add3A_1793 = arith.addi %mul3A_333, %add3A_1792 : i32
        %add3A_1794 = arith.constant 0 : i32
        %add3A_1795 = arith.addi %mul3A_333, %add3A_1794 : i32
        %dma_start3A_1796 = arith.constant 0 : i32
        %dma_start3A_1797 = arith.constant 0 : i32
        %dma_start3A_1798 = arith.constant 0 : i32
        %dma_start3A_1799 = tpu.memref_slice %arg16[%dma_start3A_1797, %add3A_1795, %dma_start3A_1798] : memref<2x64x128xf32, #tpu.memory_space<vmem>> -> memref<1x1x128xf32, #tpu.memory_space<vmem>>
        %dma_start3A_1800 = tpu.memref_squeeze %dma_start3A_1799 : memref<1x1x128xf32, #tpu.memory_space<vmem>> -> memref<128xf32, #tpu.memory_space<vmem>>
        %dma_start3A_1801 = arith.constant 0 : i32
        %dma_start3A_1802 = tpu.memref_slice %arg15[%dma_start3A_1796, %add3A_1793, %dma_start3A_1801] : memref<2x64x128xi32, #tpu.memory_space<vmem>> -> memref<1x1x128xi32, #tpu.memory_space<vmem>>
        %dma_start3A_1803 = tpu.memref_squeeze %dma_start3A_1802 : memref<1x1x128xi32, #tpu.memory_space<vmem>> -> memref<128xi32, #tpu.memory_space<vmem>>
        %dma_start3A_1804 = arith.constant 0 : i32
        %dma_start3A_1805 = tpu.memref_slice %arg5[%dma_start3A_1804] : memref<16777216xf32, #tpu.memory_space<hbm>> -> memref<16777216xf32, #tpu.memory_space<hbm>>
        tpu.enqueue_indirect_dma source(%dma_start3A_1805 : memref<16777216xf32, #tpu.memory_space<hbm>>) target(%dma_start3A_1800 : memref<128xf32, #tpu.memory_space<vmem>>) offsets(%dma_start3A_1803 : memref<128xi32, #tpu.memory_space<vmem>>) semaphore(%arg19 : memref<!tpu.dma_semaphore, #tpu.memory_space<semaphore_mem>>)
        %add3A_1806 = arith.constant 1 : i32
        %add3A_1807 = arith.addi %mul3A_333, %add3A_1806 : i32
        %add3A_1808 = arith.constant 1 : i32
        %add3A_1809 = arith.addi %mul3A_333, %add3A_1808 : i32
        %dma_start3A_1810 = arith.constant 0 : i32
        %dma_start3A_1811 = arith.constant 0 : i32
        %dma_start3A_1812 = arith.constant 0 : i32
        %dma_start3A_1813 = tpu.memref_slice %arg16[%dma_start3A_1811, %add3A_1809, %dma_start3A_1812] : memref<2x64x128xf32, #tpu.memory_space<vmem>> -> memref<1x1x128xf32, #tpu.memory_space<vmem>>
        %dma_start3A_1814 = tpu.memref_squeeze %dma_start3A_1813 : memref<1x1x128xf32, #tpu.memory_space<vmem>> -> memref<128xf32, #tpu.memory_space<vmem>>
        %dma_start3A_1815 = arith.constant 0 : i32
        %dma_start3A_1816 = tpu.memref_slice %arg15[%dma_start3A_1810, %add3A_1807, %dma_start3A_1815] : memref<2x64x128xi32, #tpu.memory_space<vmem>> -> memref<1x1x128xi32, #tpu.memory_space<vmem>>
        %dma_start3A_1817 = tpu.memref_squeeze %dma_start3A_1816 : memref<1x1x128xi32, #tpu.memory_space<vmem>> -> memref<128xi32, #tpu.memory_space<vmem>>
        %dma_start3A_1818 = arith.constant 0 : i32
        %dma_start3A_1819 = tpu.memref_slice %arg5[%dma_start3A_1818] : memref<16777216xf32, #tpu.memory_space<hbm>> -> memref<16777216xf32, #tpu.memory_space<hbm>>
        tpu.enqueue_indirect_dma source(%dma_start3A_1819 : memref<16777216xf32, #tpu.memory_space<hbm>>) target(%dma_start3A_1814 : memref<128xf32, #tpu.memory_space<vmem>>) offsets(%dma_start3A_1817 : memref<128xi32, #tpu.memory_space<vmem>>) semaphore(%arg19 : memref<!tpu.dma_semaphore, #tpu.memory_space<semaphore_mem>>)
        %add3A_1820 = arith.constant 2 : i32
        %add3A_1821 = arith.addi %mul3A_333, %add3A_1820 : i32
        %add3A_1822 = arith.constant 2 : i32
        %add3A_1823 = arith.addi %mul3A_333, %add3A_1822 : i32
        %dma_start3A_1824 = arith.constant 0 : i32
        %dma_start3A_1825 = arith.constant 0 : i32
        %dma_start3A_1826 = arith.constant 0 : i32
        %dma_start3A_1827 = tpu.memref_slice %arg16[%dma_start3A_1825, %add3A_1823, %dma_start3A_1826] : memref<2x64x128xf32, #tpu.memory_space<vmem>> -> memref<1x1x128xf32, #tpu.memory_space<vmem>>
        %dma_start3A_1828 = tpu.memref_squeeze %dma_start3A_1827 : memref<1x1x128xf32, #tpu.memory_space<vmem>> -> memref<128xf32, #tpu.memory_space<vmem>>
        %dma_start3A_1829 = arith.constant 0 : i32
        %dma_start3A_1830 = tpu.memref_slice %arg15[%dma_start3A_1824, %add3A_1821, %dma_start3A_1829] : memref<2x64x128xi32, #tpu.memory_space<vmem>> -> memref<1x1x128xi32, #tpu.memory_space<vmem>>
        %dma_start3A_1831 = tpu.memref_squeeze %dma_start3A_1830 : memref<1x1x128xi32, #tpu.memory_space<vmem>> -> memref<128xi32, #tpu.memory_space<vmem>>
        %dma_start3A_1832 = arith.constant 0 : i32
        %dma_start3A_1833 = tpu.memref_slice %arg5[%dma_start3A_1832] : memref<16777216xf32, #tpu.memory_space<hbm>> -> memref<16777216xf32, #tpu.memory_space<hbm>>
        tpu.enqueue_indirect_dma source(%dma_start3A_1833 : memref<16777216xf32, #tpu.memory_space<hbm>>) target(%dma_start3A_1828 : memref<128xf32, #tpu.memory_space<vmem>>) offsets(%dma_start3A_1831 : memref<128xi32, #tpu.memory_space<vmem>>) semaphore(%arg19 : memref<!tpu.dma_semaphore, #tpu.memory_space<semaphore_mem>>)
        %add3A_1834 = arith.constant 3 : i32
        %add3A_1835 = arith.addi %mul3A_333, %add3A_1834 : i32
        %add3A_1836 = arith.constant 3 : i32
        %add3A_1837 = arith.addi %mul3A_333, %add3A_1836 : i32
        %dma_start3A_1838 = arith.constant 0 : i32
        %dma_start3A_1839 = arith.constant 0 : i32
        %dma_start3A_1840 = arith.constant 0 : i32
        %dma_start3A_1841 = tpu.memref_slice %arg16[%dma_start3A_1839, %add3A_1837, %dma_start3A_1840] : memref<2x64x128xf32, #tpu.memory_space<vmem>> -> memref<1x1x128xf32, #tpu.memory_space<vmem>>
        %dma_start3A_1842 = tpu.memref_squeeze %dma_start3A_1841 : memref<1x1x128xf32, #tpu.memory_space<vmem>> -> memref<128xf32, #tpu.memory_space<vmem>>
        %dma_start3A_1843 = arith.constant 0 : i32
        %dma_start3A_1844 = tpu.memref_slice %arg15[%dma_start3A_1838, %add3A_1835, %dma_start3A_1843] : memref<2x64x128xi32, #tpu.memory_space<vmem>> -> memref<1x1x128xi32, #tpu.memory_space<vmem>>
        %dma_start3A_1845 = tpu.memref_squeeze %dma_start3A_1844 : memref<1x1x128xi32, #tpu.memory_space<vmem>> -> memref<128xi32, #tpu.memory_space<vmem>>
        %dma_start3A_1846 = arith.constant 0 : i32
        %dma_start3A_1847 = tpu.memref_slice %arg5[%dma_start3A_1846] : memref<16777216xf32, #tpu.memory_space<hbm>> -> memref<16777216xf32, #tpu.memory_space<hbm>>
        tpu.enqueue_indirect_dma source(%dma_start3A_1847 : memref<16777216xf32, #tpu.memory_space<hbm>>) target(%dma_start3A_1842 : memref<128xf32, #tpu.memory_space<vmem>>) offsets(%dma_start3A_1845 : memref<128xi32, #tpu.memory_space<vmem>>) semaphore(%arg19 : memref<!tpu.dma_semaphore, #tpu.memory_space<semaphore_mem>>)
        %add3A_1848 = arith.constant 4 : i32
        %add3A_1849 = arith.addi %mul3A_333, %add3A_1848 : i32
        %add3A_1850 = arith.constant 4 : i32
        %add3A_1851 = arith.addi %mul3A_333, %add3A_1850 : i32
        %dma_start3A_1852 = arith.constant 0 : i32
        %dma_start3A_1853 = arith.constant 0 : i32
        %dma_start3A_1854 = arith.constant 0 : i32
        %dma_start3A_1855 = tpu.memref_slice %arg16[%dma_start3A_1853, %add3A_1851, %dma_start3A_1854] : memref<2x64x128xf32, #tpu.memory_space<vmem>> -> memref<1x1x128xf32, #tpu.memory_space<vmem>>
        %dma_start3A_1856 = tpu.memref_squeeze %dma_start3A_1855 : memref<1x1x128xf32, #tpu.memory_space<vmem>> -> memref<128xf32, #tpu.memory_space<vmem>>
        %dma_start3A_1857 = arith.constant 0 : i32
        %dma_start3A_1858 = tpu.memref_slice %arg15[%dma_start3A_1852, %add3A_1849, %dma_start3A_1857] : memref<2x64x128xi32, #tpu.memory_space<vmem>> -> memref<1x1x128xi32, #tpu.memory_space<vmem>>
        %dma_start3A_1859 = tpu.memref_squeeze %dma_start3A_1858 : memref<1x1x128xi32, #tpu.memory_space<vmem>> -> memref<128xi32, #tpu.memory_space<vmem>>
        %dma_start3A_1860 = arith.constant 0 : i32
        %dma_start3A_1861 = tpu.memref_slice %arg5[%dma_start3A_1860] : memref<16777216xf32, #tpu.memory_space<hbm>> -> memref<16777216xf32, #tpu.memory_space<hbm>>
        tpu.enqueue_indirect_dma source(%dma_start3A_1861 : memref<16777216xf32, #tpu.memory_space<hbm>>) target(%dma_start3A_1856 : memref<128xf32, #tpu.memory_space<vmem>>) offsets(%dma_start3A_1859 : memref<128xi32, #tpu.memory_space<vmem>>) semaphore(%arg19 : memref<!tpu.dma_semaphore, #tpu.memory_space<semaphore_mem>>)
        %add3A_1862 = arith.constant 5 : i32
        %add3A_1863 = arith.addi %mul3A_333, %add3A_1862 : i32
        %add3A_1864 = arith.constant 5 : i32
        %add3A_1865 = arith.addi %mul3A_333, %add3A_1864 : i32
        %dma_start3A_1866 = arith.constant 0 : i32
        %dma_start3A_1867 = arith.constant 0 : i32
        %dma_start3A_1868 = arith.constant 0 : i32
        %dma_start3A_1869 = tpu.memref_slice %arg16[%dma_start3A_1867, %add3A_1865, %dma_start3A_1868] : memref<2x64x128xf32, #tpu.memory_space<vmem>> -> memref<1x1x128xf32, #tpu.memory_space<vmem>>
        %dma_start3A_1870 = tpu.memref_squeeze %dma_start3A_1869 : memref<1x1x128xf32, #tpu.memory_space<vmem>> -> memref<128xf32, #tpu.memory_space<vmem>>
        %dma_start3A_1871 = arith.constant 0 : i32
        %dma_start3A_1872 = tpu.memref_slice %arg15[%dma_start3A_1866, %add3A_1863, %dma_start3A_1871] : memref<2x64x128xi32, #tpu.memory_space<vmem>> -> memref<1x1x128xi32, #tpu.memory_space<vmem>>
        %dma_start3A_1873 = tpu.memref_squeeze %dma_start3A_1872 : memref<1x1x128xi32, #tpu.memory_space<vmem>> -> memref<128xi32, #tpu.memory_space<vmem>>
        %dma_start3A_1874 = arith.constant 0 : i32
        %dma_start3A_1875 = tpu.memref_slice %arg5[%dma_start3A_1874] : memref<16777216xf32, #tpu.memory_space<hbm>> -> memref<16777216xf32, #tpu.memory_space<hbm>>
        tpu.enqueue_indirect_dma source(%dma_start3A_1875 : memref<16777216xf32, #tpu.memory_space<hbm>>) target(%dma_start3A_1870 : memref<128xf32, #tpu.memory_space<vmem>>) offsets(%dma_start3A_1873 : memref<128xi32, #tpu.memory_space<vmem>>) semaphore(%arg19 : memref<!tpu.dma_semaphore, #tpu.memory_space<semaphore_mem>>)
        %add3A_1876 = arith.constant 6 : i32
        %add3A_1877 = arith.addi %mul3A_333, %add3A_1876 : i32
        %add3A_1878 = arith.constant 6 : i32
        %add3A_1879 = arith.addi %mul3A_333, %add3A_1878 : i32
        %dma_start3A_1880 = arith.constant 0 : i32
        %dma_start3A_1881 = arith.constant 0 : i32
        %dma_start3A_1882 = arith.constant 0 : i32
        %dma_start3A_1883 = tpu.memref_slice %arg16[%dma_start3A_1881, %add3A_1879, %dma_start3A_1882] : memref<2x64x128xf32, #tpu.memory_space<vmem>> -> memref<1x1x128xf32, #tpu.memory_space<vmem>>
        %dma_start3A_1884 = tpu.memref_squeeze %dma_start3A_1883 : memref<1x1x128xf32, #tpu.memory_space<vmem>> -> memref<128xf32, #tpu.memory_space<vmem>>
        %dma_start3A_1885 = arith.constant 0 : i32
        %dma_start3A_1886 = tpu.memref_slice %arg15[%dma_start3A_1880, %add3A_1877, %dma_start3A_1885] : memref<2x64x128xi32, #tpu.memory_space<vmem>> -> memref<1x1x128xi32, #tpu.memory_space<vmem>>
        %dma_start3A_1887 = tpu.memref_squeeze %dma_start3A_1886 : memref<1x1x128xi32, #tpu.memory_space<vmem>> -> memref<128xi32, #tpu.memory_space<vmem>>
        %dma_start3A_1888 = arith.constant 0 : i32
        %dma_start3A_1889 = tpu.memref_slice %arg5[%dma_start3A_1888] : memref<16777216xf32, #tpu.memory_space<hbm>> -> memref<16777216xf32, #tpu.memory_space<hbm>>
        tpu.enqueue_indirect_dma source(%dma_start3A_1889 : memref<16777216xf32, #tpu.memory_space<hbm>>) target(%dma_start3A_1884 : memref<128xf32, #tpu.memory_space<vmem>>) offsets(%dma_start3A_1887 : memref<128xi32, #tpu.memory_space<vmem>>) semaphore(%arg19 : memref<!tpu.dma_semaphore, #tpu.memory_space<semaphore_mem>>)
        %add3A_1890 = arith.constant 7 : i32
        %add3A_1891 = arith.addi %mul3A_333, %add3A_1890 : i32
        %add3A_1892 = arith.constant 7 : i32
        %add3A_1893 = arith.addi %mul3A_333, %add3A_1892 : i32
        %dma_start3A_1894 = arith.constant 0 : i32
        %dma_start3A_1895 = arith.constant 0 : i32
        %dma_start3A_1896 = arith.constant 0 : i32
        %dma_start3A_1897 = tpu.memref_slice %arg16[%dma_start3A_1895, %add3A_1893, %dma_start3A_1896] : memref<2x64x128xf32, #tpu.memory_space<vmem>> -> memref<1x1x128xf32, #tpu.memory_space<vmem>>
        %dma_start3A_1898 = tpu.memref_squeeze %dma_start3A_1897 : memref<1x1x128xf32, #tpu.memory_space<vmem>> -> memref<128xf32, #tpu.memory_space<vmem>>
        %dma_start3A_1899 = arith.constant 0 : i32
        %dma_start3A_1900 = tpu.memref_slice %arg15[%dma_start3A_1894, %add3A_1891, %dma_start3A_1899] : memref<2x64x128xi32, #tpu.memory_space<vmem>> -> memref<1x1x128xi32, #tpu.memory_space<vmem>>
        %dma_start3A_1901 = tpu.memref_squeeze %dma_start3A_1900 : memref<1x1x128xi32, #tpu.memory_space<vmem>> -> memref<128xi32, #tpu.memory_space<vmem>>
        %dma_start3A_1902 = arith.constant 0 : i32
        %dma_start3A_1903 = tpu.memref_slice %arg5[%dma_start3A_1902] : memref<16777216xf32, #tpu.memory_space<hbm>> -> memref<16777216xf32, #tpu.memory_space<hbm>>
        tpu.enqueue_indirect_dma source(%dma_start3A_1903 : memref<16777216xf32, #tpu.memory_space<hbm>>) target(%dma_start3A_1898 : memref<128xf32, #tpu.memory_space<vmem>>) offsets(%dma_start3A_1901 : memref<128xi32, #tpu.memory_space<vmem>>) semaphore(%arg19 : memref<!tpu.dma_semaphore, #tpu.memory_space<semaphore_mem>>)
        %scan3A_1904 = arith.constant 0 : i32
        scf.yield %scan3A_1904 : i32
      }
      %scan3A_243 = arith.constant 8 : i32
      %gt3A = arith.constant 0 : i32
      %gt3A_244 = arith.cmpi sgt, %mul3A_170, %gt3A : i32
      %convert_element_type3A = arith.extui %gt3A_244 : i1 to i32
      %cond3A = arith.constant 0 : i32
      %cond3A_245 = arith.cmpi ne, %convert_element_type3A, %cond3A : i32
      scf.if %cond3A_245 {
        %sub3A = arith.constant 1 : i32
        %sub3A_330 = arith.subi %mul3A_170, %sub3A : i32
        %ge3A = arith.constant 2 : i32
        %ge3A_331 = arith.cmpi sge, %sub3A_330, %ge3A : i32
        %convert_element_type3A_332 = arith.extui %ge3A_331 : i1 to i32
        %cond3A_333 = arith.constant 0 : i32
        %cond3A_334 = arith.cmpi ne, %convert_element_type3A_332, %cond3A_333 : i32
        scf.if %cond3A_334 {
          %dma_wait3A_369 = arith.constant 1 : i32
          %dma_wait3A_370 = arith.constant 0 : i32
          %dma_wait3A_371 = tpu.memref_slice %arg17[%dma_wait3A_369, %dma_wait3A_370] : memref<2x1024xi32, #tpu.memory_space<vmem>> -> memref<1x1024xi32, #tpu.memory_space<vmem>>
          %dma_wait3A_372 = tpu.memref_squeeze %dma_wait3A_371 : memref<1x1024xi32, #tpu.memory_space<vmem>> -> memref<1024xi32, #tpu.memory_space<vmem>>
          %dma_wait3A_373 = arith.constant 0 : i32
          %dma_wait3A_374 = tpu.memref_slice %arg8[%dma_wait3A_373] : memref<2097152xi32, #tpu.memory_space<hbm>> -> memref<1024xi32, #tpu.memory_space<hbm>>
          %dma_wait3A_375 = arith.constant 0 : i32
          %dma_wait3A_376 = tpu.memref_slice %arg17[%dma_wait3A_369, %dma_wait3A_375] : memref<2x1024xi32, #tpu.memory_space<vmem>> -> memref<1x1024xi32, #tpu.memory_space<vmem>>
          %dma_wait3A_377 = tpu.memref_squeeze %dma_wait3A_376 : memref<1x1024xi32, #tpu.memory_space<vmem>> -> memref<1024xi32, #tpu.memory_space<vmem>>
          %dma_wait3A_378 = arith.constant 0 : i32
          %dma_wait3A_379 = tpu.memref_slice %arg8[%dma_wait3A_378] : memref<2097152xi32, #tpu.memory_space<hbm>> -> memref<1024xi32, #tpu.memory_space<hbm>>
          tpu.wait_dma2 semaphore(%arg23 : memref<!tpu.dma_semaphore, #tpu.memory_space<semaphore_mem>>) src(%dma_wait3A_379 : memref<1024xi32, #tpu.memory_space<hbm>>) dst(%dma_wait3A_377 : memref<1024xi32, #tpu.memory_space<vmem>>)
        } else {
        }
        %dma_wait3A_335 = arith.constant 1 : i32
        %dma_wait3A_336 = arith.constant 0 : i32
        %dma_wait3A_337 = arith.constant 0 : i32
        %dma_wait3A_338 = tpu.memref_slice %arg16[%dma_wait3A_335, %dma_wait3A_336, %dma_wait3A_337] : memref<2x64x128xf32, #tpu.memory_space<vmem>> -> memref<1x64x128xf32, #tpu.memory_space<vmem>>
        %dma_wait3A_339 = tpu.memref_squeeze %dma_wait3A_338 : memref<1x64x128xf32, #tpu.memory_space<vmem>> -> memref<64x128xf32, #tpu.memory_space<vmem>>
        %dma_wait3A_340 = arith.constant 0 : i32
        %dma_wait3A_341 = arith.constant 0 : i32
        %dma_wait3A_342 = tpu.memref_slice %arg6[%dma_wait3A_340, %dma_wait3A_341] : memref<131072x128xf32, #tpu.memory_space<hbm>> -> memref<64x128xf32, #tpu.memory_space<hbm>>
        %dma_wait3A_343 = arith.constant 0 : i32
        %dma_wait3A_344 = arith.constant 0 : i32
        %dma_wait3A_345 = tpu.memref_slice %arg16[%dma_wait3A_335, %dma_wait3A_343, %dma_wait3A_344] : memref<2x64x128xf32, #tpu.memory_space<vmem>> -> memref<1x64x128xf32, #tpu.memory_space<vmem>>
        %dma_wait3A_346 = tpu.memref_squeeze %dma_wait3A_345 : memref<1x64x128xf32, #tpu.memory_space<vmem>> -> memref<64x128xf32, #tpu.memory_space<vmem>>
        %dma_wait3A_347 = arith.constant 0 : i32
        %dma_wait3A_348 = arith.constant 0 : i32
        %dma_wait3A_349 = tpu.memref_slice %arg6[%dma_wait3A_347, %dma_wait3A_348] : memref<131072x128xf32, #tpu.memory_space<hbm>> -> memref<64x128xf32, #tpu.memory_space<hbm>>
        tpu.wait_dma2 semaphore(%arg20 : memref<!tpu.dma_semaphore, #tpu.memory_space<semaphore_mem>>) src(%dma_wait3A_349 : memref<64x128xf32, #tpu.memory_space<hbm>>) dst(%dma_wait3A_346 : memref<64x128xf32, #tpu.memory_space<vmem>>)
        %scan3A_350 = arith.constant 0 : i32
        %scan3A_351 = arith.constant 0 : i32
        %scan3A_352 = arith.constant 64 : i32
        %scan3A_353 = arith.addi %scan3A_351, %scan3A_352 : i32
        %scan3A_354 = arith.constant 1 : i32
        %scan3A_355 = scf.for %scan3A_369 = %scan3A_351 to %scan3A_353 step %scan3A_354 iter_args(%scan3A_370 = %scan3A_350) -> (i32)  : i32 {
          %mul3A_371 = arith.constant 16 : i32
          %mul3A_372 = arith.muli %scan3A_369, %mul3A_371 : i32
          %shift_right_arithmetic3A = arith.constant 3 : i32
          %shift_right_arithmetic3A_373 = arith.shrsi %scan3A_369, %shift_right_arithmetic3A : i32
          %mul3A_374 = arith.constant 8 : i32
          %mul3A_375 = arith.muli %shift_right_arithmetic3A_373, %mul3A_374 : i32
          %and3A = arith.constant 7 : i32
          %and3A_376 = arith.andi %scan3A_369, %and3A : i32
          %mul3A_377 = arith.constant 16 : i32
          %mul3A_378 = arith.muli %and3A_376, %mul3A_377 : i32
          %add3A_379 = arith.constant 0 : i32
          %add3A_380 = arith.addi %mul3A_375, %add3A_379 : i32
          %get3A_381 = arith.constant 1 : i32
          %get3A_382 = arith.index_cast %get3A_381 : i32 to index
          %get3A_383 = arith.index_cast %add3A_380 : i32 to index
          %get3A_384 = arith.index_cast %mul3A_378 : i32 to index
          %get3A_385 = tpu.vector_load %arg16[%get3A_382, %get3A_383, %get3A_384] {strides = array<i32>} : memref<2x64x128xf32, #tpu.memory_space<vmem>>, vector<1x1x16xf32>,
          %get3A_386 = vector.shape_cast %get3A_385 : vector<1x1x16xf32> to vector<16xf32>
          %add3A_387 = arith.constant 1 : i32
          %add3A_388 = arith.addi %mul3A_375, %add3A_387 : i32
          %get3A_389 = arith.constant 1 : i32
          %get3A_390 = arith.index_cast %get3A_389 : i32 to index
          %get3A_391 = arith.index_cast %add3A_388 : i32 to index
          %get3A_392 = arith.index_cast %mul3A_378 : i32 to index
          %get3A_393 = tpu.vector_load %arg16[%get3A_390, %get3A_391, %get3A_392] {strides = array<i32>} : memref<2x64x128xf32, #tpu.memory_space<vmem>>, vector<1x1x16xf32>,
          %get3A_394 = vector.shape_cast %get3A_393 : vector<1x1x16xf32> to vector<16xf32>
          %add3A_395 = arith.constant 2 : i32
          %add3A_396 = arith.addi %mul3A_375, %add3A_395 : i32
          %get3A_397 = arith.constant 1 : i32
          %get3A_398 = arith.index_cast %get3A_397 : i32 to index
          %get3A_399 = arith.index_cast %add3A_396 : i32 to index
          %get3A_400 = arith.index_cast %mul3A_378 : i32 to index
          %get3A_401 = tpu.vector_load %arg16[%get3A_398, %get3A_399, %get3A_400] {strides = array<i32>} : memref<2x64x128xf32, #tpu.memory_space<vmem>>, vector<1x1x16xf32>,
          %get3A_402 = vector.shape_cast %get3A_401 : vector<1x1x16xf32> to vector<16xf32>
          %add3A_403 = arith.constant 3 : i32
          %add3A_404 = arith.addi %mul3A_375, %add3A_403 : i32
          %get3A_405 = arith.constant 1 : i32
          %get3A_406 = arith.index_cast %get3A_405 : i32 to index
          %get3A_407 = arith.index_cast %add3A_404 : i32 to index
          %get3A_408 = arith.index_cast %mul3A_378 : i32 to index
          %get3A_409 = tpu.vector_load %arg16[%get3A_406, %get3A_407, %get3A_408] {strides = array<i32>} : memref<2x64x128xf32, #tpu.memory_space<vmem>>, vector<1x1x16xf32>,
          %get3A_410 = vector.shape_cast %get3A_409 : vector<1x1x16xf32> to vector<16xf32>
          %add3A_411 = arith.constant 4 : i32
          %add3A_412 = arith.addi %mul3A_375, %add3A_411 : i32
          %get3A_413 = arith.constant 1 : i32
          %get3A_414 = arith.index_cast %get3A_413 : i32 to index
          %get3A_415 = arith.index_cast %add3A_412 : i32 to index
          %get3A_416 = arith.index_cast %mul3A_378 : i32 to index
          %get3A_417 = tpu.vector_load %arg16[%get3A_414, %get3A_415, %get3A_416] {strides = array<i32>} : memref<2x64x128xf32, #tpu.memory_space<vmem>>, vector<1x1x16xf32>,
          %get3A_418 = vector.shape_cast %get3A_417 : vector<1x1x16xf32> to vector<16xf32>
          %add3A_419 = arith.constant 5 : i32
          %add3A_420 = arith.addi %mul3A_375, %add3A_419 : i32
          %get3A_421 = arith.constant 1 : i32
          %get3A_422 = arith.index_cast %get3A_421 : i32 to index
          %get3A_423 = arith.index_cast %add3A_420 : i32 to index
          %get3A_424 = arith.index_cast %mul3A_378 : i32 to index
          %get3A_425 = tpu.vector_load %arg16[%get3A_422, %get3A_423, %get3A_424] {strides = array<i32>} : memref<2x64x128xf32, #tpu.memory_space<vmem>>, vector<1x1x16xf32>,
          %get3A_426 = vector.shape_cast %get3A_425 : vector<1x1x16xf32> to vector<16xf32>
          %add3A_427 = arith.constant 6 : i32
          %add3A_428 = arith.addi %mul3A_375, %add3A_427 : i32
          %get3A_429 = arith.constant 1 : i32
          %get3A_430 = arith.index_cast %get3A_429 : i32 to index
          %get3A_431 = arith.index_cast %add3A_428 : i32 to index
          %get3A_432 = arith.index_cast %mul3A_378 : i32 to index
          %get3A_433 = tpu.vector_load %arg16[%get3A_430, %get3A_431, %get3A_432] {strides = array<i32>} : memref<2x64x128xf32, #tpu.memory_space<vmem>>, vector<1x1x16xf32>,
          %get3A_434 = vector.shape_cast %get3A_433 : vector<1x1x16xf32> to vector<16xf32>
          %add3A_435 = arith.constant 7 : i32
          %add3A_436 = arith.addi %mul3A_375, %add3A_435 : i32
          %get3A_437 = arith.constant 1 : i32
          %get3A_438 = arith.index_cast %get3A_437 : i32 to index
          %get3A_439 = arith.index_cast %add3A_436 : i32 to index
          %get3A_440 = arith.index_cast %mul3A_378 : i32 to index
          %get3A_441 = tpu.vector_load %arg16[%get3A_438, %get3A_439, %get3A_440] {strides = array<i32>} : memref<2x64x128xf32, #tpu.memory_space<vmem>>, vector<1x1x16xf32>,
          %get3A_442 = vector.shape_cast %get3A_441 : vector<1x1x16xf32> to vector<16xf32>
          %get3A_443 = arith.constant 1 : i32
          %get3A_444 = arith.index_cast %get3A_443 : i32 to index
          %get3A_445 = arith.index_cast %mul3A_372 : i32 to index
          %get3A_446 = tpu.vector_load %arg12[%get3A_444, %get3A_445] {strides = array<i32>} : memref<2x1024xf32, #tpu.memory_space<vmem>>, vector<1x16xf32>,
          %get3A_447 = vector.shape_cast %get3A_446 : vector<1x16xf32> to vector<16xf32>
          %get3A_448 = arith.constant 1 : i32
          %get3A_449 = arith.index_cast %get3A_448 : i32 to index
          %get3A_450 = arith.index_cast %mul3A_372 : i32 to index
          %get3A_451 = tpu.vector_load %arg13[%get3A_449, %get3A_450] {strides = array<i32>} : memref<2x1024xf32, #tpu.memory_space<vmem>>, vector<1x16xf32>,
          %get3A_452 = vector.shape_cast %get3A_451 : vector<1x16xf32> to vector<16xf32>
          %get3A_453 = arith.constant 1 : i32
          %get3A_454 = arith.index_cast %get3A_453 : i32 to index
          %get3A_455 = arith.index_cast %mul3A_372 : i32 to index
          %get3A_456 = tpu.vector_load %arg14[%get3A_454, %get3A_455] {strides = array<i32>} : memref<2x1024xf32, #tpu.memory_space<vmem>>, vector<1x16xf32>,
          %get3A_457 = vector.shape_cast %get3A_456 : vector<1x16xf32> to vector<16xf32>
          %sub3A_458 = arith.subf %get3A_394, %get3A_386 : vector<16xf32>
          %mul3A_459 = arith.mulf %sub3A_458, %get3A_447 : vector<16xf32>
          %add3A_460 = arith.addf %get3A_386, %mul3A_459 : vector<16xf32>
          %sub3A_461 = arith.subf %get3A_410, %get3A_402 : vector<16xf32>
          %mul3A_462 = arith.mulf %sub3A_461, %get3A_447 : vector<16xf32>
          %add3A_463 = arith.addf %get3A_402, %mul3A_462 : vector<16xf32>
          %sub3A_464 = arith.subf %get3A_426, %get3A_418 : vector<16xf32>
          %mul3A_465 = arith.mulf %sub3A_464, %get3A_447 : vector<16xf32>
          %add3A_466 = arith.addf %get3A_418, %mul3A_465 : vector<16xf32>
          %sub3A_467 = arith.subf %get3A_442, %get3A_434 : vector<16xf32>
          %mul3A_468 = arith.mulf %sub3A_467, %get3A_447 : vector<16xf32>
          %add3A_469 = arith.addf %get3A_434, %mul3A_468 : vector<16xf32>
          %sub3A_470 = arith.subf %add3A_463, %add3A_460 : vector<16xf32>
          %mul3A_471 = arith.mulf %sub3A_470, %get3A_452 : vector<16xf32>
          %add3A_472 = arith.addf %add3A_460, %mul3A_471 : vector<16xf32>
          %sub3A_473 = arith.subf %add3A_469, %add3A_466 : vector<16xf32>
          %mul3A_474 = arith.mulf %sub3A_473, %get3A_452 : vector<16xf32>
          %add3A_475 = arith.addf %add3A_466, %mul3A_474 : vector<16xf32>
          %sub3A_476 = arith.subf %add3A_475, %add3A_472 : vector<16xf32>
          %mul3A_477 = arith.mulf %sub3A_476, %get3A_457 : vector<16xf32>
          %add3A_478 = arith.addf %add3A_472, %mul3A_477 : vector<16xf32>
          %ge3A_479 = arith.cmpf oge, %add3A_478, %broadcast_in_dim3A_32 : vector<16xf32>
          %select_n3A = arith.select %ge3A_479, %broadcast_in_dim3A_34, %broadcast_in_dim3A_36 : vector<16xi1>, vector<16xi32>
          %swap3A = arith.constant 1 : i32
          %swap3A_480 = arith.index_cast %swap3A : i32 to index
          %swap3A_481 = arith.index_cast %mul3A_372 : i32 to index
          %swap3A_482 = tpu.vector_load %arg17[%swap3A_480, %swap3A_481] {strides = array<i32>} : memref<2x1024xi32, #tpu.memory_space<vmem>>, vector<1x16xi32>,
          %swap3A_483 = vector.shape_cast %swap3A_482 : vector<1x16xi32> to vector<16xi32>
          %swap3A_484 = vector.shape_cast %select_n3A : vector<16xi32> to vector<1x16xi32>
          tpu.vector_store %arg17[%swap3A_480, %swap3A_481], %swap3A_484 {strides = array<i32>} : memref<2x1024xi32, #tpu.memory_space<vmem>>, vector<1x16xi32>,
          %scan3A_485 = arith.constant 0 : i32
          scf.yield %scan3A_485 : i32
        }
        %scan3A_356 = arith.constant 64 : i32
        %mul3A_357 = arith.constant 1024 : i32
        %mul3A_358 = arith.muli %sub3A_330, %mul3A_357 : i32
        %add3A_359 = arith.addi %mul3A_2, %mul3A_358 : i32
        %dma_start3A_360 = arith.constant 1 : i32
        %dma_start3A_361 = arith.constant 0 : i32
        %dma_start3A_362 = tpu.memref_slice %arg17[%dma_start3A_360, %dma_start3A_361] : memref<2x1024xi32, #tpu.memory_space<vmem>> -> memref<1x1024xi32, #tpu.memory_space<vmem>>
        %dma_start3A_363 = tpu.memref_squeeze %dma_start3A_362 : memref<1x1024xi32, #tpu.memory_space<vmem>> -> memref<1024xi32, #tpu.memory_space<vmem>>
        %dma_start3A_364 = tpu.memref_slice %arg8[%add3A_359] : memref<2097152xi32, #tpu.memory_space<hbm>> -> memref<1024xi32, #tpu.memory_space<hbm>>
        %dma_start3A_365 = tpu.memref_slice %arg8[%add3A_359] : memref<2097152xi32, #tpu.memory_space<hbm>> -> memref<1024xi32, #tpu.memory_space<hbm>>
        %dma_start3A_366 = arith.constant 0 : i32
        %dma_start3A_367 = tpu.memref_slice %arg17[%dma_start3A_360, %dma_start3A_366] : memref<2x1024xi32, #tpu.memory_space<vmem>> -> memref<1x1024xi32, #tpu.memory_space<vmem>>
        %dma_start3A_368 = tpu.memref_squeeze %dma_start3A_367 : memref<1x1024xi32, #tpu.memory_space<vmem>> -> memref<1024xi32, #tpu.memory_space<vmem>>
        tpu.enqueue_dma source(%dma_start3A_368 : memref<1024xi32, #tpu.memory_space<vmem>>) target(%dma_start3A_365 : memref<1024xi32, #tpu.memory_space<hbm>>) target_semaphore(%arg23 : memref<!tpu.dma_semaphore, #tpu.memory_space<semaphore_mem>>)
      } else {
      }
      %mul3A_246 = arith.constant 2 : i32
      %mul3A_247 = arith.muli %mul3A_246, %scan3A_167 : i32
      %add3A_248 = arith.constant 1 : i32
      %add3A_249 = arith.addi %mul3A_247, %add3A_248 : i32
      %dma_wait3A_250 = arith.constant 1 : i32
      %dma_wait3A_251 = arith.constant 0 : i32
      %dma_wait3A_252 = tpu.memref_slice %arg9[%dma_wait3A_250, %dma_wait3A_251] : memref<2x1024xf32, #tpu.memory_space<vmem>> -> memref<1x1024xf32, #tpu.memory_space<vmem>>
      %dma_wait3A_253 = tpu.memref_squeeze %dma_wait3A_252 : memref<1x1024xf32, #tpu.memory_space<vmem>> -> memref<1024xf32, #tpu.memory_space<vmem>>
      %dma_wait3A_254 = arith.constant 0 : i32
      %dma_wait3A_255 = tpu.memref_slice %arg2[%dma_wait3A_254] : memref<2097152xf32, #tpu.memory_space<hbm>> -> memref<1024xf32, #tpu.memory_space<hbm>>
      %dma_wait3A_256 = arith.constant 0 : i32
      %dma_wait3A_257 = tpu.memref_slice %arg9[%dma_wait3A_250, %dma_wait3A_256] : memref<2x1024xf32, #tpu.memory_space<vmem>> -> memref<1x1024xf32, #tpu.memory_space<vmem>>
      %dma_wait3A_258 = tpu.memref_squeeze %dma_wait3A_257 : memref<1x1024xf32, #tpu.memory_space<vmem>> -> memref<1024xf32, #tpu.memory_space<vmem>>
      %dma_wait3A_259 = arith.constant 0 : i32
      %dma_wait3A_260 = tpu.memref_slice %arg2[%dma_wait3A_259] : memref<2097152xf32, #tpu.memory_space<hbm>> -> memref<1024xf32, #tpu.memory_space<hbm>>
      tpu.wait_dma2 semaphore(%arg21 : memref<!tpu.dma_semaphore, #tpu.memory_space<semaphore_mem>>) src(%dma_wait3A_260 : memref<1024xf32, #tpu.memory_space<hbm>>) dst(%dma_wait3A_258 : memref<1024xf32, #tpu.memory_space<vmem>>)
      %dma_wait3A_261 = arith.constant 1 : i32
      %dma_wait3A_262 = arith.constant 0 : i32
      %dma_wait3A_263 = tpu.memref_slice %arg10[%dma_wait3A_261, %dma_wait3A_262] : memref<2x1024xf32, #tpu.memory_space<vmem>> -> memref<1x1024xf32, #tpu.memory_space<vmem>>
      %dma_wait3A_264 = tpu.memref_squeeze %dma_wait3A_263 : memref<1x1024xf32, #tpu.memory_space<vmem>> -> memref<1024xf32, #tpu.memory_space<vmem>>
      %dma_wait3A_265 = arith.constant 0 : i32
      %dma_wait3A_266 = tpu.memref_slice %arg2[%dma_wait3A_265] : memref<2097152xf32, #tpu.memory_space<hbm>> -> memref<1024xf32, #tpu.memory_space<hbm>>
      %dma_wait3A_267 = arith.constant 0 : i32
      %dma_wait3A_268 = tpu.memref_slice %arg10[%dma_wait3A_261, %dma_wait3A_267] : memref<2x1024xf32, #tpu.memory_space<vmem>> -> memref<1x1024xf32, #tpu.memory_space<vmem>>
      %dma_wait3A_269 = tpu.memref_squeeze %dma_wait3A_268 : memref<1x1024xf32, #tpu.memory_space<vmem>> -> memref<1024xf32, #tpu.memory_space<vmem>>
      %dma_wait3A_270 = arith.constant 0 : i32
      %dma_wait3A_271 = tpu.memref_slice %arg2[%dma_wait3A_270] : memref<2097152xf32, #tpu.memory_space<hbm>> -> memref<1024xf32, #tpu.memory_space<hbm>>
      tpu.wait_dma2 semaphore(%arg21 : memref<!tpu.dma_semaphore, #tpu.memory_space<semaphore_mem>>) src(%dma_wait3A_271 : memref<1024xf32, #tpu.memory_space<hbm>>) dst(%dma_wait3A_269 : memref<1024xf32, #tpu.memory_space<vmem>>)
      %dma_wait3A_272 = arith.constant 1 : i32
      %dma_wait3A_273 = arith.constant 0 : i32
      %dma_wait3A_274 = tpu.memref_slice %arg11[%dma_wait3A_272, %dma_wait3A_273] : memref<2x1024xf32, #tpu.memory_space<vmem>> -> memref<1x1024xf32, #tpu.memory_space<vmem>>
      %dma_wait3A_275 = tpu.memref_squeeze %dma_wait3A_274 : memref<1x1024xf32, #tpu.memory_space<vmem>> -> memref<1024xf32, #tpu.memory_space<vmem>>
      %dma_wait3A_276 = arith.constant 0 : i32
      %dma_wait3A_277 = tpu.memref_slice %arg2[%dma_wait3A_276] : memref<2097152xf32, #tpu.memory_space<hbm>> -> memref<1024xf32, #tpu.memory_space<hbm>>
      %dma_wait3A_278 = arith.constant 0 : i32
      %dma_wait3A_279 = tpu.memref_slice %arg11[%dma_wait3A_272, %dma_wait3A_278] : memref<2x1024xf32, #tpu.memory_space<vmem>> -> memref<1x1024xf32, #tpu.memory_space<vmem>>
      %dma_wait3A_280 = tpu.memref_squeeze %dma_wait3A_279 : memref<1x1024xf32, #tpu.memory_space<vmem>> -> memref<1024xf32, #tpu.memory_space<vmem>>
      %dma_wait3A_281 = arith.constant 0 : i32
      %dma_wait3A_282 = tpu.memref_slice %arg2[%dma_wait3A_281] : memref<2097152xf32, #tpu.memory_space<hbm>> -> memref<1024xf32, #tpu.memory_space<hbm>>
      tpu.wait_dma2 semaphore(%arg21 : memref<!tpu.dma_semaphore, #tpu.memory_space<semaphore_mem>>) src(%dma_wait3A_282 : memref<1024xf32, #tpu.memory_space<hbm>>) dst(%dma_wait3A_280 : memref<1024xf32, #tpu.memory_space<vmem>>)
      %add3A_283 = arith.constant 1 : i32
      %add3A_284 = arith.addi %add3A_249, %add3A_283 : i32
      %min3A_285 = arith.constant 63 : i32
      %min3A_286 = arith.minsi %add3A_284, %min3A_285 : i32
      %mul3A_287 = arith.constant 1024 : i32
      %mul3A_288 = arith.muli %min3A_286, %mul3A_287 : i32
      %add3A_289 = arith.addi %mul3A_2, %mul3A_288 : i32
      %dma_start3A_290 = arith.constant 0 : i32
      %dma_start3A_291 = arith.constant 0 : i32
      %dma_start3A_292 = tpu.memref_slice %arg9[%dma_start3A_290, %dma_start3A_291] : memref<2x1024xf32, #tpu.memory_space<vmem>> -> memref<1x1024xf32, #tpu.memory_space<vmem>>
      %dma_start3A_293 = tpu.memref_squeeze %dma_start3A_292 : memref<1x1024xf32, #tpu.memory_space<vmem>> -> memref<1024xf32, #tpu.memory_space<vmem>>
      %dma_start3A_294 = tpu.memref_slice %arg2[%add3A_289] : memref<2097152xf32, #tpu.memory_space<hbm>> -> memref<1024xf32, #tpu.memory_space<hbm>>
      %dma_start3A_295 = arith.constant 0 : i32
      %dma_start3A_296 = tpu.memref_slice %arg9[%dma_start3A_290, %dma_start3A_295] : memref<2x1024xf32, #tpu.memory_space<vmem>> -> memref<1x1024xf32, #tpu.memory_space<vmem>>
      %dma_start3A_297 = tpu.memref_squeeze %dma_start3A_296 : memref<1x1024xf32, #tpu.memory_space<vmem>> -> memref<1024xf32, #tpu.memory_space<vmem>>
      %dma_start3A_298 = tpu.memref_slice %arg2[%add3A_289] : memref<2097152xf32, #tpu.memory_space<hbm>> -> memref<1024xf32, #tpu.memory_space<hbm>>
      tpu.enqueue_dma source(%dma_start3A_298 : memref<1024xf32, #tpu.memory_space<hbm>>) target(%dma_start3A_297 : memref<1024xf32, #tpu.memory_space<vmem>>) target_semaphore(%arg21 : memref<!tpu.dma_semaphore, #tpu.memory_space<semaphore_mem>>)
      %dma_start3A_299 = arith.constant 0 : i32
      %dma_start3A_300 = arith.constant 0 : i32
      %dma_start3A_301 = tpu.memref_slice %arg10[%dma_start3A_299, %dma_start3A_300] : memref<2x1024xf32, #tpu.memory_space<vmem>> -> memref<1x1024xf32, #tpu.memory_space<vmem>>
      %dma_start3A_302 = tpu.memref_squeeze %dma_start3A_301 : memref<1x1024xf32, #tpu.memory_space<vmem>> -> memref<1024xf32, #tpu.memory_space<vmem>>
      %dma_start3A_303 = tpu.memref_slice %arg3[%add3A_289] : memref<2097152xf32, #tpu.memory_space<hbm>> -> memref<1024xf32, #tpu.memory_space<hbm>>
      %dma_start3A_304 = arith.constant 0 : i32
      %dma_start3A_305 = tpu.memref_slice %arg10[%dma_start3A_299, %dma_start3A_304] : memref<2x1024xf32, #tpu.memory_space<vmem>> -> memref<1x1024xf32, #tpu.memory_space<vmem>>
      %dma_start3A_306 = tpu.memref_squeeze %dma_start3A_305 : memref<1x1024xf32, #tpu.memory_space<vmem>> -> memref<1024xf32, #tpu.memory_space<vmem>>
      %dma_start3A_307 = tpu.memref_slice %arg3[%add3A_289] : memref<2097152xf32, #tpu.memory_space<hbm>> -> memref<1024xf32, #tpu.memory_space<hbm>>
      tpu.enqueue_dma source(%dma_start3A_307 : memref<1024xf32, #tpu.memory_space<hbm>>) target(%dma_start3A_306 : memref<1024xf32, #tpu.memory_space<vmem>>) target_semaphore(%arg21 : memref<!tpu.dma_semaphore, #tpu.memory_space<semaphore_mem>>)
      %dma_start3A_308 = arith.constant 0 : i32
      %dma_start3A_309 = arith.constant 0 : i32
      %dma_start3A_310 = tpu.memref_slice %arg11[%dma_start3A_308, %dma_start3A_309] : memref<2x1024xf32, #tpu.memory_space<vmem>> -> memref<1x1024xf32, #tpu.memory_space<vmem>>
      %dma_start3A_311 = tpu.memref_squeeze %dma_start3A_310 : memref<1x1024xf32, #tpu.memory_space<vmem>> -> memref<1024xf32, #tpu.memory_space<vmem>>
      %dma_start3A_312 = tpu.memref_slice %arg4[%add3A_289] : memref<2097152xf32, #tpu.memory_space<hbm>> -> memref<1024xf32, #tpu.memory_space<hbm>>
      %dma_start3A_313 = arith.constant 0 : i32
      %dma_start3A_314 = tpu.memref_slice %arg11[%dma_start3A_308, %dma_start3A_313] : memref<2x1024xf32, #tpu.memory_space<vmem>> -> memref<1x1024xf32, #tpu.memory_space<vmem>>
      %dma_start3A_315 = tpu.memref_squeeze %dma_start3A_314 : memref<1x1024xf32, #tpu.memory_space<vmem>> -> memref<1024xf32, #tpu.memory_space<vmem>>
      %dma_start3A_316 = tpu.memref_slice %arg4[%add3A_289] : memref<2097152xf32, #tpu.memory_space<hbm>> -> memref<1024xf32, #tpu.memory_space<hbm>>
      tpu.enqueue_dma source(%dma_start3A_316 : memref<1024xf32, #tpu.memory_space<hbm>>) target(%dma_start3A_315 : memref<1024xf32, #tpu.memory_space<vmem>>) target_semaphore(%arg21 : memref<!tpu.dma_semaphore, #tpu.memory_space<semaphore_mem>>)
      %scan3A_317 = arith.constant 0 : i32
      %scan3A_318 = arith.constant 0 : i32
      %scan3A_319 = arith.constant 8 : i32
      %scan3A_320 = arith.addi %scan3A_318, %scan3A_319 : i32
      %scan3A_321 = arith.constant 1 : i32
      %scan3A_322 = scf.for %scan3A_330 = %scan3A_318 to %scan3A_320 step %scan3A_321 iter_args(%scan3A_331 = %scan3A_317) -> (i32)  : i32 {
        %mul3A_332 = arith.constant 8 : i32
        %mul3A_333 = arith.muli %scan3A_330, %mul3A_332 : i32
        %mul3A_334 = arith.constant 8 : i32
        %mul3A_335 = arith.muli %scan3A_330, %mul3A_334 : i32
        %add3A_336 = arith.constant 0 : i32
        %add3A_337 = arith.addi %mul3A_335, %add3A_336 : i32
        %mul3A_338 = arith.constant 16 : i32
        %mul3A_339 = arith.muli %add3A_337, %mul3A_338 : i32
        %get3A_340 = arith.constant 1 : i32
        %get3A_341 = arith.index_cast %get3A_340 : i32 to index
        %get3A_342 = arith.index_cast %mul3A_339 : i32 to index
        %get3A_343 = tpu.vector_load %arg9[%get3A_341, %get3A_342] {strides = array<i32>} : memref<2x1024xf32, #tpu.memory_space<vmem>>, vector<1x16xf32>,
        %get3A_344 = vector.shape_cast %get3A_343 : vector<1x16xf32> to vector<16xf32>
        %mul3A_345 = arith.constant 16 : i32
        %mul3A_346 = arith.muli %add3A_337, %mul3A_345 : i32
        %get3A_347 = arith.constant 1 : i32
        %get3A_348 = arith.index_cast %get3A_347 : i32 to index
        %get3A_349 = arith.index_cast %mul3A_346 : i32 to index
        %get3A_350 = tpu.vector_load %arg10[%get3A_348, %get3A_349] {strides = array<i32>} : memref<2x1024xf32, #tpu.memory_space<vmem>>, vector<1x16xf32>,
        %get3A_351 = vector.shape_cast %get3A_350 : vector<1x16xf32> to vector<16xf32>
        %mul3A_352 = arith.constant 16 : i32
        %mul3A_353 = arith.muli %add3A_337, %mul3A_352 : i32
        %get3A_354 = arith.constant 1 : i32
        %get3A_355 = arith.index_cast %get3A_354 : i32 to index
        %get3A_356 = arith.index_cast %mul3A_353 : i32 to index
        %get3A_357 = tpu.vector_load %arg11[%get3A_355, %get3A_356] {strides = array<i32>} : memref<2x1024xf32, #tpu.memory_space<vmem>>, vector<1x16xf32>,
        %get3A_358 = vector.shape_cast %get3A_357 : vector<1x16xf32> to vector<16xf32>
        %mul3A_359 = arith.mulf %get3A_358, %get3A_6 : vector<16xf32>
        %add3A_360 = arith.addf %mul3A_359, %get3A_21 : vector<16xf32>
        %mul3A_361 = arith.mulf %get3A_351, %get3A_11 : vector<16xf32>
        %add3A_362 = arith.addf %mul3A_361, %get3A_26 : vector<16xf32>
        %mul3A_363 = arith.mulf %get3A_344, %get3A_16 : vector<16xf32>
        %add3A_364 = arith.addf %mul3A_363, %get3A_31 : vector<16xf32>
        %convert_element_type3A_365 = arith.fptosi %add3A_360 : vector<16xf32> to vector<16xi32>
        %jit3A = arith.constant 0 : i32
        %jit3A_366 = arith.constant 254 : i32
        %max3A = vector.broadcast %jit3A : i32 to vector<16xi32>
        %max3A_367 = arith.maxsi %max3A, %convert_element_type3A_365 : vector<16xi32>
        %min3A_368 = vector.broadcast %jit3A_366 : i32 to vector<16xi32>
        %min3A_369 = arith.minsi %min3A_368, %max3A_367 : vector<16xi32>
        %convert_element_type3A_370 = arith.fptosi %add3A_362 : vector<16xf32> to vector<16xi32>
        %jit3A_371 = arith.constant 0 : i32
        %jit3A_372 = arith.constant 254 : i32
        %max3A_373 = vector.broadcast %jit3A_371 : i32 to vector<16xi32>
        %max3A_374 = arith.maxsi %max3A_373, %convert_element_type3A_370 : vector<16xi32>
        %min3A_375 = vector.broadcast %jit3A_372 : i32 to vector<16xi32>
        %min3A_376 = arith.minsi %min3A_375, %max3A_374 : vector<16xi32>
        %convert_element_type3A_377 = arith.fptosi %add3A_364 : vector<16xf32> to vector<16xi32>
        %jit3A_378 = arith.constant 0 : i32
        %jit3A_379 = arith.constant 254 : i32
        %max3A_380 = vector.broadcast %jit3A_378 : i32 to vector<16xi32>
        %max3A_381 = arith.maxsi %max3A_380, %convert_element_type3A_377 : vector<16xi32>
        %min3A_382 = vector.broadcast %jit3A_379 : i32 to vector<16xi32>
        %min3A_383 = arith.minsi %min3A_382, %max3A_381 : vector<16xi32>
        %convert_element_type3A_384 = arith.sitofp %min3A_369 : vector<16xi32> to vector<16xf32>
        %sub3A = arith.subf %add3A_360, %convert_element_type3A_384 : vector<16xf32>
        %mul3A_385 = arith.constant 16 : i32
        %mul3A_386 = arith.muli %add3A_337, %mul3A_385 : i32
        %swap3A = arith.constant 1 : i32
        %swap3A_387 = arith.index_cast %swap3A : i32 to index
        %swap3A_388 = arith.index_cast %mul3A_386 : i32 to index
        %swap3A_389 = tpu.vector_load %arg12[%swap3A_387, %swap3A_388] {strides = array<i32>} : memref<2x1024xf32, #tpu.memory_space<vmem>>, vector<1x16xf32>,
        %swap3A_390 = vector.shape_cast %swap3A_389 : vector<1x16xf32> to vector<16xf32>
        %swap3A_391 = vector.shape_cast %sub3A : vector<16xf32> to vector<1x16xf32>
        tpu.vector_store %arg12[%swap3A_387, %swap3A_388], %swap3A_391 {strides = array<i32>} : memref<2x1024xf32, #tpu.memory_space<vmem>>, vector<1x16xf32>,
        %convert_element_type3A_392 = arith.sitofp %min3A_376 : vector<16xi32> to vector<16xf32>
        %sub3A_393 = arith.subf %add3A_362, %convert_element_type3A_392 : vector<16xf32>
        %mul3A_394 = arith.constant 16 : i32
        %mul3A_395 = arith.muli %add3A_337, %mul3A_394 : i32
        %swap3A_396 = arith.constant 1 : i32
        %swap3A_397 = arith.index_cast %swap3A_396 : i32 to index
        %swap3A_398 = arith.index_cast %mul3A_395 : i32 to index
        %swap3A_399 = tpu.vector_load %arg13[%swap3A_397, %swap3A_398] {strides = array<i32>} : memref<2x1024xf32, #tpu.memory_space<vmem>>, vector<1x16xf32>,
        %swap3A_400 = vector.shape_cast %swap3A_399 : vector<1x16xf32> to vector<16xf32>
        %swap3A_401 = vector.shape_cast %sub3A_393 : vector<16xf32> to vector<1x16xf32>
        tpu.vector_store %arg13[%swap3A_397, %swap3A_398], %swap3A_401 {strides = array<i32>} : memref<2x1024xf32, #tpu.memory_space<vmem>>, vector<1x16xf32>,
        %convert_element_type3A_402 = arith.sitofp %min3A_383 : vector<16xi32> to vector<16xf32>
        %sub3A_403 = arith.subf %add3A_364, %convert_element_type3A_402 : vector<16xf32>
        %mul3A_404 = arith.constant 16 : i32
        %mul3A_405 = arith.muli %add3A_337, %mul3A_404 : i32
        %swap3A_406 = arith.constant 1 : i32
        %swap3A_407 = arith.index_cast %swap3A_406 : i32 to index
        %swap3A_408 = arith.index_cast %mul3A_405 : i32 to index
        %swap3A_409 = tpu.vector_load %arg14[%swap3A_407, %swap3A_408] {strides = array<i32>} : memref<2x1024xf32, #tpu.memory_space<vmem>>, vector<1x16xf32>,
        %swap3A_410 = vector.shape_cast %swap3A_409 : vector<1x16xf32> to vector<16xf32>
        %swap3A_411 = vector.shape_cast %sub3A_403 : vector<16xf32> to vector<1x16xf32>
        tpu.vector_store %arg14[%swap3A_407, %swap3A_408], %swap3A_411 {strides = array<i32>} : memref<2x1024xf32, #tpu.memory_space<vmem>>, vector<1x16xf32>,
        %shift_left3A = arith.constant 16 : i32
        %shift_left3A_412 = vector.broadcast %shift_left3A : i32 to vector<16xi32>
        %shift_left3A_413 = arith.shli %min3A_383, %shift_left3A_412 : vector<16xi32>
        %shift_left3A_414 = arith.constant 8 : i32
        %shift_left3A_415 = vector.broadcast %shift_left3A_414 : i32 to vector<16xi32>
        %shift_left3A_416 = arith.shli %min3A_376, %shift_left3A_415 : vector<16xi32>
        %or3A = arith.ori %shift_left3A_413, %shift_left3A_416 : vector<16xi32>
        %or3A_417 = arith.ori %or3A, %min3A_369 : vector<16xi32>
        %add3A_418 = arith.constant 0 : i32
        %add3A_419 = arith.addi %mul3A_333, %add3A_418 : i32
        %swap3A_420 = arith.constant 1 : i32
        %swap3A_421 = arith.index_cast %swap3A_420 : i32 to index
        %swap3A_422 = arith.index_cast %add3A_419 : i32 to index
        %swap3A_423 = arith.constant 0 : index
        %swap3A_424 = tpu.vector_load %arg15[%swap3A_421, %swap3A_422, %swap3A_423] {strides = array<i32>} : memref<2x64x128xi32, #tpu.memory_space<vmem>>, vector<1x1x16xi32>,
        %swap3A_425 = vector.shape_cast %swap3A_424 : vector<1x1x16xi32> to vector<16xi32>
        %swap3A_426 = vector.shape_cast %or3A_417 : vector<16xi32> to vector<1x1x16xi32>
        tpu.vector_store %arg15[%swap3A_421, %swap3A_422, %swap3A_423], %swap3A_426 {strides = array<i32>} : memref<2x64x128xi32, #tpu.memory_space<vmem>>, vector<1x1x16xi32>,
        %add3A_427 = arith.constant 1 : i32
        %add3A_428 = vector.broadcast %add3A_427 : i32 to vector<16xi32>
        %add3A_429 = arith.addi %or3A_417, %add3A_428 : vector<16xi32>
        %add3A_430 = arith.constant 1 : i32
        %add3A_431 = arith.addi %mul3A_333, %add3A_430 : i32
        %swap3A_432 = arith.constant 1 : i32
        %swap3A_433 = arith.index_cast %swap3A_432 : i32 to index
        %swap3A_434 = arith.index_cast %add3A_431 : i32 to index
        %swap3A_435 = arith.constant 0 : index
        %swap3A_436 = tpu.vector_load %arg15[%swap3A_433, %swap3A_434, %swap3A_435] {strides = array<i32>} : memref<2x64x128xi32, #tpu.memory_space<vmem>>, vector<1x1x16xi32>,
        %swap3A_437 = vector.shape_cast %swap3A_436 : vector<1x1x16xi32> to vector<16xi32>
        %swap3A_438 = vector.shape_cast %add3A_429 : vector<16xi32> to vector<1x1x16xi32>
        tpu.vector_store %arg15[%swap3A_433, %swap3A_434, %swap3A_435], %swap3A_438 {strides = array<i32>} : memref<2x64x128xi32, #tpu.memory_space<vmem>>, vector<1x1x16xi32>,
        %add3A_439 = arith.constant 256 : i32
        %add3A_440 = vector.broadcast %add3A_439 : i32 to vector<16xi32>
        %add3A_441 = arith.addi %or3A_417, %add3A_440 : vector<16xi32>
        %add3A_442 = arith.constant 2 : i32
        %add3A_443 = arith.addi %mul3A_333, %add3A_442 : i32
        %swap3A_444 = arith.constant 1 : i32
        %swap3A_445 = arith.index_cast %swap3A_444 : i32 to index
        %swap3A_446 = arith.index_cast %add3A_443 : i32 to index
        %swap3A_447 = arith.constant 0 : index
        %swap3A_448 = tpu.vector_load %arg15[%swap3A_445, %swap3A_446, %swap3A_447] {strides = array<i32>} : memref<2x64x128xi32, #tpu.memory_space<vmem>>, vector<1x1x16xi32>,
        %swap3A_449 = vector.shape_cast %swap3A_448 : vector<1x1x16xi32> to vector<16xi32>
        %swap3A_450 = vector.shape_cast %add3A_441 : vector<16xi32> to vector<1x1x16xi32>
        tpu.vector_store %arg15[%swap3A_445, %swap3A_446, %swap3A_447], %swap3A_450 {strides = array<i32>} : memref<2x64x128xi32, #tpu.memory_space<vmem>>, vector<1x1x16xi32>,
        %add3A_451 = arith.constant 257 : i32
        %add3A_452 = vector.broadcast %add3A_451 : i32 to vector<16xi32>
        %add3A_453 = arith.addi %or3A_417, %add3A_452 : vector<16xi32>
        %add3A_454 = arith.constant 3 : i32
        %add3A_455 = arith.addi %mul3A_333, %add3A_454 : i32
        %swap3A_456 = arith.constant 1 : i32
        %swap3A_457 = arith.index_cast %swap3A_456 : i32 to index
        %swap3A_458 = arith.index_cast %add3A_455 : i32 to index
        %swap3A_459 = arith.constant 0 : index
        %swap3A_460 = tpu.vector_load %arg15[%swap3A_457, %swap3A_458, %swap3A_459] {strides = array<i32>} : memref<2x64x128xi32, #tpu.memory_space<vmem>>, vector<1x1x16xi32>,
        %swap3A_461 = vector.shape_cast %swap3A_460 : vector<1x1x16xi32> to vector<16xi32>
        %swap3A_462 = vector.shape_cast %add3A_453 : vector<16xi32> to vector<1x1x16xi32>
        tpu.vector_store %arg15[%swap3A_457, %swap3A_458, %swap3A_459], %swap3A_462 {strides = array<i32>} : memref<2x64x128xi32, #tpu.memory_space<vmem>>, vector<1x1x16xi32>,
        %add3A_463 = arith.constant 65536 : i32
        %add3A_464 = vector.broadcast %add3A_463 : i32 to vector<16xi32>
        %add3A_465 = arith.addi %or3A_417, %add3A_464 : vector<16xi32>
        %add3A_466 = arith.constant 4 : i32
        %add3A_467 = arith.addi %mul3A_333, %add3A_466 : i32
        %swap3A_468 = arith.constant 1 : i32
        %swap3A_469 = arith.index_cast %swap3A_468 : i32 to index
        %swap3A_470 = arith.index_cast %add3A_467 : i32 to index
        %swap3A_471 = arith.constant 0 : index
        %swap3A_472 = tpu.vector_load %arg15[%swap3A_469, %swap3A_470, %swap3A_471] {strides = array<i32>} : memref<2x64x128xi32, #tpu.memory_space<vmem>>, vector<1x1x16xi32>,
        %swap3A_473 = vector.shape_cast %swap3A_472 : vector<1x1x16xi32> to vector<16xi32>
        %swap3A_474 = vector.shape_cast %add3A_465 : vector<16xi32> to vector<1x1x16xi32>
        tpu.vector_store %arg15[%swap3A_469, %swap3A_470, %swap3A_471], %swap3A_474 {strides = array<i32>} : memref<2x64x128xi32, #tpu.memory_space<vmem>>, vector<1x1x16xi32>,
        %add3A_475 = arith.constant 65537 : i32
        %add3A_476 = vector.broadcast %add3A_475 : i32 to vector<16xi32>
        %add3A_477 = arith.addi %or3A_417, %add3A_476 : vector<16xi32>
        %add3A_478 = arith.constant 5 : i32
        %add3A_479 = arith.addi %mul3A_333, %add3A_478 : i32
        %swap3A_480 = arith.constant 1 : i32
        %swap3A_481 = arith.index_cast %swap3A_480 : i32 to index
        %swap3A_482 = arith.index_cast %add3A_479 : i32 to index
        %swap3A_483 = arith.constant 0 : index
        %swap3A_484 = tpu.vector_load %arg15[%swap3A_481, %swap3A_482, %swap3A_483] {strides = array<i32>} : memref<2x64x128xi32, #tpu.memory_space<vmem>>, vector<1x1x16xi32>,
        %swap3A_485 = vector.shape_cast %swap3A_484 : vector<1x1x16xi32> to vector<16xi32>
        %swap3A_486 = vector.shape_cast %add3A_477 : vector<16xi32> to vector<1x1x16xi32>
        tpu.vector_store %arg15[%swap3A_481, %swap3A_482, %swap3A_483], %swap3A_486 {strides = array<i32>} : memref<2x64x128xi32, #tpu.memory_space<vmem>>, vector<1x1x16xi32>,
        %add3A_487 = arith.constant 65792 : i32
        %add3A_488 = vector.broadcast %add3A_487 : i32 to vector<16xi32>
        %add3A_489 = arith.addi %or3A_417, %add3A_488 : vector<16xi32>
        %add3A_490 = arith.constant 6 : i32
        %add3A_491 = arith.addi %mul3A_333, %add3A_490 : i32
        %swap3A_492 = arith.constant 1 : i32
        %swap3A_493 = arith.index_cast %swap3A_492 : i32 to index
        %swap3A_494 = arith.index_cast %add3A_491 : i32 to index
        %swap3A_495 = arith.constant 0 : index
        %swap3A_496 = tpu.vector_load %arg15[%swap3A_493, %swap3A_494, %swap3A_495] {strides = array<i32>} : memref<2x64x128xi32, #tpu.memory_space<vmem>>, vector<1x1x16xi32>,
        %swap3A_497 = vector.shape_cast %swap3A_496 : vector<1x1x16xi32> to vector<16xi32>
        %swap3A_498 = vector.shape_cast %add3A_489 : vector<16xi32> to vector<1x1x16xi32>
        tpu.vector_store %arg15[%swap3A_493, %swap3A_494, %swap3A_495], %swap3A_498 {strides = array<i32>} : memref<2x64x128xi32, #tpu.memory_space<vmem>>, vector<1x1x16xi32>,
        %add3A_499 = arith.constant 65793 : i32
        %add3A_500 = vector.broadcast %add3A_499 : i32 to vector<16xi32>
        %add3A_501 = arith.addi %or3A_417, %add3A_500 : vector<16xi32>
        %add3A_502 = arith.constant 7 : i32
        %add3A_503 = arith.addi %mul3A_333, %add3A_502 : i32
        %swap3A_504 = arith.constant 1 : i32
        %swap3A_505 = arith.index_cast %swap3A_504 : i32 to index
        %swap3A_506 = arith.index_cast %add3A_503 : i32 to index
        %swap3A_507 = arith.constant 0 : index
        %swap3A_508 = tpu.vector_load %arg15[%swap3A_505, %swap3A_506, %swap3A_507] {strides = array<i32>} : memref<2x64x128xi32, #tpu.memory_space<vmem>>, vector<1x1x16xi32>,
        %swap3A_509 = vector.shape_cast %swap3A_508 : vector<1x1x16xi32> to vector<16xi32>
        %swap3A_510 = vector.shape_cast %add3A_501 : vector<16xi32> to vector<1x1x16xi32>
        tpu.vector_store %arg15[%swap3A_505, %swap3A_506, %swap3A_507], %swap3A_510 {strides = array<i32>} : memref<2x64x128xi32, #tpu.memory_space<vmem>>, vector<1x1x16xi32>,
        %mul3A_511 = arith.constant 8 : i32
        %mul3A_512 = arith.muli %scan3A_330, %mul3A_511 : i32
        %add3A_513 = arith.constant 1 : i32
        %add3A_514 = arith.addi %mul3A_512, %add3A_513 : i32
        %mul3A_515 = arith.constant 16 : i32
        %mul3A_516 = arith.muli %add3A_514, %mul3A_515 : i32
        %get3A_517 = arith.constant 1 : i32
        %get3A_518 = arith.index_cast %get3A_517 : i32 to index
        %get3A_519 = arith.index_cast %mul3A_516 : i32 to index
        %get3A_520 = tpu.vector_load %arg9[%get3A_518, %get3A_519] {strides = array<i32>} : memref<2x1024xf32, #tpu.memory_space<vmem>>, vector<1x16xf32>,
        %get3A_521 = vector.shape_cast %get3A_520 : vector<1x16xf32> to vector<16xf32>
        %mul3A_522 = arith.constant 16 : i32
        %mul3A_523 = arith.muli %add3A_514, %mul3A_522 : i32
        %get3A_524 = arith.constant 1 : i32
        %get3A_525 = arith.index_cast %get3A_524 : i32 to index
        %get3A_526 = arith.index_cast %mul3A_523 : i32 to index
        %get3A_527 = tpu.vector_load %arg10[%get3A_525, %get3A_526] {strides = array<i32>} : memref<2x1024xf32, #tpu.memory_space<vmem>>, vector<1x16xf32>,
        %get3A_528 = vector.shape_cast %get3A_527 : vector<1x16xf32> to vector<16xf32>
        %mul3A_529 = arith.constant 16 : i32
        %mul3A_530 = arith.muli %add3A_514, %mul3A_529 : i32
        %get3A_531 = arith.constant 1 : i32
        %get3A_532 = arith.index_cast %get3A_531 : i32 to index
        %get3A_533 = arith.index_cast %mul3A_530 : i32 to index
        %get3A_534 = tpu.vector_load %arg11[%get3A_532, %get3A_533] {strides = array<i32>} : memref<2x1024xf32, #tpu.memory_space<vmem>>, vector<1x16xf32>,
        %get3A_535 = vector.shape_cast %get3A_534 : vector<1x16xf32> to vector<16xf32>
        %mul3A_536 = arith.mulf %get3A_535, %get3A_6 : vector<16xf32>
        %add3A_537 = arith.addf %mul3A_536, %get3A_21 : vector<16xf32>
        %mul3A_538 = arith.mulf %get3A_528, %get3A_11 : vector<16xf32>
        %add3A_539 = arith.addf %mul3A_538, %get3A_26 : vector<16xf32>
        %mul3A_540 = arith.mulf %get3A_521, %get3A_16 : vector<16xf32>
        %add3A_541 = arith.addf %mul3A_540, %get3A_31 : vector<16xf32>
        %convert_element_type3A_542 = arith.fptosi %add3A_537 : vector<16xf32> to vector<16xi32>
        %jit3A_543 = arith.constant 0 : i32
        %jit3A_544 = arith.constant 254 : i32
        %max3A_545 = vector.broadcast %jit3A_543 : i32 to vector<16xi32>
        %max3A_546 = arith.maxsi %max3A_545, %convert_element_type3A_542 : vector<16xi32>
        %min3A_547 = vector.broadcast %jit3A_544 : i32 to vector<16xi32>
        %min3A_548 = arith.minsi %min3A_547, %max3A_546 : vector<16xi32>
        %convert_element_type3A_549 = arith.fptosi %add3A_539 : vector<16xf32> to vector<16xi32>
        %jit3A_550 = arith.constant 0 : i32
        %jit3A_551 = arith.constant 254 : i32
        %max3A_552 = vector.broadcast %jit3A_550 : i32 to vector<16xi32>
        %max3A_553 = arith.maxsi %max3A_552, %convert_element_type3A_549 : vector<16xi32>
        %min3A_554 = vector.broadcast %jit3A_551 : i32 to vector<16xi32>
        %min3A_555 = arith.minsi %min3A_554, %max3A_553 : vector<16xi32>
        %convert_element_type3A_556 = arith.fptosi %add3A_541 : vector<16xf32> to vector<16xi32>
        %jit3A_557 = arith.constant 0 : i32
        %jit3A_558 = arith.constant 254 : i32
        %max3A_559 = vector.broadcast %jit3A_557 : i32 to vector<16xi32>
        %max3A_560 = arith.maxsi %max3A_559, %convert_element_type3A_556 : vector<16xi32>
        %min3A_561 = vector.broadcast %jit3A_558 : i32 to vector<16xi32>
        %min3A_562 = arith.minsi %min3A_561, %max3A_560 : vector<16xi32>
        %convert_element_type3A_563 = arith.sitofp %min3A_548 : vector<16xi32> to vector<16xf32>
        %sub3A_564 = arith.subf %add3A_537, %convert_element_type3A_563 : vector<16xf32>
        %mul3A_565 = arith.constant 16 : i32
        %mul3A_566 = arith.muli %add3A_514, %mul3A_565 : i32
        %swap3A_567 = arith.constant 1 : i32
        %swap3A_568 = arith.index_cast %swap3A_567 : i32 to index
        %swap3A_569 = arith.index_cast %mul3A_566 : i32 to index
        %swap3A_570 = tpu.vector_load %arg12[%swap3A_568, %swap3A_569] {strides = array<i32>} : memref<2x1024xf32, #tpu.memory_space<vmem>>, vector<1x16xf32>,
        %swap3A_571 = vector.shape_cast %swap3A_570 : vector<1x16xf32> to vector<16xf32>
        %swap3A_572 = vector.shape_cast %sub3A_564 : vector<16xf32> to vector<1x16xf32>
        tpu.vector_store %arg12[%swap3A_568, %swap3A_569], %swap3A_572 {strides = array<i32>} : memref<2x1024xf32, #tpu.memory_space<vmem>>, vector<1x16xf32>,
        %convert_element_type3A_573 = arith.sitofp %min3A_555 : vector<16xi32> to vector<16xf32>
        %sub3A_574 = arith.subf %add3A_539, %convert_element_type3A_573 : vector<16xf32>
        %mul3A_575 = arith.constant 16 : i32
        %mul3A_576 = arith.muli %add3A_514, %mul3A_575 : i32
        %swap3A_577 = arith.constant 1 : i32
        %swap3A_578 = arith.index_cast %swap3A_577 : i32 to index
        %swap3A_579 = arith.index_cast %mul3A_576 : i32 to index
        %swap3A_580 = tpu.vector_load %arg13[%swap3A_578, %swap3A_579] {strides = array<i32>} : memref<2x1024xf32, #tpu.memory_space<vmem>>, vector<1x16xf32>,
        %swap3A_581 = vector.shape_cast %swap3A_580 : vector<1x16xf32> to vector<16xf32>
        %swap3A_582 = vector.shape_cast %sub3A_574 : vector<16xf32> to vector<1x16xf32>
        tpu.vector_store %arg13[%swap3A_578, %swap3A_579], %swap3A_582 {strides = array<i32>} : memref<2x1024xf32, #tpu.memory_space<vmem>>, vector<1x16xf32>,
        %convert_element_type3A_583 = arith.sitofp %min3A_562 : vector<16xi32> to vector<16xf32>
        %sub3A_584 = arith.subf %add3A_541, %convert_element_type3A_583 : vector<16xf32>
        %mul3A_585 = arith.constant 16 : i32
        %mul3A_586 = arith.muli %add3A_514, %mul3A_585 : i32
        %swap3A_587 = arith.constant 1 : i32
        %swap3A_588 = arith.index_cast %swap3A_587 : i32 to index
        %swap3A_589 = arith.index_cast %mul3A_586 : i32 to index
        %swap3A_590 = tpu.vector_load %arg14[%swap3A_588, %swap3A_589] {strides = array<i32>} : memref<2x1024xf32, #tpu.memory_space<vmem>>, vector<1x16xf32>,
        %swap3A_591 = vector.shape_cast %swap3A_590 : vector<1x16xf32> to vector<16xf32>
        %swap3A_592 = vector.shape_cast %sub3A_584 : vector<16xf32> to vector<1x16xf32>
        tpu.vector_store %arg14[%swap3A_588, %swap3A_589], %swap3A_592 {strides = array<i32>} : memref<2x1024xf32, #tpu.memory_space<vmem>>, vector<1x16xf32>,
        %shift_left3A_593 = arith.constant 16 : i32
        %shift_left3A_594 = vector.broadcast %shift_left3A_593 : i32 to vector<16xi32>
        %shift_left3A_595 = arith.shli %min3A_562, %shift_left3A_594 : vector<16xi32>
        %shift_left3A_596 = arith.constant 8 : i32
        %shift_left3A_597 = vector.broadcast %shift_left3A_596 : i32 to vector<16xi32>
        %shift_left3A_598 = arith.shli %min3A_555, %shift_left3A_597 : vector<16xi32>
        %or3A_599 = arith.ori %shift_left3A_595, %shift_left3A_598 : vector<16xi32>
        %or3A_600 = arith.ori %or3A_599, %min3A_548 : vector<16xi32>
        %add3A_601 = arith.constant 0 : i32
        %add3A_602 = arith.addi %mul3A_333, %add3A_601 : i32
        %swap3A_603 = arith.constant 1 : i32
        %swap3A_604 = arith.index_cast %swap3A_603 : i32 to index
        %swap3A_605 = arith.index_cast %add3A_602 : i32 to index
        %swap3A_606 = arith.constant 16 : index
        %swap3A_607 = tpu.vector_load %arg15[%swap3A_604, %swap3A_605, %swap3A_606] {strides = array<i32>} : memref<2x64x128xi32, #tpu.memory_space<vmem>>, vector<1x1x16xi32>,
        %swap3A_608 = vector.shape_cast %swap3A_607 : vector<1x1x16xi32> to vector<16xi32>
        %swap3A_609 = vector.shape_cast %or3A_600 : vector<16xi32> to vector<1x1x16xi32>
        tpu.vector_store %arg15[%swap3A_604, %swap3A_605, %swap3A_606], %swap3A_609 {strides = array<i32>} : memref<2x64x128xi32, #tpu.memory_space<vmem>>, vector<1x1x16xi32>,
        %add3A_610 = arith.constant 1 : i32
        %add3A_611 = vector.broadcast %add3A_610 : i32 to vector<16xi32>
        %add3A_612 = arith.addi %or3A_600, %add3A_611 : vector<16xi32>
        %add3A_613 = arith.constant 1 : i32
        %add3A_614 = arith.addi %mul3A_333, %add3A_613 : i32
        %swap3A_615 = arith.constant 1 : i32
        %swap3A_616 = arith.index_cast %swap3A_615 : i32 to index
        %swap3A_617 = arith.index_cast %add3A_614 : i32 to index
        %swap3A_618 = arith.constant 16 : index
        %swap3A_619 = tpu.vector_load %arg15[%swap3A_616, %swap3A_617, %swap3A_618] {strides = array<i32>} : memref<2x64x128xi32, #tpu.memory_space<vmem>>, vector<1x1x16xi32>,
        %swap3A_620 = vector.shape_cast %swap3A_619 : vector<1x1x16xi32> to vector<16xi32>
        %swap3A_621 = vector.shape_cast %add3A_612 : vector<16xi32> to vector<1x1x16xi32>
        tpu.vector_store %arg15[%swap3A_616, %swap3A_617, %swap3A_618], %swap3A_621 {strides = array<i32>} : memref<2x64x128xi32, #tpu.memory_space<vmem>>, vector<1x1x16xi32>,
        %add3A_622 = arith.constant 256 : i32
        %add3A_623 = vector.broadcast %add3A_622 : i32 to vector<16xi32>
        %add3A_624 = arith.addi %or3A_600, %add3A_623 : vector<16xi32>
        %add3A_625 = arith.constant 2 : i32
        %add3A_626 = arith.addi %mul3A_333, %add3A_625 : i32
        %swap3A_627 = arith.constant 1 : i32
        %swap3A_628 = arith.index_cast %swap3A_627 : i32 to index
        %swap3A_629 = arith.index_cast %add3A_626 : i32 to index
        %swap3A_630 = arith.constant 16 : index
        %swap3A_631 = tpu.vector_load %arg15[%swap3A_628, %swap3A_629, %swap3A_630] {strides = array<i32>} : memref<2x64x128xi32, #tpu.memory_space<vmem>>, vector<1x1x16xi32>,
        %swap3A_632 = vector.shape_cast %swap3A_631 : vector<1x1x16xi32> to vector<16xi32>
        %swap3A_633 = vector.shape_cast %add3A_624 : vector<16xi32> to vector<1x1x16xi32>
        tpu.vector_store %arg15[%swap3A_628, %swap3A_629, %swap3A_630], %swap3A_633 {strides = array<i32>} : memref<2x64x128xi32, #tpu.memory_space<vmem>>, vector<1x1x16xi32>,
        %add3A_634 = arith.constant 257 : i32
        %add3A_635 = vector.broadcast %add3A_634 : i32 to vector<16xi32>
        %add3A_636 = arith.addi %or3A_600, %add3A_635 : vector<16xi32>
        %add3A_637 = arith.constant 3 : i32
        %add3A_638 = arith.addi %mul3A_333, %add3A_637 : i32
        %swap3A_639 = arith.constant 1 : i32
        %swap3A_640 = arith.index_cast %swap3A_639 : i32 to index
        %swap3A_641 = arith.index_cast %add3A_638 : i32 to index
        %swap3A_642 = arith.constant 16 : index
        %swap3A_643 = tpu.vector_load %arg15[%swap3A_640, %swap3A_641, %swap3A_642] {strides = array<i32>} : memref<2x64x128xi32, #tpu.memory_space<vmem>>, vector<1x1x16xi32>,
        %swap3A_644 = vector.shape_cast %swap3A_643 : vector<1x1x16xi32> to vector<16xi32>
        %swap3A_645 = vector.shape_cast %add3A_636 : vector<16xi32> to vector<1x1x16xi32>
        tpu.vector_store %arg15[%swap3A_640, %swap3A_641, %swap3A_642], %swap3A_645 {strides = array<i32>} : memref<2x64x128xi32, #tpu.memory_space<vmem>>, vector<1x1x16xi32>,
        %add3A_646 = arith.constant 65536 : i32
        %add3A_647 = vector.broadcast %add3A_646 : i32 to vector<16xi32>
        %add3A_648 = arith.addi %or3A_600, %add3A_647 : vector<16xi32>
        %add3A_649 = arith.constant 4 : i32
        %add3A_650 = arith.addi %mul3A_333, %add3A_649 : i32
        %swap3A_651 = arith.constant 1 : i32
        %swap3A_652 = arith.index_cast %swap3A_651 : i32 to index
        %swap3A_653 = arith.index_cast %add3A_650 : i32 to index
        %swap3A_654 = arith.constant 16 : index
        %swap3A_655 = tpu.vector_load %arg15[%swap3A_652, %swap3A_653, %swap3A_654] {strides = array<i32>} : memref<2x64x128xi32, #tpu.memory_space<vmem>>, vector<1x1x16xi32>,
        %swap3A_656 = vector.shape_cast %swap3A_655 : vector<1x1x16xi32> to vector<16xi32>
        %swap3A_657 = vector.shape_cast %add3A_648 : vector<16xi32> to vector<1x1x16xi32>
        tpu.vector_store %arg15[%swap3A_652, %swap3A_653, %swap3A_654], %swap3A_657 {strides = array<i32>} : memref<2x64x128xi32, #tpu.memory_space<vmem>>, vector<1x1x16xi32>,
        %add3A_658 = arith.constant 65537 : i32
        %add3A_659 = vector.broadcast %add3A_658 : i32 to vector<16xi32>
        %add3A_660 = arith.addi %or3A_600, %add3A_659 : vector<16xi32>
        %add3A_661 = arith.constant 5 : i32
        %add3A_662 = arith.addi %mul3A_333, %add3A_661 : i32
        %swap3A_663 = arith.constant 1 : i32
        %swap3A_664 = arith.index_cast %swap3A_663 : i32 to index
        %swap3A_665 = arith.index_cast %add3A_662 : i32 to index
        %swap3A_666 = arith.constant 16 : index
        %swap3A_667 = tpu.vector_load %arg15[%swap3A_664, %swap3A_665, %swap3A_666] {strides = array<i32>} : memref<2x64x128xi32, #tpu.memory_space<vmem>>, vector<1x1x16xi32>,
        %swap3A_668 = vector.shape_cast %swap3A_667 : vector<1x1x16xi32> to vector<16xi32>
        %swap3A_669 = vector.shape_cast %add3A_660 : vector<16xi32> to vector<1x1x16xi32>
        tpu.vector_store %arg15[%swap3A_664, %swap3A_665, %swap3A_666], %swap3A_669 {strides = array<i32>} : memref<2x64x128xi32, #tpu.memory_space<vmem>>, vector<1x1x16xi32>,
        %add3A_670 = arith.constant 65792 : i32
        %add3A_671 = vector.broadcast %add3A_670 : i32 to vector<16xi32>
        %add3A_672 = arith.addi %or3A_600, %add3A_671 : vector<16xi32>
        %add3A_673 = arith.constant 6 : i32
        %add3A_674 = arith.addi %mul3A_333, %add3A_673 : i32
        %swap3A_675 = arith.constant 1 : i32
        %swap3A_676 = arith.index_cast %swap3A_675 : i32 to index
        %swap3A_677 = arith.index_cast %add3A_674 : i32 to index
        %swap3A_678 = arith.constant 16 : index
        %swap3A_679 = tpu.vector_load %arg15[%swap3A_676, %swap3A_677, %swap3A_678] {strides = array<i32>} : memref<2x64x128xi32, #tpu.memory_space<vmem>>, vector<1x1x16xi32>,
        %swap3A_680 = vector.shape_cast %swap3A_679 : vector<1x1x16xi32> to vector<16xi32>
        %swap3A_681 = vector.shape_cast %add3A_672 : vector<16xi32> to vector<1x1x16xi32>
        tpu.vector_store %arg15[%swap3A_676, %swap3A_677, %swap3A_678], %swap3A_681 {strides = array<i32>} : memref<2x64x128xi32, #tpu.memory_space<vmem>>, vector<1x1x16xi32>,
        %add3A_682 = arith.constant 65793 : i32
        %add3A_683 = vector.broadcast %add3A_682 : i32 to vector<16xi32>
        %add3A_684 = arith.addi %or3A_600, %add3A_683 : vector<16xi32>
        %add3A_685 = arith.constant 7 : i32
        %add3A_686 = arith.addi %mul3A_333, %add3A_685 : i32
        %swap3A_687 = arith.constant 1 : i32
        %swap3A_688 = arith.index_cast %swap3A_687 : i32 to index
        %swap3A_689 = arith.index_cast %add3A_686 : i32 to index
        %swap3A_690 = arith.constant 16 : index
        %swap3A_691 = tpu.vector_load %arg15[%swap3A_688, %swap3A_689, %swap3A_690] {strides = array<i32>} : memref<2x64x128xi32, #tpu.memory_space<vmem>>, vector<1x1x16xi32>,
        %swap3A_692 = vector.shape_cast %swap3A_691 : vector<1x1x16xi32> to vector<16xi32>
        %swap3A_693 = vector.shape_cast %add3A_684 : vector<16xi32> to vector<1x1x16xi32>
        tpu.vector_store %arg15[%swap3A_688, %swap3A_689, %swap3A_690], %swap3A_693 {strides = array<i32>} : memref<2x64x128xi32, #tpu.memory_space<vmem>>, vector<1x1x16xi32>,
        %mul3A_694 = arith.constant 8 : i32
        %mul3A_695 = arith.muli %scan3A_330, %mul3A_694 : i32
        %add3A_696 = arith.constant 2 : i32
        %add3A_697 = arith.addi %mul3A_695, %add3A_696 : i32
        %mul3A_698 = arith.constant 16 : i32
        %mul3A_699 = arith.muli %add3A_697, %mul3A_698 : i32
        %get3A_700 = arith.constant 1 : i32
        %get3A_701 = arith.index_cast %get3A_700 : i32 to index
        %get3A_702 = arith.index_cast %mul3A_699 : i32 to index
        %get3A_703 = tpu.vector_load %arg9[%get3A_701, %get3A_702] {strides = array<i32>} : memref<2x1024xf32, #tpu.memory_space<vmem>>, vector<1x16xf32>,
        %get3A_704 = vector.shape_cast %get3A_703 : vector<1x16xf32> to vector<16xf32>
        %mul3A_705 = arith.constant 16 : i32
        %mul3A_706 = arith.muli %add3A_697, %mul3A_705 : i32
        %get3A_707 = arith.constant 1 : i32
        %get3A_708 = arith.index_cast %get3A_707 : i32 to index
        %get3A_709 = arith.index_cast %mul3A_706 : i32 to index
        %get3A_710 = tpu.vector_load %arg10[%get3A_708, %get3A_709] {strides = array<i32>} : memref<2x1024xf32, #tpu.memory_space<vmem>>, vector<1x16xf32>,
        %get3A_711 = vector.shape_cast %get3A_710 : vector<1x16xf32> to vector<16xf32>
        %mul3A_712 = arith.constant 16 : i32
        %mul3A_713 = arith.muli %add3A_697, %mul3A_712 : i32
        %get3A_714 = arith.constant 1 : i32
        %get3A_715 = arith.index_cast %get3A_714 : i32 to index
        %get3A_716 = arith.index_cast %mul3A_713 : i32 to index
        %get3A_717 = tpu.vector_load %arg11[%get3A_715, %get3A_716] {strides = array<i32>} : memref<2x1024xf32, #tpu.memory_space<vmem>>, vector<1x16xf32>,
        %get3A_718 = vector.shape_cast %get3A_717 : vector<1x16xf32> to vector<16xf32>
        %mul3A_719 = arith.mulf %get3A_718, %get3A_6 : vector<16xf32>
        %add3A_720 = arith.addf %mul3A_719, %get3A_21 : vector<16xf32>
        %mul3A_721 = arith.mulf %get3A_711, %get3A_11 : vector<16xf32>
        %add3A_722 = arith.addf %mul3A_721, %get3A_26 : vector<16xf32>
        %mul3A_723 = arith.mulf %get3A_704, %get3A_16 : vector<16xf32>
        %add3A_724 = arith.addf %mul3A_723, %get3A_31 : vector<16xf32>
        %convert_element_type3A_725 = arith.fptosi %add3A_720 : vector<16xf32> to vector<16xi32>
        %jit3A_726 = arith.constant 0 : i32
        %jit3A_727 = arith.constant 254 : i32
        %max3A_728 = vector.broadcast %jit3A_726 : i32 to vector<16xi32>
        %max3A_729 = arith.maxsi %max3A_728, %convert_element_type3A_725 : vector<16xi32>
        %min3A_730 = vector.broadcast %jit3A_727 : i32 to vector<16xi32>
        %min3A_731 = arith.minsi %min3A_730, %max3A_729 : vector<16xi32>
        %convert_element_type3A_732 = arith.fptosi %add3A_722 : vector<16xf32> to vector<16xi32>
        %jit3A_733 = arith.constant 0 : i32
        %jit3A_734 = arith.constant 254 : i32
        %max3A_735 = vector.broadcast %jit3A_733 : i32 to vector<16xi32>
        %max3A_736 = arith.maxsi %max3A_735, %convert_element_type3A_732 : vector<16xi32>
        %min3A_737 = vector.broadcast %jit3A_734 : i32 to vector<16xi32>
        %min3A_738 = arith.minsi %min3A_737, %max3A_736 : vector<16xi32>
        %convert_element_type3A_739 = arith.fptosi %add3A_724 : vector<16xf32> to vector<16xi32>
        %jit3A_740 = arith.constant 0 : i32
        %jit3A_741 = arith.constant 254 : i32
        %max3A_742 = vector.broadcast %jit3A_740 : i32 to vector<16xi32>
        %max3A_743 = arith.maxsi %max3A_742, %convert_element_type3A_739 : vector<16xi32>
        %min3A_744 = vector.broadcast %jit3A_741 : i32 to vector<16xi32>
        %min3A_745 = arith.minsi %min3A_744, %max3A_743 : vector<16xi32>
        %convert_element_type3A_746 = arith.sitofp %min3A_731 : vector<16xi32> to vector<16xf32>
        %sub3A_747 = arith.subf %add3A_720, %convert_element_type3A_746 : vector<16xf32>
        %mul3A_748 = arith.constant 16 : i32
        %mul3A_749 = arith.muli %add3A_697, %mul3A_748 : i32
        %swap3A_750 = arith.constant 1 : i32
        %swap3A_751 = arith.index_cast %swap3A_750 : i32 to index
        %swap3A_752 = arith.index_cast %mul3A_749 : i32 to index
        %swap3A_753 = tpu.vector_load %arg12[%swap3A_751, %swap3A_752] {strides = array<i32>} : memref<2x1024xf32, #tpu.memory_space<vmem>>, vector<1x16xf32>,
        %swap3A_754 = vector.shape_cast %swap3A_753 : vector<1x16xf32> to vector<16xf32>
        %swap3A_755 = vector.shape_cast %sub3A_747 : vector<16xf32> to vector<1x16xf32>
        tpu.vector_store %arg12[%swap3A_751, %swap3A_752], %swap3A_755 {strides = array<i32>} : memref<2x1024xf32, #tpu.memory_space<vmem>>, vector<1x16xf32>,
        %convert_element_type3A_756 = arith.sitofp %min3A_738 : vector<16xi32> to vector<16xf32>
        %sub3A_757 = arith.subf %add3A_722, %convert_element_type3A_756 : vector<16xf32>
        %mul3A_758 = arith.constant 16 : i32
        %mul3A_759 = arith.muli %add3A_697, %mul3A_758 : i32
        %swap3A_760 = arith.constant 1 : i32
        %swap3A_761 = arith.index_cast %swap3A_760 : i32 to index
        %swap3A_762 = arith.index_cast %mul3A_759 : i32 to index
        %swap3A_763 = tpu.vector_load %arg13[%swap3A_761, %swap3A_762] {strides = array<i32>} : memref<2x1024xf32, #tpu.memory_space<vmem>>, vector<1x16xf32>,
        %swap3A_764 = vector.shape_cast %swap3A_763 : vector<1x16xf32> to vector<16xf32>
        %swap3A_765 = vector.shape_cast %sub3A_757 : vector<16xf32> to vector<1x16xf32>
        tpu.vector_store %arg13[%swap3A_761, %swap3A_762], %swap3A_765 {strides = array<i32>} : memref<2x1024xf32, #tpu.memory_space<vmem>>, vector<1x16xf32>,
        %convert_element_type3A_766 = arith.sitofp %min3A_745 : vector<16xi32> to vector<16xf32>
        %sub3A_767 = arith.subf %add3A_724, %convert_element_type3A_766 : vector<16xf32>
        %mul3A_768 = arith.constant 16 : i32
        %mul3A_769 = arith.muli %add3A_697, %mul3A_768 : i32
        %swap3A_770 = arith.constant 1 : i32
        %swap3A_771 = arith.index_cast %swap3A_770 : i32 to index
        %swap3A_772 = arith.index_cast %mul3A_769 : i32 to index
        %swap3A_773 = tpu.vector_load %arg14[%swap3A_771, %swap3A_772] {strides = array<i32>} : memref<2x1024xf32, #tpu.memory_space<vmem>>, vector<1x16xf32>,
        %swap3A_774 = vector.shape_cast %swap3A_773 : vector<1x16xf32> to vector<16xf32>
        %swap3A_775 = vector.shape_cast %sub3A_767 : vector<16xf32> to vector<1x16xf32>
        tpu.vector_store %arg14[%swap3A_771, %swap3A_772], %swap3A_775 {strides = array<i32>} : memref<2x1024xf32, #tpu.memory_space<vmem>>, vector<1x16xf32>,
        %shift_left3A_776 = arith.constant 16 : i32
        %shift_left3A_777 = vector.broadcast %shift_left3A_776 : i32 to vector<16xi32>
        %shift_left3A_778 = arith.shli %min3A_745, %shift_left3A_777 : vector<16xi32>
        %shift_left3A_779 = arith.constant 8 : i32
        %shift_left3A_780 = vector.broadcast %shift_left3A_779 : i32 to vector<16xi32>
        %shift_left3A_781 = arith.shli %min3A_738, %shift_left3A_780 : vector<16xi32>
        %or3A_782 = arith.ori %shift_left3A_778, %shift_left3A_781 : vector<16xi32>
        %or3A_783 = arith.ori %or3A_782, %min3A_731 : vector<16xi32>
        %add3A_784 = arith.constant 0 : i32
        %add3A_785 = arith.addi %mul3A_333, %add3A_784 : i32
        %swap3A_786 = arith.constant 1 : i32
        %swap3A_787 = arith.index_cast %swap3A_786 : i32 to index
        %swap3A_788 = arith.index_cast %add3A_785 : i32 to index
        %swap3A_789 = arith.constant 32 : index
        %swap3A_790 = tpu.vector_load %arg15[%swap3A_787, %swap3A_788, %swap3A_789] {strides = array<i32>} : memref<2x64x128xi32, #tpu.memory_space<vmem>>, vector<1x1x16xi32>,
        %swap3A_791 = vector.shape_cast %swap3A_790 : vector<1x1x16xi32> to vector<16xi32>
        %swap3A_792 = vector.shape_cast %or3A_783 : vector<16xi32> to vector<1x1x16xi32>
        tpu.vector_store %arg15[%swap3A_787, %swap3A_788, %swap3A_789], %swap3A_792 {strides = array<i32>} : memref<2x64x128xi32, #tpu.memory_space<vmem>>, vector<1x1x16xi32>,
        %add3A_793 = arith.constant 1 : i32
        %add3A_794 = vector.broadcast %add3A_793 : i32 to vector<16xi32>
        %add3A_795 = arith.addi %or3A_783, %add3A_794 : vector<16xi32>
        %add3A_796 = arith.constant 1 : i32
        %add3A_797 = arith.addi %mul3A_333, %add3A_796 : i32
        %swap3A_798 = arith.constant 1 : i32
        %swap3A_799 = arith.index_cast %swap3A_798 : i32 to index
        %swap3A_800 = arith.index_cast %add3A_797 : i32 to index
        %swap3A_801 = arith.constant 32 : index
        %swap3A_802 = tpu.vector_load %arg15[%swap3A_799, %swap3A_800, %swap3A_801] {strides = array<i32>} : memref<2x64x128xi32, #tpu.memory_space<vmem>>, vector<1x1x16xi32>,
        %swap3A_803 = vector.shape_cast %swap3A_802 : vector<1x1x16xi32> to vector<16xi32>
        %swap3A_804 = vector.shape_cast %add3A_795 : vector<16xi32> to vector<1x1x16xi32>
        tpu.vector_store %arg15[%swap3A_799, %swap3A_800, %swap3A_801], %swap3A_804 {strides = array<i32>} : memref<2x64x128xi32, #tpu.memory_space<vmem>>, vector<1x1x16xi32>,
        %add3A_805 = arith.constant 256 : i32
        %add3A_806 = vector.broadcast %add3A_805 : i32 to vector<16xi32>
        %add3A_807 = arith.addi %or3A_783, %add3A_806 : vector<16xi32>
        %add3A_808 = arith.constant 2 : i32
        %add3A_809 = arith.addi %mul3A_333, %add3A_808 : i32
        %swap3A_810 = arith.constant 1 : i32
        %swap3A_811 = arith.index_cast %swap3A_810 : i32 to index
        %swap3A_812 = arith.index_cast %add3A_809 : i32 to index
        %swap3A_813 = arith.constant 32 : index
        %swap3A_814 = tpu.vector_load %arg15[%swap3A_811, %swap3A_812, %swap3A_813] {strides = array<i32>} : memref<2x64x128xi32, #tpu.memory_space<vmem>>, vector<1x1x16xi32>,
        %swap3A_815 = vector.shape_cast %swap3A_814 : vector<1x1x16xi32> to vector<16xi32>
        %swap3A_816 = vector.shape_cast %add3A_807 : vector<16xi32> to vector<1x1x16xi32>
        tpu.vector_store %arg15[%swap3A_811, %swap3A_812, %swap3A_813], %swap3A_816 {strides = array<i32>} : memref<2x64x128xi32, #tpu.memory_space<vmem>>, vector<1x1x16xi32>,
        %add3A_817 = arith.constant 257 : i32
        %add3A_818 = vector.broadcast %add3A_817 : i32 to vector<16xi32>
        %add3A_819 = arith.addi %or3A_783, %add3A_818 : vector<16xi32>
        %add3A_820 = arith.constant 3 : i32
        %add3A_821 = arith.addi %mul3A_333, %add3A_820 : i32
        %swap3A_822 = arith.constant 1 : i32
        %swap3A_823 = arith.index_cast %swap3A_822 : i32 to index
        %swap3A_824 = arith.index_cast %add3A_821 : i32 to index
        %swap3A_825 = arith.constant 32 : index
        %swap3A_826 = tpu.vector_load %arg15[%swap3A_823, %swap3A_824, %swap3A_825] {strides = array<i32>} : memref<2x64x128xi32, #tpu.memory_space<vmem>>, vector<1x1x16xi32>,
        %swap3A_827 = vector.shape_cast %swap3A_826 : vector<1x1x16xi32> to vector<16xi32>
        %swap3A_828 = vector.shape_cast %add3A_819 : vector<16xi32> to vector<1x1x16xi32>
        tpu.vector_store %arg15[%swap3A_823, %swap3A_824, %swap3A_825], %swap3A_828 {strides = array<i32>} : memref<2x64x128xi32, #tpu.memory_space<vmem>>, vector<1x1x16xi32>,
        %add3A_829 = arith.constant 65536 : i32
        %add3A_830 = vector.broadcast %add3A_829 : i32 to vector<16xi32>
        %add3A_831 = arith.addi %or3A_783, %add3A_830 : vector<16xi32>
        %add3A_832 = arith.constant 4 : i32
        %add3A_833 = arith.addi %mul3A_333, %add3A_832 : i32
        %swap3A_834 = arith.constant 1 : i32
        %swap3A_835 = arith.index_cast %swap3A_834 : i32 to index
        %swap3A_836 = arith.index_cast %add3A_833 : i32 to index
        %swap3A_837 = arith.constant 32 : index
        %swap3A_838 = tpu.vector_load %arg15[%swap3A_835, %swap3A_836, %swap3A_837] {strides = array<i32>} : memref<2x64x128xi32, #tpu.memory_space<vmem>>, vector<1x1x16xi32>,
        %swap3A_839 = vector.shape_cast %swap3A_838 : vector<1x1x16xi32> to vector<16xi32>
        %swap3A_840 = vector.shape_cast %add3A_831 : vector<16xi32> to vector<1x1x16xi32>
        tpu.vector_store %arg15[%swap3A_835, %swap3A_836, %swap3A_837], %swap3A_840 {strides = array<i32>} : memref<2x64x128xi32, #tpu.memory_space<vmem>>, vector<1x1x16xi32>,
        %add3A_841 = arith.constant 65537 : i32
        %add3A_842 = vector.broadcast %add3A_841 : i32 to vector<16xi32>
        %add3A_843 = arith.addi %or3A_783, %add3A_842 : vector<16xi32>
        %add3A_844 = arith.constant 5 : i32
        %add3A_845 = arith.addi %mul3A_333, %add3A_844 : i32
        %swap3A_846 = arith.constant 1 : i32
        %swap3A_847 = arith.index_cast %swap3A_846 : i32 to index
        %swap3A_848 = arith.index_cast %add3A_845 : i32 to index
        %swap3A_849 = arith.constant 32 : index
        %swap3A_850 = tpu.vector_load %arg15[%swap3A_847, %swap3A_848, %swap3A_849] {strides = array<i32>} : memref<2x64x128xi32, #tpu.memory_space<vmem>>, vector<1x1x16xi32>,
        %swap3A_851 = vector.shape_cast %swap3A_850 : vector<1x1x16xi32> to vector<16xi32>
        %swap3A_852 = vector.shape_cast %add3A_843 : vector<16xi32> to vector<1x1x16xi32>
        tpu.vector_store %arg15[%swap3A_847, %swap3A_848, %swap3A_849], %swap3A_852 {strides = array<i32>} : memref<2x64x128xi32, #tpu.memory_space<vmem>>, vector<1x1x16xi32>,
        %add3A_853 = arith.constant 65792 : i32
        %add3A_854 = vector.broadcast %add3A_853 : i32 to vector<16xi32>
        %add3A_855 = arith.addi %or3A_783, %add3A_854 : vector<16xi32>
        %add3A_856 = arith.constant 6 : i32
        %add3A_857 = arith.addi %mul3A_333, %add3A_856 : i32
        %swap3A_858 = arith.constant 1 : i32
        %swap3A_859 = arith.index_cast %swap3A_858 : i32 to index
        %swap3A_860 = arith.index_cast %add3A_857 : i32 to index
        %swap3A_861 = arith.constant 32 : index
        %swap3A_862 = tpu.vector_load %arg15[%swap3A_859, %swap3A_860, %swap3A_861] {strides = array<i32>} : memref<2x64x128xi32, #tpu.memory_space<vmem>>, vector<1x1x16xi32>,
        %swap3A_863 = vector.shape_cast %swap3A_862 : vector<1x1x16xi32> to vector<16xi32>
        %swap3A_864 = vector.shape_cast %add3A_855 : vector<16xi32> to vector<1x1x16xi32>
        tpu.vector_store %arg15[%swap3A_859, %swap3A_860, %swap3A_861], %swap3A_864 {strides = array<i32>} : memref<2x64x128xi32, #tpu.memory_space<vmem>>, vector<1x1x16xi32>,
        %add3A_865 = arith.constant 65793 : i32
        %add3A_866 = vector.broadcast %add3A_865 : i32 to vector<16xi32>
        %add3A_867 = arith.addi %or3A_783, %add3A_866 : vector<16xi32>
        %add3A_868 = arith.constant 7 : i32
        %add3A_869 = arith.addi %mul3A_333, %add3A_868 : i32
        %swap3A_870 = arith.constant 1 : i32
        %swap3A_871 = arith.index_cast %swap3A_870 : i32 to index
        %swap3A_872 = arith.index_cast %add3A_869 : i32 to index
        %swap3A_873 = arith.constant 32 : index
        %swap3A_874 = tpu.vector_load %arg15[%swap3A_871, %swap3A_872, %swap3A_873] {strides = array<i32>} : memref<2x64x128xi32, #tpu.memory_space<vmem>>, vector<1x1x16xi32>,
        %swap3A_875 = vector.shape_cast %swap3A_874 : vector<1x1x16xi32> to vector<16xi32>
        %swap3A_876 = vector.shape_cast %add3A_867 : vector<16xi32> to vector<1x1x16xi32>
        tpu.vector_store %arg15[%swap3A_871, %swap3A_872, %swap3A_873], %swap3A_876 {strides = array<i32>} : memref<2x64x128xi32, #tpu.memory_space<vmem>>, vector<1x1x16xi32>,
        %mul3A_877 = arith.constant 8 : i32
        %mul3A_878 = arith.muli %scan3A_330, %mul3A_877 : i32
        %add3A_879 = arith.constant 3 : i32
        %add3A_880 = arith.addi %mul3A_878, %add3A_879 : i32
        %mul3A_881 = arith.constant 16 : i32
        %mul3A_882 = arith.muli %add3A_880, %mul3A_881 : i32
        %get3A_883 = arith.constant 1 : i32
        %get3A_884 = arith.index_cast %get3A_883 : i32 to index
        %get3A_885 = arith.index_cast %mul3A_882 : i32 to index
        %get3A_886 = tpu.vector_load %arg9[%get3A_884, %get3A_885] {strides = array<i32>} : memref<2x1024xf32, #tpu.memory_space<vmem>>, vector<1x16xf32>,
        %get3A_887 = vector.shape_cast %get3A_886 : vector<1x16xf32> to vector<16xf32>
        %mul3A_888 = arith.constant 16 : i32
        %mul3A_889 = arith.muli %add3A_880, %mul3A_888 : i32
        %get3A_890 = arith.constant 1 : i32
        %get3A_891 = arith.index_cast %get3A_890 : i32 to index
        %get3A_892 = arith.index_cast %mul3A_889 : i32 to index
        %get3A_893 = tpu.vector_load %arg10[%get3A_891, %get3A_892] {strides = array<i32>} : memref<2x1024xf32, #tpu.memory_space<vmem>>, vector<1x16xf32>,
        %get3A_894 = vector.shape_cast %get3A_893 : vector<1x16xf32> to vector<16xf32>
        %mul3A_895 = arith.constant 16 : i32
        %mul3A_896 = arith.muli %add3A_880, %mul3A_895 : i32
        %get3A_897 = arith.constant 1 : i32
        %get3A_898 = arith.index_cast %get3A_897 : i32 to index
        %get3A_899 = arith.index_cast %mul3A_896 : i32 to index
        %get3A_900 = tpu.vector_load %arg11[%get3A_898, %get3A_899] {strides = array<i32>} : memref<2x1024xf32, #tpu.memory_space<vmem>>, vector<1x16xf32>,
        %get3A_901 = vector.shape_cast %get3A_900 : vector<1x16xf32> to vector<16xf32>
        %mul3A_902 = arith.mulf %get3A_901, %get3A_6 : vector<16xf32>
        %add3A_903 = arith.addf %mul3A_902, %get3A_21 : vector<16xf32>
        %mul3A_904 = arith.mulf %get3A_894, %get3A_11 : vector<16xf32>
        %add3A_905 = arith.addf %mul3A_904, %get3A_26 : vector<16xf32>
        %mul3A_906 = arith.mulf %get3A_887, %get3A_16 : vector<16xf32>
        %add3A_907 = arith.addf %mul3A_906, %get3A_31 : vector<16xf32>
        %convert_element_type3A_908 = arith.fptosi %add3A_903 : vector<16xf32> to vector<16xi32>
        %jit3A_909 = arith.constant 0 : i32
        %jit3A_910 = arith.constant 254 : i32
        %max3A_911 = vector.broadcast %jit3A_909 : i32 to vector<16xi32>
        %max3A_912 = arith.maxsi %max3A_911, %convert_element_type3A_908 : vector<16xi32>
        %min3A_913 = vector.broadcast %jit3A_910 : i32 to vector<16xi32>
        %min3A_914 = arith.minsi %min3A_913, %max3A_912 : vector<16xi32>
        %convert_element_type3A_915 = arith.fptosi %add3A_905 : vector<16xf32> to vector<16xi32>
        %jit3A_916 = arith.constant 0 : i32
        %jit3A_917 = arith.constant 254 : i32
        %max3A_918 = vector.broadcast %jit3A_916 : i32 to vector<16xi32>
        %max3A_919 = arith.maxsi %max3A_918, %convert_element_type3A_915 : vector<16xi32>
        %min3A_920 = vector.broadcast %jit3A_917 : i32 to vector<16xi32>
        %min3A_921 = arith.minsi %min3A_920, %max3A_919 : vector<16xi32>
        %convert_element_type3A_922 = arith.fptosi %add3A_907 : vector<16xf32> to vector<16xi32>
        %jit3A_923 = arith.constant 0 : i32
        %jit3A_924 = arith.constant 254 : i32
        %max3A_925 = vector.broadcast %jit3A_923 : i32 to vector<16xi32>
        %max3A_926 = arith.maxsi %max3A_925, %convert_element_type3A_922 : vector<16xi32>
        %min3A_927 = vector.broadcast %jit3A_924 : i32 to vector<16xi32>
        %min3A_928 = arith.minsi %min3A_927, %max3A_926 : vector<16xi32>
        %convert_element_type3A_929 = arith.sitofp %min3A_914 : vector<16xi32> to vector<16xf32>
        %sub3A_930 = arith.subf %add3A_903, %convert_element_type3A_929 : vector<16xf32>
        %mul3A_931 = arith.constant 16 : i32
        %mul3A_932 = arith.muli %add3A_880, %mul3A_931 : i32
        %swap3A_933 = arith.constant 1 : i32
        %swap3A_934 = arith.index_cast %swap3A_933 : i32 to index
        %swap3A_935 = arith.index_cast %mul3A_932 : i32 to index
        %swap3A_936 = tpu.vector_load %arg12[%swap3A_934, %swap3A_935] {strides = array<i32>} : memref<2x1024xf32, #tpu.memory_space<vmem>>, vector<1x16xf32>,
        %swap3A_937 = vector.shape_cast %swap3A_936 : vector<1x16xf32> to vector<16xf32>
        %swap3A_938 = vector.shape_cast %sub3A_930 : vector<16xf32> to vector<1x16xf32>
        tpu.vector_store %arg12[%swap3A_934, %swap3A_935], %swap3A_938 {strides = array<i32>} : memref<2x1024xf32, #tpu.memory_space<vmem>>, vector<1x16xf32>,
        %convert_element_type3A_939 = arith.sitofp %min3A_921 : vector<16xi32> to vector<16xf32>
        %sub3A_940 = arith.subf %add3A_905, %convert_element_type3A_939 : vector<16xf32>
        %mul3A_941 = arith.constant 16 : i32
        %mul3A_942 = arith.muli %add3A_880, %mul3A_941 : i32
        %swap3A_943 = arith.constant 1 : i32
        %swap3A_944 = arith.index_cast %swap3A_943 : i32 to index
        %swap3A_945 = arith.index_cast %mul3A_942 : i32 to index
        %swap3A_946 = tpu.vector_load %arg13[%swap3A_944, %swap3A_945] {strides = array<i32>} : memref<2x1024xf32, #tpu.memory_space<vmem>>, vector<1x16xf32>,
        %swap3A_947 = vector.shape_cast %swap3A_946 : vector<1x16xf32> to vector<16xf32>
        %swap3A_948 = vector.shape_cast %sub3A_940 : vector<16xf32> to vector<1x16xf32>
        tpu.vector_store %arg13[%swap3A_944, %swap3A_945], %swap3A_948 {strides = array<i32>} : memref<2x1024xf32, #tpu.memory_space<vmem>>, vector<1x16xf32>,
        %convert_element_type3A_949 = arith.sitofp %min3A_928 : vector<16xi32> to vector<16xf32>
        %sub3A_950 = arith.subf %add3A_907, %convert_element_type3A_949 : vector<16xf32>
        %mul3A_951 = arith.constant 16 : i32
        %mul3A_952 = arith.muli %add3A_880, %mul3A_951 : i32
        %swap3A_953 = arith.constant 1 : i32
        %swap3A_954 = arith.index_cast %swap3A_953 : i32 to index
        %swap3A_955 = arith.index_cast %mul3A_952 : i32 to index
        %swap3A_956 = tpu.vector_load %arg14[%swap3A_954, %swap3A_955] {strides = array<i32>} : memref<2x1024xf32, #tpu.memory_space<vmem>>, vector<1x16xf32>,
        %swap3A_957 = vector.shape_cast %swap3A_956 : vector<1x16xf32> to vector<16xf32>
        %swap3A_958 = vector.shape_cast %sub3A_950 : vector<16xf32> to vector<1x16xf32>
        tpu.vector_store %arg14[%swap3A_954, %swap3A_955], %swap3A_958 {strides = array<i32>} : memref<2x1024xf32, #tpu.memory_space<vmem>>, vector<1x16xf32>,
        %shift_left3A_959 = arith.constant 16 : i32
        %shift_left3A_960 = vector.broadcast %shift_left3A_959 : i32 to vector<16xi32>
        %shift_left3A_961 = arith.shli %min3A_928, %shift_left3A_960 : vector<16xi32>
        %shift_left3A_962 = arith.constant 8 : i32
        %shift_left3A_963 = vector.broadcast %shift_left3A_962 : i32 to vector<16xi32>
        %shift_left3A_964 = arith.shli %min3A_921, %shift_left3A_963 : vector<16xi32>
        %or3A_965 = arith.ori %shift_left3A_961, %shift_left3A_964 : vector<16xi32>
        %or3A_966 = arith.ori %or3A_965, %min3A_914 : vector<16xi32>
        %add3A_967 = arith.constant 0 : i32
        %add3A_968 = arith.addi %mul3A_333, %add3A_967 : i32
        %swap3A_969 = arith.constant 1 : i32
        %swap3A_970 = arith.index_cast %swap3A_969 : i32 to index
        %swap3A_971 = arith.index_cast %add3A_968 : i32 to index
        %swap3A_972 = arith.constant 48 : index
        %swap3A_973 = tpu.vector_load %arg15[%swap3A_970, %swap3A_971, %swap3A_972] {strides = array<i32>} : memref<2x64x128xi32, #tpu.memory_space<vmem>>, vector<1x1x16xi32>,
        %swap3A_974 = vector.shape_cast %swap3A_973 : vector<1x1x16xi32> to vector<16xi32>
        %swap3A_975 = vector.shape_cast %or3A_966 : vector<16xi32> to vector<1x1x16xi32>
        tpu.vector_store %arg15[%swap3A_970, %swap3A_971, %swap3A_972], %swap3A_975 {strides = array<i32>} : memref<2x64x128xi32, #tpu.memory_space<vmem>>, vector<1x1x16xi32>,
        %add3A_976 = arith.constant 1 : i32
        %add3A_977 = vector.broadcast %add3A_976 : i32 to vector<16xi32>
        %add3A_978 = arith.addi %or3A_966, %add3A_977 : vector<16xi32>
        %add3A_979 = arith.constant 1 : i32
        %add3A_980 = arith.addi %mul3A_333, %add3A_979 : i32
        %swap3A_981 = arith.constant 1 : i32
        %swap3A_982 = arith.index_cast %swap3A_981 : i32 to index
        %swap3A_983 = arith.index_cast %add3A_980 : i32 to index
        %swap3A_984 = arith.constant 48 : index
        %swap3A_985 = tpu.vector_load %arg15[%swap3A_982, %swap3A_983, %swap3A_984] {strides = array<i32>} : memref<2x64x128xi32, #tpu.memory_space<vmem>>, vector<1x1x16xi32>,
        %swap3A_986 = vector.shape_cast %swap3A_985 : vector<1x1x16xi32> to vector<16xi32>
        %swap3A_987 = vector.shape_cast %add3A_978 : vector<16xi32> to vector<1x1x16xi32>
        tpu.vector_store %arg15[%swap3A_982, %swap3A_983, %swap3A_984], %swap3A_987 {strides = array<i32>} : memref<2x64x128xi32, #tpu.memory_space<vmem>>, vector<1x1x16xi32>,
        %add3A_988 = arith.constant 256 : i32
        %add3A_989 = vector.broadcast %add3A_988 : i32 to vector<16xi32>
        %add3A_990 = arith.addi %or3A_966, %add3A_989 : vector<16xi32>
        %add3A_991 = arith.constant 2 : i32
        %add3A_992 = arith.addi %mul3A_333, %add3A_991 : i32
        %swap3A_993 = arith.constant 1 : i32
        %swap3A_994 = arith.index_cast %swap3A_993 : i32 to index
        %swap3A_995 = arith.index_cast %add3A_992 : i32 to index
        %swap3A_996 = arith.constant 48 : index
        %swap3A_997 = tpu.vector_load %arg15[%swap3A_994, %swap3A_995, %swap3A_996] {strides = array<i32>} : memref<2x64x128xi32, #tpu.memory_space<vmem>>, vector<1x1x16xi32>,
        %swap3A_998 = vector.shape_cast %swap3A_997 : vector<1x1x16xi32> to vector<16xi32>
        %swap3A_999 = vector.shape_cast %add3A_990 : vector<16xi32> to vector<1x1x16xi32>
        tpu.vector_store %arg15[%swap3A_994, %swap3A_995, %swap3A_996], %swap3A_999 {strides = array<i32>} : memref<2x64x128xi32, #tpu.memory_space<vmem>>, vector<1x1x16xi32>,
        %add3A_1000 = arith.constant 257 : i32
        %add3A_1001 = vector.broadcast %add3A_1000 : i32 to vector<16xi32>
        %add3A_1002 = arith.addi %or3A_966, %add3A_1001 : vector<16xi32>
        %add3A_1003 = arith.constant 3 : i32
        %add3A_1004 = arith.addi %mul3A_333, %add3A_1003 : i32
        %swap3A_1005 = arith.constant 1 : i32
        %swap3A_1006 = arith.index_cast %swap3A_1005 : i32 to index
        %swap3A_1007 = arith.index_cast %add3A_1004 : i32 to index
        %swap3A_1008 = arith.constant 48 : index
        %swap3A_1009 = tpu.vector_load %arg15[%swap3A_1006, %swap3A_1007, %swap3A_1008] {strides = array<i32>} : memref<2x64x128xi32, #tpu.memory_space<vmem>>, vector<1x1x16xi32>,
        %swap3A_1010 = vector.shape_cast %swap3A_1009 : vector<1x1x16xi32> to vector<16xi32>
        %swap3A_1011 = vector.shape_cast %add3A_1002 : vector<16xi32> to vector<1x1x16xi32>
        tpu.vector_store %arg15[%swap3A_1006, %swap3A_1007, %swap3A_1008], %swap3A_1011 {strides = array<i32>} : memref<2x64x128xi32, #tpu.memory_space<vmem>>, vector<1x1x16xi32>,
        %add3A_1012 = arith.constant 65536 : i32
        %add3A_1013 = vector.broadcast %add3A_1012 : i32 to vector<16xi32>
        %add3A_1014 = arith.addi %or3A_966, %add3A_1013 : vector<16xi32>
        %add3A_1015 = arith.constant 4 : i32
        %add3A_1016 = arith.addi %mul3A_333, %add3A_1015 : i32
        %swap3A_1017 = arith.constant 1 : i32
        %swap3A_1018 = arith.index_cast %swap3A_1017 : i32 to index
        %swap3A_1019 = arith.index_cast %add3A_1016 : i32 to index
        %swap3A_1020 = arith.constant 48 : index
        %swap3A_1021 = tpu.vector_load %arg15[%swap3A_1018, %swap3A_1019, %swap3A_1020] {strides = array<i32>} : memref<2x64x128xi32, #tpu.memory_space<vmem>>, vector<1x1x16xi32>,
        %swap3A_1022 = vector.shape_cast %swap3A_1021 : vector<1x1x16xi32> to vector<16xi32>
        %swap3A_1023 = vector.shape_cast %add3A_1014 : vector<16xi32> to vector<1x1x16xi32>
        tpu.vector_store %arg15[%swap3A_1018, %swap3A_1019, %swap3A_1020], %swap3A_1023 {strides = array<i32>} : memref<2x64x128xi32, #tpu.memory_space<vmem>>, vector<1x1x16xi32>,
        %add3A_1024 = arith.constant 65537 : i32
        %add3A_1025 = vector.broadcast %add3A_1024 : i32 to vector<16xi32>
        %add3A_1026 = arith.addi %or3A_966, %add3A_1025 : vector<16xi32>
        %add3A_1027 = arith.constant 5 : i32
        %add3A_1028 = arith.addi %mul3A_333, %add3A_1027 : i32
        %swap3A_1029 = arith.constant 1 : i32
        %swap3A_1030 = arith.index_cast %swap3A_1029 : i32 to index
        %swap3A_1031 = arith.index_cast %add3A_1028 : i32 to index
        %swap3A_1032 = arith.constant 48 : index
        %swap3A_1033 = tpu.vector_load %arg15[%swap3A_1030, %swap3A_1031, %swap3A_1032] {strides = array<i32>} : memref<2x64x128xi32, #tpu.memory_space<vmem>>, vector<1x1x16xi32>,
        %swap3A_1034 = vector.shape_cast %swap3A_1033 : vector<1x1x16xi32> to vector<16xi32>
        %swap3A_1035 = vector.shape_cast %add3A_1026 : vector<16xi32> to vector<1x1x16xi32>
        tpu.vector_store %arg15[%swap3A_1030, %swap3A_1031, %swap3A_1032], %swap3A_1035 {strides = array<i32>} : memref<2x64x128xi32, #tpu.memory_space<vmem>>, vector<1x1x16xi32>,
        %add3A_1036 = arith.constant 65792 : i32
        %add3A_1037 = vector.broadcast %add3A_1036 : i32 to vector<16xi32>
        %add3A_1038 = arith.addi %or3A_966, %add3A_1037 : vector<16xi32>
        %add3A_1039 = arith.constant 6 : i32
        %add3A_1040 = arith.addi %mul3A_333, %add3A_1039 : i32
        %swap3A_1041 = arith.constant 1 : i32
        %swap3A_1042 = arith.index_cast %swap3A_1041 : i32 to index
        %swap3A_1043 = arith.index_cast %add3A_1040 : i32 to index
        %swap3A_1044 = arith.constant 48 : index
        %swap3A_1045 = tpu.vector_load %arg15[%swap3A_1042, %swap3A_1043, %swap3A_1044] {strides = array<i32>} : memref<2x64x128xi32, #tpu.memory_space<vmem>>, vector<1x1x16xi32>,
        %swap3A_1046 = vector.shape_cast %swap3A_1045 : vector<1x1x16xi32> to vector<16xi32>
        %swap3A_1047 = vector.shape_cast %add3A_1038 : vector<16xi32> to vector<1x1x16xi32>
        tpu.vector_store %arg15[%swap3A_1042, %swap3A_1043, %swap3A_1044], %swap3A_1047 {strides = array<i32>} : memref<2x64x128xi32, #tpu.memory_space<vmem>>, vector<1x1x16xi32>,
        %add3A_1048 = arith.constant 65793 : i32
        %add3A_1049 = vector.broadcast %add3A_1048 : i32 to vector<16xi32>
        %add3A_1050 = arith.addi %or3A_966, %add3A_1049 : vector<16xi32>
        %add3A_1051 = arith.constant 7 : i32
        %add3A_1052 = arith.addi %mul3A_333, %add3A_1051 : i32
        %swap3A_1053 = arith.constant 1 : i32
        %swap3A_1054 = arith.index_cast %swap3A_1053 : i32 to index
        %swap3A_1055 = arith.index_cast %add3A_1052 : i32 to index
        %swap3A_1056 = arith.constant 48 : index
        %swap3A_1057 = tpu.vector_load %arg15[%swap3A_1054, %swap3A_1055, %swap3A_1056] {strides = array<i32>} : memref<2x64x128xi32, #tpu.memory_space<vmem>>, vector<1x1x16xi32>,
        %swap3A_1058 = vector.shape_cast %swap3A_1057 : vector<1x1x16xi32> to vector<16xi32>
        %swap3A_1059 = vector.shape_cast %add3A_1050 : vector<16xi32> to vector<1x1x16xi32>
        tpu.vector_store %arg15[%swap3A_1054, %swap3A_1055, %swap3A_1056], %swap3A_1059 {strides = array<i32>} : memref<2x64x128xi32, #tpu.memory_space<vmem>>, vector<1x1x16xi32>,
        %mul3A_1060 = arith.constant 8 : i32
        %mul3A_1061 = arith.muli %scan3A_330, %mul3A_1060 : i32
        %add3A_1062 = arith.constant 4 : i32
        %add3A_1063 = arith.addi %mul3A_1061, %add3A_1062 : i32
        %mul3A_1064 = arith.constant 16 : i32
        %mul3A_1065 = arith.muli %add3A_1063, %mul3A_1064 : i32
        %get3A_1066 = arith.constant 1 : i32
        %get3A_1067 = arith.index_cast %get3A_1066 : i32 to index
        %get3A_1068 = arith.index_cast %mul3A_1065 : i32 to index
        %get3A_1069 = tpu.vector_load %arg9[%get3A_1067, %get3A_1068] {strides = array<i32>} : memref<2x1024xf32, #tpu.memory_space<vmem>>, vector<1x16xf32>,
        %get3A_1070 = vector.shape_cast %get3A_1069 : vector<1x16xf32> to vector<16xf32>
        %mul3A_1071 = arith.constant 16 : i32
        %mul3A_1072 = arith.muli %add3A_1063, %mul3A_1071 : i32
        %get3A_1073 = arith.constant 1 : i32
        %get3A_1074 = arith.index_cast %get3A_1073 : i32 to index
        %get3A_1075 = arith.index_cast %mul3A_1072 : i32 to index
        %get3A_1076 = tpu.vector_load %arg10[%get3A_1074, %get3A_1075] {strides = array<i32>} : memref<2x1024xf32, #tpu.memory_space<vmem>>, vector<1x16xf32>,
        %get3A_1077 = vector.shape_cast %get3A_1076 : vector<1x16xf32> to vector<16xf32>
        %mul3A_1078 = arith.constant 16 : i32
        %mul3A_1079 = arith.muli %add3A_1063, %mul3A_1078 : i32
        %get3A_1080 = arith.constant 1 : i32
        %get3A_1081 = arith.index_cast %get3A_1080 : i32 to index
        %get3A_1082 = arith.index_cast %mul3A_1079 : i32 to index
        %get3A_1083 = tpu.vector_load %arg11[%get3A_1081, %get3A_1082] {strides = array<i32>} : memref<2x1024xf32, #tpu.memory_space<vmem>>, vector<1x16xf32>,
        %get3A_1084 = vector.shape_cast %get3A_1083 : vector<1x16xf32> to vector<16xf32>
        %mul3A_1085 = arith.mulf %get3A_1084, %get3A_6 : vector<16xf32>
        %add3A_1086 = arith.addf %mul3A_1085, %get3A_21 : vector<16xf32>
        %mul3A_1087 = arith.mulf %get3A_1077, %get3A_11 : vector<16xf32>
        %add3A_1088 = arith.addf %mul3A_1087, %get3A_26 : vector<16xf32>
        %mul3A_1089 = arith.mulf %get3A_1070, %get3A_16 : vector<16xf32>
        %add3A_1090 = arith.addf %mul3A_1089, %get3A_31 : vector<16xf32>
        %convert_element_type3A_1091 = arith.fptosi %add3A_1086 : vector<16xf32> to vector<16xi32>
        %jit3A_1092 = arith.constant 0 : i32
        %jit3A_1093 = arith.constant 254 : i32
        %max3A_1094 = vector.broadcast %jit3A_1092 : i32 to vector<16xi32>
        %max3A_1095 = arith.maxsi %max3A_1094, %convert_element_type3A_1091 : vector<16xi32>
        %min3A_1096 = vector.broadcast %jit3A_1093 : i32 to vector<16xi32>
        %min3A_1097 = arith.minsi %min3A_1096, %max3A_1095 : vector<16xi32>
        %convert_element_type3A_1098 = arith.fptosi %add3A_1088 : vector<16xf32> to vector<16xi32>
        %jit3A_1099 = arith.constant 0 : i32
        %jit3A_1100 = arith.constant 254 : i32
        %max3A_1101 = vector.broadcast %jit3A_1099 : i32 to vector<16xi32>
        %max3A_1102 = arith.maxsi %max3A_1101, %convert_element_type3A_1098 : vector<16xi32>
        %min3A_1103 = vector.broadcast %jit3A_1100 : i32 to vector<16xi32>
        %min3A_1104 = arith.minsi %min3A_1103, %max3A_1102 : vector<16xi32>
        %convert_element_type3A_1105 = arith.fptosi %add3A_1090 : vector<16xf32> to vector<16xi32>
        %jit3A_1106 = arith.constant 0 : i32
        %jit3A_1107 = arith.constant 254 : i32
        %max3A_1108 = vector.broadcast %jit3A_1106 : i32 to vector<16xi32>
        %max3A_1109 = arith.maxsi %max3A_1108, %convert_element_type3A_1105 : vector<16xi32>
        %min3A_1110 = vector.broadcast %jit3A_1107 : i32 to vector<16xi32>
        %min3A_1111 = arith.minsi %min3A_1110, %max3A_1109 : vector<16xi32>
        %convert_element_type3A_1112 = arith.sitofp %min3A_1097 : vector<16xi32> to vector<16xf32>
        %sub3A_1113 = arith.subf %add3A_1086, %convert_element_type3A_1112 : vector<16xf32>
        %mul3A_1114 = arith.constant 16 : i32
        %mul3A_1115 = arith.muli %add3A_1063, %mul3A_1114 : i32
        %swap3A_1116 = arith.constant 1 : i32
        %swap3A_1117 = arith.index_cast %swap3A_1116 : i32 to index
        %swap3A_1118 = arith.index_cast %mul3A_1115 : i32 to index
        %swap3A_1119 = tpu.vector_load %arg12[%swap3A_1117, %swap3A_1118] {strides = array<i32>} : memref<2x1024xf32, #tpu.memory_space<vmem>>, vector<1x16xf32>,
        %swap3A_1120 = vector.shape_cast %swap3A_1119 : vector<1x16xf32> to vector<16xf32>
        %swap3A_1121 = vector.shape_cast %sub3A_1113 : vector<16xf32> to vector<1x16xf32>
        tpu.vector_store %arg12[%swap3A_1117, %swap3A_1118], %swap3A_1121 {strides = array<i32>} : memref<2x1024xf32, #tpu.memory_space<vmem>>, vector<1x16xf32>,
        %convert_element_type3A_1122 = arith.sitofp %min3A_1104 : vector<16xi32> to vector<16xf32>
        %sub3A_1123 = arith.subf %add3A_1088, %convert_element_type3A_1122 : vector<16xf32>
        %mul3A_1124 = arith.constant 16 : i32
        %mul3A_1125 = arith.muli %add3A_1063, %mul3A_1124 : i32
        %swap3A_1126 = arith.constant 1 : i32
        %swap3A_1127 = arith.index_cast %swap3A_1126 : i32 to index
        %swap3A_1128 = arith.index_cast %mul3A_1125 : i32 to index
        %swap3A_1129 = tpu.vector_load %arg13[%swap3A_1127, %swap3A_1128] {strides = array<i32>} : memref<2x1024xf32, #tpu.memory_space<vmem>>, vector<1x16xf32>,
        %swap3A_1130 = vector.shape_cast %swap3A_1129 : vector<1x16xf32> to vector<16xf32>
        %swap3A_1131 = vector.shape_cast %sub3A_1123 : vector<16xf32> to vector<1x16xf32>
        tpu.vector_store %arg13[%swap3A_1127, %swap3A_1128], %swap3A_1131 {strides = array<i32>} : memref<2x1024xf32, #tpu.memory_space<vmem>>, vector<1x16xf32>,
        %convert_element_type3A_1132 = arith.sitofp %min3A_1111 : vector<16xi32> to vector<16xf32>
        %sub3A_1133 = arith.subf %add3A_1090, %convert_element_type3A_1132 : vector<16xf32>
        %mul3A_1134 = arith.constant 16 : i32
        %mul3A_1135 = arith.muli %add3A_1063, %mul3A_1134 : i32
        %swap3A_1136 = arith.constant 1 : i32
        %swap3A_1137 = arith.index_cast %swap3A_1136 : i32 to index
        %swap3A_1138 = arith.index_cast %mul3A_1135 : i32 to index
        %swap3A_1139 = tpu.vector_load %arg14[%swap3A_1137, %swap3A_1138] {strides = array<i32>} : memref<2x1024xf32, #tpu.memory_space<vmem>>, vector<1x16xf32>,
        %swap3A_1140 = vector.shape_cast %swap3A_1139 : vector<1x16xf32> to vector<16xf32>
        %swap3A_1141 = vector.shape_cast %sub3A_1133 : vector<16xf32> to vector<1x16xf32>
        tpu.vector_store %arg14[%swap3A_1137, %swap3A_1138], %swap3A_1141 {strides = array<i32>} : memref<2x1024xf32, #tpu.memory_space<vmem>>, vector<1x16xf32>,
        %shift_left3A_1142 = arith.constant 16 : i32
        %shift_left3A_1143 = vector.broadcast %shift_left3A_1142 : i32 to vector<16xi32>
        %shift_left3A_1144 = arith.shli %min3A_1111, %shift_left3A_1143 : vector<16xi32>
        %shift_left3A_1145 = arith.constant 8 : i32
        %shift_left3A_1146 = vector.broadcast %shift_left3A_1145 : i32 to vector<16xi32>
        %shift_left3A_1147 = arith.shli %min3A_1104, %shift_left3A_1146 : vector<16xi32>
        %or3A_1148 = arith.ori %shift_left3A_1144, %shift_left3A_1147 : vector<16xi32>
        %or3A_1149 = arith.ori %or3A_1148, %min3A_1097 : vector<16xi32>
        %add3A_1150 = arith.constant 0 : i32
        %add3A_1151 = arith.addi %mul3A_333, %add3A_1150 : i32
        %swap3A_1152 = arith.constant 1 : i32
        %swap3A_1153 = arith.index_cast %swap3A_1152 : i32 to index
        %swap3A_1154 = arith.index_cast %add3A_1151 : i32 to index
        %swap3A_1155 = arith.constant 64 : index
        %swap3A_1156 = tpu.vector_load %arg15[%swap3A_1153, %swap3A_1154, %swap3A_1155] {strides = array<i32>} : memref<2x64x128xi32, #tpu.memory_space<vmem>>, vector<1x1x16xi32>,
        %swap3A_1157 = vector.shape_cast %swap3A_1156 : vector<1x1x16xi32> to vector<16xi32>
        %swap3A_1158 = vector.shape_cast %or3A_1149 : vector<16xi32> to vector<1x1x16xi32>
        tpu.vector_store %arg15[%swap3A_1153, %swap3A_1154, %swap3A_1155], %swap3A_1158 {strides = array<i32>} : memref<2x64x128xi32, #tpu.memory_space<vmem>>, vector<1x1x16xi32>,
        %add3A_1159 = arith.constant 1 : i32
        %add3A_1160 = vector.broadcast %add3A_1159 : i32 to vector<16xi32>
        %add3A_1161 = arith.addi %or3A_1149, %add3A_1160 : vector<16xi32>
        %add3A_1162 = arith.constant 1 : i32
        %add3A_1163 = arith.addi %mul3A_333, %add3A_1162 : i32
        %swap3A_1164 = arith.constant 1 : i32
        %swap3A_1165 = arith.index_cast %swap3A_1164 : i32 to index
        %swap3A_1166 = arith.index_cast %add3A_1163 : i32 to index
        %swap3A_1167 = arith.constant 64 : index
        %swap3A_1168 = tpu.vector_load %arg15[%swap3A_1165, %swap3A_1166, %swap3A_1167] {strides = array<i32>} : memref<2x64x128xi32, #tpu.memory_space<vmem>>, vector<1x1x16xi32>,
        %swap3A_1169 = vector.shape_cast %swap3A_1168 : vector<1x1x16xi32> to vector<16xi32>
        %swap3A_1170 = vector.shape_cast %add3A_1161 : vector<16xi32> to vector<1x1x16xi32>
        tpu.vector_store %arg15[%swap3A_1165, %swap3A_1166, %swap3A_1167], %swap3A_1170 {strides = array<i32>} : memref<2x64x128xi32, #tpu.memory_space<vmem>>, vector<1x1x16xi32>,
        %add3A_1171 = arith.constant 256 : i32
        %add3A_1172 = vector.broadcast %add3A_1171 : i32 to vector<16xi32>
        %add3A_1173 = arith.addi %or3A_1149, %add3A_1172 : vector<16xi32>
        %add3A_1174 = arith.constant 2 : i32
        %add3A_1175 = arith.addi %mul3A_333, %add3A_1174 : i32
        %swap3A_1176 = arith.constant 1 : i32
        %swap3A_1177 = arith.index_cast %swap3A_1176 : i32 to index
        %swap3A_1178 = arith.index_cast %add3A_1175 : i32 to index
        %swap3A_1179 = arith.constant 64 : index
        %swap3A_1180 = tpu.vector_load %arg15[%swap3A_1177, %swap3A_1178, %swap3A_1179] {strides = array<i32>} : memref<2x64x128xi32, #tpu.memory_space<vmem>>, vector<1x1x16xi32>,
        %swap3A_1181 = vector.shape_cast %swap3A_1180 : vector<1x1x16xi32> to vector<16xi32>
        %swap3A_1182 = vector.shape_cast %add3A_1173 : vector<16xi32> to vector<1x1x16xi32>
        tpu.vector_store %arg15[%swap3A_1177, %swap3A_1178, %swap3A_1179], %swap3A_1182 {strides = array<i32>} : memref<2x64x128xi32, #tpu.memory_space<vmem>>, vector<1x1x16xi32>,
        %add3A_1183 = arith.constant 257 : i32
        %add3A_1184 = vector.broadcast %add3A_1183 : i32 to vector<16xi32>
        %add3A_1185 = arith.addi %or3A_1149, %add3A_1184 : vector<16xi32>
        %add3A_1186 = arith.constant 3 : i32
        %add3A_1187 = arith.addi %mul3A_333, %add3A_1186 : i32
        %swap3A_1188 = arith.constant 1 : i32
        %swap3A_1189 = arith.index_cast %swap3A_1188 : i32 to index
        %swap3A_1190 = arith.index_cast %add3A_1187 : i32 to index
        %swap3A_1191 = arith.constant 64 : index
        %swap3A_1192 = tpu.vector_load %arg15[%swap3A_1189, %swap3A_1190, %swap3A_1191] {strides = array<i32>} : memref<2x64x128xi32, #tpu.memory_space<vmem>>, vector<1x1x16xi32>,
        %swap3A_1193 = vector.shape_cast %swap3A_1192 : vector<1x1x16xi32> to vector<16xi32>
        %swap3A_1194 = vector.shape_cast %add3A_1185 : vector<16xi32> to vector<1x1x16xi32>
        tpu.vector_store %arg15[%swap3A_1189, %swap3A_1190, %swap3A_1191], %swap3A_1194 {strides = array<i32>} : memref<2x64x128xi32, #tpu.memory_space<vmem>>, vector<1x1x16xi32>,
        %add3A_1195 = arith.constant 65536 : i32
        %add3A_1196 = vector.broadcast %add3A_1195 : i32 to vector<16xi32>
        %add3A_1197 = arith.addi %or3A_1149, %add3A_1196 : vector<16xi32>
        %add3A_1198 = arith.constant 4 : i32
        %add3A_1199 = arith.addi %mul3A_333, %add3A_1198 : i32
        %swap3A_1200 = arith.constant 1 : i32
        %swap3A_1201 = arith.index_cast %swap3A_1200 : i32 to index
        %swap3A_1202 = arith.index_cast %add3A_1199 : i32 to index
        %swap3A_1203 = arith.constant 64 : index
        %swap3A_1204 = tpu.vector_load %arg15[%swap3A_1201, %swap3A_1202, %swap3A_1203] {strides = array<i32>} : memref<2x64x128xi32, #tpu.memory_space<vmem>>, vector<1x1x16xi32>,
        %swap3A_1205 = vector.shape_cast %swap3A_1204 : vector<1x1x16xi32> to vector<16xi32>
        %swap3A_1206 = vector.shape_cast %add3A_1197 : vector<16xi32> to vector<1x1x16xi32>
        tpu.vector_store %arg15[%swap3A_1201, %swap3A_1202, %swap3A_1203], %swap3A_1206 {strides = array<i32>} : memref<2x64x128xi32, #tpu.memory_space<vmem>>, vector<1x1x16xi32>,
        %add3A_1207 = arith.constant 65537 : i32
        %add3A_1208 = vector.broadcast %add3A_1207 : i32 to vector<16xi32>
        %add3A_1209 = arith.addi %or3A_1149, %add3A_1208 : vector<16xi32>
        %add3A_1210 = arith.constant 5 : i32
        %add3A_1211 = arith.addi %mul3A_333, %add3A_1210 : i32
        %swap3A_1212 = arith.constant 1 : i32
        %swap3A_1213 = arith.index_cast %swap3A_1212 : i32 to index
        %swap3A_1214 = arith.index_cast %add3A_1211 : i32 to index
        %swap3A_1215 = arith.constant 64 : index
        %swap3A_1216 = tpu.vector_load %arg15[%swap3A_1213, %swap3A_1214, %swap3A_1215] {strides = array<i32>} : memref<2x64x128xi32, #tpu.memory_space<vmem>>, vector<1x1x16xi32>,
        %swap3A_1217 = vector.shape_cast %swap3A_1216 : vector<1x1x16xi32> to vector<16xi32>
        %swap3A_1218 = vector.shape_cast %add3A_1209 : vector<16xi32> to vector<1x1x16xi32>
        tpu.vector_store %arg15[%swap3A_1213, %swap3A_1214, %swap3A_1215], %swap3A_1218 {strides = array<i32>} : memref<2x64x128xi32, #tpu.memory_space<vmem>>, vector<1x1x16xi32>,
        %add3A_1219 = arith.constant 65792 : i32
        %add3A_1220 = vector.broadcast %add3A_1219 : i32 to vector<16xi32>
        %add3A_1221 = arith.addi %or3A_1149, %add3A_1220 : vector<16xi32>
        %add3A_1222 = arith.constant 6 : i32
        %add3A_1223 = arith.addi %mul3A_333, %add3A_1222 : i32
        %swap3A_1224 = arith.constant 1 : i32
        %swap3A_1225 = arith.index_cast %swap3A_1224 : i32 to index
        %swap3A_1226 = arith.index_cast %add3A_1223 : i32 to index
        %swap3A_1227 = arith.constant 64 : index
        %swap3A_1228 = tpu.vector_load %arg15[%swap3A_1225, %swap3A_1226, %swap3A_1227] {strides = array<i32>} : memref<2x64x128xi32, #tpu.memory_space<vmem>>, vector<1x1x16xi32>,
        %swap3A_1229 = vector.shape_cast %swap3A_1228 : vector<1x1x16xi32> to vector<16xi32>
        %swap3A_1230 = vector.shape_cast %add3A_1221 : vector<16xi32> to vector<1x1x16xi32>
        tpu.vector_store %arg15[%swap3A_1225, %swap3A_1226, %swap3A_1227], %swap3A_1230 {strides = array<i32>} : memref<2x64x128xi32, #tpu.memory_space<vmem>>, vector<1x1x16xi32>,
        %add3A_1231 = arith.constant 65793 : i32
        %add3A_1232 = vector.broadcast %add3A_1231 : i32 to vector<16xi32>
        %add3A_1233 = arith.addi %or3A_1149, %add3A_1232 : vector<16xi32>
        %add3A_1234 = arith.constant 7 : i32
        %add3A_1235 = arith.addi %mul3A_333, %add3A_1234 : i32
        %swap3A_1236 = arith.constant 1 : i32
        %swap3A_1237 = arith.index_cast %swap3A_1236 : i32 to index
        %swap3A_1238 = arith.index_cast %add3A_1235 : i32 to index
        %swap3A_1239 = arith.constant 64 : index
        %swap3A_1240 = tpu.vector_load %arg15[%swap3A_1237, %swap3A_1238, %swap3A_1239] {strides = array<i32>} : memref<2x64x128xi32, #tpu.memory_space<vmem>>, vector<1x1x16xi32>,
        %swap3A_1241 = vector.shape_cast %swap3A_1240 : vector<1x1x16xi32> to vector<16xi32>
        %swap3A_1242 = vector.shape_cast %add3A_1233 : vector<16xi32> to vector<1x1x16xi32>
        tpu.vector_store %arg15[%swap3A_1237, %swap3A_1238, %swap3A_1239], %swap3A_1242 {strides = array<i32>} : memref<2x64x128xi32, #tpu.memory_space<vmem>>, vector<1x1x16xi32>,
        %mul3A_1243 = arith.constant 8 : i32
        %mul3A_1244 = arith.muli %scan3A_330, %mul3A_1243 : i32
        %add3A_1245 = arith.constant 5 : i32
        %add3A_1246 = arith.addi %mul3A_1244, %add3A_1245 : i32
        %mul3A_1247 = arith.constant 16 : i32
        %mul3A_1248 = arith.muli %add3A_1246, %mul3A_1247 : i32
        %get3A_1249 = arith.constant 1 : i32
        %get3A_1250 = arith.index_cast %get3A_1249 : i32 to index
        %get3A_1251 = arith.index_cast %mul3A_1248 : i32 to index
        %get3A_1252 = tpu.vector_load %arg9[%get3A_1250, %get3A_1251] {strides = array<i32>} : memref<2x1024xf32, #tpu.memory_space<vmem>>, vector<1x16xf32>,
        %get3A_1253 = vector.shape_cast %get3A_1252 : vector<1x16xf32> to vector<16xf32>
        %mul3A_1254 = arith.constant 16 : i32
        %mul3A_1255 = arith.muli %add3A_1246, %mul3A_1254 : i32
        %get3A_1256 = arith.constant 1 : i32
        %get3A_1257 = arith.index_cast %get3A_1256 : i32 to index
        %get3A_1258 = arith.index_cast %mul3A_1255 : i32 to index
        %get3A_1259 = tpu.vector_load %arg10[%get3A_1257, %get3A_1258] {strides = array<i32>} : memref<2x1024xf32, #tpu.memory_space<vmem>>, vector<1x16xf32>,
        %get3A_1260 = vector.shape_cast %get3A_1259 : vector<1x16xf32> to vector<16xf32>
        %mul3A_1261 = arith.constant 16 : i32
        %mul3A_1262 = arith.muli %add3A_1246, %mul3A_1261 : i32
        %get3A_1263 = arith.constant 1 : i32
        %get3A_1264 = arith.index_cast %get3A_1263 : i32 to index
        %get3A_1265 = arith.index_cast %mul3A_1262 : i32 to index
        %get3A_1266 = tpu.vector_load %arg11[%get3A_1264, %get3A_1265] {strides = array<i32>} : memref<2x1024xf32, #tpu.memory_space<vmem>>, vector<1x16xf32>,
        %get3A_1267 = vector.shape_cast %get3A_1266 : vector<1x16xf32> to vector<16xf32>
        %mul3A_1268 = arith.mulf %get3A_1267, %get3A_6 : vector<16xf32>
        %add3A_1269 = arith.addf %mul3A_1268, %get3A_21 : vector<16xf32>
        %mul3A_1270 = arith.mulf %get3A_1260, %get3A_11 : vector<16xf32>
        %add3A_1271 = arith.addf %mul3A_1270, %get3A_26 : vector<16xf32>
        %mul3A_1272 = arith.mulf %get3A_1253, %get3A_16 : vector<16xf32>
        %add3A_1273 = arith.addf %mul3A_1272, %get3A_31 : vector<16xf32>
        %convert_element_type3A_1274 = arith.fptosi %add3A_1269 : vector<16xf32> to vector<16xi32>
        %jit3A_1275 = arith.constant 0 : i32
        %jit3A_1276 = arith.constant 254 : i32
        %max3A_1277 = vector.broadcast %jit3A_1275 : i32 to vector<16xi32>
        %max3A_1278 = arith.maxsi %max3A_1277, %convert_element_type3A_1274 : vector<16xi32>
        %min3A_1279 = vector.broadcast %jit3A_1276 : i32 to vector<16xi32>
        %min3A_1280 = arith.minsi %min3A_1279, %max3A_1278 : vector<16xi32>
        %convert_element_type3A_1281 = arith.fptosi %add3A_1271 : vector<16xf32> to vector<16xi32>
        %jit3A_1282 = arith.constant 0 : i32
        %jit3A_1283 = arith.constant 254 : i32
        %max3A_1284 = vector.broadcast %jit3A_1282 : i32 to vector<16xi32>
        %max3A_1285 = arith.maxsi %max3A_1284, %convert_element_type3A_1281 : vector<16xi32>
        %min3A_1286 = vector.broadcast %jit3A_1283 : i32 to vector<16xi32>
        %min3A_1287 = arith.minsi %min3A_1286, %max3A_1285 : vector<16xi32>
        %convert_element_type3A_1288 = arith.fptosi %add3A_1273 : vector<16xf32> to vector<16xi32>
        %jit3A_1289 = arith.constant 0 : i32
        %jit3A_1290 = arith.constant 254 : i32
        %max3A_1291 = vector.broadcast %jit3A_1289 : i32 to vector<16xi32>
        %max3A_1292 = arith.maxsi %max3A_1291, %convert_element_type3A_1288 : vector<16xi32>
        %min3A_1293 = vector.broadcast %jit3A_1290 : i32 to vector<16xi32>
        %min3A_1294 = arith.minsi %min3A_1293, %max3A_1292 : vector<16xi32>
        %convert_element_type3A_1295 = arith.sitofp %min3A_1280 : vector<16xi32> to vector<16xf32>
        %sub3A_1296 = arith.subf %add3A_1269, %convert_element_type3A_1295 : vector<16xf32>
        %mul3A_1297 = arith.constant 16 : i32
        %mul3A_1298 = arith.muli %add3A_1246, %mul3A_1297 : i32
        %swap3A_1299 = arith.constant 1 : i32
        %swap3A_1300 = arith.index_cast %swap3A_1299 : i32 to index
        %swap3A_1301 = arith.index_cast %mul3A_1298 : i32 to index
        %swap3A_1302 = tpu.vector_load %arg12[%swap3A_1300, %swap3A_1301] {strides = array<i32>} : memref<2x1024xf32, #tpu.memory_space<vmem>>, vector<1x16xf32>,
        %swap3A_1303 = vector.shape_cast %swap3A_1302 : vector<1x16xf32> to vector<16xf32>
        %swap3A_1304 = vector.shape_cast %sub3A_1296 : vector<16xf32> to vector<1x16xf32>
        tpu.vector_store %arg12[%swap3A_1300, %swap3A_1301], %swap3A_1304 {strides = array<i32>} : memref<2x1024xf32, #tpu.memory_space<vmem>>, vector<1x16xf32>,
        %convert_element_type3A_1305 = arith.sitofp %min3A_1287 : vector<16xi32> to vector<16xf32>
        %sub3A_1306 = arith.subf %add3A_1271, %convert_element_type3A_1305 : vector<16xf32>
        %mul3A_1307 = arith.constant 16 : i32
        %mul3A_1308 = arith.muli %add3A_1246, %mul3A_1307 : i32
        %swap3A_1309 = arith.constant 1 : i32
        %swap3A_1310 = arith.index_cast %swap3A_1309 : i32 to index
        %swap3A_1311 = arith.index_cast %mul3A_1308 : i32 to index
        %swap3A_1312 = tpu.vector_load %arg13[%swap3A_1310, %swap3A_1311] {strides = array<i32>} : memref<2x1024xf32, #tpu.memory_space<vmem>>, vector<1x16xf32>,
        %swap3A_1313 = vector.shape_cast %swap3A_1312 : vector<1x16xf32> to vector<16xf32>
        %swap3A_1314 = vector.shape_cast %sub3A_1306 : vector<16xf32> to vector<1x16xf32>
        tpu.vector_store %arg13[%swap3A_1310, %swap3A_1311], %swap3A_1314 {strides = array<i32>} : memref<2x1024xf32, #tpu.memory_space<vmem>>, vector<1x16xf32>,
        %convert_element_type3A_1315 = arith.sitofp %min3A_1294 : vector<16xi32> to vector<16xf32>
        %sub3A_1316 = arith.subf %add3A_1273, %convert_element_type3A_1315 : vector<16xf32>
        %mul3A_1317 = arith.constant 16 : i32
        %mul3A_1318 = arith.muli %add3A_1246, %mul3A_1317 : i32
        %swap3A_1319 = arith.constant 1 : i32
        %swap3A_1320 = arith.index_cast %swap3A_1319 : i32 to index
        %swap3A_1321 = arith.index_cast %mul3A_1318 : i32 to index
        %swap3A_1322 = tpu.vector_load %arg14[%swap3A_1320, %swap3A_1321] {strides = array<i32>} : memref<2x1024xf32, #tpu.memory_space<vmem>>, vector<1x16xf32>,
        %swap3A_1323 = vector.shape_cast %swap3A_1322 : vector<1x16xf32> to vector<16xf32>
        %swap3A_1324 = vector.shape_cast %sub3A_1316 : vector<16xf32> to vector<1x16xf32>
        tpu.vector_store %arg14[%swap3A_1320, %swap3A_1321], %swap3A_1324 {strides = array<i32>} : memref<2x1024xf32, #tpu.memory_space<vmem>>, vector<1x16xf32>,
        %shift_left3A_1325 = arith.constant 16 : i32
        %shift_left3A_1326 = vector.broadcast %shift_left3A_1325 : i32 to vector<16xi32>
        %shift_left3A_1327 = arith.shli %min3A_1294, %shift_left3A_1326 : vector<16xi32>
        %shift_left3A_1328 = arith.constant 8 : i32
        %shift_left3A_1329 = vector.broadcast %shift_left3A_1328 : i32 to vector<16xi32>
        %shift_left3A_1330 = arith.shli %min3A_1287, %shift_left3A_1329 : vector<16xi32>
        %or3A_1331 = arith.ori %shift_left3A_1327, %shift_left3A_1330 : vector<16xi32>
        %or3A_1332 = arith.ori %or3A_1331, %min3A_1280 : vector<16xi32>
        %add3A_1333 = arith.constant 0 : i32
        %add3A_1334 = arith.addi %mul3A_333, %add3A_1333 : i32
        %swap3A_1335 = arith.constant 1 : i32
        %swap3A_1336 = arith.index_cast %swap3A_1335 : i32 to index
        %swap3A_1337 = arith.index_cast %add3A_1334 : i32 to index
        %swap3A_1338 = arith.constant 80 : index
        %swap3A_1339 = tpu.vector_load %arg15[%swap3A_1336, %swap3A_1337, %swap3A_1338] {strides = array<i32>} : memref<2x64x128xi32, #tpu.memory_space<vmem>>, vector<1x1x16xi32>,
        %swap3A_1340 = vector.shape_cast %swap3A_1339 : vector<1x1x16xi32> to vector<16xi32>
        %swap3A_1341 = vector.shape_cast %or3A_1332 : vector<16xi32> to vector<1x1x16xi32>
        tpu.vector_store %arg15[%swap3A_1336, %swap3A_1337, %swap3A_1338], %swap3A_1341 {strides = array<i32>} : memref<2x64x128xi32, #tpu.memory_space<vmem>>, vector<1x1x16xi32>,
        %add3A_1342 = arith.constant 1 : i32
        %add3A_1343 = vector.broadcast %add3A_1342 : i32 to vector<16xi32>
        %add3A_1344 = arith.addi %or3A_1332, %add3A_1343 : vector<16xi32>
        %add3A_1345 = arith.constant 1 : i32
        %add3A_1346 = arith.addi %mul3A_333, %add3A_1345 : i32
        %swap3A_1347 = arith.constant 1 : i32
        %swap3A_1348 = arith.index_cast %swap3A_1347 : i32 to index
        %swap3A_1349 = arith.index_cast %add3A_1346 : i32 to index
        %swap3A_1350 = arith.constant 80 : index
        %swap3A_1351 = tpu.vector_load %arg15[%swap3A_1348, %swap3A_1349, %swap3A_1350] {strides = array<i32>} : memref<2x64x128xi32, #tpu.memory_space<vmem>>, vector<1x1x16xi32>,
        %swap3A_1352 = vector.shape_cast %swap3A_1351 : vector<1x1x16xi32> to vector<16xi32>
        %swap3A_1353 = vector.shape_cast %add3A_1344 : vector<16xi32> to vector<1x1x16xi32>
        tpu.vector_store %arg15[%swap3A_1348, %swap3A_1349, %swap3A_1350], %swap3A_1353 {strides = array<i32>} : memref<2x64x128xi32, #tpu.memory_space<vmem>>, vector<1x1x16xi32>,
        %add3A_1354 = arith.constant 256 : i32
        %add3A_1355 = vector.broadcast %add3A_1354 : i32 to vector<16xi32>
        %add3A_1356 = arith.addi %or3A_1332, %add3A_1355 : vector<16xi32>
        %add3A_1357 = arith.constant 2 : i32
        %add3A_1358 = arith.addi %mul3A_333, %add3A_1357 : i32
        %swap3A_1359 = arith.constant 1 : i32
        %swap3A_1360 = arith.index_cast %swap3A_1359 : i32 to index
        %swap3A_1361 = arith.index_cast %add3A_1358 : i32 to index
        %swap3A_1362 = arith.constant 80 : index
        %swap3A_1363 = tpu.vector_load %arg15[%swap3A_1360, %swap3A_1361, %swap3A_1362] {strides = array<i32>} : memref<2x64x128xi32, #tpu.memory_space<vmem>>, vector<1x1x16xi32>,
        %swap3A_1364 = vector.shape_cast %swap3A_1363 : vector<1x1x16xi32> to vector<16xi32>
        %swap3A_1365 = vector.shape_cast %add3A_1356 : vector<16xi32> to vector<1x1x16xi32>
        tpu.vector_store %arg15[%swap3A_1360, %swap3A_1361, %swap3A_1362], %swap3A_1365 {strides = array<i32>} : memref<2x64x128xi32, #tpu.memory_space<vmem>>, vector<1x1x16xi32>,
        %add3A_1366 = arith.constant 257 : i32
        %add3A_1367 = vector.broadcast %add3A_1366 : i32 to vector<16xi32>
        %add3A_1368 = arith.addi %or3A_1332, %add3A_1367 : vector<16xi32>
        %add3A_1369 = arith.constant 3 : i32
        %add3A_1370 = arith.addi %mul3A_333, %add3A_1369 : i32
        %swap3A_1371 = arith.constant 1 : i32
        %swap3A_1372 = arith.index_cast %swap3A_1371 : i32 to index
        %swap3A_1373 = arith.index_cast %add3A_1370 : i32 to index
        %swap3A_1374 = arith.constant 80 : index
        %swap3A_1375 = tpu.vector_load %arg15[%swap3A_1372, %swap3A_1373, %swap3A_1374] {strides = array<i32>} : memref<2x64x128xi32, #tpu.memory_space<vmem>>, vector<1x1x16xi32>,
        %swap3A_1376 = vector.shape_cast %swap3A_1375 : vector<1x1x16xi32> to vector<16xi32>
        %swap3A_1377 = vector.shape_cast %add3A_1368 : vector<16xi32> to vector<1x1x16xi32>
        tpu.vector_store %arg15[%swap3A_1372, %swap3A_1373, %swap3A_1374], %swap3A_1377 {strides = array<i32>} : memref<2x64x128xi32, #tpu.memory_space<vmem>>, vector<1x1x16xi32>,
        %add3A_1378 = arith.constant 65536 : i32
        %add3A_1379 = vector.broadcast %add3A_1378 : i32 to vector<16xi32>
        %add3A_1380 = arith.addi %or3A_1332, %add3A_1379 : vector<16xi32>
        %add3A_1381 = arith.constant 4 : i32
        %add3A_1382 = arith.addi %mul3A_333, %add3A_1381 : i32
        %swap3A_1383 = arith.constant 1 : i32
        %swap3A_1384 = arith.index_cast %swap3A_1383 : i32 to index
        %swap3A_1385 = arith.index_cast %add3A_1382 : i32 to index
        %swap3A_1386 = arith.constant 80 : index
        %swap3A_1387 = tpu.vector_load %arg15[%swap3A_1384, %swap3A_1385, %swap3A_1386] {strides = array<i32>} : memref<2x64x128xi32, #tpu.memory_space<vmem>>, vector<1x1x16xi32>,
        %swap3A_1388 = vector.shape_cast %swap3A_1387 : vector<1x1x16xi32> to vector<16xi32>
        %swap3A_1389 = vector.shape_cast %add3A_1380 : vector<16xi32> to vector<1x1x16xi32>
        tpu.vector_store %arg15[%swap3A_1384, %swap3A_1385, %swap3A_1386], %swap3A_1389 {strides = array<i32>} : memref<2x64x128xi32, #tpu.memory_space<vmem>>, vector<1x1x16xi32>,
        %add3A_1390 = arith.constant 65537 : i32
        %add3A_1391 = vector.broadcast %add3A_1390 : i32 to vector<16xi32>
        %add3A_1392 = arith.addi %or3A_1332, %add3A_1391 : vector<16xi32>
        %add3A_1393 = arith.constant 5 : i32
        %add3A_1394 = arith.addi %mul3A_333, %add3A_1393 : i32
        %swap3A_1395 = arith.constant 1 : i32
        %swap3A_1396 = arith.index_cast %swap3A_1395 : i32 to index
        %swap3A_1397 = arith.index_cast %add3A_1394 : i32 to index
        %swap3A_1398 = arith.constant 80 : index
        %swap3A_1399 = tpu.vector_load %arg15[%swap3A_1396, %swap3A_1397, %swap3A_1398] {strides = array<i32>} : memref<2x64x128xi32, #tpu.memory_space<vmem>>, vector<1x1x16xi32>,
        %swap3A_1400 = vector.shape_cast %swap3A_1399 : vector<1x1x16xi32> to vector<16xi32>
        %swap3A_1401 = vector.shape_cast %add3A_1392 : vector<16xi32> to vector<1x1x16xi32>
        tpu.vector_store %arg15[%swap3A_1396, %swap3A_1397, %swap3A_1398], %swap3A_1401 {strides = array<i32>} : memref<2x64x128xi32, #tpu.memory_space<vmem>>, vector<1x1x16xi32>,
        %add3A_1402 = arith.constant 65792 : i32
        %add3A_1403 = vector.broadcast %add3A_1402 : i32 to vector<16xi32>
        %add3A_1404 = arith.addi %or3A_1332, %add3A_1403 : vector<16xi32>
        %add3A_1405 = arith.constant 6 : i32
        %add3A_1406 = arith.addi %mul3A_333, %add3A_1405 : i32
        %swap3A_1407 = arith.constant 1 : i32
        %swap3A_1408 = arith.index_cast %swap3A_1407 : i32 to index
        %swap3A_1409 = arith.index_cast %add3A_1406 : i32 to index
        %swap3A_1410 = arith.constant 80 : index
        %swap3A_1411 = tpu.vector_load %arg15[%swap3A_1408, %swap3A_1409, %swap3A_1410] {strides = array<i32>} : memref<2x64x128xi32, #tpu.memory_space<vmem>>, vector<1x1x16xi32>,
        %swap3A_1412 = vector.shape_cast %swap3A_1411 : vector<1x1x16xi32> to vector<16xi32>
        %swap3A_1413 = vector.shape_cast %add3A_1404 : vector<16xi32> to vector<1x1x16xi32>
        tpu.vector_store %arg15[%swap3A_1408, %swap3A_1409, %swap3A_1410], %swap3A_1413 {strides = array<i32>} : memref<2x64x128xi32, #tpu.memory_space<vmem>>, vector<1x1x16xi32>,
        %add3A_1414 = arith.constant 65793 : i32
        %add3A_1415 = vector.broadcast %add3A_1414 : i32 to vector<16xi32>
        %add3A_1416 = arith.addi %or3A_1332, %add3A_1415 : vector<16xi32>
        %add3A_1417 = arith.constant 7 : i32
        %add3A_1418 = arith.addi %mul3A_333, %add3A_1417 : i32
        %swap3A_1419 = arith.constant 1 : i32
        %swap3A_1420 = arith.index_cast %swap3A_1419 : i32 to index
        %swap3A_1421 = arith.index_cast %add3A_1418 : i32 to index
        %swap3A_1422 = arith.constant 80 : index
        %swap3A_1423 = tpu.vector_load %arg15[%swap3A_1420, %swap3A_1421, %swap3A_1422] {strides = array<i32>} : memref<2x64x128xi32, #tpu.memory_space<vmem>>, vector<1x1x16xi32>,
        %swap3A_1424 = vector.shape_cast %swap3A_1423 : vector<1x1x16xi32> to vector<16xi32>
        %swap3A_1425 = vector.shape_cast %add3A_1416 : vector<16xi32> to vector<1x1x16xi32>
        tpu.vector_store %arg15[%swap3A_1420, %swap3A_1421, %swap3A_1422], %swap3A_1425 {strides = array<i32>} : memref<2x64x128xi32, #tpu.memory_space<vmem>>, vector<1x1x16xi32>,
        %mul3A_1426 = arith.constant 8 : i32
        %mul3A_1427 = arith.muli %scan3A_330, %mul3A_1426 : i32
        %add3A_1428 = arith.constant 6 : i32
        %add3A_1429 = arith.addi %mul3A_1427, %add3A_1428 : i32
        %mul3A_1430 = arith.constant 16 : i32
        %mul3A_1431 = arith.muli %add3A_1429, %mul3A_1430 : i32
        %get3A_1432 = arith.constant 1 : i32
        %get3A_1433 = arith.index_cast %get3A_1432 : i32 to index
        %get3A_1434 = arith.index_cast %mul3A_1431 : i32 to index
        %get3A_1435 = tpu.vector_load %arg9[%get3A_1433, %get3A_1434] {strides = array<i32>} : memref<2x1024xf32, #tpu.memory_space<vmem>>, vector<1x16xf32>,
        %get3A_1436 = vector.shape_cast %get3A_1435 : vector<1x16xf32> to vector<16xf32>
        %mul3A_1437 = arith.constant 16 : i32
        %mul3A_1438 = arith.muli %add3A_1429, %mul3A_1437 : i32
        %get3A_1439 = arith.constant 1 : i32
        %get3A_1440 = arith.index_cast %get3A_1439 : i32 to index
        %get3A_1441 = arith.index_cast %mul3A_1438 : i32 to index
        %get3A_1442 = tpu.vector_load %arg10[%get3A_1440, %get3A_1441] {strides = array<i32>} : memref<2x1024xf32, #tpu.memory_space<vmem>>, vector<1x16xf32>,
        %get3A_1443 = vector.shape_cast %get3A_1442 : vector<1x16xf32> to vector<16xf32>
        %mul3A_1444 = arith.constant 16 : i32
        %mul3A_1445 = arith.muli %add3A_1429, %mul3A_1444 : i32
        %get3A_1446 = arith.constant 1 : i32
        %get3A_1447 = arith.index_cast %get3A_1446 : i32 to index
        %get3A_1448 = arith.index_cast %mul3A_1445 : i32 to index
        %get3A_1449 = tpu.vector_load %arg11[%get3A_1447, %get3A_1448] {strides = array<i32>} : memref<2x1024xf32, #tpu.memory_space<vmem>>, vector<1x16xf32>,
        %get3A_1450 = vector.shape_cast %get3A_1449 : vector<1x16xf32> to vector<16xf32>
        %mul3A_1451 = arith.mulf %get3A_1450, %get3A_6 : vector<16xf32>
        %add3A_1452 = arith.addf %mul3A_1451, %get3A_21 : vector<16xf32>
        %mul3A_1453 = arith.mulf %get3A_1443, %get3A_11 : vector<16xf32>
        %add3A_1454 = arith.addf %mul3A_1453, %get3A_26 : vector<16xf32>
        %mul3A_1455 = arith.mulf %get3A_1436, %get3A_16 : vector<16xf32>
        %add3A_1456 = arith.addf %mul3A_1455, %get3A_31 : vector<16xf32>
        %convert_element_type3A_1457 = arith.fptosi %add3A_1452 : vector<16xf32> to vector<16xi32>
        %jit3A_1458 = arith.constant 0 : i32
        %jit3A_1459 = arith.constant 254 : i32
        %max3A_1460 = vector.broadcast %jit3A_1458 : i32 to vector<16xi32>
        %max3A_1461 = arith.maxsi %max3A_1460, %convert_element_type3A_1457 : vector<16xi32>
        %min3A_1462 = vector.broadcast %jit3A_1459 : i32 to vector<16xi32>
        %min3A_1463 = arith.minsi %min3A_1462, %max3A_1461 : vector<16xi32>
        %convert_element_type3A_1464 = arith.fptosi %add3A_1454 : vector<16xf32> to vector<16xi32>
        %jit3A_1465 = arith.constant 0 : i32
        %jit3A_1466 = arith.constant 254 : i32
        %max3A_1467 = vector.broadcast %jit3A_1465 : i32 to vector<16xi32>
        %max3A_1468 = arith.maxsi %max3A_1467, %convert_element_type3A_1464 : vector<16xi32>
        %min3A_1469 = vector.broadcast %jit3A_1466 : i32 to vector<16xi32>
        %min3A_1470 = arith.minsi %min3A_1469, %max3A_1468 : vector<16xi32>
        %convert_element_type3A_1471 = arith.fptosi %add3A_1456 : vector<16xf32> to vector<16xi32>
        %jit3A_1472 = arith.constant 0 : i32
        %jit3A_1473 = arith.constant 254 : i32
        %max3A_1474 = vector.broadcast %jit3A_1472 : i32 to vector<16xi32>
        %max3A_1475 = arith.maxsi %max3A_1474, %convert_element_type3A_1471 : vector<16xi32>
        %min3A_1476 = vector.broadcast %jit3A_1473 : i32 to vector<16xi32>
        %min3A_1477 = arith.minsi %min3A_1476, %max3A_1475 : vector<16xi32>
        %convert_element_type3A_1478 = arith.sitofp %min3A_1463 : vector<16xi32> to vector<16xf32>
        %sub3A_1479 = arith.subf %add3A_1452, %convert_element_type3A_1478 : vector<16xf32>
        %mul3A_1480 = arith.constant 16 : i32
        %mul3A_1481 = arith.muli %add3A_1429, %mul3A_1480 : i32
        %swap3A_1482 = arith.constant 1 : i32
        %swap3A_1483 = arith.index_cast %swap3A_1482 : i32 to index
        %swap3A_1484 = arith.index_cast %mul3A_1481 : i32 to index
        %swap3A_1485 = tpu.vector_load %arg12[%swap3A_1483, %swap3A_1484] {strides = array<i32>} : memref<2x1024xf32, #tpu.memory_space<vmem>>, vector<1x16xf32>,
        %swap3A_1486 = vector.shape_cast %swap3A_1485 : vector<1x16xf32> to vector<16xf32>
        %swap3A_1487 = vector.shape_cast %sub3A_1479 : vector<16xf32> to vector<1x16xf32>
        tpu.vector_store %arg12[%swap3A_1483, %swap3A_1484], %swap3A_1487 {strides = array<i32>} : memref<2x1024xf32, #tpu.memory_space<vmem>>, vector<1x16xf32>,
        %convert_element_type3A_1488 = arith.sitofp %min3A_1470 : vector<16xi32> to vector<16xf32>
        %sub3A_1489 = arith.subf %add3A_1454, %convert_element_type3A_1488 : vector<16xf32>
        %mul3A_1490 = arith.constant 16 : i32
        %mul3A_1491 = arith.muli %add3A_1429, %mul3A_1490 : i32
        %swap3A_1492 = arith.constant 1 : i32
        %swap3A_1493 = arith.index_cast %swap3A_1492 : i32 to index
        %swap3A_1494 = arith.index_cast %mul3A_1491 : i32 to index
        %swap3A_1495 = tpu.vector_load %arg13[%swap3A_1493, %swap3A_1494] {strides = array<i32>} : memref<2x1024xf32, #tpu.memory_space<vmem>>, vector<1x16xf32>,
        %swap3A_1496 = vector.shape_cast %swap3A_1495 : vector<1x16xf32> to vector<16xf32>
        %swap3A_1497 = vector.shape_cast %sub3A_1489 : vector<16xf32> to vector<1x16xf32>
        tpu.vector_store %arg13[%swap3A_1493, %swap3A_1494], %swap3A_1497 {strides = array<i32>} : memref<2x1024xf32, #tpu.memory_space<vmem>>, vector<1x16xf32>,
        %convert_element_type3A_1498 = arith.sitofp %min3A_1477 : vector<16xi32> to vector<16xf32>
        %sub3A_1499 = arith.subf %add3A_1456, %convert_element_type3A_1498 : vector<16xf32>
        %mul3A_1500 = arith.constant 16 : i32
        %mul3A_1501 = arith.muli %add3A_1429, %mul3A_1500 : i32
        %swap3A_1502 = arith.constant 1 : i32
        %swap3A_1503 = arith.index_cast %swap3A_1502 : i32 to index
        %swap3A_1504 = arith.index_cast %mul3A_1501 : i32 to index
        %swap3A_1505 = tpu.vector_load %arg14[%swap3A_1503, %swap3A_1504] {strides = array<i32>} : memref<2x1024xf32, #tpu.memory_space<vmem>>, vector<1x16xf32>,
        %swap3A_1506 = vector.shape_cast %swap3A_1505 : vector<1x16xf32> to vector<16xf32>
        %swap3A_1507 = vector.shape_cast %sub3A_1499 : vector<16xf32> to vector<1x16xf32>
        tpu.vector_store %arg14[%swap3A_1503, %swap3A_1504], %swap3A_1507 {strides = array<i32>} : memref<2x1024xf32, #tpu.memory_space<vmem>>, vector<1x16xf32>,
        %shift_left3A_1508 = arith.constant 16 : i32
        %shift_left3A_1509 = vector.broadcast %shift_left3A_1508 : i32 to vector<16xi32>
        %shift_left3A_1510 = arith.shli %min3A_1477, %shift_left3A_1509 : vector<16xi32>
        %shift_left3A_1511 = arith.constant 8 : i32
        %shift_left3A_1512 = vector.broadcast %shift_left3A_1511 : i32 to vector<16xi32>
        %shift_left3A_1513 = arith.shli %min3A_1470, %shift_left3A_1512 : vector<16xi32>
        %or3A_1514 = arith.ori %shift_left3A_1510, %shift_left3A_1513 : vector<16xi32>
        %or3A_1515 = arith.ori %or3A_1514, %min3A_1463 : vector<16xi32>
        %add3A_1516 = arith.constant 0 : i32
        %add3A_1517 = arith.addi %mul3A_333, %add3A_1516 : i32
        %swap3A_1518 = arith.constant 1 : i32
        %swap3A_1519 = arith.index_cast %swap3A_1518 : i32 to index
        %swap3A_1520 = arith.index_cast %add3A_1517 : i32 to index
        %swap3A_1521 = arith.constant 96 : index
        %swap3A_1522 = tpu.vector_load %arg15[%swap3A_1519, %swap3A_1520, %swap3A_1521] {strides = array<i32>} : memref<2x64x128xi32, #tpu.memory_space<vmem>>, vector<1x1x16xi32>,
        %swap3A_1523 = vector.shape_cast %swap3A_1522 : vector<1x1x16xi32> to vector<16xi32>
        %swap3A_1524 = vector.shape_cast %or3A_1515 : vector<16xi32> to vector<1x1x16xi32>
        tpu.vector_store %arg15[%swap3A_1519, %swap3A_1520, %swap3A_1521], %swap3A_1524 {strides = array<i32>} : memref<2x64x128xi32, #tpu.memory_space<vmem>>, vector<1x1x16xi32>,
        %add3A_1525 = arith.constant 1 : i32
        %add3A_1526 = vector.broadcast %add3A_1525 : i32 to vector<16xi32>
        %add3A_1527 = arith.addi %or3A_1515, %add3A_1526 : vector<16xi32>
        %add3A_1528 = arith.constant 1 : i32
        %add3A_1529 = arith.addi %mul3A_333, %add3A_1528 : i32
        %swap3A_1530 = arith.constant 1 : i32
        %swap3A_1531 = arith.index_cast %swap3A_1530 : i32 to index
        %swap3A_1532 = arith.index_cast %add3A_1529 : i32 to index
        %swap3A_1533 = arith.constant 96 : index
        %swap3A_1534 = tpu.vector_load %arg15[%swap3A_1531, %swap3A_1532, %swap3A_1533] {strides = array<i32>} : memref<2x64x128xi32, #tpu.memory_space<vmem>>, vector<1x1x16xi32>,
        %swap3A_1535 = vector.shape_cast %swap3A_1534 : vector<1x1x16xi32> to vector<16xi32>
        %swap3A_1536 = vector.shape_cast %add3A_1527 : vector<16xi32> to vector<1x1x16xi32>
        tpu.vector_store %arg15[%swap3A_1531, %swap3A_1532, %swap3A_1533], %swap3A_1536 {strides = array<i32>} : memref<2x64x128xi32, #tpu.memory_space<vmem>>, vector<1x1x16xi32>,
        %add3A_1537 = arith.constant 256 : i32
        %add3A_1538 = vector.broadcast %add3A_1537 : i32 to vector<16xi32>
        %add3A_1539 = arith.addi %or3A_1515, %add3A_1538 : vector<16xi32>
        %add3A_1540 = arith.constant 2 : i32
        %add3A_1541 = arith.addi %mul3A_333, %add3A_1540 : i32
        %swap3A_1542 = arith.constant 1 : i32
        %swap3A_1543 = arith.index_cast %swap3A_1542 : i32 to index
        %swap3A_1544 = arith.index_cast %add3A_1541 : i32 to index
        %swap3A_1545 = arith.constant 96 : index
        %swap3A_1546 = tpu.vector_load %arg15[%swap3A_1543, %swap3A_1544, %swap3A_1545] {strides = array<i32>} : memref<2x64x128xi32, #tpu.memory_space<vmem>>, vector<1x1x16xi32>,
        %swap3A_1547 = vector.shape_cast %swap3A_1546 : vector<1x1x16xi32> to vector<16xi32>
        %swap3A_1548 = vector.shape_cast %add3A_1539 : vector<16xi32> to vector<1x1x16xi32>
        tpu.vector_store %arg15[%swap3A_1543, %swap3A_1544, %swap3A_1545], %swap3A_1548 {strides = array<i32>} : memref<2x64x128xi32, #tpu.memory_space<vmem>>, vector<1x1x16xi32>,
        %add3A_1549 = arith.constant 257 : i32
        %add3A_1550 = vector.broadcast %add3A_1549 : i32 to vector<16xi32>
        %add3A_1551 = arith.addi %or3A_1515, %add3A_1550 : vector<16xi32>
        %add3A_1552 = arith.constant 3 : i32
        %add3A_1553 = arith.addi %mul3A_333, %add3A_1552 : i32
        %swap3A_1554 = arith.constant 1 : i32
        %swap3A_1555 = arith.index_cast %swap3A_1554 : i32 to index
        %swap3A_1556 = arith.index_cast %add3A_1553 : i32 to index
        %swap3A_1557 = arith.constant 96 : index
        %swap3A_1558 = tpu.vector_load %arg15[%swap3A_1555, %swap3A_1556, %swap3A_1557] {strides = array<i32>} : memref<2x64x128xi32, #tpu.memory_space<vmem>>, vector<1x1x16xi32>,
        %swap3A_1559 = vector.shape_cast %swap3A_1558 : vector<1x1x16xi32> to vector<16xi32>
        %swap3A_1560 = vector.shape_cast %add3A_1551 : vector<16xi32> to vector<1x1x16xi32>
        tpu.vector_store %arg15[%swap3A_1555, %swap3A_1556, %swap3A_1557], %swap3A_1560 {strides = array<i32>} : memref<2x64x128xi32, #tpu.memory_space<vmem>>, vector<1x1x16xi32>,
        %add3A_1561 = arith.constant 65536 : i32
        %add3A_1562 = vector.broadcast %add3A_1561 : i32 to vector<16xi32>
        %add3A_1563 = arith.addi %or3A_1515, %add3A_1562 : vector<16xi32>
        %add3A_1564 = arith.constant 4 : i32
        %add3A_1565 = arith.addi %mul3A_333, %add3A_1564 : i32
        %swap3A_1566 = arith.constant 1 : i32
        %swap3A_1567 = arith.index_cast %swap3A_1566 : i32 to index
        %swap3A_1568 = arith.index_cast %add3A_1565 : i32 to index
        %swap3A_1569 = arith.constant 96 : index
        %swap3A_1570 = tpu.vector_load %arg15[%swap3A_1567, %swap3A_1568, %swap3A_1569] {strides = array<i32>} : memref<2x64x128xi32, #tpu.memory_space<vmem>>, vector<1x1x16xi32>,
        %swap3A_1571 = vector.shape_cast %swap3A_1570 : vector<1x1x16xi32> to vector<16xi32>
        %swap3A_1572 = vector.shape_cast %add3A_1563 : vector<16xi32> to vector<1x1x16xi32>
        tpu.vector_store %arg15[%swap3A_1567, %swap3A_1568, %swap3A_1569], %swap3A_1572 {strides = array<i32>} : memref<2x64x128xi32, #tpu.memory_space<vmem>>, vector<1x1x16xi32>,
        %add3A_1573 = arith.constant 65537 : i32
        %add3A_1574 = vector.broadcast %add3A_1573 : i32 to vector<16xi32>
        %add3A_1575 = arith.addi %or3A_1515, %add3A_1574 : vector<16xi32>
        %add3A_1576 = arith.constant 5 : i32
        %add3A_1577 = arith.addi %mul3A_333, %add3A_1576 : i32
        %swap3A_1578 = arith.constant 1 : i32
        %swap3A_1579 = arith.index_cast %swap3A_1578 : i32 to index
        %swap3A_1580 = arith.index_cast %add3A_1577 : i32 to index
        %swap3A_1581 = arith.constant 96 : index
        %swap3A_1582 = tpu.vector_load %arg15[%swap3A_1579, %swap3A_1580, %swap3A_1581] {strides = array<i32>} : memref<2x64x128xi32, #tpu.memory_space<vmem>>, vector<1x1x16xi32>,
        %swap3A_1583 = vector.shape_cast %swap3A_1582 : vector<1x1x16xi32> to vector<16xi32>
        %swap3A_1584 = vector.shape_cast %add3A_1575 : vector<16xi32> to vector<1x1x16xi32>
        tpu.vector_store %arg15[%swap3A_1579, %swap3A_1580, %swap3A_1581], %swap3A_1584 {strides = array<i32>} : memref<2x64x128xi32, #tpu.memory_space<vmem>>, vector<1x1x16xi32>,
        %add3A_1585 = arith.constant 65792 : i32
        %add3A_1586 = vector.broadcast %add3A_1585 : i32 to vector<16xi32>
        %add3A_1587 = arith.addi %or3A_1515, %add3A_1586 : vector<16xi32>
        %add3A_1588 = arith.constant 6 : i32
        %add3A_1589 = arith.addi %mul3A_333, %add3A_1588 : i32
        %swap3A_1590 = arith.constant 1 : i32
        %swap3A_1591 = arith.index_cast %swap3A_1590 : i32 to index
        %swap3A_1592 = arith.index_cast %add3A_1589 : i32 to index
        %swap3A_1593 = arith.constant 96 : index
        %swap3A_1594 = tpu.vector_load %arg15[%swap3A_1591, %swap3A_1592, %swap3A_1593] {strides = array<i32>} : memref<2x64x128xi32, #tpu.memory_space<vmem>>, vector<1x1x16xi32>,
        %swap3A_1595 = vector.shape_cast %swap3A_1594 : vector<1x1x16xi32> to vector<16xi32>
        %swap3A_1596 = vector.shape_cast %add3A_1587 : vector<16xi32> to vector<1x1x16xi32>
        tpu.vector_store %arg15[%swap3A_1591, %swap3A_1592, %swap3A_1593], %swap3A_1596 {strides = array<i32>} : memref<2x64x128xi32, #tpu.memory_space<vmem>>, vector<1x1x16xi32>,
        %add3A_1597 = arith.constant 65793 : i32
        %add3A_1598 = vector.broadcast %add3A_1597 : i32 to vector<16xi32>
        %add3A_1599 = arith.addi %or3A_1515, %add3A_1598 : vector<16xi32>
        %add3A_1600 = arith.constant 7 : i32
        %add3A_1601 = arith.addi %mul3A_333, %add3A_1600 : i32
        %swap3A_1602 = arith.constant 1 : i32
        %swap3A_1603 = arith.index_cast %swap3A_1602 : i32 to index
        %swap3A_1604 = arith.index_cast %add3A_1601 : i32 to index
        %swap3A_1605 = arith.constant 96 : index
        %swap3A_1606 = tpu.vector_load %arg15[%swap3A_1603, %swap3A_1604, %swap3A_1605] {strides = array<i32>} : memref<2x64x128xi32, #tpu.memory_space<vmem>>, vector<1x1x16xi32>,
        %swap3A_1607 = vector.shape_cast %swap3A_1606 : vector<1x1x16xi32> to vector<16xi32>
        %swap3A_1608 = vector.shape_cast %add3A_1599 : vector<16xi32> to vector<1x1x16xi32>
        tpu.vector_store %arg15[%swap3A_1603, %swap3A_1604, %swap3A_1605], %swap3A_1608 {strides = array<i32>} : memref<2x64x128xi32, #tpu.memory_space<vmem>>, vector<1x1x16xi32>,
        %mul3A_1609 = arith.constant 8 : i32
        %mul3A_1610 = arith.muli %scan3A_330, %mul3A_1609 : i32
        %add3A_1611 = arith.constant 7 : i32
        %add3A_1612 = arith.addi %mul3A_1610, %add3A_1611 : i32
        %mul3A_1613 = arith.constant 16 : i32
        %mul3A_1614 = arith.muli %add3A_1612, %mul3A_1613 : i32
        %get3A_1615 = arith.constant 1 : i32
        %get3A_1616 = arith.index_cast %get3A_1615 : i32 to index
        %get3A_1617 = arith.index_cast %mul3A_1614 : i32 to index
        %get3A_1618 = tpu.vector_load %arg9[%get3A_1616, %get3A_1617] {strides = array<i32>} : memref<2x1024xf32, #tpu.memory_space<vmem>>, vector<1x16xf32>,
        %get3A_1619 = vector.shape_cast %get3A_1618 : vector<1x16xf32> to vector<16xf32>
        %mul3A_1620 = arith.constant 16 : i32
        %mul3A_1621 = arith.muli %add3A_1612, %mul3A_1620 : i32
        %get3A_1622 = arith.constant 1 : i32
        %get3A_1623 = arith.index_cast %get3A_1622 : i32 to index
        %get3A_1624 = arith.index_cast %mul3A_1621 : i32 to index
        %get3A_1625 = tpu.vector_load %arg10[%get3A_1623, %get3A_1624] {strides = array<i32>} : memref<2x1024xf32, #tpu.memory_space<vmem>>, vector<1x16xf32>,
        %get3A_1626 = vector.shape_cast %get3A_1625 : vector<1x16xf32> to vector<16xf32>
        %mul3A_1627 = arith.constant 16 : i32
        %mul3A_1628 = arith.muli %add3A_1612, %mul3A_1627 : i32
        %get3A_1629 = arith.constant 1 : i32
        %get3A_1630 = arith.index_cast %get3A_1629 : i32 to index
        %get3A_1631 = arith.index_cast %mul3A_1628 : i32 to index
        %get3A_1632 = tpu.vector_load %arg11[%get3A_1630, %get3A_1631] {strides = array<i32>} : memref<2x1024xf32, #tpu.memory_space<vmem>>, vector<1x16xf32>,
        %get3A_1633 = vector.shape_cast %get3A_1632 : vector<1x16xf32> to vector<16xf32>
        %mul3A_1634 = arith.mulf %get3A_1633, %get3A_6 : vector<16xf32>
        %add3A_1635 = arith.addf %mul3A_1634, %get3A_21 : vector<16xf32>
        %mul3A_1636 = arith.mulf %get3A_1626, %get3A_11 : vector<16xf32>
        %add3A_1637 = arith.addf %mul3A_1636, %get3A_26 : vector<16xf32>
        %mul3A_1638 = arith.mulf %get3A_1619, %get3A_16 : vector<16xf32>
        %add3A_1639 = arith.addf %mul3A_1638, %get3A_31 : vector<16xf32>
        %convert_element_type3A_1640 = arith.fptosi %add3A_1635 : vector<16xf32> to vector<16xi32>
        %jit3A_1641 = arith.constant 0 : i32
        %jit3A_1642 = arith.constant 254 : i32
        %max3A_1643 = vector.broadcast %jit3A_1641 : i32 to vector<16xi32>
        %max3A_1644 = arith.maxsi %max3A_1643, %convert_element_type3A_1640 : vector<16xi32>
        %min3A_1645 = vector.broadcast %jit3A_1642 : i32 to vector<16xi32>
        %min3A_1646 = arith.minsi %min3A_1645, %max3A_1644 : vector<16xi32>
        %convert_element_type3A_1647 = arith.fptosi %add3A_1637 : vector<16xf32> to vector<16xi32>
        %jit3A_1648 = arith.constant 0 : i32
        %jit3A_1649 = arith.constant 254 : i32
        %max3A_1650 = vector.broadcast %jit3A_1648 : i32 to vector<16xi32>
        %max3A_1651 = arith.maxsi %max3A_1650, %convert_element_type3A_1647 : vector<16xi32>
        %min3A_1652 = vector.broadcast %jit3A_1649 : i32 to vector<16xi32>
        %min3A_1653 = arith.minsi %min3A_1652, %max3A_1651 : vector<16xi32>
        %convert_element_type3A_1654 = arith.fptosi %add3A_1639 : vector<16xf32> to vector<16xi32>
        %jit3A_1655 = arith.constant 0 : i32
        %jit3A_1656 = arith.constant 254 : i32
        %max3A_1657 = vector.broadcast %jit3A_1655 : i32 to vector<16xi32>
        %max3A_1658 = arith.maxsi %max3A_1657, %convert_element_type3A_1654 : vector<16xi32>
        %min3A_1659 = vector.broadcast %jit3A_1656 : i32 to vector<16xi32>
        %min3A_1660 = arith.minsi %min3A_1659, %max3A_1658 : vector<16xi32>
        %convert_element_type3A_1661 = arith.sitofp %min3A_1646 : vector<16xi32> to vector<16xf32>
        %sub3A_1662 = arith.subf %add3A_1635, %convert_element_type3A_1661 : vector<16xf32>
        %mul3A_1663 = arith.constant 16 : i32
        %mul3A_1664 = arith.muli %add3A_1612, %mul3A_1663 : i32
        %swap3A_1665 = arith.constant 1 : i32
        %swap3A_1666 = arith.index_cast %swap3A_1665 : i32 to index
        %swap3A_1667 = arith.index_cast %mul3A_1664 : i32 to index
        %swap3A_1668 = tpu.vector_load %arg12[%swap3A_1666, %swap3A_1667] {strides = array<i32>} : memref<2x1024xf32, #tpu.memory_space<vmem>>, vector<1x16xf32>,
        %swap3A_1669 = vector.shape_cast %swap3A_1668 : vector<1x16xf32> to vector<16xf32>
        %swap3A_1670 = vector.shape_cast %sub3A_1662 : vector<16xf32> to vector<1x16xf32>
        tpu.vector_store %arg12[%swap3A_1666, %swap3A_1667], %swap3A_1670 {strides = array<i32>} : memref<2x1024xf32, #tpu.memory_space<vmem>>, vector<1x16xf32>,
        %convert_element_type3A_1671 = arith.sitofp %min3A_1653 : vector<16xi32> to vector<16xf32>
        %sub3A_1672 = arith.subf %add3A_1637, %convert_element_type3A_1671 : vector<16xf32>
        %mul3A_1673 = arith.constant 16 : i32
        %mul3A_1674 = arith.muli %add3A_1612, %mul3A_1673 : i32
        %swap3A_1675 = arith.constant 1 : i32
        %swap3A_1676 = arith.index_cast %swap3A_1675 : i32 to index
        %swap3A_1677 = arith.index_cast %mul3A_1674 : i32 to index
        %swap3A_1678 = tpu.vector_load %arg13[%swap3A_1676, %swap3A_1677] {strides = array<i32>} : memref<2x1024xf32, #tpu.memory_space<vmem>>, vector<1x16xf32>,
        %swap3A_1679 = vector.shape_cast %swap3A_1678 : vector<1x16xf32> to vector<16xf32>
        %swap3A_1680 = vector.shape_cast %sub3A_1672 : vector<16xf32> to vector<1x16xf32>
        tpu.vector_store %arg13[%swap3A_1676, %swap3A_1677], %swap3A_1680 {strides = array<i32>} : memref<2x1024xf32, #tpu.memory_space<vmem>>, vector<1x16xf32>,
        %convert_element_type3A_1681 = arith.sitofp %min3A_1660 : vector<16xi32> to vector<16xf32>
        %sub3A_1682 = arith.subf %add3A_1639, %convert_element_type3A_1681 : vector<16xf32>
        %mul3A_1683 = arith.constant 16 : i32
        %mul3A_1684 = arith.muli %add3A_1612, %mul3A_1683 : i32
        %swap3A_1685 = arith.constant 1 : i32
        %swap3A_1686 = arith.index_cast %swap3A_1685 : i32 to index
        %swap3A_1687 = arith.index_cast %mul3A_1684 : i32 to index
        %swap3A_1688 = tpu.vector_load %arg14[%swap3A_1686, %swap3A_1687] {strides = array<i32>} : memref<2x1024xf32, #tpu.memory_space<vmem>>, vector<1x16xf32>,
        %swap3A_1689 = vector.shape_cast %swap3A_1688 : vector<1x16xf32> to vector<16xf32>
        %swap3A_1690 = vector.shape_cast %sub3A_1682 : vector<16xf32> to vector<1x16xf32>
        tpu.vector_store %arg14[%swap3A_1686, %swap3A_1687], %swap3A_1690 {strides = array<i32>} : memref<2x1024xf32, #tpu.memory_space<vmem>>, vector<1x16xf32>,
        %shift_left3A_1691 = arith.constant 16 : i32
        %shift_left3A_1692 = vector.broadcast %shift_left3A_1691 : i32 to vector<16xi32>
        %shift_left3A_1693 = arith.shli %min3A_1660, %shift_left3A_1692 : vector<16xi32>
        %shift_left3A_1694 = arith.constant 8 : i32
        %shift_left3A_1695 = vector.broadcast %shift_left3A_1694 : i32 to vector<16xi32>
        %shift_left3A_1696 = arith.shli %min3A_1653, %shift_left3A_1695 : vector<16xi32>
        %or3A_1697 = arith.ori %shift_left3A_1693, %shift_left3A_1696 : vector<16xi32>
        %or3A_1698 = arith.ori %or3A_1697, %min3A_1646 : vector<16xi32>
        %add3A_1699 = arith.constant 0 : i32
        %add3A_1700 = arith.addi %mul3A_333, %add3A_1699 : i32
        %swap3A_1701 = arith.constant 1 : i32
        %swap3A_1702 = arith.index_cast %swap3A_1701 : i32 to index
        %swap3A_1703 = arith.index_cast %add3A_1700 : i32 to index
        %swap3A_1704 = arith.constant 112 : index
        %swap3A_1705 = tpu.vector_load %arg15[%swap3A_1702, %swap3A_1703, %swap3A_1704] {strides = array<i32>} : memref<2x64x128xi32, #tpu.memory_space<vmem>>, vector<1x1x16xi32>,
        %swap3A_1706 = vector.shape_cast %swap3A_1705 : vector<1x1x16xi32> to vector<16xi32>
        %swap3A_1707 = vector.shape_cast %or3A_1698 : vector<16xi32> to vector<1x1x16xi32>
        tpu.vector_store %arg15[%swap3A_1702, %swap3A_1703, %swap3A_1704], %swap3A_1707 {strides = array<i32>} : memref<2x64x128xi32, #tpu.memory_space<vmem>>, vector<1x1x16xi32>,
        %add3A_1708 = arith.constant 1 : i32
        %add3A_1709 = vector.broadcast %add3A_1708 : i32 to vector<16xi32>
        %add3A_1710 = arith.addi %or3A_1698, %add3A_1709 : vector<16xi32>
        %add3A_1711 = arith.constant 1 : i32
        %add3A_1712 = arith.addi %mul3A_333, %add3A_1711 : i32
        %swap3A_1713 = arith.constant 1 : i32
        %swap3A_1714 = arith.index_cast %swap3A_1713 : i32 to index
        %swap3A_1715 = arith.index_cast %add3A_1712 : i32 to index
        %swap3A_1716 = arith.constant 112 : index
        %swap3A_1717 = tpu.vector_load %arg15[%swap3A_1714, %swap3A_1715, %swap3A_1716] {strides = array<i32>} : memref<2x64x128xi32, #tpu.memory_space<vmem>>, vector<1x1x16xi32>,
        %swap3A_1718 = vector.shape_cast %swap3A_1717 : vector<1x1x16xi32> to vector<16xi32>
        %swap3A_1719 = vector.shape_cast %add3A_1710 : vector<16xi32> to vector<1x1x16xi32>
        tpu.vector_store %arg15[%swap3A_1714, %swap3A_1715, %swap3A_1716], %swap3A_1719 {strides = array<i32>} : memref<2x64x128xi32, #tpu.memory_space<vmem>>, vector<1x1x16xi32>,
        %add3A_1720 = arith.constant 256 : i32
        %add3A_1721 = vector.broadcast %add3A_1720 : i32 to vector<16xi32>
        %add3A_1722 = arith.addi %or3A_1698, %add3A_1721 : vector<16xi32>
        %add3A_1723 = arith.constant 2 : i32
        %add3A_1724 = arith.addi %mul3A_333, %add3A_1723 : i32
        %swap3A_1725 = arith.constant 1 : i32
        %swap3A_1726 = arith.index_cast %swap3A_1725 : i32 to index
        %swap3A_1727 = arith.index_cast %add3A_1724 : i32 to index
        %swap3A_1728 = arith.constant 112 : index
        %swap3A_1729 = tpu.vector_load %arg15[%swap3A_1726, %swap3A_1727, %swap3A_1728] {strides = array<i32>} : memref<2x64x128xi32, #tpu.memory_space<vmem>>, vector<1x1x16xi32>,
        %swap3A_1730 = vector.shape_cast %swap3A_1729 : vector<1x1x16xi32> to vector<16xi32>
        %swap3A_1731 = vector.shape_cast %add3A_1722 : vector<16xi32> to vector<1x1x16xi32>
        tpu.vector_store %arg15[%swap3A_1726, %swap3A_1727, %swap3A_1728], %swap3A_1731 {strides = array<i32>} : memref<2x64x128xi32, #tpu.memory_space<vmem>>, vector<1x1x16xi32>,
        %add3A_1732 = arith.constant 257 : i32
        %add3A_1733 = vector.broadcast %add3A_1732 : i32 to vector<16xi32>
        %add3A_1734 = arith.addi %or3A_1698, %add3A_1733 : vector<16xi32>
        %add3A_1735 = arith.constant 3 : i32
        %add3A_1736 = arith.addi %mul3A_333, %add3A_1735 : i32
        %swap3A_1737 = arith.constant 1 : i32
        %swap3A_1738 = arith.index_cast %swap3A_1737 : i32 to index
        %swap3A_1739 = arith.index_cast %add3A_1736 : i32 to index
        %swap3A_1740 = arith.constant 112 : index
        %swap3A_1741 = tpu.vector_load %arg15[%swap3A_1738, %swap3A_1739, %swap3A_1740] {strides = array<i32>} : memref<2x64x128xi32, #tpu.memory_space<vmem>>, vector<1x1x16xi32>,
        %swap3A_1742 = vector.shape_cast %swap3A_1741 : vector<1x1x16xi32> to vector<16xi32>
        %swap3A_1743 = vector.shape_cast %add3A_1734 : vector<16xi32> to vector<1x1x16xi32>
        tpu.vector_store %arg15[%swap3A_1738, %swap3A_1739, %swap3A_1740], %swap3A_1743 {strides = array<i32>} : memref<2x64x128xi32, #tpu.memory_space<vmem>>, vector<1x1x16xi32>,
        %add3A_1744 = arith.constant 65536 : i32
        %add3A_1745 = vector.broadcast %add3A_1744 : i32 to vector<16xi32>
        %add3A_1746 = arith.addi %or3A_1698, %add3A_1745 : vector<16xi32>
        %add3A_1747 = arith.constant 4 : i32
        %add3A_1748 = arith.addi %mul3A_333, %add3A_1747 : i32
        %swap3A_1749 = arith.constant 1 : i32
        %swap3A_1750 = arith.index_cast %swap3A_1749 : i32 to index
        %swap3A_1751 = arith.index_cast %add3A_1748 : i32 to index
        %swap3A_1752 = arith.constant 112 : index
        %swap3A_1753 = tpu.vector_load %arg15[%swap3A_1750, %swap3A_1751, %swap3A_1752] {strides = array<i32>} : memref<2x64x128xi32, #tpu.memory_space<vmem>>, vector<1x1x16xi32>,
        %swap3A_1754 = vector.shape_cast %swap3A_1753 : vector<1x1x16xi32> to vector<16xi32>
        %swap3A_1755 = vector.shape_cast %add3A_1746 : vector<16xi32> to vector<1x1x16xi32>
        tpu.vector_store %arg15[%swap3A_1750, %swap3A_1751, %swap3A_1752], %swap3A_1755 {strides = array<i32>} : memref<2x64x128xi32, #tpu.memory_space<vmem>>, vector<1x1x16xi32>,
        %add3A_1756 = arith.constant 65537 : i32
        %add3A_1757 = vector.broadcast %add3A_1756 : i32 to vector<16xi32>
        %add3A_1758 = arith.addi %or3A_1698, %add3A_1757 : vector<16xi32>
        %add3A_1759 = arith.constant 5 : i32
        %add3A_1760 = arith.addi %mul3A_333, %add3A_1759 : i32
        %swap3A_1761 = arith.constant 1 : i32
        %swap3A_1762 = arith.index_cast %swap3A_1761 : i32 to index
        %swap3A_1763 = arith.index_cast %add3A_1760 : i32 to index
        %swap3A_1764 = arith.constant 112 : index
        %swap3A_1765 = tpu.vector_load %arg15[%swap3A_1762, %swap3A_1763, %swap3A_1764] {strides = array<i32>} : memref<2x64x128xi32, #tpu.memory_space<vmem>>, vector<1x1x16xi32>,
        %swap3A_1766 = vector.shape_cast %swap3A_1765 : vector<1x1x16xi32> to vector<16xi32>
        %swap3A_1767 = vector.shape_cast %add3A_1758 : vector<16xi32> to vector<1x1x16xi32>
        tpu.vector_store %arg15[%swap3A_1762, %swap3A_1763, %swap3A_1764], %swap3A_1767 {strides = array<i32>} : memref<2x64x128xi32, #tpu.memory_space<vmem>>, vector<1x1x16xi32>,
        %add3A_1768 = arith.constant 65792 : i32
        %add3A_1769 = vector.broadcast %add3A_1768 : i32 to vector<16xi32>
        %add3A_1770 = arith.addi %or3A_1698, %add3A_1769 : vector<16xi32>
        %add3A_1771 = arith.constant 6 : i32
        %add3A_1772 = arith.addi %mul3A_333, %add3A_1771 : i32
        %swap3A_1773 = arith.constant 1 : i32
        %swap3A_1774 = arith.index_cast %swap3A_1773 : i32 to index
        %swap3A_1775 = arith.index_cast %add3A_1772 : i32 to index
        %swap3A_1776 = arith.constant 112 : index
        %swap3A_1777 = tpu.vector_load %arg15[%swap3A_1774, %swap3A_1775, %swap3A_1776] {strides = array<i32>} : memref<2x64x128xi32, #tpu.memory_space<vmem>>, vector<1x1x16xi32>,
        %swap3A_1778 = vector.shape_cast %swap3A_1777 : vector<1x1x16xi32> to vector<16xi32>
        %swap3A_1779 = vector.shape_cast %add3A_1770 : vector<16xi32> to vector<1x1x16xi32>
        tpu.vector_store %arg15[%swap3A_1774, %swap3A_1775, %swap3A_1776], %swap3A_1779 {strides = array<i32>} : memref<2x64x128xi32, #tpu.memory_space<vmem>>, vector<1x1x16xi32>,
        %add3A_1780 = arith.constant 65793 : i32
        %add3A_1781 = vector.broadcast %add3A_1780 : i32 to vector<16xi32>
        %add3A_1782 = arith.addi %or3A_1698, %add3A_1781 : vector<16xi32>
        %add3A_1783 = arith.constant 7 : i32
        %add3A_1784 = arith.addi %mul3A_333, %add3A_1783 : i32
        %swap3A_1785 = arith.constant 1 : i32
        %swap3A_1786 = arith.index_cast %swap3A_1785 : i32 to index
        %swap3A_1787 = arith.index_cast %add3A_1784 : i32 to index
        %swap3A_1788 = arith.constant 112 : index
        %swap3A_1789 = tpu.vector_load %arg15[%swap3A_1786, %swap3A_1787, %swap3A_1788] {strides = array<i32>} : memref<2x64x128xi32, #tpu.memory_space<vmem>>, vector<1x1x16xi32>,
        %swap3A_1790 = vector.shape_cast %swap3A_1789 : vector<1x1x16xi32> to vector<16xi32>
        %swap3A_1791 = vector.shape_cast %add3A_1782 : vector<16xi32> to vector<1x1x16xi32>
        tpu.vector_store %arg15[%swap3A_1786, %swap3A_1787, %swap3A_1788], %swap3A_1791 {strides = array<i32>} : memref<2x64x128xi32, #tpu.memory_space<vmem>>, vector<1x1x16xi32>,
        %add3A_1792 = arith.constant 0 : i32
        %add3A_1793 = arith.addi %mul3A_333, %add3A_1792 : i32
        %add3A_1794 = arith.constant 0 : i32
        %add3A_1795 = arith.addi %mul3A_333, %add3A_1794 : i32
        %dma_start3A_1796 = arith.constant 1 : i32
        %dma_start3A_1797 = arith.constant 1 : i32
        %dma_start3A_1798 = arith.constant 0 : i32
        %dma_start3A_1799 = tpu.memref_slice %arg16[%dma_start3A_1797, %add3A_1795, %dma_start3A_1798] : memref<2x64x128xf32, #tpu.memory_space<vmem>> -> memref<1x1x128xf32, #tpu.memory_space<vmem>>
        %dma_start3A_1800 = tpu.memref_squeeze %dma_start3A_1799 : memref<1x1x128xf32, #tpu.memory_space<vmem>> -> memref<128xf32, #tpu.memory_space<vmem>>
        %dma_start3A_1801 = arith.constant 0 : i32
        %dma_start3A_1802 = tpu.memref_slice %arg15[%dma_start3A_1796, %add3A_1793, %dma_start3A_1801] : memref<2x64x128xi32, #tpu.memory_space<vmem>> -> memref<1x1x128xi32, #tpu.memory_space<vmem>>
        %dma_start3A_1803 = tpu.memref_squeeze %dma_start3A_1802 : memref<1x1x128xi32, #tpu.memory_space<vmem>> -> memref<128xi32, #tpu.memory_space<vmem>>
        %dma_start3A_1804 = arith.constant 0 : i32
        %dma_start3A_1805 = tpu.memref_slice %arg5[%dma_start3A_1804] : memref<16777216xf32, #tpu.memory_space<hbm>> -> memref<16777216xf32, #tpu.memory_space<hbm>>
        tpu.enqueue_indirect_dma source(%dma_start3A_1805 : memref<16777216xf32, #tpu.memory_space<hbm>>) target(%dma_start3A_1800 : memref<128xf32, #tpu.memory_space<vmem>>) offsets(%dma_start3A_1803 : memref<128xi32, #tpu.memory_space<vmem>>) semaphore(%arg20 : memref<!tpu.dma_semaphore, #tpu.memory_space<semaphore_mem>>)
        %add3A_1806 = arith.constant 1 : i32
        %add3A_1807 = arith.addi %mul3A_333, %add3A_1806 : i32
        %add3A_1808 = arith.constant 1 : i32
        %add3A_1809 = arith.addi %mul3A_333, %add3A_1808 : i32
        %dma_start3A_1810 = arith.constant 1 : i32
        %dma_start3A_1811 = arith.constant 1 : i32
        %dma_start3A_1812 = arith.constant 0 : i32
        %dma_start3A_1813 = tpu.memref_slice %arg16[%dma_start3A_1811, %add3A_1809, %dma_start3A_1812] : memref<2x64x128xf32, #tpu.memory_space<vmem>> -> memref<1x1x128xf32, #tpu.memory_space<vmem>>
        %dma_start3A_1814 = tpu.memref_squeeze %dma_start3A_1813 : memref<1x1x128xf32, #tpu.memory_space<vmem>> -> memref<128xf32, #tpu.memory_space<vmem>>
        %dma_start3A_1815 = arith.constant 0 : i32
        %dma_start3A_1816 = tpu.memref_slice %arg15[%dma_start3A_1810, %add3A_1807, %dma_start3A_1815] : memref<2x64x128xi32, #tpu.memory_space<vmem>> -> memref<1x1x128xi32, #tpu.memory_space<vmem>>
        %dma_start3A_1817 = tpu.memref_squeeze %dma_start3A_1816 : memref<1x1x128xi32, #tpu.memory_space<vmem>> -> memref<128xi32, #tpu.memory_space<vmem>>
        %dma_start3A_1818 = arith.constant 0 : i32
        %dma_start3A_1819 = tpu.memref_slice %arg5[%dma_start3A_1818] : memref<16777216xf32, #tpu.memory_space<hbm>> -> memref<16777216xf32, #tpu.memory_space<hbm>>
        tpu.enqueue_indirect_dma source(%dma_start3A_1819 : memref<16777216xf32, #tpu.memory_space<hbm>>) target(%dma_start3A_1814 : memref<128xf32, #tpu.memory_space<vmem>>) offsets(%dma_start3A_1817 : memref<128xi32, #tpu.memory_space<vmem>>) semaphore(%arg20 : memref<!tpu.dma_semaphore, #tpu.memory_space<semaphore_mem>>)
        %add3A_1820 = arith.constant 2 : i32
        %add3A_1821 = arith.addi %mul3A_333, %add3A_1820 : i32
        %add3A_1822 = arith.constant 2 : i32
        %add3A_1823 = arith.addi %mul3A_333, %add3A_1822 : i32
        %dma_start3A_1824 = arith.constant 1 : i32
        %dma_start3A_1825 = arith.constant 1 : i32
        %dma_start3A_1826 = arith.constant 0 : i32
        %dma_start3A_1827 = tpu.memref_slice %arg16[%dma_start3A_1825, %add3A_1823, %dma_start3A_1826] : memref<2x64x128xf32, #tpu.memory_space<vmem>> -> memref<1x1x128xf32, #tpu.memory_space<vmem>>
        %dma_start3A_1828 = tpu.memref_squeeze %dma_start3A_1827 : memref<1x1x128xf32, #tpu.memory_space<vmem>> -> memref<128xf32, #tpu.memory_space<vmem>>
        %dma_start3A_1829 = arith.constant 0 : i32
        %dma_start3A_1830 = tpu.memref_slice %arg15[%dma_start3A_1824, %add3A_1821, %dma_start3A_1829] : memref<2x64x128xi32, #tpu.memory_space<vmem>> -> memref<1x1x128xi32, #tpu.memory_space<vmem>>
        %dma_start3A_1831 = tpu.memref_squeeze %dma_start3A_1830 : memref<1x1x128xi32, #tpu.memory_space<vmem>> -> memref<128xi32, #tpu.memory_space<vmem>>
        %dma_start3A_1832 = arith.constant 0 : i32
        %dma_start3A_1833 = tpu.memref_slice %arg5[%dma_start3A_1832] : memref<16777216xf32, #tpu.memory_space<hbm>> -> memref<16777216xf32, #tpu.memory_space<hbm>>
        tpu.enqueue_indirect_dma source(%dma_start3A_1833 : memref<16777216xf32, #tpu.memory_space<hbm>>) target(%dma_start3A_1828 : memref<128xf32, #tpu.memory_space<vmem>>) offsets(%dma_start3A_1831 : memref<128xi32, #tpu.memory_space<vmem>>) semaphore(%arg20 : memref<!tpu.dma_semaphore, #tpu.memory_space<semaphore_mem>>)
        %add3A_1834 = arith.constant 3 : i32
        %add3A_1835 = arith.addi %mul3A_333, %add3A_1834 : i32
        %add3A_1836 = arith.constant 3 : i32
        %add3A_1837 = arith.addi %mul3A_333, %add3A_1836 : i32
        %dma_start3A_1838 = arith.constant 1 : i32
        %dma_start3A_1839 = arith.constant 1 : i32
        %dma_start3A_1840 = arith.constant 0 : i32
        %dma_start3A_1841 = tpu.memref_slice %arg16[%dma_start3A_1839, %add3A_1837, %dma_start3A_1840] : memref<2x64x128xf32, #tpu.memory_space<vmem>> -> memref<1x1x128xf32, #tpu.memory_space<vmem>>
        %dma_start3A_1842 = tpu.memref_squeeze %dma_start3A_1841 : memref<1x1x128xf32, #tpu.memory_space<vmem>> -> memref<128xf32, #tpu.memory_space<vmem>>
        %dma_start3A_1843 = arith.constant 0 : i32
        %dma_start3A_1844 = tpu.memref_slice %arg15[%dma_start3A_1838, %add3A_1835, %dma_start3A_1843] : memref<2x64x128xi32, #tpu.memory_space<vmem>> -> memref<1x1x128xi32, #tpu.memory_space<vmem>>
        %dma_start3A_1845 = tpu.memref_squeeze %dma_start3A_1844 : memref<1x1x128xi32, #tpu.memory_space<vmem>> -> memref<128xi32, #tpu.memory_space<vmem>>
        %dma_start3A_1846 = arith.constant 0 : i32
        %dma_start3A_1847 = tpu.memref_slice %arg5[%dma_start3A_1846] : memref<16777216xf32, #tpu.memory_space<hbm>> -> memref<16777216xf32, #tpu.memory_space<hbm>>
        tpu.enqueue_indirect_dma source(%dma_start3A_1847 : memref<16777216xf32, #tpu.memory_space<hbm>>) target(%dma_start3A_1842 : memref<128xf32, #tpu.memory_space<vmem>>) offsets(%dma_start3A_1845 : memref<128xi32, #tpu.memory_space<vmem>>) semaphore(%arg20 : memref<!tpu.dma_semaphore, #tpu.memory_space<semaphore_mem>>)
        %add3A_1848 = arith.constant 4 : i32
        %add3A_1849 = arith.addi %mul3A_333, %add3A_1848 : i32
        %add3A_1850 = arith.constant 4 : i32
        %add3A_1851 = arith.addi %mul3A_333, %add3A_1850 : i32
        %dma_start3A_1852 = arith.constant 1 : i32
        %dma_start3A_1853 = arith.constant 1 : i32
        %dma_start3A_1854 = arith.constant 0 : i32
        %dma_start3A_1855 = tpu.memref_slice %arg16[%dma_start3A_1853, %add3A_1851, %dma_start3A_1854] : memref<2x64x128xf32, #tpu.memory_space<vmem>> -> memref<1x1x128xf32, #tpu.memory_space<vmem>>
        %dma_start3A_1856 = tpu.memref_squeeze %dma_start3A_1855 : memref<1x1x128xf32, #tpu.memory_space<vmem>> -> memref<128xf32, #tpu.memory_space<vmem>>
        %dma_start3A_1857 = arith.constant 0 : i32
        %dma_start3A_1858 = tpu.memref_slice %arg15[%dma_start3A_1852, %add3A_1849, %dma_start3A_1857] : memref<2x64x128xi32, #tpu.memory_space<vmem>> -> memref<1x1x128xi32, #tpu.memory_space<vmem>>
        %dma_start3A_1859 = tpu.memref_squeeze %dma_start3A_1858 : memref<1x1x128xi32, #tpu.memory_space<vmem>> -> memref<128xi32, #tpu.memory_space<vmem>>
        %dma_start3A_1860 = arith.constant 0 : i32
        %dma_start3A_1861 = tpu.memref_slice %arg5[%dma_start3A_1860] : memref<16777216xf32, #tpu.memory_space<hbm>> -> memref<16777216xf32, #tpu.memory_space<hbm>>
        tpu.enqueue_indirect_dma source(%dma_start3A_1861 : memref<16777216xf32, #tpu.memory_space<hbm>>) target(%dma_start3A_1856 : memref<128xf32, #tpu.memory_space<vmem>>) offsets(%dma_start3A_1859 : memref<128xi32, #tpu.memory_space<vmem>>) semaphore(%arg20 : memref<!tpu.dma_semaphore, #tpu.memory_space<semaphore_mem>>)
        %add3A_1862 = arith.constant 5 : i32
        %add3A_1863 = arith.addi %mul3A_333, %add3A_1862 : i32
        %add3A_1864 = arith.constant 5 : i32
        %add3A_1865 = arith.addi %mul3A_333, %add3A_1864 : i32
        %dma_start3A_1866 = arith.constant 1 : i32
        %dma_start3A_1867 = arith.constant 1 : i32
        %dma_start3A_1868 = arith.constant 0 : i32
        %dma_start3A_1869 = tpu.memref_slice %arg16[%dma_start3A_1867, %add3A_1865, %dma_start3A_1868] : memref<2x64x128xf32, #tpu.memory_space<vmem>> -> memref<1x1x128xf32, #tpu.memory_space<vmem>>
        %dma_start3A_1870 = tpu.memref_squeeze %dma_start3A_1869 : memref<1x1x128xf32, #tpu.memory_space<vmem>> -> memref<128xf32, #tpu.memory_space<vmem>>
        %dma_start3A_1871 = arith.constant 0 : i32
        %dma_start3A_1872 = tpu.memref_slice %arg15[%dma_start3A_1866, %add3A_1863, %dma_start3A_1871] : memref<2x64x128xi32, #tpu.memory_space<vmem>> -> memref<1x1x128xi32, #tpu.memory_space<vmem>>
        %dma_start3A_1873 = tpu.memref_squeeze %dma_start3A_1872 : memref<1x1x128xi32, #tpu.memory_space<vmem>> -> memref<128xi32, #tpu.memory_space<vmem>>
        %dma_start3A_1874 = arith.constant 0 : i32
        %dma_start3A_1875 = tpu.memref_slice %arg5[%dma_start3A_1874] : memref<16777216xf32, #tpu.memory_space<hbm>> -> memref<16777216xf32, #tpu.memory_space<hbm>>
        tpu.enqueue_indirect_dma source(%dma_start3A_1875 : memref<16777216xf32, #tpu.memory_space<hbm>>) target(%dma_start3A_1870 : memref<128xf32, #tpu.memory_space<vmem>>) offsets(%dma_start3A_1873 : memref<128xi32, #tpu.memory_space<vmem>>) semaphore(%arg20 : memref<!tpu.dma_semaphore, #tpu.memory_space<semaphore_mem>>)
        %add3A_1876 = arith.constant 6 : i32
        %add3A_1877 = arith.addi %mul3A_333, %add3A_1876 : i32
        %add3A_1878 = arith.constant 6 : i32
        %add3A_1879 = arith.addi %mul3A_333, %add3A_1878 : i32
        %dma_start3A_1880 = arith.constant 1 : i32
        %dma_start3A_1881 = arith.constant 1 : i32
        %dma_start3A_1882 = arith.constant 0 : i32
        %dma_start3A_1883 = tpu.memref_slice %arg16[%dma_start3A_1881, %add3A_1879, %dma_start3A_1882] : memref<2x64x128xf32, #tpu.memory_space<vmem>> -> memref<1x1x128xf32, #tpu.memory_space<vmem>>
        %dma_start3A_1884 = tpu.memref_squeeze %dma_start3A_1883 : memref<1x1x128xf32, #tpu.memory_space<vmem>> -> memref<128xf32, #tpu.memory_space<vmem>>
        %dma_start3A_1885 = arith.constant 0 : i32
        %dma_start3A_1886 = tpu.memref_slice %arg15[%dma_start3A_1880, %add3A_1877, %dma_start3A_1885] : memref<2x64x128xi32, #tpu.memory_space<vmem>> -> memref<1x1x128xi32, #tpu.memory_space<vmem>>
        %dma_start3A_1887 = tpu.memref_squeeze %dma_start3A_1886 : memref<1x1x128xi32, #tpu.memory_space<vmem>> -> memref<128xi32, #tpu.memory_space<vmem>>
        %dma_start3A_1888 = arith.constant 0 : i32
        %dma_start3A_1889 = tpu.memref_slice %arg5[%dma_start3A_1888] : memref<16777216xf32, #tpu.memory_space<hbm>> -> memref<16777216xf32, #tpu.memory_space<hbm>>
        tpu.enqueue_indirect_dma source(%dma_start3A_1889 : memref<16777216xf32, #tpu.memory_space<hbm>>) target(%dma_start3A_1884 : memref<128xf32, #tpu.memory_space<vmem>>) offsets(%dma_start3A_1887 : memref<128xi32, #tpu.memory_space<vmem>>) semaphore(%arg20 : memref<!tpu.dma_semaphore, #tpu.memory_space<semaphore_mem>>)
        %add3A_1890 = arith.constant 7 : i32
        %add3A_1891 = arith.addi %mul3A_333, %add3A_1890 : i32
        %add3A_1892 = arith.constant 7 : i32
        %add3A_1893 = arith.addi %mul3A_333, %add3A_1892 : i32
        %dma_start3A_1894 = arith.constant 1 : i32
        %dma_start3A_1895 = arith.constant 1 : i32
        %dma_start3A_1896 = arith.constant 0 : i32
        %dma_start3A_1897 = tpu.memref_slice %arg16[%dma_start3A_1895, %add3A_1893, %dma_start3A_1896] : memref<2x64x128xf32, #tpu.memory_space<vmem>> -> memref<1x1x128xf32, #tpu.memory_space<vmem>>
        %dma_start3A_1898 = tpu.memref_squeeze %dma_start3A_1897 : memref<1x1x128xf32, #tpu.memory_space<vmem>> -> memref<128xf32, #tpu.memory_space<vmem>>
        %dma_start3A_1899 = arith.constant 0 : i32
        %dma_start3A_1900 = tpu.memref_slice %arg15[%dma_start3A_1894, %add3A_1891, %dma_start3A_1899] : memref<2x64x128xi32, #tpu.memory_space<vmem>> -> memref<1x1x128xi32, #tpu.memory_space<vmem>>
        %dma_start3A_1901 = tpu.memref_squeeze %dma_start3A_1900 : memref<1x1x128xi32, #tpu.memory_space<vmem>> -> memref<128xi32, #tpu.memory_space<vmem>>
        %dma_start3A_1902 = arith.constant 0 : i32
        %dma_start3A_1903 = tpu.memref_slice %arg5[%dma_start3A_1902] : memref<16777216xf32, #tpu.memory_space<hbm>> -> memref<16777216xf32, #tpu.memory_space<hbm>>
        tpu.enqueue_indirect_dma source(%dma_start3A_1903 : memref<16777216xf32, #tpu.memory_space<hbm>>) target(%dma_start3A_1898 : memref<128xf32, #tpu.memory_space<vmem>>) offsets(%dma_start3A_1901 : memref<128xi32, #tpu.memory_space<vmem>>) semaphore(%arg20 : memref<!tpu.dma_semaphore, #tpu.memory_space<semaphore_mem>>)
        %scan3A_1904 = arith.constant 0 : i32
        scf.yield %scan3A_1904 : i32
      }
      %scan3A_323 = arith.constant 8 : i32
      %gt3A_324 = arith.constant 0 : i32
      %gt3A_325 = arith.cmpi sgt, %add3A_249, %gt3A_324 : i32
      %convert_element_type3A_326 = arith.extui %gt3A_325 : i1 to i32
      %cond3A_327 = arith.constant 0 : i32
      %cond3A_328 = arith.cmpi ne, %convert_element_type3A_326, %cond3A_327 : i32
      scf.if %cond3A_328 {
        %sub3A = arith.constant 1 : i32
        %sub3A_330 = arith.subi %add3A_249, %sub3A : i32
        %ge3A = arith.constant 2 : i32
        %ge3A_331 = arith.cmpi sge, %sub3A_330, %ge3A : i32
        %convert_element_type3A_332 = arith.extui %ge3A_331 : i1 to i32
        %cond3A_333 = arith.constant 0 : i32
        %cond3A_334 = arith.cmpi ne, %convert_element_type3A_332, %cond3A_333 : i32
        scf.if %cond3A_334 {
          %dma_wait3A_369 = arith.constant 0 : i32
          %dma_wait3A_370 = arith.constant 0 : i32
          %dma_wait3A_371 = tpu.memref_slice %arg17[%dma_wait3A_369, %dma_wait3A_370] : memref<2x1024xi32, #tpu.memory_space<vmem>> -> memref<1x1024xi32, #tpu.memory_space<vmem>>
          %dma_wait3A_372 = tpu.memref_squeeze %dma_wait3A_371 : memref<1x1024xi32, #tpu.memory_space<vmem>> -> memref<1024xi32, #tpu.memory_space<vmem>>
          %dma_wait3A_373 = arith.constant 0 : i32
          %dma_wait3A_374 = tpu.memref_slice %arg8[%dma_wait3A_373] : memref<2097152xi32, #tpu.memory_space<hbm>> -> memref<1024xi32, #tpu.memory_space<hbm>>
          %dma_wait3A_375 = arith.constant 0 : i32
          %dma_wait3A_376 = tpu.memref_slice %arg17[%dma_wait3A_369, %dma_wait3A_375] : memref<2x1024xi32, #tpu.memory_space<vmem>> -> memref<1x1024xi32, #tpu.memory_space<vmem>>
          %dma_wait3A_377 = tpu.memref_squeeze %dma_wait3A_376 : memref<1x1024xi32, #tpu.memory_space<vmem>> -> memref<1024xi32, #tpu.memory_space<vmem>>
          %dma_wait3A_378 = arith.constant 0 : i32
          %dma_wait3A_379 = tpu.memref_slice %arg8[%dma_wait3A_378] : memref<2097152xi32, #tpu.memory_space<hbm>> -> memref<1024xi32, #tpu.memory_space<hbm>>
          tpu.wait_dma2 semaphore(%arg22 : memref<!tpu.dma_semaphore, #tpu.memory_space<semaphore_mem>>) src(%dma_wait3A_379 : memref<1024xi32, #tpu.memory_space<hbm>>) dst(%dma_wait3A_377 : memref<1024xi32, #tpu.memory_space<vmem>>)
        } else {
        }
        %dma_wait3A_335 = arith.constant 0 : i32
        %dma_wait3A_336 = arith.constant 0 : i32
        %dma_wait3A_337 = arith.constant 0 : i32
        %dma_wait3A_338 = tpu.memref_slice %arg16[%dma_wait3A_335, %dma_wait3A_336, %dma_wait3A_337] : memref<2x64x128xf32, #tpu.memory_space<vmem>> -> memref<1x64x128xf32, #tpu.memory_space<vmem>>
        %dma_wait3A_339 = tpu.memref_squeeze %dma_wait3A_338 : memref<1x64x128xf32, #tpu.memory_space<vmem>> -> memref<64x128xf32, #tpu.memory_space<vmem>>
        %dma_wait3A_340 = arith.constant 0 : i32
        %dma_wait3A_341 = arith.constant 0 : i32
        %dma_wait3A_342 = tpu.memref_slice %arg6[%dma_wait3A_340, %dma_wait3A_341] : memref<131072x128xf32, #tpu.memory_space<hbm>> -> memref<64x128xf32, #tpu.memory_space<hbm>>
        %dma_wait3A_343 = arith.constant 0 : i32
        %dma_wait3A_344 = arith.constant 0 : i32
        %dma_wait3A_345 = tpu.memref_slice %arg16[%dma_wait3A_335, %dma_wait3A_343, %dma_wait3A_344] : memref<2x64x128xf32, #tpu.memory_space<vmem>> -> memref<1x64x128xf32, #tpu.memory_space<vmem>>
        %dma_wait3A_346 = tpu.memref_squeeze %dma_wait3A_345 : memref<1x64x128xf32, #tpu.memory_space<vmem>> -> memref<64x128xf32, #tpu.memory_space<vmem>>
        %dma_wait3A_347 = arith.constant 0 : i32
        %dma_wait3A_348 = arith.constant 0 : i32
        %dma_wait3A_349 = tpu.memref_slice %arg6[%dma_wait3A_347, %dma_wait3A_348] : memref<131072x128xf32, #tpu.memory_space<hbm>> -> memref<64x128xf32, #tpu.memory_space<hbm>>
        tpu.wait_dma2 semaphore(%arg19 : memref<!tpu.dma_semaphore, #tpu.memory_space<semaphore_mem>>) src(%dma_wait3A_349 : memref<64x128xf32, #tpu.memory_space<hbm>>) dst(%dma_wait3A_346 : memref<64x128xf32, #tpu.memory_space<vmem>>)
        %scan3A_350 = arith.constant 0 : i32
        %scan3A_351 = arith.constant 0 : i32
        %scan3A_352 = arith.constant 64 : i32
        %scan3A_353 = arith.addi %scan3A_351, %scan3A_352 : i32
        %scan3A_354 = arith.constant 1 : i32
        %scan3A_355 = scf.for %scan3A_369 = %scan3A_351 to %scan3A_353 step %scan3A_354 iter_args(%scan3A_370 = %scan3A_350) -> (i32)  : i32 {
          %mul3A_371 = arith.constant 16 : i32
          %mul3A_372 = arith.muli %scan3A_369, %mul3A_371 : i32
          %shift_right_arithmetic3A = arith.constant 3 : i32
          %shift_right_arithmetic3A_373 = arith.shrsi %scan3A_369, %shift_right_arithmetic3A : i32
          %mul3A_374 = arith.constant 8 : i32
          %mul3A_375 = arith.muli %shift_right_arithmetic3A_373, %mul3A_374 : i32
          %and3A = arith.constant 7 : i32
          %and3A_376 = arith.andi %scan3A_369, %and3A : i32
          %mul3A_377 = arith.constant 16 : i32
          %mul3A_378 = arith.muli %and3A_376, %mul3A_377 : i32
          %add3A_379 = arith.constant 0 : i32
          %add3A_380 = arith.addi %mul3A_375, %add3A_379 : i32
          %get3A_381 = arith.constant 0 : i32
          %get3A_382 = arith.index_cast %get3A_381 : i32 to index
          %get3A_383 = arith.index_cast %add3A_380 : i32 to index
          %get3A_384 = arith.index_cast %mul3A_378 : i32 to index
          %get3A_385 = tpu.vector_load %arg16[%get3A_382, %get3A_383, %get3A_384] {strides = array<i32>} : memref<2x64x128xf32, #tpu.memory_space<vmem>>, vector<1x1x16xf32>,
          %get3A_386 = vector.shape_cast %get3A_385 : vector<1x1x16xf32> to vector<16xf32>
          %add3A_387 = arith.constant 1 : i32
          %add3A_388 = arith.addi %mul3A_375, %add3A_387 : i32
          %get3A_389 = arith.constant 0 : i32
          %get3A_390 = arith.index_cast %get3A_389 : i32 to index
          %get3A_391 = arith.index_cast %add3A_388 : i32 to index
          %get3A_392 = arith.index_cast %mul3A_378 : i32 to index
          %get3A_393 = tpu.vector_load %arg16[%get3A_390, %get3A_391, %get3A_392] {strides = array<i32>} : memref<2x64x128xf32, #tpu.memory_space<vmem>>, vector<1x1x16xf32>,
          %get3A_394 = vector.shape_cast %get3A_393 : vector<1x1x16xf32> to vector<16xf32>
          %add3A_395 = arith.constant 2 : i32
          %add3A_396 = arith.addi %mul3A_375, %add3A_395 : i32
          %get3A_397 = arith.constant 0 : i32
          %get3A_398 = arith.index_cast %get3A_397 : i32 to index
          %get3A_399 = arith.index_cast %add3A_396 : i32 to index
          %get3A_400 = arith.index_cast %mul3A_378 : i32 to index
          %get3A_401 = tpu.vector_load %arg16[%get3A_398, %get3A_399, %get3A_400] {strides = array<i32>} : memref<2x64x128xf32, #tpu.memory_space<vmem>>, vector<1x1x16xf32>,
          %get3A_402 = vector.shape_cast %get3A_401 : vector<1x1x16xf32> to vector<16xf32>
          %add3A_403 = arith.constant 3 : i32
          %add3A_404 = arith.addi %mul3A_375, %add3A_403 : i32
          %get3A_405 = arith.constant 0 : i32
          %get3A_406 = arith.index_cast %get3A_405 : i32 to index
          %get3A_407 = arith.index_cast %add3A_404 : i32 to index
          %get3A_408 = arith.index_cast %mul3A_378 : i32 to index
          %get3A_409 = tpu.vector_load %arg16[%get3A_406, %get3A_407, %get3A_408] {strides = array<i32>} : memref<2x64x128xf32, #tpu.memory_space<vmem>>, vector<1x1x16xf32>,
          %get3A_410 = vector.shape_cast %get3A_409 : vector<1x1x16xf32> to vector<16xf32>
          %add3A_411 = arith.constant 4 : i32
          %add3A_412 = arith.addi %mul3A_375, %add3A_411 : i32
          %get3A_413 = arith.constant 0 : i32
          %get3A_414 = arith.index_cast %get3A_413 : i32 to index
          %get3A_415 = arith.index_cast %add3A_412 : i32 to index
          %get3A_416 = arith.index_cast %mul3A_378 : i32 to index
          %get3A_417 = tpu.vector_load %arg16[%get3A_414, %get3A_415, %get3A_416] {strides = array<i32>} : memref<2x64x128xf32, #tpu.memory_space<vmem>>, vector<1x1x16xf32>,
          %get3A_418 = vector.shape_cast %get3A_417 : vector<1x1x16xf32> to vector<16xf32>
          %add3A_419 = arith.constant 5 : i32
          %add3A_420 = arith.addi %mul3A_375, %add3A_419 : i32
          %get3A_421 = arith.constant 0 : i32
          %get3A_422 = arith.index_cast %get3A_421 : i32 to index
          %get3A_423 = arith.index_cast %add3A_420 : i32 to index
          %get3A_424 = arith.index_cast %mul3A_378 : i32 to index
          %get3A_425 = tpu.vector_load %arg16[%get3A_422, %get3A_423, %get3A_424] {strides = array<i32>} : memref<2x64x128xf32, #tpu.memory_space<vmem>>, vector<1x1x16xf32>,
          %get3A_426 = vector.shape_cast %get3A_425 : vector<1x1x16xf32> to vector<16xf32>
          %add3A_427 = arith.constant 6 : i32
          %add3A_428 = arith.addi %mul3A_375, %add3A_427 : i32
          %get3A_429 = arith.constant 0 : i32
          %get3A_430 = arith.index_cast %get3A_429 : i32 to index
          %get3A_431 = arith.index_cast %add3A_428 : i32 to index
          %get3A_432 = arith.index_cast %mul3A_378 : i32 to index
          %get3A_433 = tpu.vector_load %arg16[%get3A_430, %get3A_431, %get3A_432] {strides = array<i32>} : memref<2x64x128xf32, #tpu.memory_space<vmem>>, vector<1x1x16xf32>,
          %get3A_434 = vector.shape_cast %get3A_433 : vector<1x1x16xf32> to vector<16xf32>
          %add3A_435 = arith.constant 7 : i32
          %add3A_436 = arith.addi %mul3A_375, %add3A_435 : i32
          %get3A_437 = arith.constant 0 : i32
          %get3A_438 = arith.index_cast %get3A_437 : i32 to index
          %get3A_439 = arith.index_cast %add3A_436 : i32 to index
          %get3A_440 = arith.index_cast %mul3A_378 : i32 to index
          %get3A_441 = tpu.vector_load %arg16[%get3A_438, %get3A_439, %get3A_440] {strides = array<i32>} : memref<2x64x128xf32, #tpu.memory_space<vmem>>, vector<1x1x16xf32>,
          %get3A_442 = vector.shape_cast %get3A_441 : vector<1x1x16xf32> to vector<16xf32>
          %get3A_443 = arith.constant 0 : i32
          %get3A_444 = arith.index_cast %get3A_443 : i32 to index
          %get3A_445 = arith.index_cast %mul3A_372 : i32 to index
          %get3A_446 = tpu.vector_load %arg12[%get3A_444, %get3A_445] {strides = array<i32>} : memref<2x1024xf32, #tpu.memory_space<vmem>>, vector<1x16xf32>,
          %get3A_447 = vector.shape_cast %get3A_446 : vector<1x16xf32> to vector<16xf32>
          %get3A_448 = arith.constant 0 : i32
          %get3A_449 = arith.index_cast %get3A_448 : i32 to index
          %get3A_450 = arith.index_cast %mul3A_372 : i32 to index
          %get3A_451 = tpu.vector_load %arg13[%get3A_449, %get3A_450] {strides = array<i32>} : memref<2x1024xf32, #tpu.memory_space<vmem>>, vector<1x16xf32>,
          %get3A_452 = vector.shape_cast %get3A_451 : vector<1x16xf32> to vector<16xf32>
          %get3A_453 = arith.constant 0 : i32
          %get3A_454 = arith.index_cast %get3A_453 : i32 to index
          %get3A_455 = arith.index_cast %mul3A_372 : i32 to index
          %get3A_456 = tpu.vector_load %arg14[%get3A_454, %get3A_455] {strides = array<i32>} : memref<2x1024xf32, #tpu.memory_space<vmem>>, vector<1x16xf32>,
          %get3A_457 = vector.shape_cast %get3A_456 : vector<1x16xf32> to vector<16xf32>
          %sub3A_458 = arith.subf %get3A_394, %get3A_386 : vector<16xf32>
          %mul3A_459 = arith.mulf %sub3A_458, %get3A_447 : vector<16xf32>
          %add3A_460 = arith.addf %get3A_386, %mul3A_459 : vector<16xf32>
          %sub3A_461 = arith.subf %get3A_410, %get3A_402 : vector<16xf32>
          %mul3A_462 = arith.mulf %sub3A_461, %get3A_447 : vector<16xf32>
          %add3A_463 = arith.addf %get3A_402, %mul3A_462 : vector<16xf32>
          %sub3A_464 = arith.subf %get3A_426, %get3A_418 : vector<16xf32>
          %mul3A_465 = arith.mulf %sub3A_464, %get3A_447 : vector<16xf32>
          %add3A_466 = arith.addf %get3A_418, %mul3A_465 : vector<16xf32>
          %sub3A_467 = arith.subf %get3A_442, %get3A_434 : vector<16xf32>
          %mul3A_468 = arith.mulf %sub3A_467, %get3A_447 : vector<16xf32>
          %add3A_469 = arith.addf %get3A_434, %mul3A_468 : vector<16xf32>
          %sub3A_470 = arith.subf %add3A_463, %add3A_460 : vector<16xf32>
          %mul3A_471 = arith.mulf %sub3A_470, %get3A_452 : vector<16xf32>
          %add3A_472 = arith.addf %add3A_460, %mul3A_471 : vector<16xf32>
          %sub3A_473 = arith.subf %add3A_469, %add3A_466 : vector<16xf32>
          %mul3A_474 = arith.mulf %sub3A_473, %get3A_452 : vector<16xf32>
          %add3A_475 = arith.addf %add3A_466, %mul3A_474 : vector<16xf32>
          %sub3A_476 = arith.subf %add3A_475, %add3A_472 : vector<16xf32>
          %mul3A_477 = arith.mulf %sub3A_476, %get3A_457 : vector<16xf32>
          %add3A_478 = arith.addf %add3A_472, %mul3A_477 : vector<16xf32>
          %ge3A_479 = arith.cmpf oge, %add3A_478, %broadcast_in_dim3A_32 : vector<16xf32>
          %select_n3A = arith.select %ge3A_479, %broadcast_in_dim3A_34, %broadcast_in_dim3A_36 : vector<16xi1>, vector<16xi32>
          %swap3A = arith.constant 0 : i32
          %swap3A_480 = arith.index_cast %swap3A : i32 to index
          %swap3A_481 = arith.index_cast %mul3A_372 : i32 to index
          %swap3A_482 = tpu.vector_load %arg17[%swap3A_480, %swap3A_481] {strides = array<i32>} : memref<2x1024xi32, #tpu.memory_space<vmem>>, vector<1x16xi32>,
          %swap3A_483 = vector.shape_cast %swap3A_482 : vector<1x16xi32> to vector<16xi32>
          %swap3A_484 = vector.shape_cast %select_n3A : vector<16xi32> to vector<1x16xi32>
          tpu.vector_store %arg17[%swap3A_480, %swap3A_481], %swap3A_484 {strides = array<i32>} : memref<2x1024xi32, #tpu.memory_space<vmem>>, vector<1x16xi32>,
          %scan3A_485 = arith.constant 0 : i32
          scf.yield %scan3A_485 : i32
        }
        %scan3A_356 = arith.constant 64 : i32
        %mul3A_357 = arith.constant 1024 : i32
        %mul3A_358 = arith.muli %sub3A_330, %mul3A_357 : i32
        %add3A_359 = arith.addi %mul3A_2, %mul3A_358 : i32
        %dma_start3A_360 = arith.constant 0 : i32
        %dma_start3A_361 = arith.constant 0 : i32
        %dma_start3A_362 = tpu.memref_slice %arg17[%dma_start3A_360, %dma_start3A_361] : memref<2x1024xi32, #tpu.memory_space<vmem>> -> memref<1x1024xi32, #tpu.memory_space<vmem>>
        %dma_start3A_363 = tpu.memref_squeeze %dma_start3A_362 : memref<1x1024xi32, #tpu.memory_space<vmem>> -> memref<1024xi32, #tpu.memory_space<vmem>>
        %dma_start3A_364 = tpu.memref_slice %arg8[%add3A_359] : memref<2097152xi32, #tpu.memory_space<hbm>> -> memref<1024xi32, #tpu.memory_space<hbm>>
        %dma_start3A_365 = tpu.memref_slice %arg8[%add3A_359] : memref<2097152xi32, #tpu.memory_space<hbm>> -> memref<1024xi32, #tpu.memory_space<hbm>>
        %dma_start3A_366 = arith.constant 0 : i32
        %dma_start3A_367 = tpu.memref_slice %arg17[%dma_start3A_360, %dma_start3A_366] : memref<2x1024xi32, #tpu.memory_space<vmem>> -> memref<1x1024xi32, #tpu.memory_space<vmem>>
        %dma_start3A_368 = tpu.memref_squeeze %dma_start3A_367 : memref<1x1024xi32, #tpu.memory_space<vmem>> -> memref<1024xi32, #tpu.memory_space<vmem>>
        tpu.enqueue_dma source(%dma_start3A_368 : memref<1024xi32, #tpu.memory_space<vmem>>) target(%dma_start3A_365 : memref<1024xi32, #tpu.memory_space<hbm>>) target_semaphore(%arg22 : memref<!tpu.dma_semaphore, #tpu.memory_space<semaphore_mem>>)
      } else {
      }
      %scan3A_329 = arith.constant 0 : i32
      scf.yield %scan3A_329 : i32
    }
    %scan3A_68 = arith.constant 32 : i32
    %dma_wait3A = arith.constant 1 : i32
    %dma_wait3A_69 = arith.constant 0 : i32
    %dma_wait3A_70 = tpu.memref_slice %arg17[%dma_wait3A, %dma_wait3A_69] : memref<2x1024xi32, #tpu.memory_space<vmem>> -> memref<1x1024xi32, #tpu.memory_space<vmem>>
    %dma_wait3A_71 = tpu.memref_squeeze %dma_wait3A_70 : memref<1x1024xi32, #tpu.memory_space<vmem>> -> memref<1024xi32, #tpu.memory_space<vmem>>
    %dma_wait3A_72 = arith.constant 0 : i32
    %dma_wait3A_73 = tpu.memref_slice %arg8[%dma_wait3A_72] : memref<2097152xi32, #tpu.memory_space<hbm>> -> memref<1024xi32, #tpu.memory_space<hbm>>
    %dma_wait3A_74 = arith.constant 0 : i32
    %dma_wait3A_75 = tpu.memref_slice %arg17[%dma_wait3A, %dma_wait3A_74] : memref<2x1024xi32, #tpu.memory_space<vmem>> -> memref<1x1024xi32, #tpu.memory_space<vmem>>
    %dma_wait3A_76 = tpu.memref_squeeze %dma_wait3A_75 : memref<1x1024xi32, #tpu.memory_space<vmem>> -> memref<1024xi32, #tpu.memory_space<vmem>>
    %dma_wait3A_77 = arith.constant 0 : i32
    %dma_wait3A_78 = tpu.memref_slice %arg8[%dma_wait3A_77] : memref<2097152xi32, #tpu.memory_space<hbm>> -> memref<1024xi32, #tpu.memory_space<hbm>>
    tpu.wait_dma2 semaphore(%arg23 : memref<!tpu.dma_semaphore, #tpu.memory_space<semaphore_mem>>) src(%dma_wait3A_78 : memref<1024xi32, #tpu.memory_space<hbm>>) dst(%dma_wait3A_76 : memref<1024xi32, #tpu.memory_space<vmem>>)
    %dma_wait3A_79 = arith.constant 1 : i32
    %dma_wait3A_80 = arith.constant 0 : i32
    %dma_wait3A_81 = arith.constant 0 : i32
    %dma_wait3A_82 = tpu.memref_slice %arg16[%dma_wait3A_79, %dma_wait3A_80, %dma_wait3A_81] : memref<2x64x128xf32, #tpu.memory_space<vmem>> -> memref<1x64x128xf32, #tpu.memory_space<vmem>>
    %dma_wait3A_83 = tpu.memref_squeeze %dma_wait3A_82 : memref<1x64x128xf32, #tpu.memory_space<vmem>> -> memref<64x128xf32, #tpu.memory_space<vmem>>
    %dma_wait3A_84 = arith.constant 0 : i32
    %dma_wait3A_85 = arith.constant 0 : i32
    %dma_wait3A_86 = tpu.memref_slice %arg6[%dma_wait3A_84, %dma_wait3A_85] : memref<131072x128xf32, #tpu.memory_space<hbm>> -> memref<64x128xf32, #tpu.memory_space<hbm>>
    %dma_wait3A_87 = arith.constant 0 : i32
    %dma_wait3A_88 = arith.constant 0 : i32
    %dma_wait3A_89 = tpu.memref_slice %arg16[%dma_wait3A_79, %dma_wait3A_87, %dma_wait3A_88] : memref<2x64x128xf32, #tpu.memory_space<vmem>> -> memref<1x64x128xf32, #tpu.memory_space<vmem>>
    %dma_wait3A_90 = tpu.memref_squeeze %dma_wait3A_89 : memref<1x64x128xf32, #tpu.memory_space<vmem>> -> memref<64x128xf32, #tpu.memory_space<vmem>>
    %dma_wait3A_91 = arith.constant 0 : i32
    %dma_wait3A_92 = arith.constant 0 : i32
    %dma_wait3A_93 = tpu.memref_slice %arg6[%dma_wait3A_91, %dma_wait3A_92] : memref<131072x128xf32, #tpu.memory_space<hbm>> -> memref<64x128xf32, #tpu.memory_space<hbm>>
    tpu.wait_dma2 semaphore(%arg20 : memref<!tpu.dma_semaphore, #tpu.memory_space<semaphore_mem>>) src(%dma_wait3A_93 : memref<64x128xf32, #tpu.memory_space<hbm>>) dst(%dma_wait3A_90 : memref<64x128xf32, #tpu.memory_space<vmem>>)
    %scan3A_94 = arith.constant 0 : i32
    %scan3A_95 = arith.constant 0 : i32
    %scan3A_96 = arith.constant 64 : i32
    %scan3A_97 = arith.addi %scan3A_95, %scan3A_96 : i32
    %scan3A_98 = arith.constant 1 : i32
    %scan3A_99 = scf.for %scan3A_167 = %scan3A_95 to %scan3A_97 step %scan3A_98 iter_args(%scan3A_168 = %scan3A_94) -> (i32)  : i32 {
      %mul3A_169 = arith.constant 16 : i32
      %mul3A_170 = arith.muli %scan3A_167, %mul3A_169 : i32
      %shift_right_arithmetic3A = arith.constant 3 : i32
      %shift_right_arithmetic3A_171 = arith.shrsi %scan3A_167, %shift_right_arithmetic3A : i32
      %mul3A_172 = arith.constant 8 : i32
      %mul3A_173 = arith.muli %shift_right_arithmetic3A_171, %mul3A_172 : i32
      %and3A = arith.constant 7 : i32
      %and3A_174 = arith.andi %scan3A_167, %and3A : i32
      %mul3A_175 = arith.constant 16 : i32
      %mul3A_176 = arith.muli %and3A_174, %mul3A_175 : i32
      %add3A_177 = arith.constant 0 : i32
      %add3A_178 = arith.addi %mul3A_173, %add3A_177 : i32
      %get3A_179 = arith.constant 1 : i32
      %get3A_180 = arith.index_cast %get3A_179 : i32 to index
      %get3A_181 = arith.index_cast %add3A_178 : i32 to index
      %get3A_182 = arith.index_cast %mul3A_176 : i32 to index
      %get3A_183 = tpu.vector_load %arg16[%get3A_180, %get3A_181, %get3A_182] {strides = array<i32>} : memref<2x64x128xf32, #tpu.memory_space<vmem>>, vector<1x1x16xf32>,
      %get3A_184 = vector.shape_cast %get3A_183 : vector<1x1x16xf32> to vector<16xf32>
      %add3A_185 = arith.constant 1 : i32
      %add3A_186 = arith.addi %mul3A_173, %add3A_185 : i32
      %get3A_187 = arith.constant 1 : i32
      %get3A_188 = arith.index_cast %get3A_187 : i32 to index
      %get3A_189 = arith.index_cast %add3A_186 : i32 to index
      %get3A_190 = arith.index_cast %mul3A_176 : i32 to index
      %get3A_191 = tpu.vector_load %arg16[%get3A_188, %get3A_189, %get3A_190] {strides = array<i32>} : memref<2x64x128xf32, #tpu.memory_space<vmem>>, vector<1x1x16xf32>,
      %get3A_192 = vector.shape_cast %get3A_191 : vector<1x1x16xf32> to vector<16xf32>
      %add3A_193 = arith.constant 2 : i32
      %add3A_194 = arith.addi %mul3A_173, %add3A_193 : i32
      %get3A_195 = arith.constant 1 : i32
      %get3A_196 = arith.index_cast %get3A_195 : i32 to index
      %get3A_197 = arith.index_cast %add3A_194 : i32 to index
      %get3A_198 = arith.index_cast %mul3A_176 : i32 to index
      %get3A_199 = tpu.vector_load %arg16[%get3A_196, %get3A_197, %get3A_198] {strides = array<i32>} : memref<2x64x128xf32, #tpu.memory_space<vmem>>, vector<1x1x16xf32>,
      %get3A_200 = vector.shape_cast %get3A_199 : vector<1x1x16xf32> to vector<16xf32>
      %add3A_201 = arith.constant 3 : i32
      %add3A_202 = arith.addi %mul3A_173, %add3A_201 : i32
      %get3A_203 = arith.constant 1 : i32
      %get3A_204 = arith.index_cast %get3A_203 : i32 to index
      %get3A_205 = arith.index_cast %add3A_202 : i32 to index
      %get3A_206 = arith.index_cast %mul3A_176 : i32 to index
      %get3A_207 = tpu.vector_load %arg16[%get3A_204, %get3A_205, %get3A_206] {strides = array<i32>} : memref<2x64x128xf32, #tpu.memory_space<vmem>>, vector<1x1x16xf32>,
      %get3A_208 = vector.shape_cast %get3A_207 : vector<1x1x16xf32> to vector<16xf32>
      %add3A_209 = arith.constant 4 : i32
      %add3A_210 = arith.addi %mul3A_173, %add3A_209 : i32
      %get3A_211 = arith.constant 1 : i32
      %get3A_212 = arith.index_cast %get3A_211 : i32 to index
      %get3A_213 = arith.index_cast %add3A_210 : i32 to index
      %get3A_214 = arith.index_cast %mul3A_176 : i32 to index
      %get3A_215 = tpu.vector_load %arg16[%get3A_212, %get3A_213, %get3A_214] {strides = array<i32>} : memref<2x64x128xf32, #tpu.memory_space<vmem>>, vector<1x1x16xf32>,
      %get3A_216 = vector.shape_cast %get3A_215 : vector<1x1x16xf32> to vector<16xf32>
      %add3A_217 = arith.constant 5 : i32
      %add3A_218 = arith.addi %mul3A_173, %add3A_217 : i32
      %get3A_219 = arith.constant 1 : i32
      %get3A_220 = arith.index_cast %get3A_219 : i32 to index
      %get3A_221 = arith.index_cast %add3A_218 : i32 to index
      %get3A_222 = arith.index_cast %mul3A_176 : i32 to index
      %get3A_223 = tpu.vector_load %arg16[%get3A_220, %get3A_221, %get3A_222] {strides = array<i32>} : memref<2x64x128xf32, #tpu.memory_space<vmem>>, vector<1x1x16xf32>,
      %get3A_224 = vector.shape_cast %get3A_223 : vector<1x1x16xf32> to vector<16xf32>
      %add3A_225 = arith.constant 6 : i32
      %add3A_226 = arith.addi %mul3A_173, %add3A_225 : i32
      %get3A_227 = arith.constant 1 : i32
      %get3A_228 = arith.index_cast %get3A_227 : i32 to index
      %get3A_229 = arith.index_cast %add3A_226 : i32 to index
      %get3A_230 = arith.index_cast %mul3A_176 : i32 to index
      %get3A_231 = tpu.vector_load %arg16[%get3A_228, %get3A_229, %get3A_230] {strides = array<i32>} : memref<2x64x128xf32, #tpu.memory_space<vmem>>, vector<1x1x16xf32>,
      %get3A_232 = vector.shape_cast %get3A_231 : vector<1x1x16xf32> to vector<16xf32>
      %add3A_233 = arith.constant 7 : i32
      %add3A_234 = arith.addi %mul3A_173, %add3A_233 : i32
      %get3A_235 = arith.constant 1 : i32
      %get3A_236 = arith.index_cast %get3A_235 : i32 to index
      %get3A_237 = arith.index_cast %add3A_234 : i32 to index
      %get3A_238 = arith.index_cast %mul3A_176 : i32 to index
      %get3A_239 = tpu.vector_load %arg16[%get3A_236, %get3A_237, %get3A_238] {strides = array<i32>} : memref<2x64x128xf32, #tpu.memory_space<vmem>>, vector<1x1x16xf32>,
      %get3A_240 = vector.shape_cast %get3A_239 : vector<1x1x16xf32> to vector<16xf32>
      %get3A_241 = arith.constant 1 : i32
      %get3A_242 = arith.index_cast %get3A_241 : i32 to index
      %get3A_243 = arith.index_cast %mul3A_170 : i32 to index
      %get3A_244 = tpu.vector_load %arg12[%get3A_242, %get3A_243] {strides = array<i32>} : memref<2x1024xf32, #tpu.memory_space<vmem>>, vector<1x16xf32>,
      %get3A_245 = vector.shape_cast %get3A_244 : vector<1x16xf32> to vector<16xf32>
      %get3A_246 = arith.constant 1 : i32
      %get3A_247 = arith.index_cast %get3A_246 : i32 to index
      %get3A_248 = arith.index_cast %mul3A_170 : i32 to index
      %get3A_249 = tpu.vector_load %arg13[%get3A_247, %get3A_248] {strides = array<i32>} : memref<2x1024xf32, #tpu.memory_space<vmem>>, vector<1x16xf32>,
      %get3A_250 = vector.shape_cast %get3A_249 : vector<1x16xf32> to vector<16xf32>
      %get3A_251 = arith.constant 1 : i32
      %get3A_252 = arith.index_cast %get3A_251 : i32 to index
      %get3A_253 = arith.index_cast %mul3A_170 : i32 to index
      %get3A_254 = tpu.vector_load %arg14[%get3A_252, %get3A_253] {strides = array<i32>} : memref<2x1024xf32, #tpu.memory_space<vmem>>, vector<1x16xf32>,
      %get3A_255 = vector.shape_cast %get3A_254 : vector<1x16xf32> to vector<16xf32>
      %sub3A = arith.subf %get3A_192, %get3A_184 : vector<16xf32>
      %mul3A_256 = arith.mulf %sub3A, %get3A_245 : vector<16xf32>
      %add3A_257 = arith.addf %get3A_184, %mul3A_256 : vector<16xf32>
      %sub3A_258 = arith.subf %get3A_208, %get3A_200 : vector<16xf32>
      %mul3A_259 = arith.mulf %sub3A_258, %get3A_245 : vector<16xf32>
      %add3A_260 = arith.addf %get3A_200, %mul3A_259 : vector<16xf32>
      %sub3A_261 = arith.subf %get3A_224, %get3A_216 : vector<16xf32>
      %mul3A_262 = arith.mulf %sub3A_261, %get3A_245 : vector<16xf32>
      %add3A_263 = arith.addf %get3A_216, %mul3A_262 : vector<16xf32>
      %sub3A_264 = arith.subf %get3A_240, %get3A_232 : vector<16xf32>
      %mul3A_265 = arith.mulf %sub3A_264, %get3A_245 : vector<16xf32>
      %add3A_266 = arith.addf %get3A_232, %mul3A_265 : vector<16xf32>
      %sub3A_267 = arith.subf %add3A_260, %add3A_257 : vector<16xf32>
      %mul3A_268 = arith.mulf %sub3A_267, %get3A_250 : vector<16xf32>
      %add3A_269 = arith.addf %add3A_257, %mul3A_268 : vector<16xf32>
      %sub3A_270 = arith.subf %add3A_266, %add3A_263 : vector<16xf32>
      %mul3A_271 = arith.mulf %sub3A_270, %get3A_250 : vector<16xf32>
      %add3A_272 = arith.addf %add3A_263, %mul3A_271 : vector<16xf32>
      %sub3A_273 = arith.subf %add3A_272, %add3A_269 : vector<16xf32>
      %mul3A_274 = arith.mulf %sub3A_273, %get3A_255 : vector<16xf32>
      %add3A_275 = arith.addf %add3A_269, %mul3A_274 : vector<16xf32>
      %ge3A = arith.cmpf oge, %add3A_275, %broadcast_in_dim3A_32 : vector<16xf32>
      %select_n3A = arith.select %ge3A, %broadcast_in_dim3A_34, %broadcast_in_dim3A_36 : vector<16xi1>, vector<16xi32>
      %swap3A = arith.constant 1 : i32
      %swap3A_276 = arith.index_cast %swap3A : i32 to index
      %swap3A_277 = arith.index_cast %mul3A_170 : i32 to index
      %swap3A_278 = tpu.vector_load %arg17[%swap3A_276, %swap3A_277] {strides = array<i32>} : memref<2x1024xi32, #tpu.memory_space<vmem>>, vector<1x16xi32>,
      %swap3A_279 = vector.shape_cast %swap3A_278 : vector<1x16xi32> to vector<16xi32>
      %swap3A_280 = vector.shape_cast %select_n3A : vector<16xi32> to vector<1x16xi32>
      tpu.vector_store %arg17[%swap3A_276, %swap3A_277], %swap3A_280 {strides = array<i32>} : memref<2x1024xi32, #tpu.memory_space<vmem>>, vector<1x16xi32>,
      %scan3A_281 = arith.constant 0 : i32
      scf.yield %scan3A_281 : i32
    }
    %scan3A_100 = arith.constant 64 : i32
    %add3A_101 = arith.constant 64512 : i32
    %add3A_102 = arith.addi %mul3A_2, %add3A_101 : i32
    %dma_start3A_103 = arith.constant 1 : i32
    %dma_start3A_104 = arith.constant 0 : i32
    %dma_start3A_105 = tpu.memref_slice %arg17[%dma_start3A_103, %dma_start3A_104] : memref<2x1024xi32, #tpu.memory_space<vmem>> -> memref<1x1024xi32, #tpu.memory_space<vmem>>
    %dma_start3A_106 = tpu.memref_squeeze %dma_start3A_105 : memref<1x1024xi32, #tpu.memory_space<vmem>> -> memref<1024xi32, #tpu.memory_space<vmem>>
    %dma_start3A_107 = tpu.memref_slice %arg8[%add3A_102] : memref<2097152xi32, #tpu.memory_space<hbm>> -> memref<1024xi32, #tpu.memory_space<hbm>>
    %dma_start3A_108 = tpu.memref_slice %arg8[%add3A_102] : memref<2097152xi32, #tpu.memory_space<hbm>> -> memref<1024xi32, #tpu.memory_space<hbm>>
    %dma_start3A_109 = arith.constant 0 : i32
    %dma_start3A_110 = tpu.memref_slice %arg17[%dma_start3A_103, %dma_start3A_109] : memref<2x1024xi32, #tpu.memory_space<vmem>> -> memref<1x1024xi32, #tpu.memory_space<vmem>>
    %dma_start3A_111 = tpu.memref_squeeze %dma_start3A_110 : memref<1x1024xi32, #tpu.memory_space<vmem>> -> memref<1024xi32, #tpu.memory_space<vmem>>
    tpu.enqueue_dma source(%dma_start3A_111 : memref<1024xi32, #tpu.memory_space<vmem>>) target(%dma_start3A_108 : memref<1024xi32, #tpu.memory_space<hbm>>) target_semaphore(%arg23 : memref<!tpu.dma_semaphore, #tpu.memory_space<semaphore_mem>>)
    %dma_wait3A_112 = arith.constant 0 : i32
    %dma_wait3A_113 = arith.constant 0 : i32
    %dma_wait3A_114 = tpu.memref_slice %arg17[%dma_wait3A_112, %dma_wait3A_113] : memref<2x1024xi32, #tpu.memory_space<vmem>> -> memref<1x1024xi32, #tpu.memory_space<vmem>>
    %dma_wait3A_115 = tpu.memref_squeeze %dma_wait3A_114 : memref<1x1024xi32, #tpu.memory_space<vmem>> -> memref<1024xi32, #tpu.memory_space<vmem>>
    %dma_wait3A_116 = arith.constant 0 : i32
    %dma_wait3A_117 = tpu.memref_slice %arg8[%dma_wait3A_116] : memref<2097152xi32, #tpu.memory_space<hbm>> -> memref<1024xi32, #tpu.memory_space<hbm>>
    %dma_wait3A_118 = arith.constant 0 : i32
    %dma_wait3A_119 = tpu.memref_slice %arg17[%dma_wait3A_112, %dma_wait3A_118] : memref<2x1024xi32, #tpu.memory_space<vmem>> -> memref<1x1024xi32, #tpu.memory_space<vmem>>
    %dma_wait3A_120 = tpu.memref_squeeze %dma_wait3A_119 : memref<1x1024xi32, #tpu.memory_space<vmem>> -> memref<1024xi32, #tpu.memory_space<vmem>>
    %dma_wait3A_121 = arith.constant 0 : i32
    %dma_wait3A_122 = tpu.memref_slice %arg8[%dma_wait3A_121] : memref<2097152xi32, #tpu.memory_space<hbm>> -> memref<1024xi32, #tpu.memory_space<hbm>>
    tpu.wait_dma2 semaphore(%arg22 : memref<!tpu.dma_semaphore, #tpu.memory_space<semaphore_mem>>) src(%dma_wait3A_122 : memref<1024xi32, #tpu.memory_space<hbm>>) dst(%dma_wait3A_120 : memref<1024xi32, #tpu.memory_space<vmem>>)
    %dma_wait3A_123 = arith.constant 1 : i32
    %dma_wait3A_124 = arith.constant 0 : i32
    %dma_wait3A_125 = tpu.memref_slice %arg17[%dma_wait3A_123, %dma_wait3A_124] : memref<2x1024xi32, #tpu.memory_space<vmem>> -> memref<1x1024xi32, #tpu.memory_space<vmem>>
    %dma_wait3A_126 = tpu.memref_squeeze %dma_wait3A_125 : memref<1x1024xi32, #tpu.memory_space<vmem>> -> memref<1024xi32, #tpu.memory_space<vmem>>
    %dma_wait3A_127 = arith.constant 0 : i32
    %dma_wait3A_128 = tpu.memref_slice %arg8[%dma_wait3A_127] : memref<2097152xi32, #tpu.memory_space<hbm>> -> memref<1024xi32, #tpu.memory_space<hbm>>
    %dma_wait3A_129 = arith.constant 0 : i32
    %dma_wait3A_130 = tpu.memref_slice %arg17[%dma_wait3A_123, %dma_wait3A_129] : memref<2x1024xi32, #tpu.memory_space<vmem>> -> memref<1x1024xi32, #tpu.memory_space<vmem>>
    %dma_wait3A_131 = tpu.memref_squeeze %dma_wait3A_130 : memref<1x1024xi32, #tpu.memory_space<vmem>> -> memref<1024xi32, #tpu.memory_space<vmem>>
    %dma_wait3A_132 = arith.constant 0 : i32
    %dma_wait3A_133 = tpu.memref_slice %arg8[%dma_wait3A_132] : memref<2097152xi32, #tpu.memory_space<hbm>> -> memref<1024xi32, #tpu.memory_space<hbm>>
    tpu.wait_dma2 semaphore(%arg23 : memref<!tpu.dma_semaphore, #tpu.memory_space<semaphore_mem>>) src(%dma_wait3A_133 : memref<1024xi32, #tpu.memory_space<hbm>>) dst(%dma_wait3A_131 : memref<1024xi32, #tpu.memory_space<vmem>>)
    %dma_wait3A_134 = arith.constant 0 : i32
    %dma_wait3A_135 = arith.constant 0 : i32
    %dma_wait3A_136 = tpu.memref_slice %arg9[%dma_wait3A_134, %dma_wait3A_135] : memref<2x1024xf32, #tpu.memory_space<vmem>> -> memref<1x1024xf32, #tpu.memory_space<vmem>>
    %dma_wait3A_137 = tpu.memref_squeeze %dma_wait3A_136 : memref<1x1024xf32, #tpu.memory_space<vmem>> -> memref<1024xf32, #tpu.memory_space<vmem>>
    %dma_wait3A_138 = arith.constant 0 : i32
    %dma_wait3A_139 = tpu.memref_slice %arg2[%dma_wait3A_138] : memref<2097152xf32, #tpu.memory_space<hbm>> -> memref<1024xf32, #tpu.memory_space<hbm>>
    %dma_wait3A_140 = arith.constant 0 : i32
    %dma_wait3A_141 = tpu.memref_slice %arg9[%dma_wait3A_134, %dma_wait3A_140] : memref<2x1024xf32, #tpu.memory_space<vmem>> -> memref<1x1024xf32, #tpu.memory_space<vmem>>
    %dma_wait3A_142 = tpu.memref_squeeze %dma_wait3A_141 : memref<1x1024xf32, #tpu.memory_space<vmem>> -> memref<1024xf32, #tpu.memory_space<vmem>>
    %dma_wait3A_143 = arith.constant 0 : i32
    %dma_wait3A_144 = tpu.memref_slice %arg2[%dma_wait3A_143] : memref<2097152xf32, #tpu.memory_space<hbm>> -> memref<1024xf32, #tpu.memory_space<hbm>>
    tpu.wait_dma2 semaphore(%arg21 : memref<!tpu.dma_semaphore, #tpu.memory_space<semaphore_mem>>) src(%dma_wait3A_144 : memref<1024xf32, #tpu.memory_space<hbm>>) dst(%dma_wait3A_142 : memref<1024xf32, #tpu.memory_space<vmem>>)
    %dma_wait3A_145 = arith.constant 0 : i32
    %dma_wait3A_146 = arith.constant 0 : i32
    %dma_wait3A_147 = tpu.memref_slice %arg10[%dma_wait3A_145, %dma_wait3A_146] : memref<2x1024xf32, #tpu.memory_space<vmem>> -> memref<1x1024xf32, #tpu.memory_space<vmem>>
    %dma_wait3A_148 = tpu.memref_squeeze %dma_wait3A_147 : memref<1x1024xf32, #tpu.memory_space<vmem>> -> memref<1024xf32, #tpu.memory_space<vmem>>
    %dma_wait3A_149 = arith.constant 0 : i32
    %dma_wait3A_150 = tpu.memref_slice %arg2[%dma_wait3A_149] : memref<2097152xf32, #tpu.memory_space<hbm>> -> memref<1024xf32, #tpu.memory_space<hbm>>
    %dma_wait3A_151 = arith.constant 0 : i32
    %dma_wait3A_152 = tpu.memref_slice %arg10[%dma_wait3A_145, %dma_wait3A_151] : memref<2x1024xf32, #tpu.memory_space<vmem>> -> memref<1x1024xf32, #tpu.memory_space<vmem>>
    %dma_wait3A_153 = tpu.memref_squeeze %dma_wait3A_152 : memref<1x1024xf32, #tpu.memory_space<vmem>> -> memref<1024xf32, #tpu.memory_space<vmem>>
    %dma_wait3A_154 = arith.constant 0 : i32
    %dma_wait3A_155 = tpu.memref_slice %arg2[%dma_wait3A_154] : memref<2097152xf32, #tpu.memory_space<hbm>> -> memref<1024xf32, #tpu.memory_space<hbm>>
    tpu.wait_dma2 semaphore(%arg21 : memref<!tpu.dma_semaphore, #tpu.memory_space<semaphore_mem>>) src(%dma_wait3A_155 : memref<1024xf32, #tpu.memory_space<hbm>>) dst(%dma_wait3A_153 : memref<1024xf32, #tpu.memory_space<vmem>>)
    %dma_wait3A_156 = arith.constant 0 : i32
    %dma_wait3A_157 = arith.constant 0 : i32
    %dma_wait3A_158 = tpu.memref_slice %arg11[%dma_wait3A_156, %dma_wait3A_157] : memref<2x1024xf32, #tpu.memory_space<vmem>> -> memref<1x1024xf32, #tpu.memory_space<vmem>>
    %dma_wait3A_159 = tpu.memref_squeeze %dma_wait3A_158 : memref<1x1024xf32, #tpu.memory_space<vmem>> -> memref<1024xf32, #tpu.memory_space<vmem>>
    %dma_wait3A_160 = arith.constant 0 : i32
    %dma_wait3A_161 = tpu.memref_slice %arg2[%dma_wait3A_160] : memref<2097152xf32, #tpu.memory_space<hbm>> -> memref<1024xf32, #tpu.memory_space<hbm>>
    %dma_wait3A_162 = arith.constant 0 : i32
    %dma_wait3A_163 = tpu.memref_slice %arg11[%dma_wait3A_156, %dma_wait3A_162] : memref<2x1024xf32, #tpu.memory_space<vmem>> -> memref<1x1024xf32, #tpu.memory_space<vmem>>
    %dma_wait3A_164 = tpu.memref_squeeze %dma_wait3A_163 : memref<1x1024xf32, #tpu.memory_space<vmem>> -> memref<1024xf32, #tpu.memory_space<vmem>>
    %dma_wait3A_165 = arith.constant 0 : i32
    %dma_wait3A_166 = tpu.memref_slice %arg2[%dma_wait3A_165] : memref<2097152xf32, #tpu.memory_space<hbm>> -> memref<1024xf32, #tpu.memory_space<hbm>>
    tpu.wait_dma2 semaphore(%arg21 : memref<!tpu.dma_semaphore, #tpu.memory_space<semaphore_mem>>) src(%dma_wait3A_166 : memref<1024xf32, #tpu.memory_space<hbm>>) dst(%dma_wait3A_164 : memref<1024xf32, #tpu.memory_space<vmem>>)
    return
  }
}

</mosaic_0001>

<sc_bundles>
// kernel: kernel.3.cloned.1.call-start
scs
__scs_entry_jumppad:
0x0: {  	(pc) =	sbr.rel $0x88, $3  }
0x1: {  	(tag) =	ssettag $0x0;
	lr =	simm.s32 $0x1  }
0x2: {  	[smem:$0x3F9D] =	sst lr;
	_ =	strace $0xD0000000  }
0x3: {  	_ = 	snop  }
0x4: {  	_ = 	snop  }
0x5: {  	_ = 	snop  }
0x6: {  	_ = 	snop  }
0x7: {  	_ = 	snop  }
__scs_overlays_trampoline_lowered:
0x8: {  	[smem:$0x3FAC] =	sst s0  }
0x9: {  	[smem:$0x3FAD] =	sst s1  }
0xa: {  	[smem:$0x3FAE] =	sst s2  }
0xb: {  	[smem:$0x3FAF] =	sst s3  }
0xc: {  	[smem:$0x3FB0] =	sst s4  }
0xd: {  	[smem:$0x3FB1] =	sst s5  }
0xe: {  	[smem:$0x3FB2] =	sst s6  }
0xf: {  	[smem:$0x3FB3] =	sst s7  }
0x10: {  	[smem:$0x3FB4] =	sst s8  }
0x11: {  	[smem:$0x3FB5] =	sst s9;
	s0 =	simm.s32 @!p0 $0x0  }
0x12: {  	s1 =	sld [smem:$0x3F9B];
	s0 =	simm.s32 @p0 $0x1  }
0x13: {  	[smem:$0x3FB6] =	sst s0;
	s0 =	simm.s32 @!p1 $0x0  }
0x14: {  	s2 =	sld [smem:$0x3F9A];
	s0 =	simm.s32 @p1 $0x1  }
0x15: {  	[smem:$0x3FB7] =	sst s0;
	s0 =	simm.s32 @!p2 $0x0  }
0x16: {  	s3 =	sld [smem:$0x3FDB];
	s0 =	simm.s32 @p2 $0x1  }
0x17: {  	s4 =	simm.s32 $0x1BF5;
	[smem:$0x3FB9] =	sst s0  }
0x18: {  	s0 =	sld [smem:$0x3F9C];
	_ =	swait.ge [sflag:s4], $0x0  }
0x19: {  	s7 =	sld [smem:$0x3F9D]  }
0x1a: {  	s8 =	sadd.s32 $0xFFFFE003, lr  }
0x1b: {  	s9 =	sadd.s32 $0xFFFFFEF7, lr;
	s5 =	simm.s32 $0xFFFFFFFF;
	p2 =	slt.u32 s8, $0xFFFFF086  }
0x1c: {  	p1 =	slt.u32 s9, $0xF7A;
	s5 =	simm.s32 @!p2 $0x0  }
0x1d: {  	s5 =	simm.s32 @p1 $0x1;
	p0 =	seq.s32 s7, s2  }
0x1e: {  	s7 =	smul.u32 @!p0 $0xF7A, s2;
	p2 =	seq.s32 @!p0 s5, $0x0  }
0x1f: {  	s9 =	smul.u32 $0xF7A, s1;
	s8 =	simm.s32 @!p0 $0x1BF5;
	p2 =	por !p2, p0  }
0x20: {  	[sflag:s8] =	ssyncset.s32 @!p0 $0xFFFFF086;
	s6 =	sadd.s32 @!p0 s3, s7;
	s7 =	simm.s32 @!p0 $0x108  }
0x21: {  	s3 =	sadd.s32 s3, s9;
	s6 =	sadd.s32 @!p0 $0x88, s6;
	s7 =	simm.s32 @p2 $0x1082  }
0x22: {  	[simem:s7], [sflag:s8] =	dma.local @!p0 [hbm:s6], $0xF7A  }
0x23: {  	s9 =	sor.u32 $0xD0000000, s2;
	s6 =	simm.s32 $0x108;
	_ =	swait.ge @!p0 [sflag:s8], $0x0  }
0x24: {  	s3 =	sadd.s32 $0x88, s3;
	s6 =	simm.s32 @!p1 $0x1082;
	[sflag:s4] =	ssyncset.s32 $0xFFFFF086  }
0x25: {  	[simem:s6], [sflag:s4] =	dma.local [hbm:s3], $0xF7A  }
0x26: {  	[smem:$0x3F9D] =	sst s1;
	(tag) =	ssettag s2;
	_ =	strace s9  }
0x27: {  	s1 =	sld [smem:$0x3FAD]  }
0x28: {  	s2 =	sld [smem:$0x3FAE]  }
0x29: {  	s4 =	sld [smem:$0x3FB0]  }
0x2a: {  	p0 =	seq.s32 s5, $0x0;
	s5 =	sld [smem:$0x3FB1]  }
0x2b: {  	s6 =	sld [smem:$0x3FB2]  }
0x2c: {  	s7 =	sld [smem:$0x3FB3]  }
0x2d: {  	s3 =	simm.s32 $0x108;
	s8 =	sld [smem:$0x3FB4]  }
0x2e: {  	s3 =	simm.s32 @!p0 $0x1082;
	s9 =	sld [smem:$0x3FB5]  }
0x2f: {  	lr =	sadd.s32 s0, s3;
	s0 =	sld [smem:$0x3FAC]  }
0x30: {  	s3 =	sld [smem:$0x3FAF]  }
0x31: {  	[smem:$0x3FB8] =	sst s10  }
0x32: {  	s10 =	sld [smem:$0x3FB6];
	_ =	sdelay $0x3  }
0x33: {  	p0 =	seq.s32 s10, $0x1;
	s10 =	sld [smem:$0x3FB8];
	_ =	sdelay $0x3  }
0x34: {  	[smem:$0x3FB8] =	sst s10  }
0x35: {  	s10 =	sld [smem:$0x3FB7];
	_ =	sdelay $0x3  }
0x36: {  	p1 =	seq.s32 s10, $0x1;
	s10 =	sld [smem:$0x3FB8];
	_ =	sdelay $0x3  }
0x37: {  	[smem:$0x3FB8] =	sst s10  }
0x38: {  	s10 =	sld [smem:$0x3FB9]  }
0x39: {  	_ = 	snop;
	(pc) =	sbr.ind lr, $3  }
0x3a: {  	_ = 	snop  }
0x3b: {  	_ = 	snop  }
0x3c: {  	p2 =	seq.s32 s10, $0x1;
	s10 =	sld [smem:$0x3FB8]  }
0x3d: {  	_ =	shalt  }
0x3e: {  	_ =	shalt  }
0x3f: {  	_ =	shalt  }
0x40: {  	_ =	shalt  }
0x41: {  	_ =	shalt  }
0x42: {  	_ =	shalt  }
0x43: {  	_ =	shalt  }
0x44: {  	_ =	shalt  }
0x45: {  	_ =	shalt  }
0x46: {  	_ =	shalt  }
0x47: {  	_ =	shalt  }
0x48: {  	_ =	shalt  }
0x49: {  	_ =	shalt  }
0x4a: {  	_ =	shalt  }
0x4b: {  	_ =	shalt  }
0x4c: {  	_ =	shalt  }
0x4d: {  	_ =	shalt  }
0x4e: {  	_ =	shalt  }
0x4f: {  	_ =	shalt  }
0x50: {  	_ =	shalt  }
0x51: {  	_ =	shalt  }
0x52: {  	_ =	shalt  }
0x53: {  	_ =	shalt  }
0x54: {  	_ =	shalt  }
0x55: {  	_ =	shalt  }
0x56: {  	_ =	shalt  }
0x57: {  	_ =	shalt  }
0x58: {  	_ =	shalt  }
0x59: {  	_ =	shalt  }
0x5a: {  	_ =	shalt  }
0x5b: {  	_ =	shalt  }
0x5c: {  	_ =	shalt  }
0x5d: {  	_ =	shalt  }
0x5e: {  	_ =	shalt  }
0x5f: {  	_ =	shalt  }
0x60: {  	_ =	shalt  }
0x61: {  	_ =	shalt  }
0x62: {  	_ =	shalt  }
0x63: {  	_ =	shalt  }
0x64: {  	_ =	shalt  }
0x65: {  	_ =	shalt  }
0x66: {  	_ =	shalt  }
0x67: {  	_ =	shalt  }
0x68: {  	_ =	shalt  }
0x69: {  	_ =	shalt  }
0x6a: {  	_ =	shalt  }
0x6b: {  	_ =	shalt  }
0x6c: {  	_ =	shalt  }
0x6d: {  	_ =	shalt  }
0x6e: {  	_ =	shalt  }
0x6f: {  	_ =	shalt  }
0x70: {  	_ =	shalt  }
0x71: {  	_ =	shalt  }
0x72: {  	_ =	shalt  }
0x73: {  	_ =	shalt  }
0x74: {  	_ =	shalt  }
0x75: {  	_ =	shalt  }
0x76: {  	_ =	shalt  }
0x77: {  	_ =	shalt  }
0x78: {  	_ =	shalt  }
0x79: {  	_ =	shalt  }
0x7a: {  	_ =	shalt  }
0x7b: {  	_ =	shalt  }
0x7c: {  	_ =	shalt  }
0x7d: {  	_ =	shalt  }
0x7e: {  	_ =	shalt  }
0x7f: {  	_ =	shalt  }
0x80: {  	_ =	shalt  }
0x81: {  	_ =	shalt  }
0x82: {  	_ =	shalt  }
0x83: {  	_ =	shalt  }
0x84: {  	_ =	shalt  }
0x85: {  	_ =	shalt  }
0x86: {  	_ =	shalt  }
0x87: {  	_ =	shalt  }
.Lfunc_end0:
.L_simem_size_0:
called_computation.1_lowered:
.L_overlay_start_0:
0x88: {  	s2 =	sld [smem:$0x3FD9]  }
0x89: {  	s3 =	sld [smem:$0x3FFE];
	_ =	sdelay $0x1  }
0x8a: {  	s1 =	srdreg.scid  }
0x8b: {  	s0 =	sand.u32 $0x1, s1  }
0x8c: {  	s17 =	sshll.u32 s0, $0xA;
	s2 =	sadd.s32 s3, s2  }
0x8d: {  	s2 =	sadd.s32 s2, s17  }
0x8e: {  	[smem:$0x3FC4] =	sst s2  }
0x8f: {  	_ = 	snop  }
0x90: {  	s2 =	sld [smem:$0x3FD0];
	(tm) =	ssettm $0x1  }
0x91: {  	s18 =	sld [smem:$0x3FFB];
	_ =	sdelay $0x3  }
0x92: {  	_ =	strace s18  }
0x93: {  	s3 =	sld [smem:$0x3FFC];
	_ =	sdelay $0x3  }
0x94: {  	_ =	strace s3  }
0x95: {  	s3 =	sld [smem:$0x3FFD];
	_ =	sdelay $0x3  }
0x96: {  	_ =	strace s3  }
0x97: {  	_ =	strace $0x8FFFFFFF  }
0x98: {  	s19 =	sld [smem:$0x3FDB];
	_ =	sdelay $0x1  }
0x99: {  	s4 =	simm.s32 $_scs_section_size  }
0x9a: {  	s5 =	simm.s32 $_size__tile_overlayer_lowered;
	s6 =	simm.s32 $_tile_overlayer_lowered  }
0x9b: {  	s22 =	simm.s32 $0x1BFF;
	s21 =	sshll.u32 s6, $0x1;
	s3 =	sadd.s32 s4, s19  }
0x9c: {  	s7 =	simm.s32 $0x0;
	s20 =	sshll.u32 s5, $0x1;
	s5 =	sadd.s32 s21, s3  }
0x9d: {  	[timem:s7], [sflag:s22] =	dma.local [hbm:s5], s20  }
0x9e: {  	_ =	swait.ge [sflag:s22], s20  }
0x9f: {  	s4 =	ssub.s32 $0x0, s20;
	[sflag:s22] =	ssyncset.done $0x0  }
0xa0: {  	[sflag:s22] =	ssyncadd.s32 s4;
	_ =	sdelay $0x1  }
0xa1: {  	s23 =	simm.s32 $0x1B8B  }
0xa2: {  	_ =	swait.ge [sflag:s23], $0x1  }
0xa3: {  	[sflag:s23] =	ssyncset.done $0x0  }
0xa4: {  	s25 =	simm.s32 $0x1B8E;
	s24 =	sld [smem:$0x3FFE];
	[sflag:s23] =	ssyncadd.s32 $0xFFFFFFFF  }
0xa5: {  	s26 =	simm.s32 $execute0_lowered;
	[smem:$0x3FD2] =	sst s25  }
0xa6: {  	s5 =	sshll.u32 s26, $0x1;
	_ =	strace $0x80000049;
	[dreg:$0x1] =	wrdreg $0xFFFFFFFF  }
0xa7: {  	s28 =	simm.s32 $_size_execute0_lowered;
	s3 =	sadd.s32 s3, s5;
	[dreg:$0x0] =	wrdreg $0x0  }
0xa8: {  	s5 =	sshll.u32 s28, $0x1;
	[dreg:$0x2] =	wrdreg s3  }
0xa9: {  	[dreg:$0x3] =	wrdreg s5  }
0xaa: {  	[dreg:$0x4] =	wrdreg $0xC0  }
0xab: {  	_ =	task [dreg:s7], $0x5FFFF  }
0xac: {  	[dreg:$0x1] =	wrdreg $0xFFFFFFFF  }
0xad: {  	[dreg:$0x0] =	wrdreg $0x60  }
0xae: {  	[dreg:$0x2] =	wrdreg s24  }
0xaf: {  	[dreg:$0x3] =	wrdreg s2  }
0xb0: {  	[dreg:$0x4] =	wrdreg $0x9  }
0xb1: {  	_ =	task.clear_ibuf [dreg:s7], $0x5FFFF;
	_ =	strace $0x90000049  }
0xb2: {  	s29 =	simm.s32 $0x9;
	_ =	strace $0x8000004B  }
0xb3: {  	_ =	swait.ge [sflag:s29], $0x1  }
0xb4: {  	[sflag:s29] =	ssyncadd.s32 $0xFFFFFFFF  }
0xb5: {  	_ =	strace $0x9000004B  }
0xb6: {  	_ =	sfence  }
0xb7: {  	s30 =	sld [smem:$0x0];
	_ =	sdelay $0x2  }
0xb8: {  	s31 =	sshll.u32 s1, $0xD;
	s1 =	sshrl.u32 s1, $0x2  }
0xb9: {  	s3 =	sand.u32 $0x4000, s31;
	s1 =	sadd.s32 s1, s30  }
0xba: {  	s0 =	sor.u32 s3, s0;
	s1 =	sshll.u32 s1, $0x11  }
0xbb: {  	s0 =	sor.u32 s1, s0  }
0xbc: {  	s0 =	sadd.s32 $0x8F2B, s0  }
0xbd: {  	[sflag:s0] =	ssyncadd.remote.s32 $0x1  }
0xbe: {  	_ =	sfence.sel $0xFFFF  }
0xbf: {  	[dreg:$0x0] =	wrdreg $0xFFFFFFFF;
	(pc) =	sbr.abs _section_cstart, $3  }
0xc0: {  	[dreg:$0x1] =	wrdreg $0xFFFFFFFF  }
0xc1: {  	_ =	task.clear_ibuf [dreg:s7], $0x2FFFF;
	_ =	strace $0x9FFFFFFF  }
0xc2: {  	(tm) =	ssettm $0x7FFFFFFF  }
0xc3: {  	_ =	shalt  }
tec
execute0_lowered:
.L_overlay_start_1:
0x0: {  	(tag) =	ssettag $0x1  }
0x1: {  	s0 =	rddreg [dreg:$0x0];
	s2 =	simm.s32 $0x0  }
0x2: {  	s1 =	srdreg.scid;
	s3 =	stileid.u32;
	s11 =	simm.s32 $0x1400  }
0x3: {  	s12 =	simm.s32 $0x1500;
	s15 =	simm.s32 $0x1600;
	s20 =	simm.s32 $0x1700  }
0x4: {  	[smem:$0x7FF] =	sst s2;
	s4 =	sadd.s32 $0x281000, s0;
	s1 =	sand.u32 $0x1, s1  }
0x5: {  	s5 =	sadd.s32 $0x241000, s0;
	s3 =	sshll.u32 s3, $0x11;
	s8 =	sshll.u32 s1, $0x10  }
0x6: {  	s6 =	sadd.s32 $0x201000, s0;
	s7 =	sadd.s32 $0x1000, s0;
	s8 =	sor.u32 s8, s3  }
0x7: {  	s9 =	sadd.s32 $0x4C1000, s0;
	s1 =	ssub.s32 $0x2, s1;
	s3 =	sshrl.u32 s8, $0x3  }
0x8: {  	_ =	strace $0x8000004A;
	s22 =	sshrl.u32 s1, $0x1;
	s23 =	sadd.s32 s5, s3  }
0x9: {  	s0 =	ssub.s32 s1, s22;
	s24 =	sadd.s32 s6, s3;
	[dreg:$0x4] =	wrdreg s23  }
0xa: {  	s28 =	simm.s32 $0x2;
	s0 =	smax.u32 s0, $0x1;
	[dreg:$0x5] =	wrdreg s24  }
0xb: {  	s10 =	sadd.s32 s4, s3;
	s25 =	sadd.s32 s3, s9;
	[dreg:$0x7] =	wrdreg s0  }
0xc: {  	s13 =	sadd.s32 $0xFFFFFC00, s8;
	s1 =	sadd.s32 $0x1F80, s25;
	[dreg:$0x3] =	wrdreg s10  }
0xd: {  	s14 =	sor.u32 $0x800, s8;
	s26 =	sadd.s32 $0x10, s10;
	[dreg:$0x6] =	wrdreg s1  }
0xe: {  	s22 =	simm.s32 $0x3;
	s29 =	sadd.s32 $0x20, s10;
	[dreg:$0x8] =	wrdreg s26  }
0xf: {  	s30 =	sadd.s32 $0x30, s10;
	s31 =	sadd.s32 $0x40, s10;
	[dreg:$0x9] =	wrdreg s29  }
0x10: {  	s10 =	simm.s32 $0x1300;
	s24 =	simm.s32 $0x80;
	[dreg:$0xa] =	wrdreg s30  }
0x11: {  	v0 =	vimm.s32 $0x0;
	[dreg:$0xb] =	wrdreg s31;
	s26 =	simm.s32 $0x1;
	s1 =	simm.s32 $0x0  }
.LBB2_1:
0x12: {  	[dreg:$0xc] =	wrdreg s1  }
0x13: {  	s0 =	rddreg [dreg:$0x1];
	s25 =	simm.s32 $0xB800;
	s30 =	simm.s32 $0x6  }
0x14: {  	[tilespmem:s25], [sflag:$0x6] =	stream.linear.gather [hbm4b:s0+s2], $0x300, $0x38;
	[tilespmem:$0xBC00] =	vst v63  }
0x15: {  	_ =	swait.ge [sflag:s30], $0x300  }
0x16: {  	[sflag:s30] =	ssyncset.done $0x0  }
0x17: {  	[sflag:s30] =	ssyncadd.s32 $0xFFFFFD00  }
0x18: {  	v1 =	vld [tilespmem:$0xB800]  }
0x19: {  	v2 =	vld [tilespmem:$0xB880]  }
0x1a: {  	v3 =	vld [tilespmem:$0xB900]  }
0x1b: {  	v4 =	vld [tilespmem:$0xB980]  }
0x1c: {  	s1 =	rddreg [dreg:$0x3];
	v5 =	vld [tilespmem:$0xBA00]  }
0x1d: {  	v6 =	vld [tilespmem:$0xBA80];
	[tilespmem:s2], [sflag:$0x3] =	stream.linear.gather [hbm4b:s1+s2], $0x80, $0x38  }
0x1e: {  	s3 =	simm.s32 $0x100;
	s31 =	rddreg [dreg:$0x8]  }
0x1f: {  	[tilespmem:s3], [sflag:$0x3] =	stream.linear.gather [hbm4b:s31+s2], $0x80, $0x38;
	[tilespmem:$0xBC00] =	vst v63  }
0x20: {  	s16 =	simm.s32 $0x200;
	s3 =	rddreg [dreg:$0x9]  }
0x21: {  	[tilespmem:s16], [sflag:$0x3] =	stream.linear.gather [hbm4b:s3+s2], $0x80, $0x38;
	[tilespmem:$0xBC00] =	vst v63  }
0x22: {  	s18 =	simm.s32 $0x300;
	s17 =	rddreg [dreg:$0xa]  }
0x23: {  	[tilespmem:s18], [sflag:$0x3] =	stream.linear.gather [hbm4b:s17+s2], $0x80, $0x38;
	[tilespmem:$0xBC00] =	vst v63  }
0x24: {  	s21 =	simm.s32 $0x400;
	s19 =	rddreg [dreg:$0xb]  }
0x25: {  	[tilespmem:s21], [sflag:$0x3] =	stream.linear.gather [hbm4b:s19+s2], $0x80, $0x38;
	[tilespmem:$0xBC00] =	vst v63  }
0x26: {  	s25 =	simm.s32 $0x500;
	s23 =	sadd.s32 $0x50, s1  }
0x27: {  	[tilespmem:s25], [sflag:$0x3] =	stream.linear.gather [hbm4b:s23+s2], $0x80, $0x38;
	[tilespmem:$0xBC00] =	vst v63  }
0x28: {  	s30 =	sadd.s32 $0x60, s1;
	s31 =	simm.s32 $0x600  }
0x29: {  	[tilespmem:s31], [sflag:$0x3] =	stream.linear.gather [hbm4b:s30+s2], $0x80, $0x38;
	[tilespmem:$0xBC00] =	vst v63  }
0x2a: {  	s16 =	sadd.s32 $0x70, s1;
	s17 =	simm.s32 $0x700  }
0x2b: {  	[tilespmem:s17], [sflag:$0x3] =	stream.linear.gather [hbm4b:s16+s2], $0x80, $0x38;
	[tilespmem:$0xBC00] =	vst v63  }
0x2c: {  	s1 =	rddreg [dreg:$0x4];
	s18 =	simm.s32 $0x800  }
0x2d: {  	[tilespmem:s18], [sflag:$0x3] =	stream.linear.gather [hbm4b:s1+s2], $0x80, $0x38;
	[tilespmem:$0xBC00] =	vst v63  }
0x2e: {  	s19 =	sadd.s32 $0x10, s1;
	s21 =	simm.s32 $0x900  }
0x2f: {  	[tilespmem:s21], [sflag:$0x3] =	stream.linear.gather [hbm4b:s19+s2], $0x80, $0x38;
	[tilespmem:$0xBC00] =	vst v63  }
0x30: {  	s23 =	sadd.s32 $0x20, s1;
	s25 =	simm.s32 $0xA00  }
0x31: {  	[tilespmem:s25], [sflag:$0x3] =	stream.linear.gather [hbm4b:s23+s2], $0x80, $0x38;
	[tilespmem:$0xBC00] =	vst v63  }
0x32: {  	s30 =	sadd.s32 $0x30, s1;
	s31 =	simm.s32 $0xB00  }
0x33: {  	[tilespmem:s31], [sflag:$0x3] =	stream.linear.gather [hbm4b:s30+s2], $0x80, $0x38;
	[tilespmem:$0xBC00] =	vst v63  }
0x34: {  	s16 =	sadd.s32 $0x40, s1;
	s17 =	simm.s32 $0xC00  }
0x35: {  	[tilespmem:s17], [sflag:$0x3] =	stream.linear.gather [hbm4b:s16+s2], $0x80, $0x38;
	[tilespmem:$0xBC00] =	vst v63  }
0x36: {  	s18 =	sadd.s32 $0x50, s1;
	s19 =	simm.s32 $0xD00  }
0x37: {  	[tilespmem:s19], [sflag:$0x3] =	stream.linear.gather [hbm4b:s18+s2], $0x80, $0x38;
	[tilespmem:$0xBC00] =	vst v63  }
0x38: {  	s21 =	sadd.s32 $0x60, s1;
	s23 =	simm.s32 $0xE00  }
0x39: {  	[tilespmem:s23], [sflag:$0x3] =	stream.linear.gather [hbm4b:s21+s2], $0x80, $0x38;
	[tilespmem:$0xBC00] =	vst v63  }
0x3a: {  	s25 =	sadd.s32 $0x70, s1;
	s30 =	simm.s32 $0xF00  }
0x3b: {  	[tilespmem:s30], [sflag:$0x3] =	stream.linear.gather [hbm4b:s25+s2], $0x80, $0x38;
	[tilespmem:$0xBC00] =	vst v63  }
0x3c: {  	s3 =	simm.s32 $0x1000;
	s31 =	rddreg [dreg:$0x5]  }
0x3d: {  	[tilespmem:s3], [sflag:$0x3] =	stream.linear.gather [hbm4b:s31+s2], $0x80, $0x38;
	[tilespmem:$0xBC00] =	vst v63  }
0x3e: {  	s16 =	sadd.s32 $0x10, s31;
	s17 =	simm.s32 $0x1100  }
0x3f: {  	[tilespmem:s17], [sflag:$0x3] =	stream.linear.gather [hbm4b:s16+s2], $0x80, $0x38;
	[tilespmem:$0xBC00] =	vst v63  }
0x40: {  	s18 =	sadd.s32 $0x20, s31;
	s19 =	simm.s32 $0x1200  }
0x41: {  	[tilespmem:s19], [sflag:$0x3] =	stream.linear.gather [hbm4b:s18+s2], $0x80, $0x38;
	[tilespmem:$0xBC00] =	vst v63  }
0x42: {  	s21 =	sadd.s32 $0x30, s31  }
0x43: {  	[tilespmem:s10], [sflag:$0x3] =	stream.linear.gather [hbm4b:s21+s2], $0x80, $0x38;
	[tilespmem:$0xBC00] =	vst v63  }
0x44: {  	s23 =	sadd.s32 $0x40, s31  }
0x45: {  	[tilespmem:s11], [sflag:$0x3] =	stream.linear.gather [hbm4b:s23+s2], $0x80, $0x38;
	[tilespmem:$0xBC00] =	vst v63  }
0x46: {  	s25 =	sadd.s32 $0x50, s31  }
0x47: {  	[tilespmem:s12], [sflag:$0x3] =	stream.linear.gather [hbm4b:s25+s2], $0x80, $0x38;
	[tilespmem:$0xBC00] =	vst v63  }
0x48: {  	s30 =	sadd.s32 $0x60, s31  }
0x49: {  	[tilespmem:s15], [sflag:$0x3] =	stream.linear.gather [hbm4b:s30+s2], $0x80, $0x38;
	[tilespmem:$0xBC00] =	vst v63  }
0x4a: {  	s29 =	simm.s32 $0x0;
	s31 =	sadd.s32 $0x70, s31  }
0x4b: {  	[tilespmem:s20], [sflag:$0x3] =	stream.linear.gather [hbm4b:s31+s2], $0x80, $0x38;
	[tilespmem:$0xBC00] =	vst v63  }
.LBB2_2:
0x4c: {  	_ =	swait.ge [sflag:s22], $0x400  }
0x4d: {  	[sflag:s22] =	ssyncset.done $0x0  }
0x4e: {  	[sflag:s22] =	ssyncadd.s32 $0xFFFFFC00  }
0x4f: {  	_ =	swait.ge [sflag:s22], $0x400  }
0x50: {  	s31 =	sshll.u32 s29, $0xB;
	[sflag:s22] =	ssyncset.done $0x0  }
0x51: {  	s0 =	sor.u32 s31, s8;
	[sflag:s22] =	ssyncadd.s32 $0xFFFFFC00  }
0x52: {  	s30 =	sshrl.u32 s0, $0x3;
	_ =	swait.ge [sflag:s22], $0x400  }
0x53: {  	s1 =	sor.u32 $0x80, s30;
	[sflag:s22] =	ssyncset.done $0x0  }
0x54: {  	s0 =	simm.s32 $0x0;
	s3 =	sadd.s32 s4, s1;
	[sflag:s22] =	ssyncadd.s32 $0xFFFFFC00  }
0x55: {  	[tilespmem:s24], [sflag:$0x3] =	stream.linear.gather [hbm4b:s3+s0], $0x80, $0x38;
	[tilespmem:$0xBC00] =	vst v63  }
0x56: {  	s17 =	simm.s32 $0x180;
	s16 =	sadd.s32 $0x10, s3  }
0x57: {  	[tilespmem:s17], [sflag:$0x3] =	stream.linear.gather [hbm4b:s16+s0], $0x80, $0x38;
	[tilespmem:$0xBC00] =	vst v63  }
0x58: {  	s25 =	simm.s32 $0x280;
	s23 =	sadd.s32 $0x20, s3  }
0x59: {  	[tilespmem:s25], [sflag:$0x3] =	stream.linear.gather [hbm4b:s23+s0], $0x80, $0x38;
	[tilespmem:$0xBC00] =	vst v63  }
0x5a: {  	s18 =	simm.s32 $0x380;
	s17 =	sadd.s32 $0x30, s3  }
0x5b: {  	[tilespmem:s18], [sflag:$0x3] =	stream.linear.gather [hbm4b:s17+s0], $0x80, $0x38;
	[tilespmem:$0xBC00] =	vst v63  }
0x5c: {  	s21 =	simm.s32 $0x480;
	s19 =	sadd.s32 $0x40, s3  }
0x5d: {  	[tilespmem:s21], [sflag:$0x3] =	stream.linear.gather [hbm4b:s19+s0], $0x80, $0x38;
	[tilespmem:$0xBC00] =	vst v63  }
0x5e: {  	s23 =	sadd.s32 $0x50, s3;
	s25 =	simm.s32 $0x580  }
0x5f: {  	[tilespmem:s25], [sflag:$0x3] =	stream.linear.gather [hbm4b:s23+s0], $0x80, $0x38;
	[tilespmem:$0xBC00] =	vst v63  }
0x60: {  	s17 =	sadd.s32 $0x60, s3;
	s18 =	simm.s32 $0x680  }
0x61: {  	[tilespmem:s18], [sflag:$0x3] =	stream.linear.gather [hbm4b:s17+s0], $0x80, $0x38;
	[tilespmem:$0xBC00] =	vst v63  }
0x62: {  	s3 =	sadd.s32 $0x70, s3;
	s19 =	simm.s32 $0x780  }
0x63: {  	[tilespmem:s19], [sflag:$0x3] =	stream.linear.gather [hbm4b:s3+s0], $0x80, $0x38;
	[tilespmem:$0xBC00] =	vst v63  }
0x64: {  	s21 =	simm.s32 $0x880;
	s3 =	sadd.s32 s5, s1  }
0x65: {  	[tilespmem:s21], [sflag:$0x3] =	stream.linear.gather [hbm4b:s3+s0], $0x80, $0x38;
	[tilespmem:$0xBC00] =	vst v63  }
0x66: {  	s25 =	simm.s32 $0x980;
	s23 =	sadd.s32 $0x10, s3  }
0x67: {  	[tilespmem:s25], [sflag:$0x3] =	stream.linear.gather [hbm4b:s23+s0], $0x80, $0x38;
	[tilespmem:$0xBC00] =	vst v63  }
0x68: {  	s18 =	simm.s32 $0xA80;
	s17 =	sadd.s32 $0x20, s3  }
0x69: {  	[tilespmem:s18], [sflag:$0x3] =	stream.linear.gather [hbm4b:s17+s0], $0x80, $0x38;
	[tilespmem:$0xBC00] =	vst v63  }
0x6a: {  	s19 =	sadd.s32 $0x30, s3;
	s21 =	simm.s32 $0xB80  }
0x6b: {  	[tilespmem:s21], [sflag:$0x3] =	stream.linear.gather [hbm4b:s19+s0], $0x80, $0x38;
	[tilespmem:$0xBC00] =	vst v63  }
0x6c: {  	s23 =	sadd.s32 $0x40, s3;
	s25 =	simm.s32 $0xC80  }
0x6d: {  	[tilespmem:s25], [sflag:$0x3] =	stream.linear.gather [hbm4b:s23+s0], $0x80, $0x38;
	[tilespmem:$0xBC00] =	vst v63  }
0x6e: {  	s18 =	sadd.s32 $0x50, s3;
	s19 =	simm.s32 $0xD80  }
0x6f: {  	[tilespmem:s19], [sflag:$0x3] =	stream.linear.gather [hbm4b:s18+s0], $0x80, $0x38;
	[tilespmem:$0xBC00] =	vst v63  }
0x70: {  	s21 =	sadd.s32 $0x60, s3;
	s23 =	simm.s32 $0xE80  }
0x71: {  	[tilespmem:s23], [sflag:$0x3] =	stream.linear.gather [hbm4b:s21+s0], $0x80, $0x38;
	[tilespmem:$0xBC00] =	vst v63  }
0x72: {  	s3 =	sadd.s32 $0x70, s3;
	s25 =	simm.s32 $0xF80  }
0x73: {  	[tilespmem:s25], [sflag:$0x3] =	stream.linear.gather [hbm4b:s3+s0], $0x80, $0x38;
	[tilespmem:$0xBC00] =	vst v63  }
0x74: {  	s16 =	simm.s32 $0x1080;
	s1 =	sadd.s32 s6, s1  }
0x75: {  	[tilespmem:s16], [sflag:$0x3] =	stream.linear.gather [hbm4b:s1+s0], $0x80, $0x38;
	[tilespmem:$0xBC00] =	vst v63  }
0x76: {  	s17 =	sadd.s32 $0x10, s1;
	s18 =	simm.s32 $0x1180  }
0x77: {  	[tilespmem:s18], [sflag:$0x3] =	stream.linear.gather [hbm4b:s17+s0], $0x80, $0x38;
	[tilespmem:$0xBC00] =	vst v63  }
0x78: {  	s19 =	sadd.s32 $0x20, s1;
	s21 =	simm.s32 $0x1280  }
0x79: {  	[tilespmem:s21], [sflag:$0x3] =	stream.linear.gather [hbm4b:s19+s0], $0x80, $0x38;
	[tilespmem:$0xBC00] =	vst v63  }
0x7a: {  	s23 =	sadd.s32 $0x30, s1;
	s25 =	simm.s32 $0x1380  }
0x7b: {  	[tilespmem:s25], [sflag:$0x3] =	stream.linear.gather [hbm4b:s23+s0], $0x80, $0x38;
	[tilespmem:$0xBC00] =	vst v63  }
0x7c: {  	s16 =	sadd.s32 $0x40, s1;
	s17 =	simm.s32 $0x1480  }
0x7d: {  	[tilespmem:s17], [sflag:$0x3] =	stream.linear.gather [hbm4b:s16+s0], $0x80, $0x38;
	[tilespmem:$0xBC00] =	vst v63  }
0x7e: {  	s3 =	simm.s32 $0x2840;
	s18 =	sadd.s32 $0x50, s1;
	s19 =	simm.s32 $0x1580  }
0x7f: {  	[tilespmem:s19], [sflag:$0x3] =	stream.linear.gather [hbm4b:s18+s0], $0x80, $0x38;
	[tilespmem:$0xBC00] =	vst v63  }
0x80: {  	s21 =	sadd.s32 $0x60, s1;
	s1 =	sadd.s32 $0x70, s1;
	s23 =	simm.s32 $0x1680  }
0x81: {  	[tilespmem:s23], [sflag:$0x3] =	stream.linear.gather [hbm4b:s21+s0], $0x80, $0x38;
	[tilespmem:$0xBC00] =	vst v63  }
0x82: {  	s25 =	simm.s32 $0x1780;
	s17 =	simm.s32 $0x1840;
	s16 =	simm.s32 $0x1040  }
0x83: {  	[tilespmem:s25], [sflag:$0x3] =	stream.linear.gather [hbm4b:s1+s0], $0x80, $0x38;
	[tilespmem:$0xBC00] =	vst v63  }
0x84: {  	s19 =	simm.s32 $0x840;
	s21 =	simm.s32 $0x40;
	s1 =	simm.s32 $0x2040  }
.LBB2_3:
0x85: {  	v7 =	vld [tilespmem:s16+$0xFFFFFFC0]  }
0x86: {  	v8 =	vld [tilespmem:s19+$0xFFFFFFC0]  }
0x87: {  	v9 =	vld [tilespmem:s21+$0xFFFFFFC0];
	_ =	sdelay $0x2  }
0x88: {  	v7 =	vmul.f32 v7, v1  }
0x89: {  	v8 =	vmul.f32 v8, v2  }
0x8a: {  	v9 =	vmul.f32 v9, v3;
	v7 =	vadd.f32 v7, v4  }
0x8b: {  	v8 =	vadd.f32 v8, v5  }
0x8c: {  	v9 =	vadd.f32 v9, v6;
	v10 =	vtrunc.f32 v7  }
0x8d: {  	v11 =	vtrunc.f32 v8;
	v10 =	vcvt.f32.s32 v10  }
0x8e: {  	v12 =	vtrunc.f32 v9;
	v11 =	vcvt.f32.s32 v11  }
0x8f: {  	v12 =	vcvt.f32.s32 v12;
	vm0 =	vgt.s32 v10, $0x0  }
0x90: {  	vm5 =	vgt.s32 v11, $0x0;
	v10 =	vnsel vm0, $0x0, v10  }
0x91: {  	vm6 =	vgt.s32 v12, $0x0;
	v11 =	vnsel vm5, $0x0, v11;
	v10 =	vmin.u32 v10, $0xFE  }
0x92: {  	v12 =	vnsel vm6, $0x0, v12;
	v11 =	vmin.u32 v11, $0xFE;
	v13 =	vcvt.s32.f32 v10  }
0x93: {  	v12 =	vmin.u32 v12, $0xFE;
	v14 =	vcvt.s32.f32 v11  }
0x94: {  	v55 =	vcvt.s32.f32 v12;
	v7 =	vsub.f32 v7, v13  }
0x95: {  	v8 =	vsub.f32 v8, v14  }
0x96: {  	v56 =	vshll.u32 v12, $0x10;
	v11 =	vshll.u32 v11, $0x8;
	[tilespmem:s17+$0xFFFFFFC0] =	vst v7;
	v7 =	vsub.f32 v9, v55  }
0x97: {  	[tilespmem:s1+$0xFFFFFFC0] =	vst v8;
	v8 =	vor.u32 v56, v11  }
0x98: {  	s23 =	sshra.s32 s0, $0x2;
	[tilespmem:s3+$0xFFFFFFC0] =	vst v7;
	v7 =	vor.u32 v10, v8  }
0x99: {  	[tilespmem:s23+$0x3000] =	vst v7;
	v8 =	vadd.s32 $0x1, v7  }
0x9a: {  	[tilespmem:s23+$0x3080] =	vst v8;
	v8 =	vadd.s32 $0x100, v7  }
0x9b: {  	[tilespmem:s23+$0x3100] =	vst v8;
	v8 =	vadd.s32 $0x101, v7  }
0x9c: {  	[tilespmem:s23+$0x3180] =	vst v8;
	v8 =	vadd.s32 $0x10000, v7  }
0x9d: {  	[tilespmem:s23+$0x3200] =	vst v8;
	v8 =	vadd.s32 $0x10001, v7  }
0x9e: {  	[tilespmem:s23+$0x3280] =	vst v8;
	v8 =	vadd.s32 $0x10100, v7  }
0x9f: {  	v7 =	vadd.s32 $0x10101, v7;
	[tilespmem:s23+$0x3300] =	vst v8  }
0xa0: {  	[tilespmem:s23+$0x3380] =	vst v7  }
0xa1: {  	v7 =	vld [tilespmem:s16+$0xFFFFFFD0]  }
0xa2: {  	v8 =	vld [tilespmem:s19+$0xFFFFFFD0]  }
0xa3: {  	v57 =	vld [tilespmem:s21+$0xFFFFFFD0];
	_ =	sdelay $0x2  }
0xa4: {  	v7 =	vmul.f32 v7, v1  }
0xa5: {  	v8 =	vmul.f32 v8, v2  }
0xa6: {  	v9 =	vmul.f32 v57, v3;
	v7 =	vadd.f32 v7, v4  }
0xa7: {  	v8 =	vadd.f32 v8, v5  }
0xa8: {  	v9 =	vadd.f32 v9, v6;
	v58 =	vtrunc.f32 v7  }
0xa9: {  	v59 =	vtrunc.f32 v8;
	v10 =	vcvt.f32.s32 v58  }
0xaa: {  	v60 =	vtrunc.f32 v9;
	v11 =	vcvt.f32.s32 v59  }
0xab: {  	v12 =	vcvt.f32.s32 v60;
	vm7 =	vgt.s32 v10, $0x0  }
0xac: {  	vm8 =	vgt.s32 v11, $0x0;
	v10 =	vnsel vm7, $0x0, v10  }
0xad: {  	vm9 =	vgt.s32 v12, $0x0;
	v11 =	vnsel vm8, $0x0, v11;
	v10 =	vmin.u32 v10, $0xFE  }
0xae: {  	v12 =	vnsel vm9, $0x0, v12;
	v11 =	vmin.u32 v11, $0xFE;
	v61 =	vcvt.s32.f32 v10  }
0xaf: {  	v12 =	vmin.u32 v12, $0xFE;
	v62 =	vcvt.s32.f32 v11  }
0xb0: {  	v63 =	vcvt.s32.f32 v12;
	v7 =	vsub.f32 v7, v61  }
0xb1: {  	v8 =	vsub.f32 v8, v62  }
0xb2: {  	v15 =	vshll.u32 v12, $0x10;
	v11 =	vshll.u32 v11, $0x8;
	[tilespmem:s17+$0xFFFFFFD0] =	vst v7;
	v7 =	vsub.f32 v9, v63  }
0xb3: {  	[tilespmem:s1+$0xFFFFFFD0] =	vst v8;
	v8 =	vor.u32 v15, v11  }
0xb4: {  	[tilespmem:s3+$0xFFFFFFD0] =	vst v7;
	v7 =	vor.u32 v10, v8  }
0xb5: {  	[tilespmem:s23+$0x3010] =	vst v7;
	v8 =	vadd.s32 $0x1, v7  }
0xb6: {  	[tilespmem:s23+$0x3090] =	vst v8;
	v8 =	vadd.s32 $0x100, v7  }
0xb7: {  	[tilespmem:s23+$0x3110] =	vst v8;
	v8 =	vadd.s32 $0x101, v7  }
0xb8: {  	[tilespmem:s23+$0x3190] =	vst v8;
	v8 =	vadd.s32 $0x10000, v7  }
0xb9: {  	[tilespmem:s23+$0x3210] =	vst v8;
	v8 =	vadd.s32 $0x10001, v7  }
0xba: {  	[tilespmem:s23+$0x3290] =	vst v8;
	v8 =	vadd.s32 $0x10100, v7  }
0xbb: {  	v7 =	vadd.s32 $0x10101, v7;
	[tilespmem:s23+$0x3310] =	vst v8  }
0xbc: {  	[tilespmem:s23+$0x3390] =	vst v7  }
0xbd: {  	v7 =	vld [tilespmem:s16+$0xFFFFFFE0]  }
0xbe: {  	v8 =	vld [tilespmem:s19+$0xFFFFFFE0]  }
0xbf: {  	v16 =	vld [tilespmem:s21+$0xFFFFFFE0];
	_ =	sdelay $0x2  }
0xc0: {  	v7 =	vmul.f32 v7, v1  }
0xc1: {  	v8 =	vmul.f32 v8, v2  }
0xc2: {  	v9 =	vmul.f32 v16, v3;
	v7 =	vadd.f32 v7, v4  }
0xc3: {  	v8 =	vadd.f32 v8, v5  }
0xc4: {  	v9 =	vadd.f32 v9, v6;
	v17 =	vtrunc.f32 v7  }
0xc5: {  	v18 =	vtrunc.f32 v8;
	v10 =	vcvt.f32.s32 v17  }
0xc6: {  	v19 =	vtrunc.f32 v9;
	v11 =	vcvt.f32.s32 v18  }
0xc7: {  	v12 =	vcvt.f32.s32 v19;
	vm10 =	vgt.s32 v10, $0x0  }
0xc8: {  	vm11 =	vgt.s32 v11, $0x0;
	v10 =	vnsel vm10, $0x0, v10  }
0xc9: {  	vm12 =	vgt.s32 v12, $0x0;
	v11 =	vnsel vm11, $0x0, v11;
	v10 =	vmin.u32 v10, $0xFE  }
0xca: {  	v12 =	vnsel vm12, $0x0, v12;
	v11 =	vmin.u32 v11, $0xFE;
	v20 =	vcvt.s32.f32 v10  }
0xcb: {  	v12 =	vmin.u32 v12, $0xFE;
	v21 =	vcvt.s32.f32 v11  }
0xcc: {  	v22 =	vcvt.s32.f32 v12;
	v7 =	vsub.f32 v7, v20  }
0xcd: {  	v8 =	vsub.f32 v8, v21  }
0xce: {  	v23 =	vshll.u32 v12, $0x10;
	v11 =	vshll.u32 v11, $0x8;
	[tilespmem:s17+$0xFFFFFFE0] =	vst v7;
	v7 =	vsub.f32 v9, v22  }
0xcf: {  	[tilespmem:s1+$0xFFFFFFE0] =	vst v8;
	v8 =	vor.u32 v23, v11  }
0xd0: {  	[tilespmem:s3+$0xFFFFFFE0] =	vst v7;
	v7 =	vor.u32 v10, v8  }
0xd1: {  	[tilespmem:s23+$0x3020] =	vst v7;
	v8 =	vadd.s32 $0x1, v7  }
0xd2: {  	[tilespmem:s23+$0x30A0] =	vst v8;
	v8 =	vadd.s32 $0x100, v7  }
0xd3: {  	[tilespmem:s23+$0x3120] =	vst v8;
	v8 =	vadd.s32 $0x101, v7  }
0xd4: {  	[tilespmem:s23+$0x31A0] =	vst v8;
	v8 =	vadd.s32 $0x10000, v7  }
0xd5: {  	[tilespmem:s23+$0x3220] =	vst v8;
	v8 =	vadd.s32 $0x10001, v7  }
0xd6: {  	[tilespmem:s23+$0x32A0] =	vst v8;
	v8 =	vadd.s32 $0x10100, v7  }
0xd7: {  	v7 =	vadd.s32 $0x10101, v7;
	[tilespmem:s23+$0x3320] =	vst v8  }
0xd8: {  	[tilespmem:s23+$0x33A0] =	vst v7  }
0xd9: {  	v7 =	vld [tilespmem:s16+$0xFFFFFFF0]  }
0xda: {  	v8 =	vld [tilespmem:s19+$0xFFFFFFF0]  }
0xdb: {  	v24 =	vld [tilespmem:s21+$0xFFFFFFF0];
	_ =	sdelay $0x2  }
0xdc: {  	v7 =	vmul.f32 v7, v1  }
0xdd: {  	v8 =	vmul.f32 v8, v2  }
0xde: {  	v9 =	vmul.f32 v24, v3;
	v7 =	vadd.f32 v7, v4  }
0xdf: {  	v8 =	vadd.f32 v8, v5  }
0xe0: {  	v9 =	vadd.f32 v9, v6;
	v25 =	vtrunc.f32 v7  }
0xe1: {  	v26 =	vtrunc.f32 v8;
	v10 =	vcvt.f32.s32 v25  }
0xe2: {  	v27 =	vtrunc.f32 v9;
	v11 =	vcvt.f32.s32 v26  }
0xe3: {  	v12 =	vcvt.f32.s32 v27;
	vm13 =	vgt.s32 v10, $0x0  }
0xe4: {  	vm14 =	vgt.s32 v11, $0x0;
	v10 =	vnsel vm13, $0x0, v10  }
0xe5: {  	vm15 =	vgt.s32 v12, $0x0;
	v11 =	vnsel vm14, $0x0, v11;
	v10 =	vmin.u32 v10, $0xFE  }
0xe6: {  	v12 =	vnsel vm15, $0x0, v12;
	v11 =	vmin.u32 v11, $0xFE;
	v28 =	vcvt.s32.f32 v10  }
0xe7: {  	v12 =	vmin.u32 v12, $0xFE;
	v29 =	vcvt.s32.f32 v11  }
0xe8: {  	v30 =	vcvt.s32.f32 v12;
	v7 =	vsub.f32 v7, v28  }
0xe9: {  	v8 =	vsub.f32 v8, v29  }
0xea: {  	v31 =	vshll.u32 v12, $0x10;
	v11 =	vshll.u32 v11, $0x8;
	[tilespmem:s17+$0xFFFFFFF0] =	vst v7;
	v7 =	vsub.f32 v9, v30  }
0xeb: {  	[tilespmem:s1+$0xFFFFFFF0] =	vst v8;
	v8 =	vor.u32 v31, v11  }
0xec: {  	[tilespmem:s3+$0xFFFFFFF0] =	vst v7;
	v7 =	vor.u32 v10, v8  }
0xed: {  	[tilespmem:s23+$0x3030] =	vst v7;
	v8 =	vadd.s32 $0x1, v7  }
0xee: {  	[tilespmem:s23+$0x30B0] =	vst v8;
	v8 =	vadd.s32 $0x100, v7  }
0xef: {  	[tilespmem:s23+$0x3130] =	vst v8;
	v8 =	vadd.s32 $0x101, v7  }
0xf0: {  	[tilespmem:s23+$0x31B0] =	vst v8;
	v8 =	vadd.s32 $0x10000, v7  }
0xf1: {  	[tilespmem:s23+$0x3230] =	vst v8;
	v8 =	vadd.s32 $0x10001, v7  }
0xf2: {  	[tilespmem:s23+$0x32B0] =	vst v8;
	v8 =	vadd.s32 $0x10100, v7  }
0xf3: {  	v7 =	vadd.s32 $0x10101, v7;
	[tilespmem:s23+$0x3330] =	vst v8  }
0xf4: {  	[tilespmem:s23+$0x33B0] =	vst v7  }
0xf5: {  	v7 =	vld [tilespmem:s16+$0x0]  }
0xf6: {  	v8 =	vld [tilespmem:s19+$0x0]  }
0xf7: {  	v32 =	vld [tilespmem:s21+$0x0];
	_ =	sdelay $0x2  }
0xf8: {  	v7 =	vmul.f32 v7, v1  }
0xf9: {  	v8 =	vmul.f32 v8, v2  }
0xfa: {  	v9 =	vmul.f32 v32, v3;
	v7 =	vadd.f32 v7, v4  }
0xfb: {  	v8 =	vadd.f32 v8, v5  }
0xfc: {  	v9 =	vadd.f32 v9, v6;
	v33 =	vtrunc.f32 v7  }
0xfd: {  	v34 =	vtrunc.f32 v8;
	v10 =	vcvt.f32.s32 v33  }
0xfe: {  	v35 =	vtrunc.f32 v9;
	v11 =	vcvt.f32.s32 v34  }
0xff: {  	v12 =	vcvt.f32.s32 v35;
	vm4 =	vgt.s32 v10, $0x0  }
0x100: {  	vm5 =	vgt.s32 v11, $0x0;
	v10 =	vnsel vm4, $0x0, v10  }
0x101: {  	vm6 =	vgt.s32 v12, $0x0;
	v11 =	vnsel vm5, $0x0, v11;
	v10 =	vmin.u32 v10, $0xFE  }
0x102: {  	v12 =	vnsel vm6, $0x0, v12;
	v11 =	vmin.u32 v11, $0xFE;
	v36 =	vcvt.s32.f32 v10  }
0x103: {  	v12 =	vmin.u32 v12, $0xFE;
	v37 =	vcvt.s32.f32 v11  }
0x104: {  	v38 =	vcvt.s32.f32 v12;
	v7 =	vsub.f32 v7, v36  }
0x105: {  	v8 =	vsub.f32 v8, v37  }
0x106: {  	v39 =	vshll.u32 v12, $0x10;
	v11 =	vshll.u32 v11, $0x8;
	[tilespmem:s17+$0x0] =	vst v7;
	v7 =	vsub.f32 v9, v38  }
0x107: {  	[tilespmem:s1+$0x0] =	vst v8;
	v8 =	vor.u32 v39, v11  }
0x108: {  	[tilespmem:s3+$0x0] =	vst v7;
	v7 =	vor.u32 v10, v8  }
0x109: {  	[tilespmem:s23+$0x3040] =	vst v7;
	v8 =	vadd.s32 $0x1, v7  }
0x10a: {  	[tilespmem:s23+$0x30C0] =	vst v8;
	v8 =	vadd.s32 $0x100, v7  }
0x10b: {  	[tilespmem:s23+$0x3140] =	vst v8;
	v8 =	vadd.s32 $0x101, v7  }
0x10c: {  	[tilespmem:s23+$0x31C0] =	vst v8;
	v8 =	vadd.s32 $0x10000, v7  }
0x10d: {  	[tilespmem:s23+$0x3240] =	vst v8;
	v8 =	vadd.s32 $0x10001, v7  }
0x10e: {  	[tilespmem:s23+$0x32C0] =	vst v8;
	v8 =	vadd.s32 $0x10100, v7  }
0x10f: {  	v7 =	vadd.s32 $0x10101, v7;
	[tilespmem:s23+$0x3340] =	vst v8  }
0x110: {  	[tilespmem:s23+$0x33C0] =	vst v7  }
0x111: {  	v7 =	vld [tilespmem:s16+$0x10]  }
0x112: {  	v8 =	vld [tilespmem:s19+$0x10]  }
0x113: {  	v40 =	vld [tilespmem:s21+$0x10];
	_ =	sdelay $0x2  }
0x114: {  	v7 =	vmul.f32 v7, v1  }
0x115: {  	v8 =	vmul.f32 v8, v2  }
0x116: {  	v9 =	vmul.f32 v40, v3;
	v7 =	vadd.f32 v7, v4  }
0x117: {  	v8 =	vadd.f32 v8, v5  }
0x118: {  	v9 =	vadd.f32 v9, v6;
	v41 =	vtrunc.f32 v7  }
0x119: {  	v42 =	vtrunc.f32 v8;
	v10 =	vcvt.f32.s32 v41  }
0x11a: {  	v43 =	vtrunc.f32 v9;
	v11 =	vcvt.f32.s32 v42  }
0x11b: {  	v12 =	vcvt.f32.s32 v43;
	vm7 =	vgt.s32 v10, $0x0  }
0x11c: {  	vm8 =	vgt.s32 v11, $0x0;
	v10 =	vnsel vm7, $0x0, v10  }
0x11d: {  	vm9 =	vgt.s32 v12, $0x0;
	v11 =	vnsel vm8, $0x0, v11;
	v10 =	vmin.u32 v10, $0xFE  }
0x11e: {  	v12 =	vnsel vm9, $0x0, v12;
	v11 =	vmin.u32 v11, $0xFE;
	v44 =	vcvt.s32.f32 v10  }
0x11f: {  	v12 =	vmin.u32 v12, $0xFE;
	v45 =	vcvt.s32.f32 v11  }
0x120: {  	v46 =	vcvt.s32.f32 v12;
	v7 =	vsub.f32 v7, v44  }
0x121: {  	v8 =	vsub.f32 v8, v45  }
0x122: {  	v47 =	vshll.u32 v12, $0x10;
	v11 =	vshll.u32 v11, $0x8;
	[tilespmem:s17+$0x10] =	vst v7;
	v7 =	vsub.f32 v9, v46  }
0x123: {  	[tilespmem:s1+$0x10] =	vst v8;
	v8 =	vor.u32 v47, v11  }
0x124: {  	[tilespmem:s3+$0x10] =	vst v7;
	v7 =	vor.u32 v10, v8  }
0x125: {  	[tilespmem:s23+$0x3050] =	vst v7;
	v8 =	vadd.s32 $0x1, v7  }
0x126: {  	[tilespmem:s23+$0x30D0] =	vst v8;
	v8 =	vadd.s32 $0x100, v7  }
0x127: {  	[tilespmem:s23+$0x3150] =	vst v8;
	v8 =	vadd.s32 $0x101, v7  }
0x128: {  	[tilespmem:s23+$0x31D0] =	vst v8;
	v8 =	vadd.s32 $0x10000, v7  }
0x129: {  	[tilespmem:s23+$0x3250] =	vst v8;
	v8 =	vadd.s32 $0x10001, v7  }
0x12a: {  	[tilespmem:s23+$0x32D0] =	vst v8;
	v8 =	vadd.s32 $0x10100, v7  }
0x12b: {  	v7 =	vadd.s32 $0x10101, v7;
	[tilespmem:s23+$0x3350] =	vst v8  }
0x12c: {  	[tilespmem:s23+$0x33D0] =	vst v7  }
0x12d: {  	v7 =	vld [tilespmem:s16+$0x20]  }
0x12e: {  	v8 =	vld [tilespmem:s19+$0x20]  }
0x12f: {  	v48 =	vld [tilespmem:s21+$0x20];
	_ =	sdelay $0x2  }
0x130: {  	v7 =	vmul.f32 v7, v1  }
0x131: {  	v8 =	vmul.f32 v8, v2  }
0x132: {  	v9 =	vmul.f32 v48, v3;
	v7 =	vadd.f32 v7, v4  }
0x133: {  	v8 =	vadd.f32 v8, v5  }
0x134: {  	v9 =	vadd.f32 v9, v6;
	v49 =	vtrunc.f32 v7  }
0x135: {  	v50 =	vtrunc.f32 v8;
	v10 =	vcvt.f32.s32 v49  }
0x136: {  	v51 =	vtrunc.f32 v9;
	v11 =	vcvt.f32.s32 v50  }
0x137: {  	v12 =	vcvt.f32.s32 v51;
	vm10 =	vgt.s32 v10, $0x0  }
0x138: {  	vm11 =	vgt.s32 v11, $0x0;
	v10 =	vnsel vm10, $0x0, v10  }
0x139: {  	vm12 =	vgt.s32 v12, $0x0;
	v11 =	vnsel vm11, $0x0, v11;
	v10 =	vmin.u32 v10, $0xFE  }
0x13a: {  	v12 =	vnsel vm12, $0x0, v12;
	v11 =	vmin.u32 v11, $0xFE;
	v52 =	vcvt.s32.f32 v10  }
0x13b: {  	v12 =	vmin.u32 v12, $0xFE;
	v53 =	vcvt.s32.f32 v11  }
0x13c: {  	v54 =	vcvt.s32.f32 v12;
	v7 =	vsub.f32 v7, v52  }
0x13d: {  	v8 =	vsub.f32 v8, v53  }
0x13e: {  	v55 =	vshll.u32 v12, $0x10;
	v11 =	vshll.u32 v11, $0x8;
	[tilespmem:s17+$0x20] =	vst v7;
	v7 =	vsub.f32 v9, v54  }
0x13f: {  	[tilespmem:s1+$0x20] =	vst v8;
	v8 =	vor.u32 v55, v11  }
0x140: {  	[tilespmem:s3+$0x20] =	vst v7;
	v7 =	vor.u32 v10, v8  }
0x141: {  	[tilespmem:s23+$0x3060] =	vst v7;
	v8 =	vadd.s32 $0x1, v7  }
0x142: {  	[tilespmem:s23+$0x30E0] =	vst v8;
	v8 =	vadd.s32 $0x100, v7  }
0x143: {  	[tilespmem:s23+$0x3160] =	vst v8;
	v8 =	vadd.s32 $0x101, v7  }
0x144: {  	[tilespmem:s23+$0x31E0] =	vst v8;
	v8 =	vadd.s32 $0x10000, v7  }
0x145: {  	[tilespmem:s23+$0x3260] =	vst v8;
	v8 =	vadd.s32 $0x10001, v7  }
0x146: {  	[tilespmem:s23+$0x32E0] =	vst v8;
	v8 =	vadd.s32 $0x10100, v7  }
0x147: {  	v7 =	vadd.s32 $0x10101, v7;
	[tilespmem:s23+$0x3360] =	vst v8  }
0x148: {  	[tilespmem:s23+$0x33E0] =	vst v7  }
0x149: {  	v7 =	vld [tilespmem:s16+$0x30]  }
0x14a: {  	v8 =	vld [tilespmem:s19+$0x30]  }
0x14b: {  	v56 =	vld [tilespmem:s21+$0x30];
	_ =	sdelay $0x2  }
0x14c: {  	v7 =	vmul.f32 v7, v1  }
0x14d: {  	v8 =	vmul.f32 v8, v2  }
0x14e: {  	v9 =	vmul.f32 v56, v3;
	v7 =	vadd.f32 v7, v4  }
0x14f: {  	v8 =	vadd.f32 v8, v5  }
0x150: {  	v9 =	vadd.f32 v9, v6;
	v57 =	vtrunc.f32 v7  }
0x151: {  	v58 =	vtrunc.f32 v8;
	v10 =	vcvt.f32.s32 v57  }
0x152: {  	v59 =	vtrunc.f32 v9;
	v11 =	vcvt.f32.s32 v58  }
0x153: {  	v12 =	vcvt.f32.s32 v59;
	vm13 =	vgt.s32 v10, $0x0  }
0x154: {  	vm14 =	vgt.s32 v11, $0x0;
	v10 =	vnsel vm13, $0x0, v10  }
0x155: {  	vm15 =	vgt.s32 v12, $0x0;
	v11 =	vnsel vm14, $0x0, v11;
	v10 =	vmin.u32 v10, $0xFE  }
0x156: {  	v12 =	vnsel vm15, $0x0, v12;
	v11 =	vmin.u32 v11, $0xFE;
	v60 =	vcvt.s32.f32 v10  }
0x157: {  	v12 =	vmin.u32 v12, $0xFE;
	v61 =	vcvt.s32.f32 v11  }
0x158: {  	v62 =	vcvt.s32.f32 v12;
	v7 =	vsub.f32 v7, v60  }
0x159: {  	v8 =	vsub.f32 v8, v61  }
0x15a: {  	v63 =	vshll.u32 v12, $0x10;
	v11 =	vshll.u32 v11, $0x8;
	[tilespmem:s17+$0x30] =	vst v7;
	v7 =	vsub.f32 v9, v62  }
0x15b: {  	[tilespmem:s1+$0x30] =	vst v8;
	v8 =	vor.u32 v63, v11  }
0x15c: {  	[tilespmem:s3+$0x30] =	vst v7;
	v7 =	vor.u32 v10, v8  }
0x15d: {  	[tilespmem:s23+$0x3070] =	vst v7;
	v8 =	vadd.s32 $0x1, v7  }
0x15e: {  	[tilespmem:s23+$0x30F0] =	vst v8;
	v8 =	vadd.s32 $0x100, v7  }
0x15f: {  	[tilespmem:s23+$0x3170] =	vst v8;
	v8 =	vadd.s32 $0x101, v7  }
0x160: {  	[tilespmem:s23+$0x31F0] =	vst v8;
	v8 =	vadd.s32 $0x10000, v7  }
0x161: {  	[tilespmem:s23+$0x3270] =	vst v8;
	v8 =	vadd.s32 $0x10001, v7  }
0x162: {  	[tilespmem:s23+$0x32F0] =	vst v8;
	v8 =	vadd.s32 $0x10100, v7  }
0x163: {  	v7 =	vadd.s32 $0x10101, v7;
	[tilespmem:s23+$0x3370] =	vst v8  }
0x164: {  	s25 =	sadd.s32 $0x3000, s23;
	s18 =	sadd.s32 $0x7000, s23;
	[tilespmem:s23+$0x33F0] =	vst v7  }
0x165: {  	[tilespmem:s18], [sflag:$0x1] =	stream.indirect.gather [hbm4b:s7+s24], $0x1, s25, s24, $0xb8;
	[tilespmem:$0xBC00] =	vst v63  }
0x166: {  	s18 =	sadd.s32 $0x3080, s23;
	s25 =	sadd.s32 $0x7080, s23  }
0x167: {  	[tilespmem:s25], [sflag:$0x1] =	stream.indirect.gather [hbm4b:s7+s24], $0x1, s18, s24, $0xb8;
	[tilespmem:$0xBC00] =	vst v63  }
0x168: {  	p0 =	sne.s32 s0, $0x7000;
	s18 =	sadd.s32 $0x3100, s23;
	s25 =	sadd.s32 $0x7100, s23  }
0x169: {  	[tilespmem:s25], [sflag:$0x1] =	stream.indirect.gather [hbm4b:s7+s24], $0x1, s18, s24, $0xb8;
	[tilespmem:$0xBC00] =	vst v63  }
0x16a: {  	s0 =	sadd.s32 $0x1000, s0;
	s18 =	sadd.s32 $0x3180, s23;
	s25 =	sadd.s32 $0x7180, s23  }
0x16b: {  	[tilespmem:s25], [sflag:$0x1] =	stream.indirect.gather [hbm4b:s7+s24], $0x1, s18, s24, $0xb8;
	[tilespmem:$0xBC00] =	vst v63  }
0x16c: {  	s16 =	sadd.s32 $0x100, s16;
	s18 =	sadd.s32 $0x3200, s23;
	s25 =	sadd.s32 $0x7200, s23  }
0x16d: {  	[tilespmem:s25], [sflag:$0x1] =	stream.indirect.gather [hbm4b:s7+s24], $0x1, s18, s24, $0xb8;
	[tilespmem:$0xBC00] =	vst v63  }
0x16e: {  	s19 =	sadd.s32 $0x100, s19;
	s18 =	sadd.s32 $0x3280, s23;
	s25 =	sadd.s32 $0x7280, s23  }
0x16f: {  	[tilespmem:s25], [sflag:$0x1] =	stream.indirect.gather [hbm4b:s7+s24], $0x1, s18, s24, $0xb8;
	[tilespmem:$0xBC00] =	vst v63  }
.Ltmp0:
0x170: {  	s21 =	sadd.s32 $0x100, s21;
	s17 =	sadd.s32 $0x100, s17;
	(pc) =	sbr.rel @p0 .LBB2_3-.Ltmp0, $4  }
0x171: {  	s1 =	sadd.s32 $0x100, s1;
	s18 =	sadd.s32 $0x3300, s23;
	s25 =	sadd.s32 $0x7300, s23  }
0x172: {  	[tilespmem:s25], [sflag:$0x1] =	stream.indirect.gather [hbm4b:s7+s24], $0x1, s18, s24, $0xb8;
	[tilespmem:$0xBC00] =	vst v63  }
0x173: {  	s3 =	sadd.s32 $0x100, s3;
	s25 =	sadd.s32 $0x3380, s23;
	s23 =	sadd.s32 $0x7380, s23  }
0x174: {  	[tilespmem:s23], [sflag:$0x1] =	stream.indirect.gather [hbm4b:s7+s24], $0x1, s25, s24, $0xb8;
	[tilespmem:$0xBC00] =	vst v63  }
0x175: {  	p0 =	seq.s32 s29, $0x0  }
.Ltmp1:
0x176: {  	_ = 	snop;
	(pc) =	sbr.rel @p0 .LBB2_8-.Ltmp1, $1  }
0x177: {  	_ =	sdelay $0x3  }
0x178: {  	p1 =	seq.s32 s29, $0x1  }
0x179: {  	s0 =	simm.s32 @!p1 $0x5  }
0x17a: {  	_ =	swait.ge @!p1 [sflag:s0], $0x400  }
0x17b: {  	[sflag:s0] =	ssyncset.done @!p1 $0x0  }
0x17c: {  	[sflag:s0] =	ssyncadd.s32 @!p1 $0xFFFFFC00;
	s0 =	simm.s32 $0x0  }
0x17d: {  	_ =	swait.ge [sflag:s28], $0x2000;
	s1 =	sand.u32 $0x7000, s0  }
0x17e: {  	s3 =	sand.u32 $0x70, s0;
	[sflag:s28] =	ssyncset.done $0x0;
	s1 =	sshrl.u32 s1, $0x2  }
0x17f: {  	[sflag:s28] =	ssyncadd.s32 $0xFFFFE000;
	s1 =	sor.u32 s3, s1  }
0x180: {  	v7 =	vld [tilespmem:s1+$0x9080]  }
0x181: {  	v8 =	vld [tilespmem:s1+$0x9000]  }
0x182: {  	v9 =	vld [tilespmem:s1+$0x9100]  }
0x183: {  	v10 =	vld [tilespmem:s1+$0x9180]  }
0x184: {  	v11 =	vld [tilespmem:s1+$0x9200]  }
0x185: {  	s16 =	sor.u32 $0x380, s0;
	v12 =	vld [tilespmem:s1+$0x9280]  }
0x186: {  	s21 =	sand.u32 $0x700, s0;
	s19 =	sadd.s32 s3, s16;
	v13 =	vld [tilespmem:s1+$0x9300]  }
0x187: {  	s3 =	sor.u32 s21, s3;
	v14 =	vld [tilespmem:s19+$0x9000]  }
0x188: {  	v15 =	vld [tilespmem:s3+$0x1880];
	_ =	sdelay $0x2  }
0x189: {  	v7 =	vsub.f32 v7, v8;
	v10 =	vsub.f32 v10, v9  }
0x18a: {  	v12 =	vsub.f32 v12, v11;
	v14 =	vsub.f32 v14, v13  }
0x18b: {  	v7 =	vmul.f32 v15, v7;
	v10 =	vmul.f32 v15, v10  }
0x18c: {  	v12 =	vmul.f32 v15, v12;
	v14 =	vmul.f32 v15, v14  }
0x18d: {  	v63 =	vld [tilespmem:s3+$0x2080];
	v7 =	vadd.f32 v7, v8;
	v8 =	vadd.f32 v10, v9  }
0x18e: {  	v9 =	vadd.f32 v12, v11;
	v10 =	vadd.f32 v14, v13;
	_ =	sdelay $0x1  }
0x18f: {  	v8 =	vsub.f32 v8, v7;
	v10 =	vsub.f32 v10, v9;
	_ =	sdelay $0x1  }
0x190: {  	v8 =	vmul.f32 v8, v63;
	v10 =	vmul.f32 v10, v63  }
0x191: {  	v11 =	vld [tilespmem:s3+$0x2880]  }
0x192: {  	v7 =	vadd.f32 v8, v7;
	v8 =	vadd.f32 v10, v9;
	_ =	sdelay $0x1  }
0x193: {  	v8 =	vsub.f32 v8, v7;
	_ =	sdelay $0x1  }
0x194: {  	v8 =	vmul.f32 v8, v11;
	_ =	sdelay $0x1  }
0x195: {  	v7 =	vadd.f32 v8, v7  }
0x196: {  	s23 =	simm.s32 $0x200  }
0x197: {  	s25 =	sand.u32 $0x7000, s23;
	s1 =	simm.s32 $0x10;
	vm0 =	vge.f32 v7, $-2.213107110e+00  }
0x198: {  	s16 =	sshrl.u32 s25, $0x2;
	s17 =	sand.u32 $0x70, s1;
	v7 =	vsel vm0, $0x1, v0  }
0x199: {  	s19 =	sor.u32 s17, s16;
	[tilespmem:s3+$0xB080] =	vst v7  }
0x19a: {  	v10 =	vld [tilespmem:s19+$0x9080]  }
0x19b: {  	v7 =	vld [tilespmem:s19+$0x9000]  }
0x19c: {  	v8 =	vld [tilespmem:s19+$0x9100]  }
0x19d: {  	v11 =	vld [tilespmem:s19+$0x9180]  }
0x19e: {  	s16 =	simm.s32 $0x400;
	s3 =	simm.s32 $0x80;
	v9 =	vld [tilespmem:s19+$0x9200]  }
.LBB2_6:
0x19f: {  	p1 =	sne.s32 s16, $0x7E00;
	v12 =	vld [tilespmem:s19+$0x9280];
	s18 =	sor.u32 $0x380, s3;
	s0 =	sadd.s32 $0x20, s0  }
0x1a0: {  	v13 =	vld [tilespmem:s19+$0x9300];
	s18 =	sadd.s32 s17, s18;
	s19 =	sand.u32 $0x700, s0  }
0x1a1: {  	v14 =	vld [tilespmem:s18+$0x9000];
	s18 =	sor.u32 s19, s17  }
0x1a2: {  	v15 =	vld [tilespmem:s18+$0x1880];
	_ =	sdelay $0x2  }
0x1a3: {  	v10 =	vsub.f32 v10, v7;
	v11 =	vsub.f32 v11, v8  }
0x1a4: {  	v12 =	vsub.f32 v12, v9;
	v14 =	vsub.f32 v14, v13  }
0x1a5: {  	v10 =	vmul.f32 v15, v10;
	v11 =	vmul.f32 v15, v11  }
0x1a6: {  	v12 =	vmul.f32 v15, v12;
	v14 =	vmul.f32 v15, v14  }
0x1a7: {  	v15 =	vld [tilespmem:s18+$0x2080];
	v7 =	vadd.f32 v10, v7;
	v8 =	vadd.f32 v11, v8  }
0x1a8: {  	v9 =	vadd.f32 v12, v9;
	v10 =	vadd.f32 v14, v13;
	_ =	sdelay $0x1  }
0x1a9: {  	v8 =	vsub.f32 v8, v7;
	v10 =	vsub.f32 v10, v9;
	_ =	sdelay $0x1  }
0x1aa: {  	v8 =	vmul.f32 v8, v15;
	v10 =	vmul.f32 v10, v15  }
0x1ab: {  	v11 =	vld [tilespmem:s18+$0x2880]  }
0x1ac: {  	v7 =	vadd.f32 v8, v7;
	v8 =	vadd.f32 v10, v9;
	_ =	sdelay $0x1  }
0x1ad: {  	v8 =	vsub.f32 v8, v7;
	_ =	sdelay $0x1  }
0x1ae: {  	v8 =	vmul.f32 v8, v11;
	_ =	sdelay $0x1  }
0x1af: {  	v7 =	vadd.f32 v8, v7;
	_ =	sdelay $0x1  }
0x1b0: {  	s1 =	sadd.s32 $0x10, s1;
	s19 =	sand.u32 $0x7000, s16;
	vm0 =	vge.f32 v7, $-2.213107110e+00  }
0x1b1: {  	s17 =	sand.u32 $0x70, s1;
	s19 =	sshrl.u32 s19, $0x2;
	v7 =	vsel vm0, $0x1, v0  }
0x1b2: {  	s19 =	sor.u32 s17, s19;
	[tilespmem:s18+$0xB080] =	vst v7  }
.Ltmp2:
0x1b3: {  	v10 =	vld [tilespmem:s19+$0x9080];
	(pc) =	sbr.rel @p1 .LBB2_6-.Ltmp2, $4  }
0x1b4: {  	v7 =	vld [tilespmem:s19+$0x9000]  }
0x1b5: {  	v8 =	vld [tilespmem:s19+$0x9100]  }
0x1b6: {  	v11 =	vld [tilespmem:s19+$0x9180]  }
0x1b7: {  	s3 =	sadd.s32 $0x80, s3;
	s16 =	sadd.s32 $0x200, s16;
	v9 =	vld [tilespmem:s19+$0x9200]  }
0x1b8: {  	v12 =	vld [tilespmem:s19+$0x9280];
	s1 =	sor.u32 $0x380, s3;
	s0 =	sadd.s32 $0x20, s0  }
0x1b9: {  	v13 =	vld [tilespmem:s19+$0x9300];
	s1 =	sadd.s32 s17, s1;
	s0 =	sand.u32 $0x700, s0  }
0x1ba: {  	v14 =	vld [tilespmem:s1+$0x9000];
	s0 =	sor.u32 s0, s17  }
0x1bb: {  	v15 =	vld [tilespmem:s0+$0x1880];
	_ =	sdelay $0x2  }
0x1bc: {  	v10 =	vsub.f32 v10, v7;
	v11 =	vsub.f32 v11, v8  }
0x1bd: {  	v12 =	vsub.f32 v12, v9;
	v14 =	vsub.f32 v14, v13  }
0x1be: {  	v10 =	vmul.f32 v15, v10;
	v11 =	vmul.f32 v15, v11  }
0x1bf: {  	v12 =	vmul.f32 v15, v12;
	v14 =	vmul.f32 v15, v14  }
0x1c0: {  	v60 =	vld [tilespmem:s0+$0x2080];
	v7 =	vadd.f32 v10, v7;
	v8 =	vadd.f32 v11, v8  }
0x1c1: {  	v61 =	vadd.f32 v12, v9;
	v62 =	vadd.f32 v14, v13;
	_ =	sdelay $0x1  }
0x1c2: {  	v8 =	vsub.f32 v8, v7;
	v10 =	vsub.f32 v62, v61;
	_ =	sdelay $0x1  }
0x1c3: {  	v8 =	vmul.f32 v8, v60;
	v10 =	vmul.f32 v10, v60  }
0x1c4: {  	v63 =	vld [tilespmem:s0+$0x2880]  }
0x1c5: {  	v7 =	vadd.f32 v8, v7;
	v8 =	vadd.f32 v10, v61;
	_ =	sdelay $0x1  }
0x1c6: {  	v8 =	vsub.f32 v8, v7;
	_ =	sdelay $0x1  }
0x1c7: {  	v8 =	vmul.f32 v8, v63;
	_ =	sdelay $0x1  }
0x1c8: {  	v7 =	vadd.f32 v8, v7;
	_ =	sdelay $0x1  }
0x1c9: {  	s18 =	sadd.s32 s31, s13;
	vm0 =	vge.f32 v7, $-2.213107110e+00  }
0x1ca: {  	s1 =	sshrl.u32 s18, $0x3;
	v7 =	vsel vm0, $0x1, v0  }
0x1cb: {  	s19 =	simm.s32 $0xB080;
	[tilespmem:s0+$0xB080] =	vst v7;
	s0 =	sadd.s32 s9, s1  }
0x1cc: {  	[hbm4b:s0+s2] =	stream.linear.scatter [tilespmem:s19], [sflag:$0x5], $0x80, $0x38;
	[tilespmem:$0xBC00] =	vst v63  }
0x1cd: {  	s23 =	simm.s32 $0xB180;
	s21 =	sadd.s32 $0x10, s0  }
0x1ce: {  	[hbm4b:s21+s2] =	stream.linear.scatter [tilespmem:s23], [sflag:$0x5], $0x80, $0x38;
	[tilespmem:$0xBC00] =	vst v63  }
0x1cf: {  	s31 =	simm.s32 $0xB280;
	s25 =	sadd.s32 $0x20, s0  }
0x1d0: {  	[hbm4b:s25+s2] =	stream.linear.scatter [tilespmem:s31], [sflag:$0x5], $0x80, $0x38;
	[tilespmem:$0xBC00] =	vst v63  }
0x1d1: {  	s16 =	simm.s32 $0xB380;
	s3 =	sadd.s32 $0x30, s0  }
0x1d2: {  	[hbm4b:s3+s2] =	stream.linear.scatter [tilespmem:s16], [sflag:$0x5], $0x80, $0x38;
	[tilespmem:$0xBC00] =	vst v63  }
0x1d3: {  	s18 =	simm.s32 $0xB480;
	s17 =	sadd.s32 $0x40, s0  }
0x1d4: {  	[hbm4b:s17+s2] =	stream.linear.scatter [tilespmem:s18], [sflag:$0x5], $0x80, $0x38;
	[tilespmem:$0xBC00] =	vst v63  }
0x1d5: {  	s19 =	sadd.s32 $0x50, s0;
	s21 =	simm.s32 $0xB580  }
0x1d6: {  	[hbm4b:s19+s2] =	stream.linear.scatter [tilespmem:s21], [sflag:$0x5], $0x80, $0x38;
	[tilespmem:$0xBC00] =	vst v63  }
0x1d7: {  	s23 =	sadd.s32 $0x60, s0;
	s25 =	simm.s32 $0xB680  }
0x1d8: {  	[hbm4b:s23+s2] =	stream.linear.scatter [tilespmem:s25], [sflag:$0x5], $0x80, $0x38;
	[tilespmem:$0xBC00] =	vst v63  }
0x1d9: {  	s0 =	sadd.s32 $0x70, s0;
	s31 =	simm.s32 $0xB780  }
0x1da: {  	[hbm4b:s0+s2] =	stream.linear.scatter [tilespmem:s31], [sflag:$0x5], $0x80, $0x38;
	[tilespmem:$0xBC00] =	vst v63  }
.LBB2_8:
0x1db: {  	_ =	swait.ge [sflag:s22], $0x400  }
0x1dc: {  	[sflag:s22] =	ssyncset.done $0x0  }
0x1dd: {  	[sflag:s22] =	ssyncadd.s32 $0xFFFFFC00  }
0x1de: {  	s0 =	sshll.u32 s29, $0x1;
	_ =	swait.ge [sflag:s22], $0x400  }
0x1df: {  	s0 =	smin.u32 s0, $0x3D;
	[sflag:s22] =	ssyncset.done $0x0  }
0x1e0: {  	s0 =	sshll.u32 s0, $0xA;
	[sflag:s22] =	ssyncadd.s32 $0xFFFFFC00  }
0x1e1: {  	s0 =	sadd.s32 s0, s14;
	_ =	swait.ge [sflag:s22], $0x400  }
0x1e2: {  	s1 =	sshrl.u32 s0, $0x3;
	[sflag:s22] =	ssyncset.done $0x0  }
0x1e3: {  	s0 =	simm.s32 $0x0;
	s3 =	sadd.s32 s4, s1;
	[sflag:s22] =	ssyncadd.s32 $0xFFFFFC00  }
0x1e4: {  	[tilespmem:s0], [sflag:$0x3] =	stream.linear.gather [hbm4b:s3+s0], $0x80, $0x38;
	[tilespmem:$0xBC00] =	vst v63  }
0x1e5: {  	s17 =	simm.s32 $0x100;
	s16 =	sadd.s32 $0x10, s3  }
0x1e6: {  	[tilespmem:s17], [sflag:$0x3] =	stream.linear.gather [hbm4b:s16+s0], $0x80, $0x38;
	[tilespmem:$0xBC00] =	vst v63  }
0x1e7: {  	s31 =	simm.s32 $0x200;
	s25 =	sadd.s32 $0x20, s3  }
0x1e8: {  	[tilespmem:s31], [sflag:$0x3] =	stream.linear.gather [hbm4b:s25+s0], $0x80, $0x38;
	[tilespmem:$0xBC00] =	vst v63  }
0x1e9: {  	s19 =	simm.s32 $0x300;
	s18 =	sadd.s32 $0x30, s3  }
0x1ea: {  	[tilespmem:s19], [sflag:$0x3] =	stream.linear.gather [hbm4b:s18+s0], $0x80, $0x38;
	[tilespmem:$0xBC00] =	vst v63  }
0x1eb: {  	s23 =	simm.s32 $0x400;
	s21 =	sadd.s32 $0x40, s3  }
0x1ec: {  	[tilespmem:s23], [sflag:$0x3] =	stream.linear.gather [hbm4b:s21+s0], $0x80, $0x38;
	[tilespmem:$0xBC00] =	vst v63  }
0x1ed: {  	s25 =	sadd.s32 $0x50, s3;
	s31 =	simm.s32 $0x500  }
0x1ee: {  	[tilespmem:s31], [sflag:$0x3] =	stream.linear.gather [hbm4b:s25+s0], $0x80, $0x38;
	[tilespmem:$0xBC00] =	vst v63  }
0x1ef: {  	s18 =	sadd.s32 $0x60, s3;
	s19 =	simm.s32 $0x600  }
0x1f0: {  	[tilespmem:s19], [sflag:$0x3] =	stream.linear.gather [hbm4b:s18+s0], $0x80, $0x38;
	[tilespmem:$0xBC00] =	vst v63  }
0x1f1: {  	s3 =	sadd.s32 $0x70, s3;
	s21 =	simm.s32 $0x700  }
0x1f2: {  	[tilespmem:s21], [sflag:$0x3] =	stream.linear.gather [hbm4b:s3+s0], $0x80, $0x38;
	[tilespmem:$0xBC00] =	vst v63  }
0x1f3: {  	s23 =	simm.s32 $0x800;
	s3 =	sadd.s32 s5, s1  }
0x1f4: {  	[tilespmem:s23], [sflag:$0x3] =	stream.linear.gather [hbm4b:s3+s0], $0x80, $0x38;
	[tilespmem:$0xBC00] =	vst v63  }
0x1f5: {  	s31 =	simm.s32 $0x900;
	s25 =	sadd.s32 $0x10, s3  }
0x1f6: {  	[tilespmem:s31], [sflag:$0x3] =	stream.linear.gather [hbm4b:s25+s0], $0x80, $0x38;
	[tilespmem:$0xBC00] =	vst v63  }
0x1f7: {  	s19 =	simm.s32 $0xA00;
	s18 =	sadd.s32 $0x20, s3  }
0x1f8: {  	[tilespmem:s19], [sflag:$0x3] =	stream.linear.gather [hbm4b:s18+s0], $0x80, $0x38;
	[tilespmem:$0xBC00] =	vst v63  }
0x1f9: {  	s21 =	sadd.s32 $0x30, s3;
	s23 =	simm.s32 $0xB00  }
0x1fa: {  	[tilespmem:s23], [sflag:$0x3] =	stream.linear.gather [hbm4b:s21+s0], $0x80, $0x38;
	[tilespmem:$0xBC00] =	vst v63  }
0x1fb: {  	s25 =	sadd.s32 $0x40, s3;
	s31 =	simm.s32 $0xC00  }
0x1fc: {  	[tilespmem:s31], [sflag:$0x3] =	stream.linear.gather [hbm4b:s25+s0], $0x80, $0x38;
	[tilespmem:$0xBC00] =	vst v63  }
0x1fd: {  	s18 =	sadd.s32 $0x50, s3;
	s19 =	simm.s32 $0xD00  }
0x1fe: {  	[tilespmem:s19], [sflag:$0x3] =	stream.linear.gather [hbm4b:s18+s0], $0x80, $0x38;
	[tilespmem:$0xBC00] =	vst v63  }
0x1ff: {  	s21 =	sadd.s32 $0x60, s3;
	s23 =	simm.s32 $0xE00  }
0x200: {  	[tilespmem:s23], [sflag:$0x3] =	stream.linear.gather [hbm4b:s21+s0], $0x80, $0x38;
	[tilespmem:$0xBC00] =	vst v63  }
0x201: {  	s3 =	sadd.s32 $0x70, s3;
	s25 =	simm.s32 $0xF00  }
0x202: {  	[tilespmem:s25], [sflag:$0x3] =	stream.linear.gather [hbm4b:s3+s0], $0x80, $0x38;
	[tilespmem:$0xBC00] =	vst v63  }
0x203: {  	s1 =	sadd.s32 s6, s1;
	s31 =	simm.s32 $0x1000  }
0x204: {  	[tilespmem:s31], [sflag:$0x3] =	stream.linear.gather [hbm4b:s1+s0], $0x80, $0x38;
	[tilespmem:$0xBC00] =	vst v63  }
0x205: {  	s17 =	simm.s32 $0x1100;
	s16 =	sadd.s32 $0x10, s1  }
0x206: {  	[tilespmem:s17], [sflag:$0x3] =	stream.linear.gather [hbm4b:s16+s0], $0x80, $0x38;
	[tilespmem:$0xBC00] =	vst v63  }
0x207: {  	s18 =	sadd.s32 $0x20, s1;
	s19 =	simm.s32 $0x1200  }
0x208: {  	[tilespmem:s19], [sflag:$0x3] =	stream.linear.gather [hbm4b:s18+s0], $0x80, $0x38;
	[tilespmem:$0xBC00] =	vst v63  }
0x209: {  	s21 =	sadd.s32 $0x30, s1  }
0x20a: {  	[tilespmem:s10], [sflag:$0x3] =	stream.linear.gather [hbm4b:s21+s0], $0x80, $0x38;
	[tilespmem:$0xBC00] =	vst v63  }
0x20b: {  	s23 =	sadd.s32 $0x40, s1  }
0x20c: {  	[tilespmem:s11], [sflag:$0x3] =	stream.linear.gather [hbm4b:s23+s0], $0x80, $0x38;
	[tilespmem:$0xBC00] =	vst v63  }
0x20d: {  	s25 =	sadd.s32 $0x50, s1  }
0x20e: {  	[tilespmem:s12], [sflag:$0x3] =	stream.linear.gather [hbm4b:s25+s0], $0x80, $0x38;
	[tilespmem:$0xBC00] =	vst v63  }
0x20f: {  	s3 =	simm.s32 $0xF0;
	s31 =	sadd.s32 $0x60, s1  }
0x210: {  	[tilespmem:s15], [sflag:$0x3] =	stream.linear.gather [hbm4b:s31+s0], $0x80, $0x38;
	[tilespmem:$0xBC00] =	vst v63  }
0x211: {  	s1 =	sadd.s32 $0x70, s1;
	s17 =	simm.s32 $0x10F0;
	s16 =	simm.s32 $0x18F0  }
0x212: {  	[tilespmem:s20], [sflag:$0x3] =	stream.linear.gather [hbm4b:s1+s0], $0x80, $0x38;
	[tilespmem:$0xBC00] =	vst v63  }
0x213: {  	s19 =	simm.s32 $0x20F0;
	s21 =	simm.s32 $0x28F0;
	s1 =	simm.s32 $0x8F0  }
.LBB2_9:
0x214: {  	v7 =	vld [tilespmem:s17+$0xFFFFFF90]  }
0x215: {  	v8 =	vld [tilespmem:s1+$0xFFFFFF90]  }
0x216: {  	v9 =	vld [tilespmem:s3+$0xFFFFFF90];
	_ =	sdelay $0x2  }
0x217: {  	v7 =	vmul.f32 v7, v1  }
0x218: {  	v8 =	vmul.f32 v8, v2  }
0x219: {  	v9 =	vmul.f32 v9, v3;
	v7 =	vadd.f32 v7, v4  }
0x21a: {  	v8 =	vadd.f32 v8, v5  }
0x21b: {  	v9 =	vadd.f32 v9, v6;
	v10 =	vtrunc.f32 v7  }
0x21c: {  	v11 =	vtrunc.f32 v8;
	v10 =	vcvt.f32.s32 v10  }
0x21d: {  	v12 =	vtrunc.f32 v9;
	v11 =	vcvt.f32.s32 v11  }
0x21e: {  	v12 =	vcvt.f32.s32 v12;
	vm0 =	vgt.s32 v10, $0x0  }
0x21f: {  	vm5 =	vgt.s32 v11, $0x0;
	v10 =	vnsel vm0, $0x0, v10  }
0x220: {  	vm6 =	vgt.s32 v12, $0x0;
	v11 =	vnsel vm5, $0x0, v11;
	v10 =	vmin.u32 v10, $0xFE  }
0x221: {  	v12 =	vnsel vm6, $0x0, v12;
	v11 =	vmin.u32 v11, $0xFE;
	v13 =	vcvt.s32.f32 v10  }
0x222: {  	v12 =	vmin.u32 v12, $0xFE;
	v14 =	vcvt.s32.f32 v11  }
0x223: {  	v55 =	vcvt.s32.f32 v12;
	v7 =	vsub.f32 v7, v13  }
0x224: {  	v8 =	vsub.f32 v8, v14  }
0x225: {  	v56 =	vshll.u32 v12, $0x10;
	v11 =	vshll.u32 v11, $0x8;
	[tilespmem:s16+$0xFFFFFF90] =	vst v7;
	v7 =	vsub.f32 v9, v55  }
0x226: {  	[tilespmem:s19+$0xFFFFFF90] =	vst v8;
	v8 =	vor.u32 v56, v11  }
0x227: {  	s23 =	sshra.s32 s0, $0x2;
	[tilespmem:s21+$0xFFFFFF90] =	vst v7;
	v7 =	vor.u32 v10, v8  }
0x228: {  	[tilespmem:s23+$0x5000] =	vst v7;
	v8 =	vadd.s32 $0x1, v7  }
0x229: {  	[tilespmem:s23+$0x5080] =	vst v8;
	v8 =	vadd.s32 $0x100, v7  }
0x22a: {  	[tilespmem:s23+$0x5100] =	vst v8;
	v8 =	vadd.s32 $0x101, v7  }
0x22b: {  	[tilespmem:s23+$0x5180] =	vst v8;
	v8 =	vadd.s32 $0x10000, v7  }
0x22c: {  	[tilespmem:s23+$0x5200] =	vst v8;
	v8 =	vadd.s32 $0x10001, v7  }
0x22d: {  	[tilespmem:s23+$0x5280] =	vst v8;
	v8 =	vadd.s32 $0x10100, v7  }
0x22e: {  	v7 =	vadd.s32 $0x10101, v7;
	[tilespmem:s23+$0x5300] =	vst v8  }
0x22f: {  	[tilespmem:s23+$0x5380] =	vst v7  }
0x230: {  	v7 =	vld [tilespmem:s17+$0xFFFFFFA0]  }
0x231: {  	v8 =	vld [tilespmem:s1+$0xFFFFFFA0]  }
0x232: {  	v57 =	vld [tilespmem:s3+$0xFFFFFFA0];
	_ =	sdelay $0x2  }
0x233: {  	v7 =	vmul.f32 v7, v1  }
0x234: {  	v8 =	vmul.f32 v8, v2  }
0x235: {  	v9 =	vmul.f32 v57, v3;
	v7 =	vadd.f32 v7, v4  }
0x236: {  	v8 =	vadd.f32 v8, v5  }
0x237: {  	v9 =	vadd.f32 v9, v6;
	v58 =	vtrunc.f32 v7  }
0x238: {  	v59 =	vtrunc.f32 v8;
	v10 =	vcvt.f32.s32 v58  }
0x239: {  	v60 =	vtrunc.f32 v9;
	v11 =	vcvt.f32.s32 v59  }
0x23a: {  	v12 =	vcvt.f32.s32 v60;
	vm7 =	vgt.s32 v10, $0x0  }
0x23b: {  	vm8 =	vgt.s32 v11, $0x0;
	v10 =	vnsel vm7, $0x0, v10  }
0x23c: {  	vm9 =	vgt.s32 v12, $0x0;
	v11 =	vnsel vm8, $0x0, v11;
	v10 =	vmin.u32 v10, $0xFE  }
0x23d: {  	v12 =	vnsel vm9, $0x0, v12;
	v11 =	vmin.u32 v11, $0xFE;
	v61 =	vcvt.s32.f32 v10  }
0x23e: {  	v12 =	vmin.u32 v12, $0xFE;
	v62 =	vcvt.s32.f32 v11  }
0x23f: {  	v63 =	vcvt.s32.f32 v12;
	v7 =	vsub.f32 v7, v61  }
0x240: {  	v8 =	vsub.f32 v8, v62  }
0x241: {  	v15 =	vshll.u32 v12, $0x10;
	v11 =	vshll.u32 v11, $0x8;
	[tilespmem:s16+$0xFFFFFFA0] =	vst v7;
	v7 =	vsub.f32 v9, v63  }
0x242: {  	[tilespmem:s19+$0xFFFFFFA0] =	vst v8;
	v8 =	vor.u32 v15, v11  }
0x243: {  	[tilespmem:s21+$0xFFFFFFA0] =	vst v7;
	v7 =	vor.u32 v10, v8  }
0x244: {  	[tilespmem:s23+$0x5010] =	vst v7;
	v8 =	vadd.s32 $0x1, v7  }
0x245: {  	[tilespmem:s23+$0x5090] =	vst v8;
	v8 =	vadd.s32 $0x100, v7  }
0x246: {  	[tilespmem:s23+$0x5110] =	vst v8;
	v8 =	vadd.s32 $0x101, v7  }
0x247: {  	[tilespmem:s23+$0x5190] =	vst v8;
	v8 =	vadd.s32 $0x10000, v7  }
0x248: {  	[tilespmem:s23+$0x5210] =	vst v8;
	v8 =	vadd.s32 $0x10001, v7  }
0x249: {  	[tilespmem:s23+$0x5290] =	vst v8;
	v8 =	vadd.s32 $0x10100, v7  }
0x24a: {  	v7 =	vadd.s32 $0x10101, v7;
	[tilespmem:s23+$0x5310] =	vst v8  }
0x24b: {  	[tilespmem:s23+$0x5390] =	vst v7  }
0x24c: {  	v7 =	vld [tilespmem:s17+$0xFFFFFFB0]  }
0x24d: {  	v8 =	vld [tilespmem:s1+$0xFFFFFFB0]  }
0x24e: {  	v16 =	vld [tilespmem:s3+$0xFFFFFFB0];
	_ =	sdelay $0x2  }
0x24f: {  	v7 =	vmul.f32 v7, v1  }
0x250: {  	v8 =	vmul.f32 v8, v2  }
0x251: {  	v9 =	vmul.f32 v16, v3;
	v7 =	vadd.f32 v7, v4  }
0x252: {  	v8 =	vadd.f32 v8, v5  }
0x253: {  	v9 =	vadd.f32 v9, v6;
	v17 =	vtrunc.f32 v7  }
0x254: {  	v18 =	vtrunc.f32 v8;
	v10 =	vcvt.f32.s32 v17  }
0x255: {  	v19 =	vtrunc.f32 v9;
	v11 =	vcvt.f32.s32 v18  }
0x256: {  	v12 =	vcvt.f32.s32 v19;
	vm10 =	vgt.s32 v10, $0x0  }
0x257: {  	vm11 =	vgt.s32 v11, $0x0;
	v10 =	vnsel vm10, $0x0, v10  }
0x258: {  	vm12 =	vgt.s32 v12, $0x0;
	v11 =	vnsel vm11, $0x0, v11;
	v10 =	vmin.u32 v10, $0xFE  }
0x259: {  	v12 =	vnsel vm12, $0x0, v12;
	v11 =	vmin.u32 v11, $0xFE;
	v20 =	vcvt.s32.f32 v10  }
0x25a: {  	v12 =	vmin.u32 v12, $0xFE;
	v21 =	vcvt.s32.f32 v11  }
0x25b: {  	v22 =	vcvt.s32.f32 v12;
	v7 =	vsub.f32 v7, v20  }
0x25c: {  	v8 =	vsub.f32 v8, v21  }
0x25d: {  	v23 =	vshll.u32 v12, $0x10;
	v11 =	vshll.u32 v11, $0x8;
	[tilespmem:s16+$0xFFFFFFB0] =	vst v7;
	v7 =	vsub.f32 v9, v22  }
0x25e: {  	[tilespmem:s19+$0xFFFFFFB0] =	vst v8;
	v8 =	vor.u32 v23, v11  }
0x25f: {  	[tilespmem:s21+$0xFFFFFFB0] =	vst v7;
	v7 =	vor.u32 v10, v8  }
0x260: {  	[tilespmem:s23+$0x5020] =	vst v7;
	v8 =	vadd.s32 $0x1, v7  }
0x261: {  	[tilespmem:s23+$0x50A0] =	vst v8;
	v8 =	vadd.s32 $0x100, v7  }
0x262: {  	[tilespmem:s23+$0x5120] =	vst v8;
	v8 =	vadd.s32 $0x101, v7  }
0x263: {  	[tilespmem:s23+$0x51A0] =	vst v8;
	v8 =	vadd.s32 $0x10000, v7  }
0x264: {  	[tilespmem:s23+$0x5220] =	vst v8;
	v8 =	vadd.s32 $0x10001, v7  }
0x265: {  	[tilespmem:s23+$0x52A0] =	vst v8;
	v8 =	vadd.s32 $0x10100, v7  }
0x266: {  	v7 =	vadd.s32 $0x10101, v7;
	[tilespmem:s23+$0x5320] =	vst v8  }
0x267: {  	[tilespmem:s23+$0x53A0] =	vst v7  }
0x268: {  	v7 =	vld [tilespmem:s17+$0xFFFFFFC0]  }
0x269: {  	v8 =	vld [tilespmem:s1+$0xFFFFFFC0]  }
0x26a: {  	v24 =	vld [tilespmem:s3+$0xFFFFFFC0];
	_ =	sdelay $0x2  }
0x26b: {  	v7 =	vmul.f32 v7, v1  }
0x26c: {  	v8 =	vmul.f32 v8, v2  }
0x26d: {  	v9 =	vmul.f32 v24, v3;
	v7 =	vadd.f32 v7, v4  }
0x26e: {  	v8 =	vadd.f32 v8, v5  }
0x26f: {  	v9 =	vadd.f32 v9, v6;
	v25 =	vtrunc.f32 v7  }
0x270: {  	v26 =	vtrunc.f32 v8;
	v10 =	vcvt.f32.s32 v25  }
0x271: {  	v27 =	vtrunc.f32 v9;
	v11 =	vcvt.f32.s32 v26  }
0x272: {  	v12 =	vcvt.f32.s32 v27;
	vm13 =	vgt.s32 v10, $0x0  }
0x273: {  	vm14 =	vgt.s32 v11, $0x0;
	v10 =	vnsel vm13, $0x0, v10  }
0x274: {  	vm15 =	vgt.s32 v12, $0x0;
	v11 =	vnsel vm14, $0x0, v11;
	v10 =	vmin.u32 v10, $0xFE  }
0x275: {  	v12 =	vnsel vm15, $0x0, v12;
	v11 =	vmin.u32 v11, $0xFE;
	v28 =	vcvt.s32.f32 v10  }
0x276: {  	v12 =	vmin.u32 v12, $0xFE;
	v29 =	vcvt.s32.f32 v11  }
0x277: {  	v30 =	vcvt.s32.f32 v12;
	v7 =	vsub.f32 v7, v28  }
0x278: {  	v8 =	vsub.f32 v8, v29  }
0x279: {  	v31 =	vshll.u32 v12, $0x10;
	v11 =	vshll.u32 v11, $0x8;
	[tilespmem:s16+$0xFFFFFFC0] =	vst v7;
	v7 =	vsub.f32 v9, v30  }
0x27a: {  	[tilespmem:s19+$0xFFFFFFC0] =	vst v8;
	v8 =	vor.u32 v31, v11  }
0x27b: {  	[tilespmem:s21+$0xFFFFFFC0] =	vst v7;
	v7 =	vor.u32 v10, v8  }
0x27c: {  	[tilespmem:s23+$0x5030] =	vst v7;
	v8 =	vadd.s32 $0x1, v7  }
0x27d: {  	[tilespmem:s23+$0x50B0] =	vst v8;
	v8 =	vadd.s32 $0x100, v7  }
0x27e: {  	[tilespmem:s23+$0x5130] =	vst v8;
	v8 =	vadd.s32 $0x101, v7  }
0x27f: {  	[tilespmem:s23+$0x51B0] =	vst v8;
	v8 =	vadd.s32 $0x10000, v7  }
0x280: {  	[tilespmem:s23+$0x5230] =	vst v8;
	v8 =	vadd.s32 $0x10001, v7  }
0x281: {  	[tilespmem:s23+$0x52B0] =	vst v8;
	v8 =	vadd.s32 $0x10100, v7  }
0x282: {  	v7 =	vadd.s32 $0x10101, v7;
	[tilespmem:s23+$0x5330] =	vst v8  }
0x283: {  	[tilespmem:s23+$0x53B0] =	vst v7  }
0x284: {  	v7 =	vld [tilespmem:s17+$0xFFFFFFD0]  }
0x285: {  	v8 =	vld [tilespmem:s1+$0xFFFFFFD0]  }
0x286: {  	v32 =	vld [tilespmem:s3+$0xFFFFFFD0];
	_ =	sdelay $0x2  }
0x287: {  	v7 =	vmul.f32 v7, v1  }
0x288: {  	v8 =	vmul.f32 v8, v2  }
0x289: {  	v9 =	vmul.f32 v32, v3;
	v7 =	vadd.f32 v7, v4  }
0x28a: {  	v8 =	vadd.f32 v8, v5  }
0x28b: {  	v9 =	vadd.f32 v9, v6;
	v33 =	vtrunc.f32 v7  }
0x28c: {  	v34 =	vtrunc.f32 v8;
	v10 =	vcvt.f32.s32 v33  }
0x28d: {  	v35 =	vtrunc.f32 v9;
	v11 =	vcvt.f32.s32 v34  }
0x28e: {  	v12 =	vcvt.f32.s32 v35;
	vm4 =	vgt.s32 v10, $0x0  }
0x28f: {  	vm5 =	vgt.s32 v11, $0x0;
	v10 =	vnsel vm4, $0x0, v10  }
0x290: {  	vm6 =	vgt.s32 v12, $0x0;
	v11 =	vnsel vm5, $0x0, v11;
	v10 =	vmin.u32 v10, $0xFE  }
0x291: {  	v12 =	vnsel vm6, $0x0, v12;
	v11 =	vmin.u32 v11, $0xFE;
	v36 =	vcvt.s32.f32 v10  }
0x292: {  	v12 =	vmin.u32 v12, $0xFE;
	v37 =	vcvt.s32.f32 v11  }
0x293: {  	v38 =	vcvt.s32.f32 v12;
	v7 =	vsub.f32 v7, v36  }
0x294: {  	v8 =	vsub.f32 v8, v37  }
0x295: {  	v39 =	vshll.u32 v12, $0x10;
	v11 =	vshll.u32 v11, $0x8;
	[tilespmem:s16+$0xFFFFFFD0] =	vst v7;
	v7 =	vsub.f32 v9, v38  }
0x296: {  	[tilespmem:s19+$0xFFFFFFD0] =	vst v8;
	v8 =	vor.u32 v39, v11  }
0x297: {  	[tilespmem:s21+$0xFFFFFFD0] =	vst v7;
	v7 =	vor.u32 v10, v8  }
0x298: {  	[tilespmem:s23+$0x5040] =	vst v7;
	v8 =	vadd.s32 $0x1, v7  }
0x299: {  	[tilespmem:s23+$0x50C0] =	vst v8;
	v8 =	vadd.s32 $0x100, v7  }
0x29a: {  	[tilespmem:s23+$0x5140] =	vst v8;
	v8 =	vadd.s32 $0x101, v7  }
0x29b: {  	[tilespmem:s23+$0x51C0] =	vst v8;
	v8 =	vadd.s32 $0x10000, v7  }
0x29c: {  	[tilespmem:s23+$0x5240] =	vst v8;
	v8 =	vadd.s32 $0x10001, v7  }
0x29d: {  	[tilespmem:s23+$0x52C0] =	vst v8;
	v8 =	vadd.s32 $0x10100, v7  }
0x29e: {  	v7 =	vadd.s32 $0x10101, v7;
	[tilespmem:s23+$0x5340] =	vst v8  }
0x29f: {  	[tilespmem:s23+$0x53C0] =	vst v7  }
0x2a0: {  	v7 =	vld [tilespmem:s17+$0xFFFFFFE0]  }
0x2a1: {  	v8 =	vld [tilespmem:s1+$0xFFFFFFE0]  }
0x2a2: {  	v40 =	vld [tilespmem:s3+$0xFFFFFFE0];
	_ =	sdelay $0x2  }
0x2a3: {  	v7 =	vmul.f32 v7, v1  }
0x2a4: {  	v8 =	vmul.f32 v8, v2  }
0x2a5: {  	v9 =	vmul.f32 v40, v3;
	v7 =	vadd.f32 v7, v4  }
0x2a6: {  	v8 =	vadd.f32 v8, v5  }
0x2a7: {  	v9 =	vadd.f32 v9, v6;
	v41 =	vtrunc.f32 v7  }
0x2a8: {  	v42 =	vtrunc.f32 v8;
	v10 =	vcvt.f32.s32 v41  }
0x2a9: {  	v43 =	vtrunc.f32 v9;
	v11 =	vcvt.f32.s32 v42  }
0x2aa: {  	v12 =	vcvt.f32.s32 v43;
	vm7 =	vgt.s32 v10, $0x0  }
0x2ab: {  	vm8 =	vgt.s32 v11, $0x0;
	v10 =	vnsel vm7, $0x0, v10  }
0x2ac: {  	vm9 =	vgt.s32 v12, $0x0;
	v11 =	vnsel vm8, $0x0, v11;
	v10 =	vmin.u32 v10, $0xFE  }
0x2ad: {  	v12 =	vnsel vm9, $0x0, v12;
	v11 =	vmin.u32 v11, $0xFE;
	v44 =	vcvt.s32.f32 v10  }
0x2ae: {  	v12 =	vmin.u32 v12, $0xFE;
	v45 =	vcvt.s32.f32 v11  }
0x2af: {  	v46 =	vcvt.s32.f32 v12;
	v7 =	vsub.f32 v7, v44  }
0x2b0: {  	v8 =	vsub.f32 v8, v45  }
0x2b1: {  	v47 =	vshll.u32 v12, $0x10;
	v11 =	vshll.u32 v11, $0x8;
	[tilespmem:s16+$0xFFFFFFE0] =	vst v7;
	v7 =	vsub.f32 v9, v46  }
0x2b2: {  	[tilespmem:s19+$0xFFFFFFE0] =	vst v8;
	v8 =	vor.u32 v47, v11  }
0x2b3: {  	[tilespmem:s21+$0xFFFFFFE0] =	vst v7;
	v7 =	vor.u32 v10, v8  }
0x2b4: {  	[tilespmem:s23+$0x5050] =	vst v7;
	v8 =	vadd.s32 $0x1, v7  }
0x2b5: {  	[tilespmem:s23+$0x50D0] =	vst v8;
	v8 =	vadd.s32 $0x100, v7  }
0x2b6: {  	[tilespmem:s23+$0x5150] =	vst v8;
	v8 =	vadd.s32 $0x101, v7  }
0x2b7: {  	[tilespmem:s23+$0x51D0] =	vst v8;
	v8 =	vadd.s32 $0x10000, v7  }
0x2b8: {  	[tilespmem:s23+$0x5250] =	vst v8;
	v8 =	vadd.s32 $0x10001, v7  }
0x2b9: {  	[tilespmem:s23+$0x52D0] =	vst v8;
	v8 =	vadd.s32 $0x10100, v7  }
0x2ba: {  	v7 =	vadd.s32 $0x10101, v7;
	[tilespmem:s23+$0x5350] =	vst v8  }
0x2bb: {  	[tilespmem:s23+$0x53D0] =	vst v7  }
0x2bc: {  	v7 =	vld [tilespmem:s17+$0xFFFFFFF0]  }
0x2bd: {  	v8 =	vld [tilespmem:s1+$0xFFFFFFF0]  }
0x2be: {  	v48 =	vld [tilespmem:s3+$0xFFFFFFF0];
	_ =	sdelay $0x2  }
0x2bf: {  	v7 =	vmul.f32 v7, v1  }
0x2c0: {  	v8 =	vmul.f32 v8, v2  }
0x2c1: {  	v9 =	vmul.f32 v48, v3;
	v7 =	vadd.f32 v7, v4  }
0x2c2: {  	v8 =	vadd.f32 v8, v5  }
0x2c3: {  	v9 =	vadd.f32 v9, v6;
	v49 =	vtrunc.f32 v7  }
0x2c4: {  	v50 =	vtrunc.f32 v8;
	v10 =	vcvt.f32.s32 v49  }
0x2c5: {  	v51 =	vtrunc.f32 v9;
	v11 =	vcvt.f32.s32 v50  }
0x2c6: {  	v12 =	vcvt.f32.s32 v51;
	vm10 =	vgt.s32 v10, $0x0  }
0x2c7: {  	vm11 =	vgt.s32 v11, $0x0;
	v10 =	vnsel vm10, $0x0, v10  }
0x2c8: {  	vm12 =	vgt.s32 v12, $0x0;
	v11 =	vnsel vm11, $0x0, v11;
	v10 =	vmin.u32 v10, $0xFE  }
0x2c9: {  	v12 =	vnsel vm12, $0x0, v12;
	v11 =	vmin.u32 v11, $0xFE;
	v52 =	vcvt.s32.f32 v10  }
0x2ca: {  	v12 =	vmin.u32 v12, $0xFE;
	v53 =	vcvt.s32.f32 v11  }
0x2cb: {  	v54 =	vcvt.s32.f32 v12;
	v7 =	vsub.f32 v7, v52  }
0x2cc: {  	v8 =	vsub.f32 v8, v53  }
0x2cd: {  	v55 =	vshll.u32 v12, $0x10;
	v11 =	vshll.u32 v11, $0x8;
	[tilespmem:s16+$0xFFFFFFF0] =	vst v7;
	v7 =	vsub.f32 v9, v54  }
0x2ce: {  	[tilespmem:s19+$0xFFFFFFF0] =	vst v8;
	v8 =	vor.u32 v55, v11  }
0x2cf: {  	[tilespmem:s21+$0xFFFFFFF0] =	vst v7;
	v7 =	vor.u32 v10, v8  }
0x2d0: {  	[tilespmem:s23+$0x5060] =	vst v7;
	v8 =	vadd.s32 $0x1, v7  }
0x2d1: {  	[tilespmem:s23+$0x50E0] =	vst v8;
	v8 =	vadd.s32 $0x100, v7  }
0x2d2: {  	[tilespmem:s23+$0x5160] =	vst v8;
	v8 =	vadd.s32 $0x101, v7  }
0x2d3: {  	[tilespmem:s23+$0x51E0] =	vst v8;
	v8 =	vadd.s32 $0x10000, v7  }
0x2d4: {  	[tilespmem:s23+$0x5260] =	vst v8;
	v8 =	vadd.s32 $0x10001, v7  }
0x2d5: {  	[tilespmem:s23+$0x52E0] =	vst v8;
	v8 =	vadd.s32 $0x10100, v7  }
0x2d6: {  	v7 =	vadd.s32 $0x10101, v7;
	[tilespmem:s23+$0x5360] =	vst v8  }
0x2d7: {  	[tilespmem:s23+$0x53E0] =	vst v7  }
0x2d8: {  	v7 =	vld [tilespmem:s17+$0x0]  }
0x2d9: {  	v8 =	vld [tilespmem:s1+$0x0]  }
0x2da: {  	v56 =	vld [tilespmem:s3+$0x0];
	_ =	sdelay $0x2  }
0x2db: {  	v7 =	vmul.f32 v7, v1  }
0x2dc: {  	v8 =	vmul.f32 v8, v2  }
0x2dd: {  	v9 =	vmul.f32 v56, v3;
	v7 =	vadd.f32 v7, v4  }
0x2de: {  	v8 =	vadd.f32 v8, v5  }
0x2df: {  	v9 =	vadd.f32 v9, v6;
	v57 =	vtrunc.f32 v7  }
0x2e0: {  	v58 =	vtrunc.f32 v8;
	v10 =	vcvt.f32.s32 v57  }
0x2e1: {  	v59 =	vtrunc.f32 v9;
	v11 =	vcvt.f32.s32 v58  }
0x2e2: {  	v12 =	vcvt.f32.s32 v59;
	vm13 =	vgt.s32 v10, $0x0  }
0x2e3: {  	vm14 =	vgt.s32 v11, $0x0;
	v10 =	vnsel vm13, $0x0, v10  }
0x2e4: {  	vm15 =	vgt.s32 v12, $0x0;
	v11 =	vnsel vm14, $0x0, v11;
	v10 =	vmin.u32 v10, $0xFE  }
0x2e5: {  	v12 =	vnsel vm15, $0x0, v12;
	v11 =	vmin.u32 v11, $0xFE;
	v60 =	vcvt.s32.f32 v10  }
0x2e6: {  	v12 =	vmin.u32 v12, $0xFE;
	v61 =	vcvt.s32.f32 v11  }
0x2e7: {  	v62 =	vcvt.s32.f32 v12;
	v7 =	vsub.f32 v7, v60  }
0x2e8: {  	v8 =	vsub.f32 v8, v61  }
0x2e9: {  	v63 =	vshll.u32 v12, $0x10;
	v11 =	vshll.u32 v11, $0x8;
	[tilespmem:s16+$0x0] =	vst v7;
	v7 =	vsub.f32 v9, v62  }
0x2ea: {  	[tilespmem:s19+$0x0] =	vst v8;
	v8 =	vor.u32 v63, v11  }
0x2eb: {  	[tilespmem:s21+$0x0] =	vst v7;
	v7 =	vor.u32 v10, v8  }
0x2ec: {  	[tilespmem:s23+$0x5070] =	vst v7;
	v8 =	vadd.s32 $0x1, v7  }
0x2ed: {  	[tilespmem:s23+$0x50F0] =	vst v8;
	v8 =	vadd.s32 $0x100, v7  }
0x2ee: {  	[tilespmem:s23+$0x5170] =	vst v8;
	v8 =	vadd.s32 $0x101, v7  }
0x2ef: {  	[tilespmem:s23+$0x51F0] =	vst v8;
	v8 =	vadd.s32 $0x10000, v7  }
0x2f0: {  	[tilespmem:s23+$0x5270] =	vst v8;
	v8 =	vadd.s32 $0x10001, v7  }
0x2f1: {  	[tilespmem:s23+$0x52F0] =	vst v8;
	v8 =	vadd.s32 $0x10100, v7  }
0x2f2: {  	v7 =	vadd.s32 $0x10101, v7;
	[tilespmem:s23+$0x5370] =	vst v8  }
0x2f3: {  	s18 =	sadd.s32 $0x5000, s23;
	s25 =	sadd.s32 $0x9000, s23;
	[tilespmem:s23+$0x53F0] =	vst v7  }
0x2f4: {  	[tilespmem:s25], [sflag:$0x2] =	stream.indirect.gather [hbm4b:s7+s24], $0x1, s18, s24, $0xb8;
	[tilespmem:$0xBC00] =	vst v63  }
0x2f5: {  	s31 =	sadd.s32 $0x9080, s23;
	s25 =	sadd.s32 $0x5080, s23  }
0x2f6: {  	[tilespmem:s31], [sflag:$0x2] =	stream.indirect.gather [hbm4b:s7+s24], $0x1, s25, s24, $0xb8;
	[tilespmem:$0xBC00] =	vst v63  }
0x2f7: {  	p1 =	sne.s32 s0, $0x7000;
	s25 =	sadd.s32 $0x5100, s23;
	s31 =	sadd.s32 $0x9100, s23  }
0x2f8: {  	[tilespmem:s31], [sflag:$0x2] =	stream.indirect.gather [hbm4b:s7+s24], $0x1, s25, s24, $0xb8;
	[tilespmem:$0xBC00] =	vst v63  }
0x2f9: {  	s0 =	sadd.s32 $0x1000, s0;
	s25 =	sadd.s32 $0x5180, s23;
	s31 =	sadd.s32 $0x9180, s23  }
0x2fa: {  	[tilespmem:s31], [sflag:$0x2] =	stream.indirect.gather [hbm4b:s7+s24], $0x1, s25, s24, $0xb8;
	[tilespmem:$0xBC00] =	vst v63  }
0x2fb: {  	s3 =	sadd.s32 $0x100, s3;
	s25 =	sadd.s32 $0x5200, s23;
	s31 =	sadd.s32 $0x9200, s23  }
0x2fc: {  	[tilespmem:s31], [sflag:$0x2] =	stream.indirect.gather [hbm4b:s7+s24], $0x1, s25, s24, $0xb8;
	[tilespmem:$0xBC00] =	vst v63  }
0x2fd: {  	s1 =	sadd.s32 $0x100, s1;
	s25 =	sadd.s32 $0x5280, s23;
	s31 =	sadd.s32 $0x9280, s23  }
0x2fe: {  	[tilespmem:s31], [sflag:$0x2] =	stream.indirect.gather [hbm4b:s7+s24], $0x1, s25, s24, $0xb8;
	[tilespmem:$0xBC00] =	vst v63  }
.Ltmp3:
0x2ff: {  	s17 =	sadd.s32 $0x100, s17;
	s16 =	sadd.s32 $0x100, s16;
	(pc) =	sbr.rel @p1 .LBB2_9-.Ltmp3, $4  }
0x300: {  	s19 =	sadd.s32 $0x100, s19;
	s25 =	sadd.s32 $0x5300, s23;
	s31 =	sadd.s32 $0x9300, s23  }
0x301: {  	[tilespmem:s31], [sflag:$0x2] =	stream.indirect.gather [hbm4b:s7+s24], $0x1, s25, s24, $0xb8;
	[tilespmem:$0xBC00] =	vst v63  }
0x302: {  	s21 =	sadd.s32 $0x100, s21;
	s31 =	sadd.s32 $0x5380, s23;
	s23 =	sadd.s32 $0x9380, s23  }
0x303: {  	[tilespmem:s23], [sflag:$0x2] =	stream.indirect.gather [hbm4b:s7+s24], $0x1, s31, s24, $0xb8;
	[tilespmem:$0xBC00] =	vst v63  }
0x304: {  	s0 =	simm.s32 @!p0 $0x4  }
0x305: {  	_ =	swait.ge @!p0 [sflag:s0], $0x400  }
0x306: {  	[sflag:s0] =	ssyncset.done @!p0 $0x0  }
0x307: {  	[sflag:s0] =	ssyncadd.s32 @!p0 $0xFFFFFC00;
	s0 =	simm.s32 $0x0  }
0x308: {  	_ =	swait.ge [sflag:s26], $0x2000;
	s1 =	sand.u32 $0x7000, s0  }
0x309: {  	s3 =	sand.u32 $0x70, s0;
	[sflag:s26] =	ssyncset.done $0x0;
	s1 =	sshrl.u32 s1, $0x2  }
0x30a: {  	[sflag:s26] =	ssyncadd.s32 $0xFFFFE000;
	s1 =	sor.u32 s3, s1  }
0x30b: {  	v7 =	vld [tilespmem:s1+$0x7080]  }
0x30c: {  	v8 =	vld [tilespmem:s1+$0x7000]  }
0x30d: {  	v9 =	vld [tilespmem:s1+$0x7100]  }
0x30e: {  	v10 =	vld [tilespmem:s1+$0x7180]  }
0x30f: {  	v11 =	vld [tilespmem:s1+$0x7200]  }
0x310: {  	s16 =	sor.u32 s0, s0;
	v12 =	vld [tilespmem:s1+$0x7280]  }
0x311: {  	s23 =	sand.u32 $0x700, s0;
	s21 =	sor.u32 $0x380, s16;
	v13 =	vld [tilespmem:s1+$0x7300]  }
0x312: {  	s3 =	sor.u32 s3, s23;
	v14 =	vld [tilespmem:s21+$0x7000]  }
0x313: {  	v15 =	vld [tilespmem:s3+$0x1800];
	_ =	sdelay $0x2  }
0x314: {  	v7 =	vsub.f32 v7, v8;
	v10 =	vsub.f32 v10, v9  }
0x315: {  	v12 =	vsub.f32 v12, v11;
	v14 =	vsub.f32 v14, v13  }
0x316: {  	v7 =	vmul.f32 v15, v7;
	v10 =	vmul.f32 v15, v10  }
0x317: {  	v12 =	vmul.f32 v15, v12;
	v14 =	vmul.f32 v15, v14  }
0x318: {  	v63 =	vld [tilespmem:s3+$0x2000];
	v7 =	vadd.f32 v7, v8;
	v8 =	vadd.f32 v10, v9  }
0x319: {  	v9 =	vadd.f32 v12, v11;
	v10 =	vadd.f32 v14, v13;
	_ =	sdelay $0x1  }
0x31a: {  	v8 =	vsub.f32 v8, v7;
	v10 =	vsub.f32 v10, v9;
	_ =	sdelay $0x1  }
0x31b: {  	v8 =	vmul.f32 v8, v63;
	v10 =	vmul.f32 v10, v63  }
0x31c: {  	v11 =	vld [tilespmem:s3+$0x2800]  }
0x31d: {  	v7 =	vadd.f32 v8, v7;
	v8 =	vadd.f32 v10, v9;
	_ =	sdelay $0x1  }
0x31e: {  	v8 =	vsub.f32 v8, v7;
	_ =	sdelay $0x1  }
0x31f: {  	v8 =	vmul.f32 v8, v11;
	_ =	sdelay $0x1  }
0x320: {  	v7 =	vadd.f32 v8, v7  }
0x321: {  	s25 =	simm.s32 $0x200  }
0x322: {  	s31 =	sand.u32 $0x7000, s25;
	s1 =	simm.s32 $0x10;
	vm0 =	vge.f32 v7, $-2.213107110e+00  }
0x323: {  	s16 =	sshrl.u32 s31, $0x2;
	s17 =	sand.u32 $0x70, s1;
	v7 =	vsel vm0, $0x1, v0  }
0x324: {  	s19 =	sor.u32 s17, s16;
	[tilespmem:s3+$0xB000] =	vst v7  }
0x325: {  	v10 =	vld [tilespmem:s19+$0x7080]  }
0x326: {  	v7 =	vld [tilespmem:s19+$0x7000]  }
0x327: {  	v8 =	vld [tilespmem:s19+$0x7100]  }
0x328: {  	v11 =	vld [tilespmem:s19+$0x7180]  }
0x329: {  	s16 =	simm.s32 $0x400;
	s3 =	simm.s32 $0x80;
	v9 =	vld [tilespmem:s19+$0x7200]  }
.LBB2_11:
0x32a: {  	p0 =	sne.s32 s16, $0x7E00;
	v12 =	vld [tilespmem:s19+$0x7280];
	s18 =	sor.u32 s3, s1;
	s0 =	sadd.s32 $0x20, s0  }
0x32b: {  	v13 =	vld [tilespmem:s19+$0x7300];
	s18 =	sor.u32 $0x380, s18;
	s19 =	sand.u32 $0x700, s0  }
0x32c: {  	v14 =	vld [tilespmem:s18+$0x7000];
	s18 =	sor.u32 s17, s19  }
0x32d: {  	v15 =	vld [tilespmem:s18+$0x1800];
	_ =	sdelay $0x2  }
0x32e: {  	v10 =	vsub.f32 v10, v7;
	v11 =	vsub.f32 v11, v8  }
0x32f: {  	v12 =	vsub.f32 v12, v9;
	v14 =	vsub.f32 v14, v13  }
0x330: {  	v10 =	vmul.f32 v15, v10;
	v11 =	vmul.f32 v15, v11  }
0x331: {  	v12 =	vmul.f32 v15, v12;
	v14 =	vmul.f32 v15, v14  }
0x332: {  	v15 =	vld [tilespmem:s18+$0x2000];
	v7 =	vadd.f32 v10, v7;
	v8 =	vadd.f32 v11, v8  }
0x333: {  	v9 =	vadd.f32 v12, v9;
	v10 =	vadd.f32 v14, v13;
	_ =	sdelay $0x1  }
0x334: {  	v8 =	vsub.f32 v8, v7;
	v10 =	vsub.f32 v10, v9;
	_ =	sdelay $0x1  }
0x335: {  	v8 =	vmul.f32 v8, v15;
	v10 =	vmul.f32 v10, v15  }
0x336: {  	v11 =	vld [tilespmem:s18+$0x2800]  }
0x337: {  	v7 =	vadd.f32 v8, v7;
	v8 =	vadd.f32 v10, v9;
	_ =	sdelay $0x1  }
0x338: {  	v8 =	vsub.f32 v8, v7;
	_ =	sdelay $0x1  }
0x339: {  	v8 =	vmul.f32 v8, v11;
	_ =	sdelay $0x1  }
0x33a: {  	v7 =	vadd.f32 v8, v7;
	_ =	sdelay $0x1  }
0x33b: {  	s1 =	sadd.s32 $0x10, s1;
	s19 =	sand.u32 $0x7000, s16;
	vm0 =	vge.f32 v7, $-2.213107110e+00  }
0x33c: {  	s17 =	sand.u32 $0x70, s1;
	s19 =	sshrl.u32 s19, $0x2;
	v7 =	vsel vm0, $0x1, v0  }
0x33d: {  	s19 =	sor.u32 s17, s19;
	[tilespmem:s18+$0xB000] =	vst v7  }
.Ltmp4:
0x33e: {  	v10 =	vld [tilespmem:s19+$0x7080];
	(pc) =	sbr.rel @p0 .LBB2_11-.Ltmp4, $4  }
0x33f: {  	v7 =	vld [tilespmem:s19+$0x7000]  }
0x340: {  	v8 =	vld [tilespmem:s19+$0x7100]  }
0x341: {  	v11 =	vld [tilespmem:s19+$0x7180]  }
0x342: {  	s3 =	sadd.s32 $0x80, s3;
	s16 =	sadd.s32 $0x200, s16;
	v9 =	vld [tilespmem:s19+$0x7200]  }
0x343: {  	v12 =	vld [tilespmem:s19+$0x7280];
	s1 =	sor.u32 s3, s1;
	s0 =	sadd.s32 $0x20, s0  }
0x344: {  	v13 =	vld [tilespmem:s19+$0x7300];
	s1 =	sor.u32 $0x380, s1;
	s0 =	sand.u32 $0x700, s0  }
0x345: {  	v14 =	vld [tilespmem:s1+$0x7000];
	s0 =	sor.u32 s17, s0  }
0x346: {  	v15 =	vld [tilespmem:s0+$0x1800];
	_ =	sdelay $0x2  }
0x347: {  	v10 =	vsub.f32 v10, v7;
	v11 =	vsub.f32 v11, v8  }
0x348: {  	v12 =	vsub.f32 v12, v9;
	v14 =	vsub.f32 v14, v13  }
0x349: {  	v10 =	vmul.f32 v15, v10;
	v11 =	vmul.f32 v15, v11  }
0x34a: {  	v12 =	vmul.f32 v15, v12;
	v14 =	vmul.f32 v15, v14  }
0x34b: {  	v60 =	vld [tilespmem:s0+$0x2000];
	v7 =	vadd.f32 v10, v7;
	v8 =	vadd.f32 v11, v8  }
0x34c: {  	v61 =	vadd.f32 v12, v9;
	v62 =	vadd.f32 v14, v13;
	_ =	sdelay $0x1  }
0x34d: {  	v8 =	vsub.f32 v8, v7;
	v10 =	vsub.f32 v62, v61;
	_ =	sdelay $0x1  }
0x34e: {  	v8 =	vmul.f32 v8, v60;
	v10 =	vmul.f32 v10, v60  }
0x34f: {  	v63 =	vld [tilespmem:s0+$0x2800]  }
0x350: {  	v7 =	vadd.f32 v8, v7;
	v8 =	vadd.f32 v10, v61;
	_ =	sdelay $0x1  }
0x351: {  	v8 =	vsub.f32 v8, v7;
	_ =	sdelay $0x1  }
0x352: {  	v8 =	vmul.f32 v8, v63;
	_ =	sdelay $0x1  }
0x353: {  	v7 =	vadd.f32 v8, v7;
	_ =	sdelay $0x1  }
0x354: {  	vm0 =	vge.f32 v7, $-2.213107110e+00  }
0x355: {  	v7 =	vsel vm0, $0x1, v0  }
0x356: {  	s21 =	simm.s32 $0xB000;
	[tilespmem:s0+$0xB000] =	vst v7;
	s0 =	sadd.s32 s9, s30  }
0x357: {  	[hbm4b:s0+s2] =	stream.linear.scatter [tilespmem:s21], [sflag:$0x4], $0x80, $0x38;
	[tilespmem:$0xBC00] =	vst v63  }
0x358: {  	s25 =	simm.s32 $0xB100;
	s23 =	sadd.s32 $0x10, s0  }
0x359: {  	[hbm4b:s23+s2] =	stream.linear.scatter [tilespmem:s25], [sflag:$0x4], $0x80, $0x38;
	[tilespmem:$0xBC00] =	vst v63  }
0x35a: {  	s31 =	simm.s32 $0xB200;
	s30 =	sadd.s32 $0x20, s0  }
0x35b: {  	[hbm4b:s30+s2] =	stream.linear.scatter [tilespmem:s31], [sflag:$0x4], $0x80, $0x38;
	[tilespmem:$0xBC00] =	vst v63  }
0x35c: {  	s17 =	simm.s32 $0xB300;
	s16 =	sadd.s32 $0x30, s0  }
0x35d: {  	[hbm4b:s16+s2] =	stream.linear.scatter [tilespmem:s17], [sflag:$0x4], $0x80, $0x38;
	[tilespmem:$0xBC00] =	vst v63  }
0x35e: {  	s19 =	simm.s32 $0xB400;
	s29 =	sadd.s32 $0x1, s29;
	s18 =	sadd.s32 $0x40, s0  }
0x35f: {  	[hbm4b:s18+s2] =	stream.linear.scatter [tilespmem:s19], [sflag:$0x4], $0x80, $0x38;
	[tilespmem:$0xBC00] =	vst v63  }
0x360: {  	p0 =	sne.s32 s29, $0x20;
	s21 =	sadd.s32 $0x50, s0;
	s23 =	simm.s32 $0xB500  }
0x361: {  	[hbm4b:s21+s2] =	stream.linear.scatter [tilespmem:s23], [sflag:$0x4], $0x80, $0x38;
	[tilespmem:$0xBC00] =	vst v63  }
.Ltmp5:
0x362: {  	_ = 	snop;
	(pc) =	sbr.rel @p0 .LBB2_2-.Ltmp5, $4  }
0x363: {  	s25 =	sadd.s32 $0x60, s0;
	s30 =	simm.s32 $0xB600  }
0x364: {  	[hbm4b:s25+s2] =	stream.linear.scatter [tilespmem:s30], [sflag:$0x4], $0x80, $0x38;
	[tilespmem:$0xBC00] =	vst v63  }
0x365: {  	s0 =	sadd.s32 $0x70, s0;
	s31 =	simm.s32 $0xB700  }
0x366: {  	[hbm4b:s0+s2] =	stream.linear.scatter [tilespmem:s31], [sflag:$0x4], $0x80, $0x38;
	[tilespmem:$0xBC00] =	vst v63  }
0x367: {  	s21 =	simm.s32 $0x5  }
0x368: {  	_ =	swait.ge [sflag:s21], $0x400  }
0x369: {  	[sflag:s21] =	ssyncset.done $0x0  }
0x36a: {  	s0 =	simm.s32 $0x0;
	[sflag:s21] =	ssyncadd.s32 $0xFFFFFC00  }
0x36b: {  	s1 =	sand.u32 $0x7000, s0;
	_ =	swait.ge [sflag:s28], $0x2000  }
0x36c: {  	s3 =	sand.u32 $0x70, s0;
	s1 =	sshrl.u32 s1, $0x2;
	[sflag:s28] =	ssyncset.done $0x0  }
0x36d: {  	s1 =	sor.u32 s3, s1;
	[sflag:s28] =	ssyncadd.s32 $0xFFFFE000  }
0x36e: {  	v1 =	vld [tilespmem:s1+$0x9080]  }
0x36f: {  	v2 =	vld [tilespmem:s1+$0x9000]  }
0x370: {  	v3 =	vld [tilespmem:s1+$0x9100]  }
0x371: {  	v4 =	vld [tilespmem:s1+$0x9180]  }
0x372: {  	v5 =	vld [tilespmem:s1+$0x9200]  }
0x373: {  	s16 =	sor.u32 $0x380, s0;
	v6 =	vld [tilespmem:s1+$0x9280]  }
0x374: {  	s29 =	sand.u32 $0x700, s0;
	s25 =	sadd.s32 s3, s16;
	v7 =	vld [tilespmem:s1+$0x9300]  }
0x375: {  	s3 =	sor.u32 s29, s3;
	v8 =	vld [tilespmem:s25+$0x9000]  }
0x376: {  	v9 =	vld [tilespmem:s3+$0x1880];
	_ =	sdelay $0x2  }
0x377: {  	v1 =	vsub.f32 v1, v2;
	v4 =	vsub.f32 v4, v3  }
0x378: {  	v6 =	vsub.f32 v6, v5;
	v8 =	vsub.f32 v8, v7  }
0x379: {  	v1 =	vmul.f32 v9, v1;
	v4 =	vmul.f32 v9, v4  }
0x37a: {  	v6 =	vmul.f32 v9, v6;
	v8 =	vmul.f32 v9, v8  }
0x37b: {  	v63 =	vld [tilespmem:s3+$0x2080];
	v1 =	vadd.f32 v1, v2;
	v2 =	vadd.f32 v4, v3  }
0x37c: {  	v3 =	vadd.f32 v6, v5;
	v4 =	vadd.f32 v8, v7;
	_ =	sdelay $0x1  }
0x37d: {  	v2 =	vsub.f32 v2, v1;
	v4 =	vsub.f32 v4, v3;
	_ =	sdelay $0x1  }
0x37e: {  	v2 =	vmul.f32 v2, v63;
	v4 =	vmul.f32 v4, v63  }
0x37f: {  	v5 =	vld [tilespmem:s3+$0x2880]  }
0x380: {  	v1 =	vadd.f32 v2, v1;
	v2 =	vadd.f32 v4, v3;
	_ =	sdelay $0x1  }
0x381: {  	v2 =	vsub.f32 v2, v1;
	_ =	sdelay $0x1  }
0x382: {  	v2 =	vmul.f32 v2, v5;
	_ =	sdelay $0x1  }
0x383: {  	v1 =	vadd.f32 v2, v1  }
0x384: {  	s30 =	simm.s32 $0x200  }
0x385: {  	s31 =	sand.u32 $0x7000, s30;
	s1 =	simm.s32 $0x10;
	vm0 =	vge.f32 v1, $-2.213107110e+00  }
0x386: {  	s16 =	sshrl.u32 s31, $0x2;
	s17 =	sand.u32 $0x70, s1;
	v1 =	vsel vm0, $0x1, v0  }
0x387: {  	s19 =	sor.u32 s17, s16;
	[tilespmem:s3+$0xB080] =	vst v1  }
0x388: {  	v4 =	vld [tilespmem:s19+$0x9080]  }
0x389: {  	v1 =	vld [tilespmem:s19+$0x9000]  }
0x38a: {  	v2 =	vld [tilespmem:s19+$0x9100]  }
0x38b: {  	v5 =	vld [tilespmem:s19+$0x9180]  }
0x38c: {  	s16 =	simm.s32 $0x400;
	s3 =	simm.s32 $0x80;
	v3 =	vld [tilespmem:s19+$0x9200]  }
.LBB2_14:
0x38d: {  	p0 =	sne.s32 s16, $0x7E00;
	v6 =	vld [tilespmem:s19+$0x9280];
	s18 =	sor.u32 $0x380, s3;
	s0 =	sadd.s32 $0x20, s0  }
0x38e: {  	v7 =	vld [tilespmem:s19+$0x9300];
	s18 =	sadd.s32 s17, s18;
	s19 =	sand.u32 $0x700, s0  }
0x38f: {  	v8 =	vld [tilespmem:s18+$0x9000];
	s18 =	sor.u32 s19, s17  }
0x390: {  	v9 =	vld [tilespmem:s18+$0x1880];
	_ =	sdelay $0x2  }
0x391: {  	v4 =	vsub.f32 v4, v1;
	v5 =	vsub.f32 v5, v2  }
0x392: {  	v6 =	vsub.f32 v6, v3;
	v8 =	vsub.f32 v8, v7  }
0x393: {  	v4 =	vmul.f32 v9, v4;
	v5 =	vmul.f32 v9, v5  }
0x394: {  	v6 =	vmul.f32 v9, v6;
	v8 =	vmul.f32 v9, v8  }
0x395: {  	v9 =	vld [tilespmem:s18+$0x2080];
	v1 =	vadd.f32 v4, v1;
	v2 =	vadd.f32 v5, v2  }
0x396: {  	v3 =	vadd.f32 v6, v3;
	v4 =	vadd.f32 v8, v7;
	_ =	sdelay $0x1  }
0x397: {  	v2 =	vsub.f32 v2, v1;
	v4 =	vsub.f32 v4, v3;
	_ =	sdelay $0x1  }
0x398: {  	v2 =	vmul.f32 v2, v9;
	v4 =	vmul.f32 v4, v9  }
0x399: {  	v5 =	vld [tilespmem:s18+$0x2880]  }
0x39a: {  	v1 =	vadd.f32 v2, v1;
	v2 =	vadd.f32 v4, v3;
	_ =	sdelay $0x1  }
0x39b: {  	v2 =	vsub.f32 v2, v1;
	_ =	sdelay $0x1  }
0x39c: {  	v2 =	vmul.f32 v2, v5;
	_ =	sdelay $0x1  }
0x39d: {  	v1 =	vadd.f32 v2, v1;
	_ =	sdelay $0x1  }
0x39e: {  	s1 =	sadd.s32 $0x10, s1;
	s19 =	sand.u32 $0x7000, s16;
	vm0 =	vge.f32 v1, $-2.213107110e+00  }
0x39f: {  	s17 =	sand.u32 $0x70, s1;
	s19 =	sshrl.u32 s19, $0x2;
	v1 =	vsel vm0, $0x1, v0  }
0x3a0: {  	s19 =	sor.u32 s17, s19;
	[tilespmem:s18+$0xB080] =	vst v1  }
.Ltmp6:
0x3a1: {  	v4 =	vld [tilespmem:s19+$0x9080];
	(pc) =	sbr.rel @p0 .LBB2_14-.Ltmp6, $4  }
0x3a2: {  	v1 =	vld [tilespmem:s19+$0x9000]  }
0x3a3: {  	v2 =	vld [tilespmem:s19+$0x9100]  }
0x3a4: {  	v5 =	vld [tilespmem:s19+$0x9180]  }
0x3a5: {  	s3 =	sadd.s32 $0x80, s3;
	s16 =	sadd.s32 $0x200, s16;
	v3 =	vld [tilespmem:s19+$0x9200]  }
0x3a6: {  	v6 =	vld [tilespmem:s19+$0x9280];
	s1 =	sor.u32 $0x380, s3;
	s0 =	sadd.s32 $0x20, s0  }
0x3a7: {  	v7 =	vld [tilespmem:s19+$0x9300];
	s1 =	sadd.s32 s17, s1;
	s0 =	sand.u32 $0x700, s0  }
0x3a8: {  	v8 =	vld [tilespmem:s1+$0x9000];
	s0 =	sor.u32 s0, s17  }
0x3a9: {  	v9 =	vld [tilespmem:s0+$0x1880];
	_ =	sdelay $0x2  }
0x3aa: {  	v4 =	vsub.f32 v4, v1;
	v5 =	vsub.f32 v5, v2  }
0x3ab: {  	v6 =	vsub.f32 v6, v3;
	v8 =	vsub.f32 v8, v7  }
0x3ac: {  	v4 =	vmul.f32 v9, v4;
	v5 =	vmul.f32 v9, v5  }
0x3ad: {  	v6 =	vmul.f32 v9, v6;
	v8 =	vmul.f32 v9, v8  }
0x3ae: {  	v61 =	vld [tilespmem:s0+$0x2080];
	v1 =	vadd.f32 v4, v1;
	v2 =	vadd.f32 v5, v2  }
0x3af: {  	v3 =	vadd.f32 v6, v3;
	v62 =	vadd.f32 v8, v7;
	_ =	sdelay $0x1  }
0x3b0: {  	v2 =	vsub.f32 v2, v1;
	v4 =	vsub.f32 v62, v3;
	_ =	sdelay $0x1  }
0x3b1: {  	v2 =	vmul.f32 v2, v61;
	v4 =	vmul.f32 v4, v61  }
0x3b2: {  	v63 =	vld [tilespmem:s0+$0x2880]  }
0x3b3: {  	v1 =	vadd.f32 v2, v1;
	v2 =	vadd.f32 v4, v3;
	_ =	sdelay $0x1  }
0x3b4: {  	v2 =	vsub.f32 v2, v1;
	_ =	sdelay $0x1  }
0x3b5: {  	v2 =	vmul.f32 v2, v63;
	_ =	sdelay $0x1  }
0x3b6: {  	v1 =	vadd.f32 v2, v1;
	_ =	sdelay $0x1  }
0x3b7: {  	vm0 =	vge.f32 v1, $-2.213107110e+00  }
0x3b8: {  	v1 =	vsel vm0, $0x1, v0  }
0x3b9: {  	s16 =	simm.s32 $0xB080;
	s1 =	rddreg [dreg:$0x6];
	[tilespmem:s0+$0xB080] =	vst v1  }
0x3ba: {  	[hbm4b:s1+s2] =	stream.linear.scatter [tilespmem:s16], [sflag:$0x5], $0x80, $0x38;
	[tilespmem:$0xBC00] =	vst v63  }
0x3bb: {  	s18 =	simm.s32 $0xB180;
	s17 =	sadd.s32 $0x10, s1  }
0x3bc: {  	[hbm4b:s17+s2] =	stream.linear.scatter [tilespmem:s18], [sflag:$0x5], $0x80, $0x38;
	[tilespmem:$0xBC00] =	vst v63  }
0x3bd: {  	s23 =	simm.s32 $0xB280;
	s19 =	sadd.s32 $0x20, s1  }
0x3be: {  	[hbm4b:s19+s2] =	stream.linear.scatter [tilespmem:s23], [sflag:$0x5], $0x80, $0x38;
	[tilespmem:$0xBC00] =	vst v63  }
0x3bf: {  	s29 =	simm.s32 $0xB380;
	s25 =	sadd.s32 $0x30, s1  }
0x3c0: {  	[hbm4b:s25+s2] =	stream.linear.scatter [tilespmem:s29], [sflag:$0x5], $0x80, $0x38;
	[tilespmem:$0xBC00] =	vst v63  }
0x3c1: {  	s31 =	simm.s32 $0xB480;
	s30 =	sadd.s32 $0x40, s1  }
0x3c2: {  	[hbm4b:s30+s2] =	stream.linear.scatter [tilespmem:s31], [sflag:$0x5], $0x80, $0x38;
	[tilespmem:$0xBC00] =	vst v63  }
0x3c3: {  	s16 =	sadd.s32 $0x50, s1;
	s17 =	simm.s32 $0xB580  }
0x3c4: {  	[hbm4b:s16+s2] =	stream.linear.scatter [tilespmem:s17], [sflag:$0x5], $0x80, $0x38;
	[tilespmem:$0xBC00] =	vst v63  }
0x3c5: {  	s18 =	sadd.s32 $0x60, s1;
	s19 =	simm.s32 $0xB680  }
0x3c6: {  	[hbm4b:s18+s2] =	stream.linear.scatter [tilespmem:s19], [sflag:$0x5], $0x80, $0x38;
	[tilespmem:$0xBC00] =	vst v63  }
0x3c7: {  	s23 =	sadd.s32 $0x70, s1;
	s25 =	simm.s32 $0xB780;
	s29 =	simm.s32 $0x4  }
0x3c8: {  	[hbm4b:s23+s2] =	stream.linear.scatter [tilespmem:s25], [sflag:$0x5], $0x80, $0x38;
	[tilespmem:$0xBC00] =	vst v63  }
0x3c9: {  	_ =	swait.ge [sflag:s29], $0x400  }
0x3ca: {  	[sflag:s29] =	ssyncset.done $0x0  }
0x3cb: {  	[sflag:s29] =	ssyncadd.s32 $0xFFFFFC00  }
0x3cc: {  	_ =	swait.ge [sflag:s21], $0x400  }
0x3cd: {  	[sflag:s21] =	ssyncset.done $0x0  }
0x3ce: {  	[sflag:s21] =	ssyncadd.s32 $0xFFFFFC00  }
0x3cf: {  	_ =	swait.ge [sflag:s22], $0x400  }
0x3d0: {  	[sflag:s22] =	ssyncset.done $0x0  }
0x3d1: {  	[sflag:s22] =	ssyncadd.s32 $0xFFFFFC00  }
0x3d2: {  	_ =	swait.ge [sflag:s22], $0x400  }
0x3d3: {  	[sflag:s22] =	ssyncset.done $0x0  }
0x3d4: {  	[sflag:s22] =	ssyncadd.s32 $0xFFFFFC00  }
0x3d5: {  	_ =	swait.ge [sflag:s22], $0x400  }
0x3d6: {  	s30 =	rddreg [dreg:$0xc]  }
0x3d7: {  	s31 =	rddreg [dreg:$0x7];
	s1 =	sadd.s32 $0x1, s30  }
0x3d8: {  	p0 =	sne.s32 s1, s31  }
.Ltmp7:
0x3d9: {  	_ = 	snop;
	(pc) =	sbr.rel @p0 .LBB2_1-.Ltmp7, $3  }
0x3da: {  	_ =	sdelay $0x1  }
0x3db: {  	[sflag:s22] =	ssyncset.done $0x0  }
0x3dc: {  	[sflag:s22] =	ssyncadd.s32 $0xFFFFFC00  }
0x3dd: {  	_ =	sfence.sel $0x180000  }
0x3de: {  	[bflag:$0x0] =	sbarrier.arrive $0xFFFF  }
0x3df: {  	_ =	strace $0x9000004A  }
0x3e0: {  	s0 =	stileid.u32;
	[bflag:$0x2] =	sbarrier.arrive $0xFFFF  }
0x3e1: {  	p0 =	sne.s32 s0, $0x0;
	s0 =	rddreg [dreg:$0x2]  }
0x3e2: {  	s0 =	sadd.s32 @!p0 $0x100000, s0  }
0x3e3: {  	[sflag:s0] =	ssyncadd.tile.s32 @!p0 $0x1;
	_ =	shalt  }
.Lfunc_end2:
_tile_overlayer_lowered:
.L_overlay_start_2:
0x3e4: {  	(tag) =	ssettag $0x2  }
0x3e5: {  	s0 =	rddreg [dreg:$0x0];
	s2 =	stileid.u32  }
0x3e6: {  	s1 =	rddreg [dreg:$0x1];
	p0 =	sne.s32 s2, $0x0  }
0x3e7: {  	s3 =	rddreg [dreg:$0x2];
	[bflag:$0x3] =	sbarrier.arrive $0xFFFF;
	s2 =	simm.s32 @!p0 $0x1C06  }
0x3e8: {  	[timem:s3], [sflag:s2] =	dma.local @!p0 [hbm:s0], s1  }
0x3e9: {  	s0 =	simm.s32 @!p0 $0x6  }
0x3ea: {  	_ =	swait.ge @!p0 [sflag:s0], s1  }
0x3eb: {  	s1 =	ssub.s32 @!p0 $0x0, s1;
	[sflag:s0] =	ssyncset.done @!p0 $0x0  }
0x3ec: {  	[sflag:s0] =	ssyncadd.s32 @!p0 s1  }
0x3ed: {  	[bflag:$0x3] =	sbarrier.arrive $0xFFFF  }
0x3ee: {  	_ =	shalt  }

// kernel: sparse-core-data-format-call.cloned.1.call-start
scs
called_computation_lowered:
.L_overlay_start_0:
0x0: {  	s2 =	sld [smem:$0x3FD9]  }
0x1: {  	s3 =	sld [smem:$0x3FFE];
	_ =	sdelay $0x1  }
0x2: {  	s1 =	srdreg.scid  }
0x3: {  	s0 =	sand.u32 $0x1, s1  }
0x4: {  	s18 =	sshll.u32 s0, $0xA;
	s2 =	sadd.s32 s3, s2  }
0x5: {  	s2 =	sadd.s32 s2, s18  }
0x6: {  	[smem:$0x3FC4] =	sst s2  }
0x7: {  	_ = 	snop  }
0x8: {  	s2 =	sld [smem:$0x3FC8];
	(tm) =	ssettm $0x1  }
0x9: {  	s19 =	sld [smem:$0x3FFB];
	_ =	sdelay $0x3  }
0xa: {  	_ =	strace s19  }
0xb: {  	s3 =	sld [smem:$0x3FFC];
	_ =	sdelay $0x3  }
0xc: {  	_ =	strace s3  }
0xd: {  	s3 =	sld [smem:$0x3FFD];
	_ =	sdelay $0x3  }
0xe: {  	_ =	strace s3  }
0xf: {  	_ =	strace $0x8FFFFFFF  }
0x10: {  	s20 =	sld [smem:$0x3FDB];
	_ =	sdelay $0x1  }
0x11: {  	s4 =	simm.s32 $_scs_section_size  }
0x12: {  	s5 =	simm.s32 $_size__tile_overlayer_lowered;
	s6 =	simm.s32 $_tile_overlayer_lowered  }
0x13: {  	s23 =	simm.s32 $0x1BFF;
	s22 =	sshll.u32 s6, $0x1;
	s3 =	sadd.s32 s4, s20  }
0x14: {  	s7 =	simm.s32 $0x0;
	s21 =	sshll.u32 s5, $0x1;
	s5 =	sadd.s32 s22, s3  }
0x15: {  	[timem:s7], [sflag:s23] =	dma.local [hbm:s5], s21  }
0x16: {  	_ =	swait.ge [sflag:s23], s21  }
0x17: {  	s4 =	ssub.s32 $0x0, s21;
	[sflag:s23] =	ssyncset.done $0x0  }
0x18: {  	[sflag:s23] =	ssyncadd.s32 s4;
	_ =	sdelay $0x1  }
0x19: {  	s24 =	simm.s32 $0x1B8B  }
0x1a: {  	_ =	swait.ge [sflag:s24], $0x1  }
0x1b: {  	[sflag:s24] =	ssyncset.done $0x0  }
0x1c: {  	s26 =	simm.s32 $0x1B8E;
	s25 =	sld [smem:$0x3FFE];
	[sflag:s24] =	ssyncadd.s32 $0xFFFFFFFF  }
0x1d: {  	s27 =	simm.s32 $execute0_lowered;
	[smem:$0x3FD2] =	sst s26  }
0x1e: {  	s5 =	sshll.u32 s27, $0x1;
	_ =	strace $0x80000046;
	[dreg:$0x1] =	wrdreg $0xFFFFFFFF  }
0x1f: {  	s28 =	simm.s32 $_size_execute0_lowered;
	s3 =	sadd.s32 s3, s5;
	[dreg:$0x0] =	wrdreg $0x0  }
0x20: {  	s5 =	sshll.u32 s28, $0x1;
	[dreg:$0x2] =	wrdreg s3  }
0x21: {  	[dreg:$0x3] =	wrdreg s5  }
0x22: {  	[dreg:$0x4] =	wrdreg $0xC0  }
0x23: {  	_ =	task [dreg:s7], $0x5FFFF  }
0x24: {  	[dreg:$0x1] =	wrdreg $0xFFFFFFFF  }
0x25: {  	[dreg:$0x0] =	wrdreg $0x60  }
0x26: {  	[dreg:$0x2] =	wrdreg s2  }
0x27: {  	[dreg:$0x3] =	wrdreg s25  }
0x28: {  	[dreg:$0x4] =	wrdreg $0x9  }
0x29: {  	_ =	task.clear_ibuf [dreg:s7], $0x5FFFF;
	_ =	strace $0x90000046  }
0x2a: {  	s29 =	simm.s32 $0x9;
	_ =	strace $0x80000048  }
0x2b: {  	_ =	swait.ge [sflag:s29], $0x1  }
0x2c: {  	[sflag:s29] =	ssyncadd.s32 $0xFFFFFFFF  }
0x2d: {  	_ =	strace $0x90000048  }
0x2e: {  	_ =	sfence  }
0x2f: {  	s30 =	sld [smem:$0x0];
	_ =	sdelay $0x2  }
0x30: {  	s31 =	sshll.u32 s1, $0xD;
	s1 =	sshrl.u32 s1, $0x2  }
0x31: {  	s3 =	sand.u32 $0x4000, s31;
	s1 =	sadd.s32 s1, s30  }
0x32: {  	s0 =	sor.u32 s3, s0;
	s1 =	sshll.u32 s1, $0x11  }
0x33: {  	s0 =	sor.u32 s1, s0  }
0x34: {  	s0 =	sadd.s32 $0x8F2B, s0  }
0x35: {  	[sflag:s0] =	ssyncadd.remote.s32 $0x1  }
0x36: {  	_ =	sfence.sel $0xFFFF  }
0x37: {  	[dreg:$0x0] =	wrdreg $0xFFFFFFFF;
	(pc) =	sbr.abs _section_cstart, $3  }
0x38: {  	[dreg:$0x1] =	wrdreg $0xFFFFFFFF  }
0x39: {  	_ =	task.clear_ibuf [dreg:s7], $0x2FFFF;
	_ =	strace $0x9FFFFFFF  }
0x3a: {  	(tm) =	ssettm $0x7FFFFFFF  }
0x3b: {  	_ =	shalt  }
tec
execute0_lowered:
.L_overlay_start_1:
0x0: {  	(tag) =	ssettag $0x1  }
0x1: {  	s0 =	srdreg.scid  }
0x2: {  	s1 =	sshll.u32 s0, $0x4  }
0x3: {  	s2 =	rddreg [dreg:$0x0];
	s0 =	stileid.u32;
	s1 =	sand.u32 $0x10, s1  }
0x4: {  	s4 =	rddreg [dreg:$0x1];
	s7 =	simm.s32 $0x1;
	s1 =	sor.u32 s0, s1  }
0x5: {  	s8 =	simm.s32 $0x2;
	s9 =	simm.s32 $0x0;
	s3 =	sshll.u32 s1, $0x3  }
0x6: {  	s12 =	simm.s32 $0x0;
	s11 =	simm.s32 $0x0;
	s6 =	ssub.s32 $0x2000, s3  }
.Ltmp0:
0x7: {  	s4 =	sadd.s32 $0x1000, s4;
	s5 =	sand.u32 $0xF8, s6;
	(pc) =	sbr.rel .LBB1_1-.Ltmp0, $4  }
0x8: {  	s1 =	rddreg [dreg:$0x2];
	_ =	strace $0x80000047;
	p0 =	sne.s32 s5, $0x0  }
0x9: {  	s6 =	sshrl.u32 s6, $0x8;
	s5 =	simm.s32 $0x1;
	s7 =	simm.s32 @!p0 $0x0  }
0xa: {  	s10 =	smov.u32 s3;
	[sflag:s5] =	ssyncpa.u1 $0x0;
	s6 =	sadd.s32 s7, s6  }
0xb: {  	[sflag:s8] =	ssyncpa.u1 $0x0;
	s8 =	simm.s32 $0x0;
	s7 =	sadd.s32 $0x1, s6  }
.LBB1_9:
0xc: {  	s14 =	sadd.s32 $0x100, s10  }
0xd: {  	p1 =	sgt.s32 s14, $0x1FFF  }
0xe: {  	s14 =	smov.u32 @p1 s3;
	p1 =	sne.s32 s11, s7  }
.Ltmp1:
0xf: {  	p0 =	slt.u32 s11, $0x2;
	(pc) =	sbr.rel @!p1 .LBB1_10-.Ltmp1, $4  }
0x10: {  	s13 =	simm.s32 @!p0 $0x2  }
0x11: {  	s15 =	sadd.s32 $0x1, s11;
	_ =	swait.ge @!p0 [sflag:s13], $0x4000  }
0x12: {  	s12 =	smov.u32 s10;
	s9 =	sadd.s32 $0x4000, s9;
	[sflag:s13] =	ssyncset.done @!p0 $0x0  }
0x13: {  	s11 =	smov.u32 s15;
	s10 =	smov.u32 s14;
	[sflag:s13] =	ssyncadd.s32 @!p0 $0xFFFFC000  }
.LBB1_1:
0x14: {  	p0 =	sge.u32 s11, s6  }
0x15: {  	s13 =	sxor.u32 @!p0 $0xFFFFFFFF, s11  }
0x16: {  	s31 =	sadd.s32 $0xFFFFFFFF, s11;
	s14 =	sshll.u32 @!p0 s10, $0x8;
	s13 =	sshll.u32 @!p0 s13, $0xE  }
0x17: {  	s15 =	simm.s32 @!p0 $0x0;
	s14 =	sadd.s32 @!p0 s2, s14;
	s13 =	sand.u32 @!p0 $0x4000, s13  }
0x18: {  	[tilespmem:s13], [sflag:$0x1] =	stream.linear.gather @!p0 [hbm4b:s14+s15], $0x4000, $0x38;
	[tilespmem:$0x10000] =	vst v63  }
0x19: {  	p0 =	sge.u32 s31, s6  }
.Ltmp2:
0x1a: {  	_ = 	snop;
	(pc) =	sbr.rel @p0 .LBB1_9-.Ltmp2, $1  }
0x1b: {  	_ =	sdelay $0x3  }
0x1c: {  	s13 =	sshll.u32 s9, $0x2;
	_ =	swait.ge [sflag:s5], $0x4000;
	s14 =	sshll.u32 s11, $0xE  }
0x1d: {  	s16 =	simm.s32 $0x0;
	s17 =	simm.s32 $0x0;
	s15 =	sand.u32 $0x10000, s13  }
0x1e: {  	[sflag:s5] =	ssyncset.done $0x0;
	s31 =	sand.u32 $0x4000, s14;
	s14 =	sshrl.u32 s15, $0x2  }
0x1f: {  	[sflag:s5] =	ssyncadd.s32 $0xFFFFC000;
	s13 =	sor.u32 $0x8000, s31;
	s15 =	sor.u32 $0x8000, s14  }
.LBB1_3:
0x20: {  	s18 =	sshra.s32 s16, $0x2  }
0x21: {  	v0 =	vmov s18;
	_ =	sdelay $0x3  }
0x22: {  	p1 =	por $0x1, $0x1;
	s18 =	simm.s32 $0x0  }
.LBB1_4:
0x23: {  	_ = 	snop  }
0x24: {  	s19 =	sshll.u32 s18, $0xA  }
0x25: {  	s19 =	sand.u32 $0x3FFFFC00, s19  }
0x26: {  	s19 =	sadd.s32 s19, s14  }
0x27: {  	v5 =	vld.idx.msk [tilespmem:v0+s19+$0x70 ss:$0x1], $0xffff  }
0x28: {  	v6 =	vld.idx.msk [tilespmem:v0+s19+$0x10 ss:$0x1], $0xffff  }
0x29: {  	v7 =	vld.idx.msk [tilespmem:v0+s19+$0x20 ss:$0x1], $0xffff  }
0x2a: {  	s31 =	sshll.u32 s18, $0x7;
	v1 =	vld.idx.msk [tilespmem:v0+s19+$0x30 ss:$0x1], $0xffff  }
0x2b: {  	s18 =	sand.u32 $0x3FFFFF80, s31;
	v2 =	vld.idx.msk [tilespmem:v0+s19+$0x40 ss:$0x1], $0xffff  }
0x2c: {  	s18 =	sadd.s32 s18, s15;
	v3 =	vld.idx.msk [tilespmem:v0+s19+$0x50 ss:$0x1], $0xffff  }
0x2d: {  	v4 =	vld.idx.msk [tilespmem:v0+s19+$0x60 ss:$0x1], $0xffff;
	[tilespmem:v0+s18+$0x70 ss:$0x1] =	vst.idx.msk $0xffff, v5  }
0x2e: {  	v5 =	vld.idx.msk [tilespmem:v0+s19+$0x0 ss:$0x1], $0xffff;
	[tilespmem:v0+s18+$0x10 ss:$0x1] =	vst.idx.msk $0xffff, v6;
	s19 =	sadd.s32 $0x80, s19  }
0x2f: {  	p0 =	por p1, p1;
	s20 =	simm.s32 $0x6;
	[tilespmem:v0+s18+$0x20 ss:$0x1] =	vst.idx.msk $0xffff, v7;
	v6 =	vld.idx.msk [tilespmem:v0+s19+$0x70 ss:$0x1], $0xffff  }
.LBB1_5:
0x30: {  	p1 =	sne.s32 s20, $0x1;
	v7 =	vld.idx.msk [tilespmem:v0+s19+$0x10 ss:$0x1], $0xffff;
	[tilespmem:v0+s18+$0x30 ss:$0x1] =	vst.idx.msk $0xffff, v1  }
0x31: {  	v8 =	vld.idx.msk [tilespmem:v0+s19+$0x20 ss:$0x1], $0xffff;
	[tilespmem:v0+s18+$0x40 ss:$0x1] =	vst.idx.msk $0xffff, v2  }
0x32: {  	v1 =	vld.idx.msk [tilespmem:v0+s19+$0x30 ss:$0x1], $0xffff;
	[tilespmem:v0+s18+$0x50 ss:$0x1] =	vst.idx.msk $0xffff, v3  }
.Ltmp3:
0x33: {  	v2 =	vld.idx.msk [tilespmem:v0+s19+$0x40 ss:$0x1], $0xffff;
	[tilespmem:v0+s18+$0x60 ss:$0x1] =	vst.idx.msk $0xffff, v4;
	(pc) =	sbr.rel @p1 .LBB1_5-.Ltmp3, $4  }
0x34: {  	v3 =	vld.idx.msk [tilespmem:v0+s19+$0x50 ss:$0x1], $0xffff;
	[tilespmem:v0+s18+$0x0 ss:$0x1] =	vst.idx.msk $0xffff, v5;
	s18 =	sadd.s32 $0x100, s18  }
0x35: {  	v4 =	vld.idx.msk [tilespmem:v0+s19+$0x60 ss:$0x1], $0xffff;
	[tilespmem:v0+s18+$0x70 ss:$0x1] =	vst.idx.msk $0xffff, v6  }
0x36: {  	v5 =	vld.idx.msk [tilespmem:v0+s19+$0x0 ss:$0x1], $0xffff;
	[tilespmem:v0+s18+$0x10 ss:$0x1] =	vst.idx.msk $0xffff, v7;
	s19 =	sadd.s32 $0x80, s19  }
0x37: {  	s20 =	sadd.s32 $0xFFFFFFFF, s20;
	v6 =	vld.idx.msk [tilespmem:v0+s19+$0x70 ss:$0x1], $0xffff;
	[tilespmem:v0+s18+$0x20 ss:$0x1] =	vst.idx.msk $0xffff, v8  }
0x38: {  	_ =	sdelay $0x3  }
0x39: {  	[tilespmem:v0+s18+$0x30 ss:$0x1] =	vst.idx.msk $0xffff, v1  }
0x3a: {  	v1 =	vld.idx.msk [tilespmem:v0+s19+$0x10 ss:$0x1], $0xffff;
	[tilespmem:v0+s18+$0x40 ss:$0x1] =	vst.idx.msk $0xffff, v2  }
0x3b: {  	v2 =	vld.idx.msk [tilespmem:v0+s19+$0x20 ss:$0x1], $0xffff;
	[tilespmem:v0+s18+$0x50 ss:$0x1] =	vst.idx.msk $0xffff, v3  }
0x3c: {  	v61 =	vld.idx.msk [tilespmem:v0+s19+$0x40 ss:$0x1], $0xffff;
	[tilespmem:v0+s18+$0x60 ss:$0x1] =	vst.idx.msk $0xffff, v4  }
0x3d: {  	s31 =	sadd.s32 $0x100, s18;
	v62 =	vld.idx.msk [tilespmem:v0+s19+$0x50 ss:$0x1], $0xffff;
	[tilespmem:v0+s18+$0x0 ss:$0x1] =	vst.idx.msk $0xffff, v5  }
0x3e: {  	v63 =	vld.idx.msk [tilespmem:v0+s19+$0x60 ss:$0x1], $0xffff;
	[tilespmem:v0+s31+$0x70 ss:$0x1] =	vst.idx.msk $0xffff, v6  }
0x3f: {  	v3 =	vld.idx.msk [tilespmem:v0+s19+$0x30 ss:$0x1], $0xffff;
	[tilespmem:v0+s31+$0x10 ss:$0x1] =	vst.idx.msk $0xffff, v1  }
0x40: {  	v1 =	vld.idx.msk [tilespmem:v0+s19+$0x0 ss:$0x1], $0xffff;
	[tilespmem:v0+s31+$0x20 ss:$0x1] =	vst.idx.msk $0xffff, v2  }
.Ltmp4:
0x41: {  	[tilespmem:v0+s31+$0x40 ss:$0x1] =	vst.idx.msk $0xffff, v61;
	(pc) =	sbr.rel @p0 .LBB1_4-.Ltmp4, $4  }
0x42: {  	[tilespmem:v0+s31+$0x50 ss:$0x1] =	vst.idx.msk $0xffff, v62  }
0x43: {  	[tilespmem:v0+s31+$0x60 ss:$0x1] =	vst.idx.msk $0xffff, v63  }
0x44: {  	[tilespmem:v0+s31+$0x30 ss:$0x1] =	vst.idx.msk $0xffff, v3  }
0x45: {  	p1 =	por $0x0, $0x0;
	s18 =	simm.s32 $0x1;
	[tilespmem:v0+s31+$0x0 ss:$0x1] =	vst.idx.msk $0xffff, v1  }
0x46: {  	s17 =	sadd.s32 $0x1, s17  }
0x47: {  	p0 =	sne.s32 s17, $0x8  }
.Ltmp5:
0x48: {  	_ = 	snop;
	(pc) =	sbr.rel @p0 .LBB1_3-.Ltmp5, $2  }
0x49: {  	_ =	sdelay $0x2  }
0x4a: {  	s16 =	sadd.s32 $0x2000, s16  }
.Ltmp6:
0x4b: {  	(pc) =	sbr.rel .LBB1_9-.Ltmp6, $4  }
0x4c: {  	_ = 	snop  }
0x4d: {  	s12 =	sshll.u32 s12, $0x8  }
0x4e: {  	s12 =	sadd.s32 s4, s12  }
0x4f: {  	[hbm4b:s12+s8] =	stream.linear.scatter [tilespmem:s13], [sflag:$0x2], $0x4000, $0x38;
	[tilespmem:$0x10000] =	vst v63  }
.LBB1_10:
0x50: {  	_ =	sfence.sel $0x180000  }
0x51: {  	s2 =	simm.s32 $0x1;
	[bflag:$0x0] =	sbarrier.arrive $0xFFFF  }
0x52: {  	s31 =	simm.s32 $0x2;
	[sflag:s2] =	ssyncpa.u1 $0x1  }
0x53: {  	[sflag:s31] =	ssyncpa.u1 $0x1  }
0x54: {  	p0 =	sne.s32 s0, $0x0;
	_ =	strace $0x90000047  }
0x55: {  	s0 =	sadd.s32 @!p0 $0x100000, s1;
	[bflag:$0x2] =	sbarrier.arrive $0xFFFF  }
0x56: {  	[sflag:s0] =	ssyncadd.tile.s32 @!p0 $0x1;
	_ =	shalt  }
.Lfunc_end1:
_tile_overlayer_lowered:
.L_overlay_start_2:
0x57: {  	(tag) =	ssettag $0x2  }
0x58: {  	s0 =	rddreg [dreg:$0x0];
	s2 =	stileid.u32  }
0x59: {  	s1 =	rddreg [dreg:$0x1];
	p0 =	sne.s32 s2, $0x0  }
0x5a: {  	s3 =	rddreg [dreg:$0x2];
	[bflag:$0x3] =	sbarrier.arrive $0xFFFF;
	s2 =	simm.s32 @!p0 $0x1C01  }
0x5b: {  	[timem:s3], [sflag:s2] =	dma.local @!p0 [hbm:s0], s1  }
0x5c: {  	s0 =	simm.s32 @!p0 $0x1  }
0x5d: {  	_ =	swait.ge @!p0 [sflag:s0], s1  }
0x5e: {  	s1 =	ssub.s32 @!p0 $0x0, s1;
	[sflag:s0] =	ssyncset.done @!p0 $0x0  }
0x5f: {  	[sflag:s0] =	ssyncadd.s32 @!p0 s1  }
0x60: {  	[bflag:$0x3] =	sbarrier.arrive $0xFFFF  }
0x61: {  	_ =	shalt  }

</sc_bundles>
